<compile_context>
chip_gen: v7x
topology: tpu7x:2x2x1
jax: 0.10.2.dev20260603
libtpu: 0.0.44.dev20260713+nightly
codegen_flags: <defaults>
</compile_context>

<pallas_src>
import functools
import math

import jax
import jax.numpy as jnp
from jax import lax
from jax.experimental import pallas as pl
from jax.experimental.pallas import tpu as pltpu
from jax.experimental.pallas import tpu_sc as plsc

B, T, D, E = 2, 2048, 1024, 8
THRESHOLD = 0.8
CAP_FACTOR_EVAL = 2.0
MIN_EXPERT_CAPACITY = 4
C = max(MIN_EXPERT_CAPACITY, min(T, math.ceil(T * CAP_FACTOR_EVAL / E)))

TT = 512
TOK = B * T
NW = 32
TPW = TOK // NW
CH = 8
NCH = TPW // CH
LANES = 16


def _meta_kernel(x_ref, w_ref, posx_ref, wts_ref, aux_ref,
                 carry_ref, accm_ref, accp_ref, auxacc_ref):
    b = pl.program_id(0)
    t = pl.program_id(1)
    n_t = pl.num_programs(1)

    @pl.when(t == 0)
    def _():
        carry_ref[...] = jnp.zeros_like(carry_ref)
        accm_ref[...] = jnp.zeros_like(accm_ref)
        accp_ref[...] = jnp.zeros_like(accp_ref)

    @pl.when((b == 0) & (t == 0))
    def _():
        auxacc_ref[...] = jnp.zeros_like(auxacc_ref)

    xb = x_ref[0]
    gates = jnp.dot(xb, w_ref[...], preferred_element_type=jnp.float32)
    m = jnp.max(gates, axis=-1, keepdims=True)
    ex = jnp.exp(gates - m)
    probs = ex / jnp.sum(ex, axis=-1, keepdims=True)

    s_incl = probs
    for r in range(1, E):
        pr = jnp.roll(probs, r, axis=1)
        s_incl = s_incl + jnp.where(pr >= probs, pr, 0.0)
    pmax = jnp.max(probs, axis=-1, keepdims=True)
    sel = (s_incl < THRESHOLD) | (probs >= pmax)
    maskf = sel.astype(jnp.float32)
    selp = probs * maskf
    renorm = jnp.maximum(jnp.sum(selp, axis=-1, keepdims=True), 1e-9)
    weights = selp / renorm

    row = jax.lax.broadcasted_iota(jnp.int32, (TT, TT), 0)
    col = jax.lax.broadcasted_iota(jnp.int32, (TT, TT), 1)
    ltri = (col < row).astype(jnp.float32)
    pos = jnp.dot(ltri, maskf, preferred_element_type=jnp.float32)
    pos = pos + carry_ref[0][None, :]
    carry_ref[0] = carry_ref[0] + jnp.sum(maskf, axis=0)

    accm_ref[0] = accm_ref[0] + jnp.sum(maskf, axis=0)
    accp_ref[0] = accp_ref[0] + jnp.sum(probs, axis=0)

    kc = (pos < float(C)) & sel
    posx_ref[0] = jnp.where(kc, pos, float(C)).astype(jnp.int32)
    wts_ref[0] = weights

    @pl.when(t == n_t - 1)
    def _():
        auxacc_ref[...] = auxacc_ref[...] + jnp.sum(
            accm_ref[...] * accp_ref[...], axis=(0, 1), keepdims=True)

    @pl.when((b == B - 1) & (t == n_t - 1))
    def _():
        aux_ref[...] = auxacc_ref[...] * (float(E) / (float(B) * float(T) * float(T)))


def _disp_kernel(posx_ref, disp_ref):
    posx = posx_ref[0]
    ciota = jax.lax.broadcasted_iota(jnp.int32, (TT, E, C), 2)
    disp_ref[0] = (ciota == posx[:, :, None]).astype(jnp.float32)


_SC_MESH = plsc.VectorSubcoreMesh(core_axis_name="c", subcore_axis_name="s")


@functools.partial(
    pl.kernel,
    out_type=jax.ShapeDtypeStruct((TOK * E * C,), jnp.float32),
    mesh=_SC_MESH,
    scratch_types=[
        pltpu.VMEM((TPW * E,), jnp.int32),
        pltpu.VMEM((TPW * E,), jnp.float32),
        pltpu.VMEM((CH * E * C,), jnp.float32),
    ],
)
def _comb_sc(posx_hbm, wts_hbm, out_hbm, pos_v, wts_v, buf):
    wid = lax.axis_index("s") * 2 + lax.axis_index("c")
    base_e = wid * (TPW * E)
    base_t = wid * TPW

    pltpu.sync_copy(posx_hbm.at[pl.ds(base_e, TPW * E)], pos_v)
    pltpu.sync_copy(wts_hbm.at[pl.ds(base_e, TPW * E)], wts_v)

    zero16 = jnp.zeros((LANES,), jnp.float32)

    def _zbody(i, _):
        buf[pl.ds(i * LANES, LANES)] = zero16
        return 0
    lax.fori_loop(0, (CH * E * C) // LANES, _zbody, 0)

    iota16 = lax.broadcasted_iota(jnp.int32, (LANES,), 0)

    def _entry(ent, p, w, value16_fn):
        tok, e = ent // E, ent % E
        valid = p < C
        pc = jnp.where(valid, p, 0)
        base16 = tok * (E * C) + e * C + ((pc >> 4) << 4)
        lane = jnp.where(valid, pc & 15, LANES)
        v = buf[pl.ds(base16, LANES)]
        m = iota16 == lane
        buf[pl.ds(base16, LANES)] = jnp.where(m, value16_fn(w), v)

    def _pass(k, value16_fn):
        for g in range(CH * E // LANES):
            p16 = pos_v[pl.ds(k * (CH * E) + g * LANES, LANES)]
            w16 = wts_v[pl.ds(k * (CH * E) + g * LANES, LANES)]
            for j in range(LANES):
                _entry(g * LANES + j, p16[j], w16[j], value16_fn)

    def _chunk(k, _):
        _pass(k, lambda w: jnp.full((LANES,), w, jnp.float32))
        pltpu.sync_copy(
            buf, out_hbm.at[pl.ds((base_t + k * CH) * (E * C), CH * E * C)])
        _pass(k, lambda w: jnp.zeros((LANES,), jnp.float32))
        return 0

    lax.fori_loop(0, NCH, _chunk, 0)


@jax.jit
def kernel(x, w_gating):
    n_t = T // TT
    posx, wts, aux = pl.pallas_call(
        _meta_kernel,
        grid=(B, n_t),
        in_specs=[
            pl.BlockSpec((1, TT, D), lambda b, t: (b, t, 0)),
            pl.BlockSpec((D, E), lambda b, t: (0, 0)),
        ],
        out_specs=[
            pl.BlockSpec((1, TT, E), lambda b, t: (b, t, 0)),
            pl.BlockSpec((1, TT, E), lambda b, t: (b, t, 0)),
            pl.BlockSpec((1, 1), lambda b, t: (0, 0)),
        ],
        out_shape=[
            jax.ShapeDtypeStruct((B, T, E), jnp.int32),
            jax.ShapeDtypeStruct((B, T, E), jnp.float32),
            jax.ShapeDtypeStruct((1, 1), jnp.float32),
        ],
        scratch_shapes=[
            pltpu.VMEM((1, E), jnp.float32),
            pltpu.VMEM((1, E), jnp.float32),
            pltpu.VMEM((1, E), jnp.float32),
            pltpu.VMEM((1, 1), jnp.float32),
        ],
    )(x, w_gating)

    disp = pl.pallas_call(
        _disp_kernel,
        grid=(B, n_t),
        in_specs=[pl.BlockSpec((1, TT, E), lambda b, t: (b, t, 0))],
        out_specs=[pl.BlockSpec((1, TT, E, C), lambda b, t: (b, t, 0, 0))],
        out_shape=[jax.ShapeDtypeStruct((B, T, E, C), jnp.float32)],
    )(posx)[0]

    comb = _comb_sc(posx.reshape(TOK * E), wts.reshape(TOK * E))
    return disp, comb.reshape(B, T, E, C), aux[0, 0]

# --- scband reference (transcript-rebuilt; emitter-appended) ---
"""Pipeline reference for scband-dynamic-kgating-37005438223071 (READ-ONLY COPY).

The authoritative reference and input builder live on the scoring server;
editing this copy changes nothing except your own understanding.
"""

import jax, jax.numpy as jnp
import numpy as np
import math

B, T, D, E = 2, 2048, 1024, 8
THRESHOLD = 0.8
CAP_FACTOR_EVAL = 2.0
MIN_EXPERT_CAPACITY = 4


def setup_inputs(seed: int = 0) -> dict:
    key = jax.random.key(seed)
    k1, k2 = jax.random.split(key)
    x = jax.random.normal(k1, (B, T, D), dtype=jnp.float32)
    w_gating = jax.random.normal(k2, (D, E), dtype=jnp.float32)
    return {"x": x, "w_gating": w_gating}


def reference(x, w_gating):
    raw_gates = jnp.einsum('bnd,de->bne', x, w_gating)
    probs = jax.nn.softmax(raw_gates, axis=-1)
    # descending sort over experts (ties negligible with random floats)
    idx_sorted = jnp.argsort(-probs, axis=-1)
    p_sorted = jnp.take_along_axis(probs, idx_sorted, axis=-1)
    cumsum = jnp.cumsum(p_sorted, axis=-1)
    keep = cumsum < THRESHOLD
    keep = keep.at[..., 0].set(True)
    k_star = jnp.minimum(keep.sum(axis=-1), E)
    range_e = jnp.arange(E)
    slot_mask = range_e[None, None, :] < k_star[..., None]
    sel_idx_sorted = jnp.where(slot_mask, idx_sorted, -1)
    sel_p_sorted = jnp.where(slot_mask, p_sorted, 0.0)
    renorm = jnp.maximum(sel_p_sorted.sum(axis=-1, keepdims=True), 1e-9)
    sel_p_sorted = sel_p_sorted / renorm
    valid = (sel_idx_sorted != -1)
    idx_c = jnp.maximum(sel_idx_sorted, 0)
    # scatter_add over expert dim via one-hot (indices are unique per token)
    onehot = jax.nn.one_hot(idx_c, E, dtype=probs.dtype)
    expert_masks = (onehot * valid[..., None].astype(probs.dtype)).sum(axis=-2)
    expert_weights = (onehot * sel_p_sorted[..., None]).sum(axis=-2)
    expert_weights = expert_weights * (expert_masks > 0).astype(probs.dtype)
    # eval-mode capacity (module run with .eval())
    C = max(MIN_EXPERT_CAPACITY, min(T, math.ceil(T * CAP_FACTOR_EVAL / E)))
    # exclusive cumsum over token dim
    pos = jnp.cumsum(expert_masks, axis=1) - expert_masks
    keep_cap = (pos < float(C)) & (expert_masks > 0)
    pos_i = jnp.minimum(pos, C - 1).astype(jnp.int32)
    oh_c = jax.nn.one_hot(pos_i, C, dtype=probs.dtype)
    kc = keep_cap.astype(probs.dtype)
    dispatch = oh_c * kc[..., None]
    combine = oh_c * (expert_weights * kc)[..., None]
    density = expert_masks.mean(axis=1)
    density_proxy = probs.mean(axis=1)
    aux_loss = (density * density_proxy).mean() * (E ** 2)
    return dispatch, combine, aux_loss

if __name__ == "__main__":
    import jax
    _d = setup_inputs()
    print(jax.jit(kernel)(*tuple(_d.values())))

</pallas_src>

<mosaic_0001>
#map = affine_map<(d0, d1) -> (0)>
module attributes {stable_mosaic.version = 14 : i64} {
  func.func @_comb_sc(%arg0: i32, %arg1: i32, %arg2: memref<32768xi32, #tpu.memory_space<hbm>>, %arg3: memref<32768xf32, #tpu.memory_space<hbm>>, %arg4: memref<16777216xf32, #tpu.memory_space<hbm>>, %arg5: memref<1024xi32, #tpu.memory_space<vmem>>, %arg6: memref<1024xf32, #tpu.memory_space<vmem>>, %arg7: memref<32768xf32, #tpu.memory_space<vmem>>) attributes {dimension_semantics = [#tpu.dimension_semantics<core_parallel>, #tpu.dimension_semantics<subcore_parallel>], iteration_bounds = array<i64: 2, 16>, scalar_prefetch = 0 : i64, scratch_operands = 3 : i64, tpu.core_type = #tpu.core_type<sc_vector_subcore>, window_params = [{transform_indices = #map}, {transform_indices = #map}, {transform_indices = #map}]} {
    %mul3A = arith.constant 2 : i32
    %mul3A_0 = arith.muli %arg1, %mul3A : i32
    %add3A = arith.addi %mul3A_0, %arg0 : i32
    %mul3A_1 = arith.constant 1024 : i32
    %mul3A_2 = arith.muli %add3A, %mul3A_1 : i32
    %mul3A_3 = arith.constant 128 : i32
    %mul3A_4 = arith.muli %add3A, %mul3A_3 : i32
    "tpu.region"() ({
      %run_scoped3A = tpu.sem_alloc : memref<!tpu.dma_semaphore, #tpu.memory_space<semaphore_mem>>
      %dma_start3A = tpu.memref_slice %arg2[%mul3A_2] : memref<32768xi32, #tpu.memory_space<hbm>> -> memref<1024xi32, #tpu.memory_space<hbm>>
      %dma_start3A_19 = tpu.memref_slice %arg2[%mul3A_2] : memref<32768xi32, #tpu.memory_space<hbm>> -> memref<1024xi32, #tpu.memory_space<hbm>>
      tpu.enqueue_dma source(%dma_start3A_19 : memref<1024xi32, #tpu.memory_space<hbm>>) target(%arg5 : memref<1024xi32, #tpu.memory_space<vmem>>) target_semaphore(%run_scoped3A : memref<!tpu.dma_semaphore, #tpu.memory_space<semaphore_mem>>)
      %dma_wait3A = tpu.memref_slice %arg2[%mul3A_2] : memref<32768xi32, #tpu.memory_space<hbm>> -> memref<1024xi32, #tpu.memory_space<hbm>>
      %dma_wait3A_20 = tpu.memref_slice %arg2[%mul3A_2] : memref<32768xi32, #tpu.memory_space<hbm>> -> memref<1024xi32, #tpu.memory_space<hbm>>
      tpu.wait_dma2 semaphore(%run_scoped3A : memref<!tpu.dma_semaphore, #tpu.memory_space<semaphore_mem>>) src(%dma_wait3A_20 : memref<1024xi32, #tpu.memory_space<hbm>>) dst(%arg5 : memref<1024xi32, #tpu.memory_space<vmem>>)
      tpu.yield
    }) : () -> ()
    "tpu.region"() ({
      %run_scoped3A = tpu.sem_alloc : memref<!tpu.dma_semaphore, #tpu.memory_space<semaphore_mem>>
      %dma_start3A = tpu.memref_slice %arg3[%mul3A_2] : memref<32768xf32, #tpu.memory_space<hbm>> -> memref<1024xf32, #tpu.memory_space<hbm>>
      %dma_start3A_19 = tpu.memref_slice %arg3[%mul3A_2] : memref<32768xf32, #tpu.memory_space<hbm>> -> memref<1024xf32, #tpu.memory_space<hbm>>
      tpu.enqueue_dma source(%dma_start3A_19 : memref<1024xf32, #tpu.memory_space<hbm>>) target(%arg6 : memref<1024xf32, #tpu.memory_space<vmem>>) target_semaphore(%run_scoped3A : memref<!tpu.dma_semaphore, #tpu.memory_space<semaphore_mem>>)
      %dma_wait3A = tpu.memref_slice %arg3[%mul3A_2] : memref<32768xf32, #tpu.memory_space<hbm>> -> memref<1024xf32, #tpu.memory_space<hbm>>
      %dma_wait3A_20 = tpu.memref_slice %arg3[%mul3A_2] : memref<32768xf32, #tpu.memory_space<hbm>> -> memref<1024xf32, #tpu.memory_space<hbm>>
      tpu.wait_dma2 semaphore(%run_scoped3A : memref<!tpu.dma_semaphore, #tpu.memory_space<semaphore_mem>>) src(%dma_wait3A_20 : memref<1024xf32, #tpu.memory_space<hbm>>) dst(%arg6 : memref<1024xf32, #tpu.memory_space<vmem>>)
      tpu.yield
    }) : () -> ()
    %broadcast_in_dim3A = arith.constant 0.000000e+00 : f32
    %broadcast_in_dim3A_5 = vector.broadcast %broadcast_in_dim3A : f32 to vector<16xf32>
    %scan3A = arith.constant 0 : i32
    %scan3A_6 = arith.constant 0 : i32
    %scan3A_7 = arith.constant 2048 : i32
    %scan3A_8 = arith.addi %scan3A_6, %scan3A_7 : i32
    %scan3A_9 = arith.constant 1 : i32
    %scan3A_10 = scf.for %scan3A_19 = %scan3A_6 to %scan3A_8 step %scan3A_9 iter_args(%scan3A_20 = %scan3A) -> (i32)  : i32 {
      %mul3A_21 = arith.constant 16 : i32
      %mul3A_22 = arith.muli %scan3A_19, %mul3A_21 : i32
      %swap3A = arith.index_cast %mul3A_22 : i32 to index
      %swap3A_23 = tpu.vector_load %arg7[%swap3A] {strides = array<i32>} : memref<32768xf32, #tpu.memory_space<vmem>>, vector<16xf32>,
      %swap3A_24 = vector.shape_cast %swap3A_23 : vector<16xf32> to vector<16xf32>
      %swap3A_25 = vector.shape_cast %broadcast_in_dim3A_5 : vector<16xf32> to vector<16xf32>
      tpu.vector_store %arg7[%swap3A], %swap3A_25 {strides = array<i32>} : memref<32768xf32, #tpu.memory_space<vmem>>, vector<16xf32>,
      %scan3A_26 = arith.constant 0 : i32
      scf.yield %scan3A_26 : i32
    }
    %scan3A_11 = arith.constant 2048 : i32
    %iota3A = tpu.iota {dimensions = array<i32: 0>} : vector<16xi32>
    %scan3A_12 = arith.constant 0 : i32
    %scan3A_13 = arith.constant 0 : i32
    %scan3A_14 = arith.constant 16 : i32
    %scan3A_15 = arith.addi %scan3A_13, %scan3A_14 : i32
    %scan3A_16 = arith.constant 1 : i32
    %scan3A_17 = scf.for %scan3A_19 = %scan3A_13 to %scan3A_15 step %scan3A_16 iter_args(%scan3A_20 = %scan3A_12) -> (i32)  : i32 {
      %mul3A_21 = arith.constant 64 : i32
      %mul3A_22 = arith.muli %scan3A_19, %mul3A_21 : i32
      %add3A_23 = arith.constant 0 : i32
      %add3A_24 = arith.addi %mul3A_22, %add3A_23 : i32
      %get3A = arith.index_cast %add3A_24 : i32 to index
      %get3A_25 = tpu.vector_load %arg5[%get3A] {strides = array<i32>} : memref<1024xi32, #tpu.memory_space<vmem>>, vector<16xi32>,
      %get3A_26 = vector.shape_cast %get3A_25 : vector<16xi32> to vector<16xi32>
      %mul3A_27 = arith.constant 64 : i32
      %mul3A_28 = arith.muli %scan3A_19, %mul3A_27 : i32
      %add3A_29 = arith.constant 0 : i32
      %add3A_30 = arith.addi %mul3A_28, %add3A_29 : i32
      %get3A_31 = arith.index_cast %add3A_30 : i32 to index
      %get3A_32 = tpu.vector_load %arg6[%get3A_31] {strides = array<i32>} : memref<1024xf32, #tpu.memory_space<vmem>>, vector<16xf32>,
      %get3A_33 = vector.shape_cast %get3A_32 : vector<16xf32> to vector<16xf32>
      %slice3A = vector.extract_strided_slice %get3A_26 {offsets = [0], sizes = [1], strides = [1]} : vector<16xi32> to vector<1xi32>
      %squeeze3A = vector.extract %slice3A[0] : i32 from vector<1xi32>
      %slice3A_34 = vector.extract_strided_slice %get3A_33 {offsets = [0], sizes = [1], strides = [1]} : vector<16xf32> to vector<1xf32>
      %squeeze3A_35 = vector.extract %slice3A_34[0] : f32 from vector<1xf32>
      %lt3A = arith.constant 512 : i32
      %lt3A_36 = arith.cmpi slt, %squeeze3A, %lt3A : i32
      %jit3A = arith.constant 0 : i32
      %select_n3A = arith.select %lt3A_36, %squeeze3A, %jit3A : i32
      %shift_right_arithmetic3A = arith.constant 4 : i32
      %shift_right_arithmetic3A_37 = arith.shrsi %select_n3A, %shift_right_arithmetic3A : i32
      %shift_left3A = arith.constant 4 : i32
      %shift_left3A_38 = arith.shli %shift_right_arithmetic3A_37, %shift_left3A : i32
      %add3A_39 = arith.constant 0 : i32
      %add3A_40 = arith.addi %add3A_39, %shift_left3A_38 : i32
      %and3A = arith.constant 15 : i32
      %and3A_41 = arith.andi %select_n3A, %and3A : i32
      %jit3A_42 = arith.constant 16 : i32
      %select_n3A_43 = arith.select %lt3A_36, %and3A_41, %jit3A_42 : i32
      %get3A_44 = arith.index_cast %add3A_40 : i32 to index
      %get3A_45 = tpu.vector_load %arg7[%get3A_44] {strides = array<i32>} : memref<32768xf32, #tpu.memory_space<vmem>>, vector<16xf32>,
      %get3A_46 = vector.shape_cast %get3A_45 : vector<16xf32> to vector<16xf32>
      %eq3A = vector.broadcast %select_n3A_43 : i32 to vector<16xi32>
      %eq3A_47 = arith.cmpi eq, %iota3A, %eq3A : vector<16xi32>
      %broadcast_in_dim3A_48 = vector.broadcast %squeeze3A_35 : f32 to vector<16xf32>
      %select_n3A_49 = arith.select %eq3A_47, %broadcast_in_dim3A_48, %get3A_46 : vector<16xi1>, vector<16xf32>
      %swap3A = arith.index_cast %add3A_40 : i32 to index
      %swap3A_50 = tpu.vector_load %arg7[%swap3A] {strides = array<i32>} : memref<32768xf32, #tpu.memory_space<vmem>>, vector<16xf32>,
      %swap3A_51 = vector.shape_cast %swap3A_50 : vector<16xf32> to vector<16xf32>
      %swap3A_52 = vector.shape_cast %select_n3A_49 : vector<16xf32> to vector<16xf32>
      tpu.vector_store %arg7[%swap3A], %swap3A_52 {strides = array<i32>} : memref<32768xf32, #tpu.memory_space<vmem>>, vector<16xf32>,
      %slice3A_53 = vector.extract_strided_slice %get3A_26 {offsets = [1], sizes = [1], strides = [1]} : vector<16xi32> to vector<1xi32>
      %squeeze3A_54 = vector.extract %slice3A_53[0] : i32 from vector<1xi32>
      %slice3A_55 = vector.extract_strided_slice %get3A_33 {offsets = [1], sizes = [1], strides = [1]} : vector<16xf32> to vector<1xf32>
      %squeeze3A_56 = vector.extract %slice3A_55[0] : f32 from vector<1xf32>
      %lt3A_57 = arith.constant 512 : i32
      %lt3A_58 = arith.cmpi slt, %squeeze3A_54, %lt3A_57 : i32
      %jit3A_59 = arith.constant 0 : i32
      %select_n3A_60 = arith.select %lt3A_58, %squeeze3A_54, %jit3A_59 : i32
      %shift_right_arithmetic3A_61 = arith.constant 4 : i32
      %shift_right_arithmetic3A_62 = arith.shrsi %select_n3A_60, %shift_right_arithmetic3A_61 : i32
      %shift_left3A_63 = arith.constant 4 : i32
      %shift_left3A_64 = arith.shli %shift_right_arithmetic3A_62, %shift_left3A_63 : i32
      %add3A_65 = arith.constant 512 : i32
      %add3A_66 = arith.addi %add3A_65, %shift_left3A_64 : i32
      %and3A_67 = arith.constant 15 : i32
      %and3A_68 = arith.andi %select_n3A_60, %and3A_67 : i32
      %jit3A_69 = arith.constant 16 : i32
      %select_n3A_70 = arith.select %lt3A_58, %and3A_68, %jit3A_69 : i32
      %get3A_71 = arith.index_cast %add3A_66 : i32 to index
      %get3A_72 = tpu.vector_load %arg7[%get3A_71] {strides = array<i32>} : memref<32768xf32, #tpu.memory_space<vmem>>, vector<16xf32>,
      %get3A_73 = vector.shape_cast %get3A_72 : vector<16xf32> to vector<16xf32>
      %eq3A_74 = vector.broadcast %select_n3A_70 : i32 to vector<16xi32>
      %eq3A_75 = arith.cmpi eq, %iota3A, %eq3A_74 : vector<16xi32>
      %broadcast_in_dim3A_76 = vector.broadcast %squeeze3A_56 : f32 to vector<16xf32>
      %select_n3A_77 = arith.select %eq3A_75, %broadcast_in_dim3A_76, %get3A_73 : vector<16xi1>, vector<16xf32>
      %swap3A_78 = arith.index_cast %add3A_66 : i32 to index
      %swap3A_79 = tpu.vector_load %arg7[%swap3A_78] {strides = array<i32>} : memref<32768xf32, #tpu.memory_space<vmem>>, vector<16xf32>,
      %swap3A_80 = vector.shape_cast %swap3A_79 : vector<16xf32> to vector<16xf32>
      %swap3A_81 = vector.shape_cast %select_n3A_77 : vector<16xf32> to vector<16xf32>
      tpu.vector_store %arg7[%swap3A_78], %swap3A_81 {strides = array<i32>} : memref<32768xf32, #tpu.memory_space<vmem>>, vector<16xf32>,
      %slice3A_82 = vector.extract_strided_slice %get3A_26 {offsets = [2], sizes = [1], strides = [1]} : vector<16xi32> to vector<1xi32>
      %squeeze3A_83 = vector.extract %slice3A_82[0] : i32 from vector<1xi32>
      %slice3A_84 = vector.extract_strided_slice %get3A_33 {offsets = [2], sizes = [1], strides = [1]} : vector<16xf32> to vector<1xf32>
      %squeeze3A_85 = vector.extract %slice3A_84[0] : f32 from vector<1xf32>
      %lt3A_86 = arith.constant 512 : i32
      %lt3A_87 = arith.cmpi slt, %squeeze3A_83, %lt3A_86 : i32
      %jit3A_88 = arith.constant 0 : i32
      %select_n3A_89 = arith.select %lt3A_87, %squeeze3A_83, %jit3A_88 : i32
      %shift_right_arithmetic3A_90 = arith.constant 4 : i32
      %shift_right_arithmetic3A_91 = arith.shrsi %select_n3A_89, %shift_right_arithmetic3A_90 : i32
      %shift_left3A_92 = arith.constant 4 : i32
      %shift_left3A_93 = arith.shli %shift_right_arithmetic3A_91, %shift_left3A_92 : i32
      %add3A_94 = arith.constant 1024 : i32
      %add3A_95 = arith.addi %add3A_94, %shift_left3A_93 : i32
      %and3A_96 = arith.constant 15 : i32
      %and3A_97 = arith.andi %select_n3A_89, %and3A_96 : i32
      %jit3A_98 = arith.constant 16 : i32
      %select_n3A_99 = arith.select %lt3A_87, %and3A_97, %jit3A_98 : i32
      %get3A_100 = arith.index_cast %add3A_95 : i32 to index
      %get3A_101 = tpu.vector_load %arg7[%get3A_100] {strides = array<i32>} : memref<32768xf32, #tpu.memory_space<vmem>>, vector<16xf32>,
      %get3A_102 = vector.shape_cast %get3A_101 : vector<16xf32> to vector<16xf32>
      %eq3A_103 = vector.broadcast %select_n3A_99 : i32 to vector<16xi32>
      %eq3A_104 = arith.cmpi eq, %iota3A, %eq3A_103 : vector<16xi32>
      %broadcast_in_dim3A_105 = vector.broadcast %squeeze3A_85 : f32 to vector<16xf32>
      %select_n3A_106 = arith.select %eq3A_104, %broadcast_in_dim3A_105, %get3A_102 : vector<16xi1>, vector<16xf32>
      %swap3A_107 = arith.index_cast %add3A_95 : i32 to index
      %swap3A_108 = tpu.vector_load %arg7[%swap3A_107] {strides = array<i32>} : memref<32768xf32, #tpu.memory_space<vmem>>, vector<16xf32>,
      %swap3A_109 = vector.shape_cast %swap3A_108 : vector<16xf32> to vector<16xf32>
      %swap3A_110 = vector.shape_cast %select_n3A_106 : vector<16xf32> to vector<16xf32>
      tpu.vector_store %arg7[%swap3A_107], %swap3A_110 {strides = array<i32>} : memref<32768xf32, #tpu.memory_space<vmem>>, vector<16xf32>,
      %slice3A_111 = vector.extract_strided_slice %get3A_26 {offsets = [3], sizes = [1], strides = [1]} : vector<16xi32> to vector<1xi32>
      %squeeze3A_112 = vector.extract %slice3A_111[0] : i32 from vector<1xi32>
      %slice3A_113 = vector.extract_strided_slice %get3A_33 {offsets = [3], sizes = [1], strides = [1]} : vector<16xf32> to vector<1xf32>
      %squeeze3A_114 = vector.extract %slice3A_113[0] : f32 from vector<1xf32>
      %lt3A_115 = arith.constant 512 : i32
      %lt3A_116 = arith.cmpi slt, %squeeze3A_112, %lt3A_115 : i32
      %jit3A_117 = arith.constant 0 : i32
      %select_n3A_118 = arith.select %lt3A_116, %squeeze3A_112, %jit3A_117 : i32
      %shift_right_arithmetic3A_119 = arith.constant 4 : i32
      %shift_right_arithmetic3A_120 = arith.shrsi %select_n3A_118, %shift_right_arithmetic3A_119 : i32
      %shift_left3A_121 = arith.constant 4 : i32
      %shift_left3A_122 = arith.shli %shift_right_arithmetic3A_120, %shift_left3A_121 : i32
      %add3A_123 = arith.constant 1536 : i32
      %add3A_124 = arith.addi %add3A_123, %shift_left3A_122 : i32
      %and3A_125 = arith.constant 15 : i32
      %and3A_126 = arith.andi %select_n3A_118, %and3A_125 : i32
      %jit3A_127 = arith.constant 16 : i32
      %select_n3A_128 = arith.select %lt3A_116, %and3A_126, %jit3A_127 : i32
      %get3A_129 = arith.index_cast %add3A_124 : i32 to index
      %get3A_130 = tpu.vector_load %arg7[%get3A_129] {strides = array<i32>} : memref<32768xf32, #tpu.memory_space<vmem>>, vector<16xf32>,
      %get3A_131 = vector.shape_cast %get3A_130 : vector<16xf32> to vector<16xf32>
      %eq3A_132 = vector.broadcast %select_n3A_128 : i32 to vector<16xi32>
      %eq3A_133 = arith.cmpi eq, %iota3A, %eq3A_132 : vector<16xi32>
      %broadcast_in_dim3A_134 = vector.broadcast %squeeze3A_114 : f32 to vector<16xf32>
      %select_n3A_135 = arith.select %eq3A_133, %broadcast_in_dim3A_134, %get3A_131 : vector<16xi1>, vector<16xf32>
      %swap3A_136 = arith.index_cast %add3A_124 : i32 to index
      %swap3A_137 = tpu.vector_load %arg7[%swap3A_136] {strides = array<i32>} : memref<32768xf32, #tpu.memory_space<vmem>>, vector<16xf32>,
      %swap3A_138 = vector.shape_cast %swap3A_137 : vector<16xf32> to vector<16xf32>
      %swap3A_139 = vector.shape_cast %select_n3A_135 : vector<16xf32> to vector<16xf32>
      tpu.vector_store %arg7[%swap3A_136], %swap3A_139 {strides = array<i32>} : memref<32768xf32, #tpu.memory_space<vmem>>, vector<16xf32>,
      %slice3A_140 = vector.extract_strided_slice %get3A_26 {offsets = [4], sizes = [1], strides = [1]} : vector<16xi32> to vector<1xi32>
      %squeeze3A_141 = vector.extract %slice3A_140[0] : i32 from vector<1xi32>
      %slice3A_142 = vector.extract_strided_slice %get3A_33 {offsets = [4], sizes = [1], strides = [1]} : vector<16xf32> to vector<1xf32>
      %squeeze3A_143 = vector.extract %slice3A_142[0] : f32 from vector<1xf32>
      %lt3A_144 = arith.constant 512 : i32
      %lt3A_145 = arith.cmpi slt, %squeeze3A_141, %lt3A_144 : i32
      %jit3A_146 = arith.constant 0 : i32
      %select_n3A_147 = arith.select %lt3A_145, %squeeze3A_141, %jit3A_146 : i32
      %shift_right_arithmetic3A_148 = arith.constant 4 : i32
      %shift_right_arithmetic3A_149 = arith.shrsi %select_n3A_147, %shift_right_arithmetic3A_148 : i32
      %shift_left3A_150 = arith.constant 4 : i32
      %shift_left3A_151 = arith.shli %shift_right_arithmetic3A_149, %shift_left3A_150 : i32
      %add3A_152 = arith.constant 2048 : i32
      %add3A_153 = arith.addi %add3A_152, %shift_left3A_151 : i32
      %and3A_154 = arith.constant 15 : i32
      %and3A_155 = arith.andi %select_n3A_147, %and3A_154 : i32
      %jit3A_156 = arith.constant 16 : i32
      %select_n3A_157 = arith.select %lt3A_145, %and3A_155, %jit3A_156 : i32
      %get3A_158 = arith.index_cast %add3A_153 : i32 to index
      %get3A_159 = tpu.vector_load %arg7[%get3A_158] {strides = array<i32>} : memref<32768xf32, #tpu.memory_space<vmem>>, vector<16xf32>,
      %get3A_160 = vector.shape_cast %get3A_159 : vector<16xf32> to vector<16xf32>
      %eq3A_161 = vector.broadcast %select_n3A_157 : i32 to vector<16xi32>
      %eq3A_162 = arith.cmpi eq, %iota3A, %eq3A_161 : vector<16xi32>
      %broadcast_in_dim3A_163 = vector.broadcast %squeeze3A_143 : f32 to vector<16xf32>
      %select_n3A_164 = arith.select %eq3A_162, %broadcast_in_dim3A_163, %get3A_160 : vector<16xi1>, vector<16xf32>
      %swap3A_165 = arith.index_cast %add3A_153 : i32 to index
      %swap3A_166 = tpu.vector_load %arg7[%swap3A_165] {strides = array<i32>} : memref<32768xf32, #tpu.memory_space<vmem>>, vector<16xf32>,
      %swap3A_167 = vector.shape_cast %swap3A_166 : vector<16xf32> to vector<16xf32>
      %swap3A_168 = vector.shape_cast %select_n3A_164 : vector<16xf32> to vector<16xf32>
      tpu.vector_store %arg7[%swap3A_165], %swap3A_168 {strides = array<i32>} : memref<32768xf32, #tpu.memory_space<vmem>>, vector<16xf32>,
      %slice3A_169 = vector.extract_strided_slice %get3A_26 {offsets = [5], sizes = [1], strides = [1]} : vector<16xi32> to vector<1xi32>
      %squeeze3A_170 = vector.extract %slice3A_169[0] : i32 from vector<1xi32>
      %slice3A_171 = vector.extract_strided_slice %get3A_33 {offsets = [5], sizes = [1], strides = [1]} : vector<16xf32> to vector<1xf32>
      %squeeze3A_172 = vector.extract %slice3A_171[0] : f32 from vector<1xf32>
      %lt3A_173 = arith.constant 512 : i32
      %lt3A_174 = arith.cmpi slt, %squeeze3A_170, %lt3A_173 : i32
      %jit3A_175 = arith.constant 0 : i32
      %select_n3A_176 = arith.select %lt3A_174, %squeeze3A_170, %jit3A_175 : i32
      %shift_right_arithmetic3A_177 = arith.constant 4 : i32
      %shift_right_arithmetic3A_178 = arith.shrsi %select_n3A_176, %shift_right_arithmetic3A_177 : i32
      %shift_left3A_179 = arith.constant 4 : i32
      %shift_left3A_180 = arith.shli %shift_right_arithmetic3A_178, %shift_left3A_179 : i32
      %add3A_181 = arith.constant 2560 : i32
      %add3A_182 = arith.addi %add3A_181, %shift_left3A_180 : i32
      %and3A_183 = arith.constant 15 : i32
      %and3A_184 = arith.andi %select_n3A_176, %and3A_183 : i32
      %jit3A_185 = arith.constant 16 : i32
      %select_n3A_186 = arith.select %lt3A_174, %and3A_184, %jit3A_185 : i32
      %get3A_187 = arith.index_cast %add3A_182 : i32 to index
      %get3A_188 = tpu.vector_load %arg7[%get3A_187] {strides = array<i32>} : memref<32768xf32, #tpu.memory_space<vmem>>, vector<16xf32>,
      %get3A_189 = vector.shape_cast %get3A_188 : vector<16xf32> to vector<16xf32>
      %eq3A_190 = vector.broadcast %select_n3A_186 : i32 to vector<16xi32>
      %eq3A_191 = arith.cmpi eq, %iota3A, %eq3A_190 : vector<16xi32>
      %broadcast_in_dim3A_192 = vector.broadcast %squeeze3A_172 : f32 to vector<16xf32>
      %select_n3A_193 = arith.select %eq3A_191, %broadcast_in_dim3A_192, %get3A_189 : vector<16xi1>, vector<16xf32>
      %swap3A_194 = arith.index_cast %add3A_182 : i32 to index
      %swap3A_195 = tpu.vector_load %arg7[%swap3A_194] {strides = array<i32>} : memref<32768xf32, #tpu.memory_space<vmem>>, vector<16xf32>,
      %swap3A_196 = vector.shape_cast %swap3A_195 : vector<16xf32> to vector<16xf32>
      %swap3A_197 = vector.shape_cast %select_n3A_193 : vector<16xf32> to vector<16xf32>
      tpu.vector_store %arg7[%swap3A_194], %swap3A_197 {strides = array<i32>} : memref<32768xf32, #tpu.memory_space<vmem>>, vector<16xf32>,
      %slice3A_198 = vector.extract_strided_slice %get3A_26 {offsets = [6], sizes = [1], strides = [1]} : vector<16xi32> to vector<1xi32>
      %squeeze3A_199 = vector.extract %slice3A_198[0] : i32 from vector<1xi32>
      %slice3A_200 = vector.extract_strided_slice %get3A_33 {offsets = [6], sizes = [1], strides = [1]} : vector<16xf32> to vector<1xf32>
      %squeeze3A_201 = vector.extract %slice3A_200[0] : f32 from vector<1xf32>
      %lt3A_202 = arith.constant 512 : i32
      %lt3A_203 = arith.cmpi slt, %squeeze3A_199, %lt3A_202 : i32
      %jit3A_204 = arith.constant 0 : i32
      %select_n3A_205 = arith.select %lt3A_203, %squeeze3A_199, %jit3A_204 : i32
      %shift_right_arithmetic3A_206 = arith.constant 4 : i32
      %shift_right_arithmetic3A_207 = arith.shrsi %select_n3A_205, %shift_right_arithmetic3A_206 : i32
      %shift_left3A_208 = arith.constant 4 : i32
      %shift_left3A_209 = arith.shli %shift_right_arithmetic3A_207, %shift_left3A_208 : i32
      %add3A_210 = arith.constant 3072 : i32
      %add3A_211 = arith.addi %add3A_210, %shift_left3A_209 : i32
      %and3A_212 = arith.constant 15 : i32
      %and3A_213 = arith.andi %select_n3A_205, %and3A_212 : i32
      %jit3A_214 = arith.constant 16 : i32
      %select_n3A_215 = arith.select %lt3A_203, %and3A_213, %jit3A_214 : i32
      %get3A_216 = arith.index_cast %add3A_211 : i32 to index
      %get3A_217 = tpu.vector_load %arg7[%get3A_216] {strides = array<i32>} : memref<32768xf32, #tpu.memory_space<vmem>>, vector<16xf32>,
      %get3A_218 = vector.shape_cast %get3A_217 : vector<16xf32> to vector<16xf32>
      %eq3A_219 = vector.broadcast %select_n3A_215 : i32 to vector<16xi32>
      %eq3A_220 = arith.cmpi eq, %iota3A, %eq3A_219 : vector<16xi32>
      %broadcast_in_dim3A_221 = vector.broadcast %squeeze3A_201 : f32 to vector<16xf32>
      %select_n3A_222 = arith.select %eq3A_220, %broadcast_in_dim3A_221, %get3A_218 : vector<16xi1>, vector<16xf32>
      %swap3A_223 = arith.index_cast %add3A_211 : i32 to index
      %swap3A_224 = tpu.vector_load %arg7[%swap3A_223] {strides = array<i32>} : memref<32768xf32, #tpu.memory_space<vmem>>, vector<16xf32>,
      %swap3A_225 = vector.shape_cast %swap3A_224 : vector<16xf32> to vector<16xf32>
      %swap3A_226 = vector.shape_cast %select_n3A_222 : vector<16xf32> to vector<16xf32>
      tpu.vector_store %arg7[%swap3A_223], %swap3A_226 {strides = array<i32>} : memref<32768xf32, #tpu.memory_space<vmem>>, vector<16xf32>,
      %slice3A_227 = vector.extract_strided_slice %get3A_26 {offsets = [7], sizes = [1], strides = [1]} : vector<16xi32> to vector<1xi32>
      %squeeze3A_228 = vector.extract %slice3A_227[0] : i32 from vector<1xi32>
      %slice3A_229 = vector.extract_strided_slice %get3A_33 {offsets = [7], sizes = [1], strides = [1]} : vector<16xf32> to vector<1xf32>
      %squeeze3A_230 = vector.extract %slice3A_229[0] : f32 from vector<1xf32>
      %lt3A_231 = arith.constant 512 : i32
      %lt3A_232 = arith.cmpi slt, %squeeze3A_228, %lt3A_231 : i32
      %jit3A_233 = arith.constant 0 : i32
      %select_n3A_234 = arith.select %lt3A_232, %squeeze3A_228, %jit3A_233 : i32
      %shift_right_arithmetic3A_235 = arith.constant 4 : i32
      %shift_right_arithmetic3A_236 = arith.shrsi %select_n3A_234, %shift_right_arithmetic3A_235 : i32
      %shift_left3A_237 = arith.constant 4 : i32
      %shift_left3A_238 = arith.shli %shift_right_arithmetic3A_236, %shift_left3A_237 : i32
      %add3A_239 = arith.constant 3584 : i32
      %add3A_240 = arith.addi %add3A_239, %shift_left3A_238 : i32
      %and3A_241 = arith.constant 15 : i32
      %and3A_242 = arith.andi %select_n3A_234, %and3A_241 : i32
      %jit3A_243 = arith.constant 16 : i32
      %select_n3A_244 = arith.select %lt3A_232, %and3A_242, %jit3A_243 : i32
      %get3A_245 = arith.index_cast %add3A_240 : i32 to index
      %get3A_246 = tpu.vector_load %arg7[%get3A_245] {strides = array<i32>} : memref<32768xf32, #tpu.memory_space<vmem>>, vector<16xf32>,
      %get3A_247 = vector.shape_cast %get3A_246 : vector<16xf32> to vector<16xf32>
      %eq3A_248 = vector.broadcast %select_n3A_244 : i32 to vector<16xi32>
      %eq3A_249 = arith.cmpi eq, %iota3A, %eq3A_248 : vector<16xi32>
      %broadcast_in_dim3A_250 = vector.broadcast %squeeze3A_230 : f32 to vector<16xf32>
      %select_n3A_251 = arith.select %eq3A_249, %broadcast_in_dim3A_250, %get3A_247 : vector<16xi1>, vector<16xf32>
      %swap3A_252 = arith.index_cast %add3A_240 : i32 to index
      %swap3A_253 = tpu.vector_load %arg7[%swap3A_252] {strides = array<i32>} : memref<32768xf32, #tpu.memory_space<vmem>>, vector<16xf32>,
      %swap3A_254 = vector.shape_cast %swap3A_253 : vector<16xf32> to vector<16xf32>
      %swap3A_255 = vector.shape_cast %select_n3A_251 : vector<16xf32> to vector<16xf32>
      tpu.vector_store %arg7[%swap3A_252], %swap3A_255 {strides = array<i32>} : memref<32768xf32, #tpu.memory_space<vmem>>, vector<16xf32>,
      %slice3A_256 = vector.extract_strided_slice %get3A_26 {offsets = [8], sizes = [1], strides = [1]} : vector<16xi32> to vector<1xi32>
      %squeeze3A_257 = vector.extract %slice3A_256[0] : i32 from vector<1xi32>
      %slice3A_258 = vector.extract_strided_slice %get3A_33 {offsets = [8], sizes = [1], strides = [1]} : vector<16xf32> to vector<1xf32>
      %squeeze3A_259 = vector.extract %slice3A_258[0] : f32 from vector<1xf32>
      %lt3A_260 = arith.constant 512 : i32
      %lt3A_261 = arith.cmpi slt, %squeeze3A_257, %lt3A_260 : i32
      %jit3A_262 = arith.constant 0 : i32
      %select_n3A_263 = arith.select %lt3A_261, %squeeze3A_257, %jit3A_262 : i32
      %shift_right_arithmetic3A_264 = arith.constant 4 : i32
      %shift_right_arithmetic3A_265 = arith.shrsi %select_n3A_263, %shift_right_arithmetic3A_264 : i32
      %shift_left3A_266 = arith.constant 4 : i32
      %shift_left3A_267 = arith.shli %shift_right_arithmetic3A_265, %shift_left3A_266 : i32
      %add3A_268 = arith.constant 4096 : i32
      %add3A_269 = arith.addi %add3A_268, %shift_left3A_267 : i32
      %and3A_270 = arith.constant 15 : i32
      %and3A_271 = arith.andi %select_n3A_263, %and3A_270 : i32
      %jit3A_272 = arith.constant 16 : i32
      %select_n3A_273 = arith.select %lt3A_261, %and3A_271, %jit3A_272 : i32
      %get3A_274 = arith.index_cast %add3A_269 : i32 to index
      %get3A_275 = tpu.vector_load %arg7[%get3A_274] {strides = array<i32>} : memref<32768xf32, #tpu.memory_space<vmem>>, vector<16xf32>,
      %get3A_276 = vector.shape_cast %get3A_275 : vector<16xf32> to vector<16xf32>
      %eq3A_277 = vector.broadcast %select_n3A_273 : i32 to vector<16xi32>
      %eq3A_278 = arith.cmpi eq, %iota3A, %eq3A_277 : vector<16xi32>
      %broadcast_in_dim3A_279 = vector.broadcast %squeeze3A_259 : f32 to vector<16xf32>
      %select_n3A_280 = arith.select %eq3A_278, %broadcast_in_dim3A_279, %get3A_276 : vector<16xi1>, vector<16xf32>
      %swap3A_281 = arith.index_cast %add3A_269 : i32 to index
      %swap3A_282 = tpu.vector_load %arg7[%swap3A_281] {strides = array<i32>} : memref<32768xf32, #tpu.memory_space<vmem>>, vector<16xf32>,
      %swap3A_283 = vector.shape_cast %swap3A_282 : vector<16xf32> to vector<16xf32>
      %swap3A_284 = vector.shape_cast %select_n3A_280 : vector<16xf32> to vector<16xf32>
      tpu.vector_store %arg7[%swap3A_281], %swap3A_284 {strides = array<i32>} : memref<32768xf32, #tpu.memory_space<vmem>>, vector<16xf32>,
      %slice3A_285 = vector.extract_strided_slice %get3A_26 {offsets = [9], sizes = [1], strides = [1]} : vector<16xi32> to vector<1xi32>
      %squeeze3A_286 = vector.extract %slice3A_285[0] : i32 from vector<1xi32>
      %slice3A_287 = vector.extract_strided_slice %get3A_33 {offsets = [9], sizes = [1], strides = [1]} : vector<16xf32> to vector<1xf32>
      %squeeze3A_288 = vector.extract %slice3A_287[0] : f32 from vector<1xf32>
      %lt3A_289 = arith.constant 512 : i32
      %lt3A_290 = arith.cmpi slt, %squeeze3A_286, %lt3A_289 : i32
      %jit3A_291 = arith.constant 0 : i32
      %select_n3A_292 = arith.select %lt3A_290, %squeeze3A_286, %jit3A_291 : i32
      %shift_right_arithmetic3A_293 = arith.constant 4 : i32
      %shift_right_arithmetic3A_294 = arith.shrsi %select_n3A_292, %shift_right_arithmetic3A_293 : i32
      %shift_left3A_295 = arith.constant 4 : i32
      %shift_left3A_296 = arith.shli %shift_right_arithmetic3A_294, %shift_left3A_295 : i32
      %add3A_297 = arith.constant 4608 : i32
      %add3A_298 = arith.addi %add3A_297, %shift_left3A_296 : i32
      %and3A_299 = arith.constant 15 : i32
      %and3A_300 = arith.andi %select_n3A_292, %and3A_299 : i32
      %jit3A_301 = arith.constant 16 : i32
      %select_n3A_302 = arith.select %lt3A_290, %and3A_300, %jit3A_301 : i32
      %get3A_303 = arith.index_cast %add3A_298 : i32 to index
      %get3A_304 = tpu.vector_load %arg7[%get3A_303] {strides = array<i32>} : memref<32768xf32, #tpu.memory_space<vmem>>, vector<16xf32>,
      %get3A_305 = vector.shape_cast %get3A_304 : vector<16xf32> to vector<16xf32>
      %eq3A_306 = vector.broadcast %select_n3A_302 : i32 to vector<16xi32>
      %eq3A_307 = arith.cmpi eq, %iota3A, %eq3A_306 : vector<16xi32>
      %broadcast_in_dim3A_308 = vector.broadcast %squeeze3A_288 : f32 to vector<16xf32>
      %select_n3A_309 = arith.select %eq3A_307, %broadcast_in_dim3A_308, %get3A_305 : vector<16xi1>, vector<16xf32>
      %swap3A_310 = arith.index_cast %add3A_298 : i32 to index
      %swap3A_311 = tpu.vector_load %arg7[%swap3A_310] {strides = array<i32>} : memref<32768xf32, #tpu.memory_space<vmem>>, vector<16xf32>,
      %swap3A_312 = vector.shape_cast %swap3A_311 : vector<16xf32> to vector<16xf32>
      %swap3A_313 = vector.shape_cast %select_n3A_309 : vector<16xf32> to vector<16xf32>
      tpu.vector_store %arg7[%swap3A_310], %swap3A_313 {strides = array<i32>} : memref<32768xf32, #tpu.memory_space<vmem>>, vector<16xf32>,
      %slice3A_314 = vector.extract_strided_slice %get3A_26 {offsets = [10], sizes = [1], strides = [1]} : vector<16xi32> to vector<1xi32>
      %squeeze3A_315 = vector.extract %slice3A_314[0] : i32 from vector<1xi32>
      %slice3A_316 = vector.extract_strided_slice %get3A_33 {offsets = [10], sizes = [1], strides = [1]} : vector<16xf32> to vector<1xf32>
      %squeeze3A_317 = vector.extract %slice3A_316[0] : f32 from vector<1xf32>
      %lt3A_318 = arith.constant 512 : i32
      %lt3A_319 = arith.cmpi slt, %squeeze3A_315, %lt3A_318 : i32
      %jit3A_320 = arith.constant 0 : i32
      %select_n3A_321 = arith.select %lt3A_319, %squeeze3A_315, %jit3A_320 : i32
      %shift_right_arithmetic3A_322 = arith.constant 4 : i32
      %shift_right_arithmetic3A_323 = arith.shrsi %select_n3A_321, %shift_right_arithmetic3A_322 : i32
      %shift_left3A_324 = arith.constant 4 : i32
      %shift_left3A_325 = arith.shli %shift_right_arithmetic3A_323, %shift_left3A_324 : i32
      %add3A_326 = arith.constant 5120 : i32
      %add3A_327 = arith.addi %add3A_326, %shift_left3A_325 : i32
      %and3A_328 = arith.constant 15 : i32
      %and3A_329 = arith.andi %select_n3A_321, %and3A_328 : i32
      %jit3A_330 = arith.constant 16 : i32
      %select_n3A_331 = arith.select %lt3A_319, %and3A_329, %jit3A_330 : i32
      %get3A_332 = arith.index_cast %add3A_327 : i32 to index
      %get3A_333 = tpu.vector_load %arg7[%get3A_332] {strides = array<i32>} : memref<32768xf32, #tpu.memory_space<vmem>>, vector<16xf32>,
      %get3A_334 = vector.shape_cast %get3A_333 : vector<16xf32> to vector<16xf32>
      %eq3A_335 = vector.broadcast %select_n3A_331 : i32 to vector<16xi32>
      %eq3A_336 = arith.cmpi eq, %iota3A, %eq3A_335 : vector<16xi32>
      %broadcast_in_dim3A_337 = vector.broadcast %squeeze3A_317 : f32 to vector<16xf32>
      %select_n3A_338 = arith.select %eq3A_336, %broadcast_in_dim3A_337, %get3A_334 : vector<16xi1>, vector<16xf32>
      %swap3A_339 = arith.index_cast %add3A_327 : i32 to index
      %swap3A_340 = tpu.vector_load %arg7[%swap3A_339] {strides = array<i32>} : memref<32768xf32, #tpu.memory_space<vmem>>, vector<16xf32>,
      %swap3A_341 = vector.shape_cast %swap3A_340 : vector<16xf32> to vector<16xf32>
      %swap3A_342 = vector.shape_cast %select_n3A_338 : vector<16xf32> to vector<16xf32>
      tpu.vector_store %arg7[%swap3A_339], %swap3A_342 {strides = array<i32>} : memref<32768xf32, #tpu.memory_space<vmem>>, vector<16xf32>,
      %slice3A_343 = vector.extract_strided_slice %get3A_26 {offsets = [11], sizes = [1], strides = [1]} : vector<16xi32> to vector<1xi32>
      %squeeze3A_344 = vector.extract %slice3A_343[0] : i32 from vector<1xi32>
      %slice3A_345 = vector.extract_strided_slice %get3A_33 {offsets = [11], sizes = [1], strides = [1]} : vector<16xf32> to vector<1xf32>
      %squeeze3A_346 = vector.extract %slice3A_345[0] : f32 from vector<1xf32>
      %lt3A_347 = arith.constant 512 : i32
      %lt3A_348 = arith.cmpi slt, %squeeze3A_344, %lt3A_347 : i32
      %jit3A_349 = arith.constant 0 : i32
      %select_n3A_350 = arith.select %lt3A_348, %squeeze3A_344, %jit3A_349 : i32
      %shift_right_arithmetic3A_351 = arith.constant 4 : i32
      %shift_right_arithmetic3A_352 = arith.shrsi %select_n3A_350, %shift_right_arithmetic3A_351 : i32
      %shift_left3A_353 = arith.constant 4 : i32
      %shift_left3A_354 = arith.shli %shift_right_arithmetic3A_352, %shift_left3A_353 : i32
      %add3A_355 = arith.constant 5632 : i32
      %add3A_356 = arith.addi %add3A_355, %shift_left3A_354 : i32
      %and3A_357 = arith.constant 15 : i32
      %and3A_358 = arith.andi %select_n3A_350, %and3A_357 : i32
      %jit3A_359 = arith.constant 16 : i32
      %select_n3A_360 = arith.select %lt3A_348, %and3A_358, %jit3A_359 : i32
      %get3A_361 = arith.index_cast %add3A_356 : i32 to index
      %get3A_362 = tpu.vector_load %arg7[%get3A_361] {strides = array<i32>} : memref<32768xf32, #tpu.memory_space<vmem>>, vector<16xf32>,
      %get3A_363 = vector.shape_cast %get3A_362 : vector<16xf32> to vector<16xf32>
      %eq3A_364 = vector.broadcast %select_n3A_360 : i32 to vector<16xi32>
      %eq3A_365 = arith.cmpi eq, %iota3A, %eq3A_364 : vector<16xi32>
      %broadcast_in_dim3A_366 = vector.broadcast %squeeze3A_346 : f32 to vector<16xf32>
      %select_n3A_367 = arith.select %eq3A_365, %broadcast_in_dim3A_366, %get3A_363 : vector<16xi1>, vector<16xf32>
      %swap3A_368 = arith.index_cast %add3A_356 : i32 to index
      %swap3A_369 = tpu.vector_load %arg7[%swap3A_368] {strides = array<i32>} : memref<32768xf32, #tpu.memory_space<vmem>>, vector<16xf32>,
      %swap3A_370 = vector.shape_cast %swap3A_369 : vector<16xf32> to vector<16xf32>
      %swap3A_371 = vector.shape_cast %select_n3A_367 : vector<16xf32> to vector<16xf32>
      tpu.vector_store %arg7[%swap3A_368], %swap3A_371 {strides = array<i32>} : memref<32768xf32, #tpu.memory_space<vmem>>, vector<16xf32>,
      %slice3A_372 = vector.extract_strided_slice %get3A_26 {offsets = [12], sizes = [1], strides = [1]} : vector<16xi32> to vector<1xi32>
      %squeeze3A_373 = vector.extract %slice3A_372[0] : i32 from vector<1xi32>
      %slice3A_374 = vector.extract_strided_slice %get3A_33 {offsets = [12], sizes = [1], strides = [1]} : vector<16xf32> to vector<1xf32>
      %squeeze3A_375 = vector.extract %slice3A_374[0] : f32 from vector<1xf32>
      %lt3A_376 = arith.constant 512 : i32
      %lt3A_377 = arith.cmpi slt, %squeeze3A_373, %lt3A_376 : i32
      %jit3A_378 = arith.constant 0 : i32
      %select_n3A_379 = arith.select %lt3A_377, %squeeze3A_373, %jit3A_378 : i32
      %shift_right_arithmetic3A_380 = arith.constant 4 : i32
      %shift_right_arithmetic3A_381 = arith.shrsi %select_n3A_379, %shift_right_arithmetic3A_380 : i32
      %shift_left3A_382 = arith.constant 4 : i32
      %shift_left3A_383 = arith.shli %shift_right_arithmetic3A_381, %shift_left3A_382 : i32
      %add3A_384 = arith.constant 6144 : i32
      %add3A_385 = arith.addi %add3A_384, %shift_left3A_383 : i32
      %and3A_386 = arith.constant 15 : i32
      %and3A_387 = arith.andi %select_n3A_379, %and3A_386 : i32
      %jit3A_388 = arith.constant 16 : i32
      %select_n3A_389 = arith.select %lt3A_377, %and3A_387, %jit3A_388 : i32
      %get3A_390 = arith.index_cast %add3A_385 : i32 to index
      %get3A_391 = tpu.vector_load %arg7[%get3A_390] {strides = array<i32>} : memref<32768xf32, #tpu.memory_space<vmem>>, vector<16xf32>,
      %get3A_392 = vector.shape_cast %get3A_391 : vector<16xf32> to vector<16xf32>
      %eq3A_393 = vector.broadcast %select_n3A_389 : i32 to vector<16xi32>
      %eq3A_394 = arith.cmpi eq, %iota3A, %eq3A_393 : vector<16xi32>
      %broadcast_in_dim3A_395 = vector.broadcast %squeeze3A_375 : f32 to vector<16xf32>
      %select_n3A_396 = arith.select %eq3A_394, %broadcast_in_dim3A_395, %get3A_392 : vector<16xi1>, vector<16xf32>
      %swap3A_397 = arith.index_cast %add3A_385 : i32 to index
      %swap3A_398 = tpu.vector_load %arg7[%swap3A_397] {strides = array<i32>} : memref<32768xf32, #tpu.memory_space<vmem>>, vector<16xf32>,
      %swap3A_399 = vector.shape_cast %swap3A_398 : vector<16xf32> to vector<16xf32>
      %swap3A_400 = vector.shape_cast %select_n3A_396 : vector<16xf32> to vector<16xf32>
      tpu.vector_store %arg7[%swap3A_397], %swap3A_400 {strides = array<i32>} : memref<32768xf32, #tpu.memory_space<vmem>>, vector<16xf32>,
      %slice3A_401 = vector.extract_strided_slice %get3A_26 {offsets = [13], sizes = [1], strides = [1]} : vector<16xi32> to vector<1xi32>
      %squeeze3A_402 = vector.extract %slice3A_401[0] : i32 from vector<1xi32>
      %slice3A_403 = vector.extract_strided_slice %get3A_33 {offsets = [13], sizes = [1], strides = [1]} : vector<16xf32> to vector<1xf32>
      %squeeze3A_404 = vector.extract %slice3A_403[0] : f32 from vector<1xf32>
      %lt3A_405 = arith.constant 512 : i32
      %lt3A_406 = arith.cmpi slt, %squeeze3A_402, %lt3A_405 : i32
      %jit3A_407 = arith.constant 0 : i32
      %select_n3A_408 = arith.select %lt3A_406, %squeeze3A_402, %jit3A_407 : i32
      %shift_right_arithmetic3A_409 = arith.constant 4 : i32
      %shift_right_arithmetic3A_410 = arith.shrsi %select_n3A_408, %shift_right_arithmetic3A_409 : i32
      %shift_left3A_411 = arith.constant 4 : i32
      %shift_left3A_412 = arith.shli %shift_right_arithmetic3A_410, %shift_left3A_411 : i32
      %add3A_413 = arith.constant 6656 : i32
      %add3A_414 = arith.addi %add3A_413, %shift_left3A_412 : i32
      %and3A_415 = arith.constant 15 : i32
      %and3A_416 = arith.andi %select_n3A_408, %and3A_415 : i32
      %jit3A_417 = arith.constant 16 : i32
      %select_n3A_418 = arith.select %lt3A_406, %and3A_416, %jit3A_417 : i32
      %get3A_419 = arith.index_cast %add3A_414 : i32 to index
      %get3A_420 = tpu.vector_load %arg7[%get3A_419] {strides = array<i32>} : memref<32768xf32, #tpu.memory_space<vmem>>, vector<16xf32>,
      %get3A_421 = vector.shape_cast %get3A_420 : vector<16xf32> to vector<16xf32>
      %eq3A_422 = vector.broadcast %select_n3A_418 : i32 to vector<16xi32>
      %eq3A_423 = arith.cmpi eq, %iota3A, %eq3A_422 : vector<16xi32>
      %broadcast_in_dim3A_424 = vector.broadcast %squeeze3A_404 : f32 to vector<16xf32>
      %select_n3A_425 = arith.select %eq3A_423, %broadcast_in_dim3A_424, %get3A_421 : vector<16xi1>, vector<16xf32>
      %swap3A_426 = arith.index_cast %add3A_414 : i32 to index
      %swap3A_427 = tpu.vector_load %arg7[%swap3A_426] {strides = array<i32>} : memref<32768xf32, #tpu.memory_space<vmem>>, vector<16xf32>,
      %swap3A_428 = vector.shape_cast %swap3A_427 : vector<16xf32> to vector<16xf32>
      %swap3A_429 = vector.shape_cast %select_n3A_425 : vector<16xf32> to vector<16xf32>
      tpu.vector_store %arg7[%swap3A_426], %swap3A_429 {strides = array<i32>} : memref<32768xf32, #tpu.memory_space<vmem>>, vector<16xf32>,
      %slice3A_430 = vector.extract_strided_slice %get3A_26 {offsets = [14], sizes = [1], strides = [1]} : vector<16xi32> to vector<1xi32>
      %squeeze3A_431 = vector.extract %slice3A_430[0] : i32 from vector<1xi32>
      %slice3A_432 = vector.extract_strided_slice %get3A_33 {offsets = [14], sizes = [1], strides = [1]} : vector<16xf32> to vector<1xf32>
      %squeeze3A_433 = vector.extract %slice3A_432[0] : f32 from vector<1xf32>
      %lt3A_434 = arith.constant 512 : i32
      %lt3A_435 = arith.cmpi slt, %squeeze3A_431, %lt3A_434 : i32
      %jit3A_436 = arith.constant 0 : i32
      %select_n3A_437 = arith.select %lt3A_435, %squeeze3A_431, %jit3A_436 : i32
      %shift_right_arithmetic3A_438 = arith.constant 4 : i32
      %shift_right_arithmetic3A_439 = arith.shrsi %select_n3A_437, %shift_right_arithmetic3A_438 : i32
      %shift_left3A_440 = arith.constant 4 : i32
      %shift_left3A_441 = arith.shli %shift_right_arithmetic3A_439, %shift_left3A_440 : i32
      %add3A_442 = arith.constant 7168 : i32
      %add3A_443 = arith.addi %add3A_442, %shift_left3A_441 : i32
      %and3A_444 = arith.constant 15 : i32
      %and3A_445 = arith.andi %select_n3A_437, %and3A_444 : i32
      %jit3A_446 = arith.constant 16 : i32
      %select_n3A_447 = arith.select %lt3A_435, %and3A_445, %jit3A_446 : i32
      %get3A_448 = arith.index_cast %add3A_443 : i32 to index
      %get3A_449 = tpu.vector_load %arg7[%get3A_448] {strides = array<i32>} : memref<32768xf32, #tpu.memory_space<vmem>>, vector<16xf32>,
      %get3A_450 = vector.shape_cast %get3A_449 : vector<16xf32> to vector<16xf32>
      %eq3A_451 = vector.broadcast %select_n3A_447 : i32 to vector<16xi32>
      %eq3A_452 = arith.cmpi eq, %iota3A, %eq3A_451 : vector<16xi32>
      %broadcast_in_dim3A_453 = vector.broadcast %squeeze3A_433 : f32 to vector<16xf32>
      %select_n3A_454 = arith.select %eq3A_452, %broadcast_in_dim3A_453, %get3A_450 : vector<16xi1>, vector<16xf32>
      %swap3A_455 = arith.index_cast %add3A_443 : i32 to index
      %swap3A_456 = tpu.vector_load %arg7[%swap3A_455] {strides = array<i32>} : memref<32768xf32, #tpu.memory_space<vmem>>, vector<16xf32>,
      %swap3A_457 = vector.shape_cast %swap3A_456 : vector<16xf32> to vector<16xf32>
      %swap3A_458 = vector.shape_cast %select_n3A_454 : vector<16xf32> to vector<16xf32>
      tpu.vector_store %arg7[%swap3A_455], %swap3A_458 {strides = array<i32>} : memref<32768xf32, #tpu.memory_space<vmem>>, vector<16xf32>,
      %slice3A_459 = vector.extract_strided_slice %get3A_26 {offsets = [15], sizes = [1], strides = [1]} : vector<16xi32> to vector<1xi32>
      %squeeze3A_460 = vector.extract %slice3A_459[0] : i32 from vector<1xi32>
      %slice3A_461 = vector.extract_strided_slice %get3A_33 {offsets = [15], sizes = [1], strides = [1]} : vector<16xf32> to vector<1xf32>
      %squeeze3A_462 = vector.extract %slice3A_461[0] : f32 from vector<1xf32>
      %lt3A_463 = arith.constant 512 : i32
      %lt3A_464 = arith.cmpi slt, %squeeze3A_460, %lt3A_463 : i32
      %jit3A_465 = arith.constant 0 : i32
      %select_n3A_466 = arith.select %lt3A_464, %squeeze3A_460, %jit3A_465 : i32
      %shift_right_arithmetic3A_467 = arith.constant 4 : i32
      %shift_right_arithmetic3A_468 = arith.shrsi %select_n3A_466, %shift_right_arithmetic3A_467 : i32
      %shift_left3A_469 = arith.constant 4 : i32
      %shift_left3A_470 = arith.shli %shift_right_arithmetic3A_468, %shift_left3A_469 : i32
      %add3A_471 = arith.constant 7680 : i32
      %add3A_472 = arith.addi %add3A_471, %shift_left3A_470 : i32
      %and3A_473 = arith.constant 15 : i32
      %and3A_474 = arith.andi %select_n3A_466, %and3A_473 : i32
      %jit3A_475 = arith.constant 16 : i32
      %select_n3A_476 = arith.select %lt3A_464, %and3A_474, %jit3A_475 : i32
      %get3A_477 = arith.index_cast %add3A_472 : i32 to index
      %get3A_478 = tpu.vector_load %arg7[%get3A_477] {strides = array<i32>} : memref<32768xf32, #tpu.memory_space<vmem>>, vector<16xf32>,
      %get3A_479 = vector.shape_cast %get3A_478 : vector<16xf32> to vector<16xf32>
      %eq3A_480 = vector.broadcast %select_n3A_476 : i32 to vector<16xi32>
      %eq3A_481 = arith.cmpi eq, %iota3A, %eq3A_480 : vector<16xi32>
      %broadcast_in_dim3A_482 = vector.broadcast %squeeze3A_462 : f32 to vector<16xf32>
      %select_n3A_483 = arith.select %eq3A_481, %broadcast_in_dim3A_482, %get3A_479 : vector<16xi1>, vector<16xf32>
      %swap3A_484 = arith.index_cast %add3A_472 : i32 to index
      %swap3A_485 = tpu.vector_load %arg7[%swap3A_484] {strides = array<i32>} : memref<32768xf32, #tpu.memory_space<vmem>>, vector<16xf32>,
      %swap3A_486 = vector.shape_cast %swap3A_485 : vector<16xf32> to vector<16xf32>
      %swap3A_487 = vector.shape_cast %select_n3A_483 : vector<16xf32> to vector<16xf32>
      tpu.vector_store %arg7[%swap3A_484], %swap3A_487 {strides = array<i32>} : memref<32768xf32, #tpu.memory_space<vmem>>, vector<16xf32>,
      %mul3A_488 = arith.constant 64 : i32
      %mul3A_489 = arith.muli %scan3A_19, %mul3A_488 : i32
      %add3A_490 = arith.constant 16 : i32
      %add3A_491 = arith.addi %mul3A_489, %add3A_490 : i32
      %get3A_492 = arith.index_cast %add3A_491 : i32 to index
      %get3A_493 = tpu.vector_load %arg5[%get3A_492] {strides = array<i32>} : memref<1024xi32, #tpu.memory_space<vmem>>, vector<16xi32>,
      %get3A_494 = vector.shape_cast %get3A_493 : vector<16xi32> to vector<16xi32>
      %mul3A_495 = arith.constant 64 : i32
      %mul3A_496 = arith.muli %scan3A_19, %mul3A_495 : i32
      %add3A_497 = arith.constant 16 : i32
      %add3A_498 = arith.addi %mul3A_496, %add3A_497 : i32
      %get3A_499 = arith.index_cast %add3A_498 : i32 to index
      %get3A_500 = tpu.vector_load %arg6[%get3A_499] {strides = array<i32>} : memref<1024xf32, #tpu.memory_space<vmem>>, vector<16xf32>,
      %get3A_501 = vector.shape_cast %get3A_500 : vector<16xf32> to vector<16xf32>
      %slice3A_502 = vector.extract_strided_slice %get3A_494 {offsets = [0], sizes = [1], strides = [1]} : vector<16xi32> to vector<1xi32>
      %squeeze3A_503 = vector.extract %slice3A_502[0] : i32 from vector<1xi32>
      %slice3A_504 = vector.extract_strided_slice %get3A_501 {offsets = [0], sizes = [1], strides = [1]} : vector<16xf32> to vector<1xf32>
      %squeeze3A_505 = vector.extract %slice3A_504[0] : f32 from vector<1xf32>
      %lt3A_506 = arith.constant 512 : i32
      %lt3A_507 = arith.cmpi slt, %squeeze3A_503, %lt3A_506 : i32
      %jit3A_508 = arith.constant 0 : i32
      %select_n3A_509 = arith.select %lt3A_507, %squeeze3A_503, %jit3A_508 : i32
      %shift_right_arithmetic3A_510 = arith.constant 4 : i32
      %shift_right_arithmetic3A_511 = arith.shrsi %select_n3A_509, %shift_right_arithmetic3A_510 : i32
      %shift_left3A_512 = arith.constant 4 : i32
      %shift_left3A_513 = arith.shli %shift_right_arithmetic3A_511, %shift_left3A_512 : i32
      %add3A_514 = arith.constant 8192 : i32
      %add3A_515 = arith.addi %add3A_514, %shift_left3A_513 : i32
      %and3A_516 = arith.constant 15 : i32
      %and3A_517 = arith.andi %select_n3A_509, %and3A_516 : i32
      %jit3A_518 = arith.constant 16 : i32
      %select_n3A_519 = arith.select %lt3A_507, %and3A_517, %jit3A_518 : i32
      %get3A_520 = arith.index_cast %add3A_515 : i32 to index
      %get3A_521 = tpu.vector_load %arg7[%get3A_520] {strides = array<i32>} : memref<32768xf32, #tpu.memory_space<vmem>>, vector<16xf32>,
      %get3A_522 = vector.shape_cast %get3A_521 : vector<16xf32> to vector<16xf32>
      %eq3A_523 = vector.broadcast %select_n3A_519 : i32 to vector<16xi32>
      %eq3A_524 = arith.cmpi eq, %iota3A, %eq3A_523 : vector<16xi32>
      %broadcast_in_dim3A_525 = vector.broadcast %squeeze3A_505 : f32 to vector<16xf32>
      %select_n3A_526 = arith.select %eq3A_524, %broadcast_in_dim3A_525, %get3A_522 : vector<16xi1>, vector<16xf32>
      %swap3A_527 = arith.index_cast %add3A_515 : i32 to index
      %swap3A_528 = tpu.vector_load %arg7[%swap3A_527] {strides = array<i32>} : memref<32768xf32, #tpu.memory_space<vmem>>, vector<16xf32>,
      %swap3A_529 = vector.shape_cast %swap3A_528 : vector<16xf32> to vector<16xf32>
      %swap3A_530 = vector.shape_cast %select_n3A_526 : vector<16xf32> to vector<16xf32>
      tpu.vector_store %arg7[%swap3A_527], %swap3A_530 {strides = array<i32>} : memref<32768xf32, #tpu.memory_space<vmem>>, vector<16xf32>,
      %slice3A_531 = vector.extract_strided_slice %get3A_494 {offsets = [1], sizes = [1], strides = [1]} : vector<16xi32> to vector<1xi32>
      %squeeze3A_532 = vector.extract %slice3A_531[0] : i32 from vector<1xi32>
      %slice3A_533 = vector.extract_strided_slice %get3A_501 {offsets = [1], sizes = [1], strides = [1]} : vector<16xf32> to vector<1xf32>
      %squeeze3A_534 = vector.extract %slice3A_533[0] : f32 from vector<1xf32>
      %lt3A_535 = arith.constant 512 : i32
      %lt3A_536 = arith.cmpi slt, %squeeze3A_532, %lt3A_535 : i32
      %jit3A_537 = arith.constant 0 : i32
      %select_n3A_538 = arith.select %lt3A_536, %squeeze3A_532, %jit3A_537 : i32
      %shift_right_arithmetic3A_539 = arith.constant 4 : i32
      %shift_right_arithmetic3A_540 = arith.shrsi %select_n3A_538, %shift_right_arithmetic3A_539 : i32
      %shift_left3A_541 = arith.constant 4 : i32
      %shift_left3A_542 = arith.shli %shift_right_arithmetic3A_540, %shift_left3A_541 : i32
      %add3A_543 = arith.constant 8704 : i32
      %add3A_544 = arith.addi %add3A_543, %shift_left3A_542 : i32
      %and3A_545 = arith.constant 15 : i32
      %and3A_546 = arith.andi %select_n3A_538, %and3A_545 : i32
      %jit3A_547 = arith.constant 16 : i32
      %select_n3A_548 = arith.select %lt3A_536, %and3A_546, %jit3A_547 : i32
      %get3A_549 = arith.index_cast %add3A_544 : i32 to index
      %get3A_550 = tpu.vector_load %arg7[%get3A_549] {strides = array<i32>} : memref<32768xf32, #tpu.memory_space<vmem>>, vector<16xf32>,
      %get3A_551 = vector.shape_cast %get3A_550 : vector<16xf32> to vector<16xf32>
      %eq3A_552 = vector.broadcast %select_n3A_548 : i32 to vector<16xi32>
      %eq3A_553 = arith.cmpi eq, %iota3A, %eq3A_552 : vector<16xi32>
      %broadcast_in_dim3A_554 = vector.broadcast %squeeze3A_534 : f32 to vector<16xf32>
      %select_n3A_555 = arith.select %eq3A_553, %broadcast_in_dim3A_554, %get3A_551 : vector<16xi1>, vector<16xf32>
      %swap3A_556 = arith.index_cast %add3A_544 : i32 to index
      %swap3A_557 = tpu.vector_load %arg7[%swap3A_556] {strides = array<i32>} : memref<32768xf32, #tpu.memory_space<vmem>>, vector<16xf32>,
      %swap3A_558 = vector.shape_cast %swap3A_557 : vector<16xf32> to vector<16xf32>
      %swap3A_559 = vector.shape_cast %select_n3A_555 : vector<16xf32> to vector<16xf32>
      tpu.vector_store %arg7[%swap3A_556], %swap3A_559 {strides = array<i32>} : memref<32768xf32, #tpu.memory_space<vmem>>, vector<16xf32>,
      %slice3A_560 = vector.extract_strided_slice %get3A_494 {offsets = [2], sizes = [1], strides = [1]} : vector<16xi32> to vector<1xi32>
      %squeeze3A_561 = vector.extract %slice3A_560[0] : i32 from vector<1xi32>
      %slice3A_562 = vector.extract_strided_slice %get3A_501 {offsets = [2], sizes = [1], strides = [1]} : vector<16xf32> to vector<1xf32>
      %squeeze3A_563 = vector.extract %slice3A_562[0] : f32 from vector<1xf32>
      %lt3A_564 = arith.constant 512 : i32
      %lt3A_565 = arith.cmpi slt, %squeeze3A_561, %lt3A_564 : i32
      %jit3A_566 = arith.constant 0 : i32
      %select_n3A_567 = arith.select %lt3A_565, %squeeze3A_561, %jit3A_566 : i32
      %shift_right_arithmetic3A_568 = arith.constant 4 : i32
      %shift_right_arithmetic3A_569 = arith.shrsi %select_n3A_567, %shift_right_arithmetic3A_568 : i32
      %shift_left3A_570 = arith.constant 4 : i32
      %shift_left3A_571 = arith.shli %shift_right_arithmetic3A_569, %shift_left3A_570 : i32
      %add3A_572 = arith.constant 9216 : i32
      %add3A_573 = arith.addi %add3A_572, %shift_left3A_571 : i32
      %and3A_574 = arith.constant 15 : i32
      %and3A_575 = arith.andi %select_n3A_567, %and3A_574 : i32
      %jit3A_576 = arith.constant 16 : i32
      %select_n3A_577 = arith.select %lt3A_565, %and3A_575, %jit3A_576 : i32
      %get3A_578 = arith.index_cast %add3A_573 : i32 to index
      %get3A_579 = tpu.vector_load %arg7[%get3A_578] {strides = array<i32>} : memref<32768xf32, #tpu.memory_space<vmem>>, vector<16xf32>,
      %get3A_580 = vector.shape_cast %get3A_579 : vector<16xf32> to vector<16xf32>
      %eq3A_581 = vector.broadcast %select_n3A_577 : i32 to vector<16xi32>
      %eq3A_582 = arith.cmpi eq, %iota3A, %eq3A_581 : vector<16xi32>
      %broadcast_in_dim3A_583 = vector.broadcast %squeeze3A_563 : f32 to vector<16xf32>
      %select_n3A_584 = arith.select %eq3A_582, %broadcast_in_dim3A_583, %get3A_580 : vector<16xi1>, vector<16xf32>
      %swap3A_585 = arith.index_cast %add3A_573 : i32 to index
      %swap3A_586 = tpu.vector_load %arg7[%swap3A_585] {strides = array<i32>} : memref<32768xf32, #tpu.memory_space<vmem>>, vector<16xf32>,
      %swap3A_587 = vector.shape_cast %swap3A_586 : vector<16xf32> to vector<16xf32>
      %swap3A_588 = vector.shape_cast %select_n3A_584 : vector<16xf32> to vector<16xf32>
      tpu.vector_store %arg7[%swap3A_585], %swap3A_588 {strides = array<i32>} : memref<32768xf32, #tpu.memory_space<vmem>>, vector<16xf32>,
      %slice3A_589 = vector.extract_strided_slice %get3A_494 {offsets = [3], sizes = [1], strides = [1]} : vector<16xi32> to vector<1xi32>
      %squeeze3A_590 = vector.extract %slice3A_589[0] : i32 from vector<1xi32>
      %slice3A_591 = vector.extract_strided_slice %get3A_501 {offsets = [3], sizes = [1], strides = [1]} : vector<16xf32> to vector<1xf32>
      %squeeze3A_592 = vector.extract %slice3A_591[0] : f32 from vector<1xf32>
      %lt3A_593 = arith.constant 512 : i32
      %lt3A_594 = arith.cmpi slt, %squeeze3A_590, %lt3A_593 : i32
      %jit3A_595 = arith.constant 0 : i32
      %select_n3A_596 = arith.select %lt3A_594, %squeeze3A_590, %jit3A_595 : i32
      %shift_right_arithmetic3A_597 = arith.constant 4 : i32
      %shift_right_arithmetic3A_598 = arith.shrsi %select_n3A_596, %shift_right_arithmetic3A_597 : i32
      %shift_left3A_599 = arith.constant 4 : i32
      %shift_left3A_600 = arith.shli %shift_right_arithmetic3A_598, %shift_left3A_599 : i32
      %add3A_601 = arith.constant 9728 : i32
      %add3A_602 = arith.addi %add3A_601, %shift_left3A_600 : i32
      %and3A_603 = arith.constant 15 : i32
      %and3A_604 = arith.andi %select_n3A_596, %and3A_603 : i32
      %jit3A_605 = arith.constant 16 : i32
      %select_n3A_606 = arith.select %lt3A_594, %and3A_604, %jit3A_605 : i32
      %get3A_607 = arith.index_cast %add3A_602 : i32 to index
      %get3A_608 = tpu.vector_load %arg7[%get3A_607] {strides = array<i32>} : memref<32768xf32, #tpu.memory_space<vmem>>, vector<16xf32>,
      %get3A_609 = vector.shape_cast %get3A_608 : vector<16xf32> to vector<16xf32>
      %eq3A_610 = vector.broadcast %select_n3A_606 : i32 to vector<16xi32>
      %eq3A_611 = arith.cmpi eq, %iota3A, %eq3A_610 : vector<16xi32>
      %broadcast_in_dim3A_612 = vector.broadcast %squeeze3A_592 : f32 to vector<16xf32>
      %select_n3A_613 = arith.select %eq3A_611, %broadcast_in_dim3A_612, %get3A_609 : vector<16xi1>, vector<16xf32>
      %swap3A_614 = arith.index_cast %add3A_602 : i32 to index
      %swap3A_615 = tpu.vector_load %arg7[%swap3A_614] {strides = array<i32>} : memref<32768xf32, #tpu.memory_space<vmem>>, vector<16xf32>,
      %swap3A_616 = vector.shape_cast %swap3A_615 : vector<16xf32> to vector<16xf32>
      %swap3A_617 = vector.shape_cast %select_n3A_613 : vector<16xf32> to vector<16xf32>
      tpu.vector_store %arg7[%swap3A_614], %swap3A_617 {strides = array<i32>} : memref<32768xf32, #tpu.memory_space<vmem>>, vector<16xf32>,
      %slice3A_618 = vector.extract_strided_slice %get3A_494 {offsets = [4], sizes = [1], strides = [1]} : vector<16xi32> to vector<1xi32>
      %squeeze3A_619 = vector.extract %slice3A_618[0] : i32 from vector<1xi32>
      %slice3A_620 = vector.extract_strided_slice %get3A_501 {offsets = [4], sizes = [1], strides = [1]} : vector<16xf32> to vector<1xf32>
      %squeeze3A_621 = vector.extract %slice3A_620[0] : f32 from vector<1xf32>
      %lt3A_622 = arith.constant 512 : i32
      %lt3A_623 = arith.cmpi slt, %squeeze3A_619, %lt3A_622 : i32
      %jit3A_624 = arith.constant 0 : i32
      %select_n3A_625 = arith.select %lt3A_623, %squeeze3A_619, %jit3A_624 : i32
      %shift_right_arithmetic3A_626 = arith.constant 4 : i32
      %shift_right_arithmetic3A_627 = arith.shrsi %select_n3A_625, %shift_right_arithmetic3A_626 : i32
      %shift_left3A_628 = arith.constant 4 : i32
      %shift_left3A_629 = arith.shli %shift_right_arithmetic3A_627, %shift_left3A_628 : i32
      %add3A_630 = arith.constant 10240 : i32
      %add3A_631 = arith.addi %add3A_630, %shift_left3A_629 : i32
      %and3A_632 = arith.constant 15 : i32
      %and3A_633 = arith.andi %select_n3A_625, %and3A_632 : i32
      %jit3A_634 = arith.constant 16 : i32
      %select_n3A_635 = arith.select %lt3A_623, %and3A_633, %jit3A_634 : i32
      %get3A_636 = arith.index_cast %add3A_631 : i32 to index
      %get3A_637 = tpu.vector_load %arg7[%get3A_636] {strides = array<i32>} : memref<32768xf32, #tpu.memory_space<vmem>>, vector<16xf32>,
      %get3A_638 = vector.shape_cast %get3A_637 : vector<16xf32> to vector<16xf32>
      %eq3A_639 = vector.broadcast %select_n3A_635 : i32 to vector<16xi32>
      %eq3A_640 = arith.cmpi eq, %iota3A, %eq3A_639 : vector<16xi32>
      %broadcast_in_dim3A_641 = vector.broadcast %squeeze3A_621 : f32 to vector<16xf32>
      %select_n3A_642 = arith.select %eq3A_640, %broadcast_in_dim3A_641, %get3A_638 : vector<16xi1>, vector<16xf32>
      %swap3A_643 = arith.index_cast %add3A_631 : i32 to index
      %swap3A_644 = tpu.vector_load %arg7[%swap3A_643] {strides = array<i32>} : memref<32768xf32, #tpu.memory_space<vmem>>, vector<16xf32>,
      %swap3A_645 = vector.shape_cast %swap3A_644 : vector<16xf32> to vector<16xf32>
      %swap3A_646 = vector.shape_cast %select_n3A_642 : vector<16xf32> to vector<16xf32>
      tpu.vector_store %arg7[%swap3A_643], %swap3A_646 {strides = array<i32>} : memref<32768xf32, #tpu.memory_space<vmem>>, vector<16xf32>,
      %slice3A_647 = vector.extract_strided_slice %get3A_494 {offsets = [5], sizes = [1], strides = [1]} : vector<16xi32> to vector<1xi32>
      %squeeze3A_648 = vector.extract %slice3A_647[0] : i32 from vector<1xi32>
      %slice3A_649 = vector.extract_strided_slice %get3A_501 {offsets = [5], sizes = [1], strides = [1]} : vector<16xf32> to vector<1xf32>
      %squeeze3A_650 = vector.extract %slice3A_649[0] : f32 from vector<1xf32>
      %lt3A_651 = arith.constant 512 : i32
      %lt3A_652 = arith.cmpi slt, %squeeze3A_648, %lt3A_651 : i32
      %jit3A_653 = arith.constant 0 : i32
      %select_n3A_654 = arith.select %lt3A_652, %squeeze3A_648, %jit3A_653 : i32
      %shift_right_arithmetic3A_655 = arith.constant 4 : i32
      %shift_right_arithmetic3A_656 = arith.shrsi %select_n3A_654, %shift_right_arithmetic3A_655 : i32
      %shift_left3A_657 = arith.constant 4 : i32
      %shift_left3A_658 = arith.shli %shift_right_arithmetic3A_656, %shift_left3A_657 : i32
      %add3A_659 = arith.constant 10752 : i32
      %add3A_660 = arith.addi %add3A_659, %shift_left3A_658 : i32
      %and3A_661 = arith.constant 15 : i32
      %and3A_662 = arith.andi %select_n3A_654, %and3A_661 : i32
      %jit3A_663 = arith.constant 16 : i32
      %select_n3A_664 = arith.select %lt3A_652, %and3A_662, %jit3A_663 : i32
      %get3A_665 = arith.index_cast %add3A_660 : i32 to index
      %get3A_666 = tpu.vector_load %arg7[%get3A_665] {strides = array<i32>} : memref<32768xf32, #tpu.memory_space<vmem>>, vector<16xf32>,
      %get3A_667 = vector.shape_cast %get3A_666 : vector<16xf32> to vector<16xf32>
      %eq3A_668 = vector.broadcast %select_n3A_664 : i32 to vector<16xi32>
      %eq3A_669 = arith.cmpi eq, %iota3A, %eq3A_668 : vector<16xi32>
      %broadcast_in_dim3A_670 = vector.broadcast %squeeze3A_650 : f32 to vector<16xf32>
      %select_n3A_671 = arith.select %eq3A_669, %broadcast_in_dim3A_670, %get3A_667 : vector<16xi1>, vector<16xf32>
      %swap3A_672 = arith.index_cast %add3A_660 : i32 to index
      %swap3A_673 = tpu.vector_load %arg7[%swap3A_672] {strides = array<i32>} : memref<32768xf32, #tpu.memory_space<vmem>>, vector<16xf32>,
      %swap3A_674 = vector.shape_cast %swap3A_673 : vector<16xf32> to vector<16xf32>
      %swap3A_675 = vector.shape_cast %select_n3A_671 : vector<16xf32> to vector<16xf32>
      tpu.vector_store %arg7[%swap3A_672], %swap3A_675 {strides = array<i32>} : memref<32768xf32, #tpu.memory_space<vmem>>, vector<16xf32>,
      %slice3A_676 = vector.extract_strided_slice %get3A_494 {offsets = [6], sizes = [1], strides = [1]} : vector<16xi32> to vector<1xi32>
      %squeeze3A_677 = vector.extract %slice3A_676[0] : i32 from vector<1xi32>
      %slice3A_678 = vector.extract_strided_slice %get3A_501 {offsets = [6], sizes = [1], strides = [1]} : vector<16xf32> to vector<1xf32>
      %squeeze3A_679 = vector.extract %slice3A_678[0] : f32 from vector<1xf32>
      %lt3A_680 = arith.constant 512 : i32
      %lt3A_681 = arith.cmpi slt, %squeeze3A_677, %lt3A_680 : i32
      %jit3A_682 = arith.constant 0 : i32
      %select_n3A_683 = arith.select %lt3A_681, %squeeze3A_677, %jit3A_682 : i32
      %shift_right_arithmetic3A_684 = arith.constant 4 : i32
      %shift_right_arithmetic3A_685 = arith.shrsi %select_n3A_683, %shift_right_arithmetic3A_684 : i32
      %shift_left3A_686 = arith.constant 4 : i32
      %shift_left3A_687 = arith.shli %shift_right_arithmetic3A_685, %shift_left3A_686 : i32
      %add3A_688 = arith.constant 11264 : i32
      %add3A_689 = arith.addi %add3A_688, %shift_left3A_687 : i32
      %and3A_690 = arith.constant 15 : i32
      %and3A_691 = arith.andi %select_n3A_683, %and3A_690 : i32
      %jit3A_692 = arith.constant 16 : i32
      %select_n3A_693 = arith.select %lt3A_681, %and3A_691, %jit3A_692 : i32
      %get3A_694 = arith.index_cast %add3A_689 : i32 to index
      %get3A_695 = tpu.vector_load %arg7[%get3A_694] {strides = array<i32>} : memref<32768xf32, #tpu.memory_space<vmem>>, vector<16xf32>,
      %get3A_696 = vector.shape_cast %get3A_695 : vector<16xf32> to vector<16xf32>
      %eq3A_697 = vector.broadcast %select_n3A_693 : i32 to vector<16xi32>
      %eq3A_698 = arith.cmpi eq, %iota3A, %eq3A_697 : vector<16xi32>
      %broadcast_in_dim3A_699 = vector.broadcast %squeeze3A_679 : f32 to vector<16xf32>
      %select_n3A_700 = arith.select %eq3A_698, %broadcast_in_dim3A_699, %get3A_696 : vector<16xi1>, vector<16xf32>
      %swap3A_701 = arith.index_cast %add3A_689 : i32 to index
      %swap3A_702 = tpu.vector_load %arg7[%swap3A_701] {strides = array<i32>} : memref<32768xf32, #tpu.memory_space<vmem>>, vector<16xf32>,
      %swap3A_703 = vector.shape_cast %swap3A_702 : vector<16xf32> to vector<16xf32>
      %swap3A_704 = vector.shape_cast %select_n3A_700 : vector<16xf32> to vector<16xf32>
      tpu.vector_store %arg7[%swap3A_701], %swap3A_704 {strides = array<i32>} : memref<32768xf32, #tpu.memory_space<vmem>>, vector<16xf32>,
      %slice3A_705 = vector.extract_strided_slice %get3A_494 {offsets = [7], sizes = [1], strides = [1]} : vector<16xi32> to vector<1xi32>
      %squeeze3A_706 = vector.extract %slice3A_705[0] : i32 from vector<1xi32>
      %slice3A_707 = vector.extract_strided_slice %get3A_501 {offsets = [7], sizes = [1], strides = [1]} : vector<16xf32> to vector<1xf32>
      %squeeze3A_708 = vector.extract %slice3A_707[0] : f32 from vector<1xf32>
      %lt3A_709 = arith.constant 512 : i32
      %lt3A_710 = arith.cmpi slt, %squeeze3A_706, %lt3A_709 : i32
      %jit3A_711 = arith.constant 0 : i32
      %select_n3A_712 = arith.select %lt3A_710, %squeeze3A_706, %jit3A_711 : i32
      %shift_right_arithmetic3A_713 = arith.constant 4 : i32
      %shift_right_arithmetic3A_714 = arith.shrsi %select_n3A_712, %shift_right_arithmetic3A_713 : i32
      %shift_left3A_715 = arith.constant 4 : i32
      %shift_left3A_716 = arith.shli %shift_right_arithmetic3A_714, %shift_left3A_715 : i32
      %add3A_717 = arith.constant 11776 : i32
      %add3A_718 = arith.addi %add3A_717, %shift_left3A_716 : i32
      %and3A_719 = arith.constant 15 : i32
      %and3A_720 = arith.andi %select_n3A_712, %and3A_719 : i32
      %jit3A_721 = arith.constant 16 : i32
      %select_n3A_722 = arith.select %lt3A_710, %and3A_720, %jit3A_721 : i32
      %get3A_723 = arith.index_cast %add3A_718 : i32 to index
      %get3A_724 = tpu.vector_load %arg7[%get3A_723] {strides = array<i32>} : memref<32768xf32, #tpu.memory_space<vmem>>, vector<16xf32>,
      %get3A_725 = vector.shape_cast %get3A_724 : vector<16xf32> to vector<16xf32>
      %eq3A_726 = vector.broadcast %select_n3A_722 : i32 to vector<16xi32>
      %eq3A_727 = arith.cmpi eq, %iota3A, %eq3A_726 : vector<16xi32>
      %broadcast_in_dim3A_728 = vector.broadcast %squeeze3A_708 : f32 to vector<16xf32>
      %select_n3A_729 = arith.select %eq3A_727, %broadcast_in_dim3A_728, %get3A_725 : vector<16xi1>, vector<16xf32>
      %swap3A_730 = arith.index_cast %add3A_718 : i32 to index
      %swap3A_731 = tpu.vector_load %arg7[%swap3A_730] {strides = array<i32>} : memref<32768xf32, #tpu.memory_space<vmem>>, vector<16xf32>,
      %swap3A_732 = vector.shape_cast %swap3A_731 : vector<16xf32> to vector<16xf32>
      %swap3A_733 = vector.shape_cast %select_n3A_729 : vector<16xf32> to vector<16xf32>
      tpu.vector_store %arg7[%swap3A_730], %swap3A_733 {strides = array<i32>} : memref<32768xf32, #tpu.memory_space<vmem>>, vector<16xf32>,
      %slice3A_734 = vector.extract_strided_slice %get3A_494 {offsets = [8], sizes = [1], strides = [1]} : vector<16xi32> to vector<1xi32>
      %squeeze3A_735 = vector.extract %slice3A_734[0] : i32 from vector<1xi32>
      %slice3A_736 = vector.extract_strided_slice %get3A_501 {offsets = [8], sizes = [1], strides = [1]} : vector<16xf32> to vector<1xf32>
      %squeeze3A_737 = vector.extract %slice3A_736[0] : f32 from vector<1xf32>
      %lt3A_738 = arith.constant 512 : i32
      %lt3A_739 = arith.cmpi slt, %squeeze3A_735, %lt3A_738 : i32
      %jit3A_740 = arith.constant 0 : i32
      %select_n3A_741 = arith.select %lt3A_739, %squeeze3A_735, %jit3A_740 : i32
      %shift_right_arithmetic3A_742 = arith.constant 4 : i32
      %shift_right_arithmetic3A_743 = arith.shrsi %select_n3A_741, %shift_right_arithmetic3A_742 : i32
      %shift_left3A_744 = arith.constant 4 : i32
      %shift_left3A_745 = arith.shli %shift_right_arithmetic3A_743, %shift_left3A_744 : i32
      %add3A_746 = arith.constant 12288 : i32
      %add3A_747 = arith.addi %add3A_746, %shift_left3A_745 : i32
      %and3A_748 = arith.constant 15 : i32
      %and3A_749 = arith.andi %select_n3A_741, %and3A_748 : i32
      %jit3A_750 = arith.constant 16 : i32
      %select_n3A_751 = arith.select %lt3A_739, %and3A_749, %jit3A_750 : i32
      %get3A_752 = arith.index_cast %add3A_747 : i32 to index
      %get3A_753 = tpu.vector_load %arg7[%get3A_752] {strides = array<i32>} : memref<32768xf32, #tpu.memory_space<vmem>>, vector<16xf32>,
      %get3A_754 = vector.shape_cast %get3A_753 : vector<16xf32> to vector<16xf32>
      %eq3A_755 = vector.broadcast %select_n3A_751 : i32 to vector<16xi32>
      %eq3A_756 = arith.cmpi eq, %iota3A, %eq3A_755 : vector<16xi32>
      %broadcast_in_dim3A_757 = vector.broadcast %squeeze3A_737 : f32 to vector<16xf32>
      %select_n3A_758 = arith.select %eq3A_756, %broadcast_in_dim3A_757, %get3A_754 : vector<16xi1>, vector<16xf32>
      %swap3A_759 = arith.index_cast %add3A_747 : i32 to index
      %swap3A_760 = tpu.vector_load %arg7[%swap3A_759] {strides = array<i32>} : memref<32768xf32, #tpu.memory_space<vmem>>, vector<16xf32>,
      %swap3A_761 = vector.shape_cast %swap3A_760 : vector<16xf32> to vector<16xf32>
      %swap3A_762 = vector.shape_cast %select_n3A_758 : vector<16xf32> to vector<16xf32>
      tpu.vector_store %arg7[%swap3A_759], %swap3A_762 {strides = array<i32>} : memref<32768xf32, #tpu.memory_space<vmem>>, vector<16xf32>,
      %slice3A_763 = vector.extract_strided_slice %get3A_494 {offsets = [9], sizes = [1], strides = [1]} : vector<16xi32> to vector<1xi32>
      %squeeze3A_764 = vector.extract %slice3A_763[0] : i32 from vector<1xi32>
      %slice3A_765 = vector.extract_strided_slice %get3A_501 {offsets = [9], sizes = [1], strides = [1]} : vector<16xf32> to vector<1xf32>
      %squeeze3A_766 = vector.extract %slice3A_765[0] : f32 from vector<1xf32>
      %lt3A_767 = arith.constant 512 : i32
      %lt3A_768 = arith.cmpi slt, %squeeze3A_764, %lt3A_767 : i32
      %jit3A_769 = arith.constant 0 : i32
      %select_n3A_770 = arith.select %lt3A_768, %squeeze3A_764, %jit3A_769 : i32
      %shift_right_arithmetic3A_771 = arith.constant 4 : i32
      %shift_right_arithmetic3A_772 = arith.shrsi %select_n3A_770, %shift_right_arithmetic3A_771 : i32
      %shift_left3A_773 = arith.constant 4 : i32
      %shift_left3A_774 = arith.shli %shift_right_arithmetic3A_772, %shift_left3A_773 : i32
      %add3A_775 = arith.constant 12800 : i32
      %add3A_776 = arith.addi %add3A_775, %shift_left3A_774 : i32
      %and3A_777 = arith.constant 15 : i32
      %and3A_778 = arith.andi %select_n3A_770, %and3A_777 : i32
      %jit3A_779 = arith.constant 16 : i32
      %select_n3A_780 = arith.select %lt3A_768, %and3A_778, %jit3A_779 : i32
      %get3A_781 = arith.index_cast %add3A_776 : i32 to index
      %get3A_782 = tpu.vector_load %arg7[%get3A_781] {strides = array<i32>} : memref<32768xf32, #tpu.memory_space<vmem>>, vector<16xf32>,
      %get3A_783 = vector.shape_cast %get3A_782 : vector<16xf32> to vector<16xf32>
      %eq3A_784 = vector.broadcast %select_n3A_780 : i32 to vector<16xi32>
      %eq3A_785 = arith.cmpi eq, %iota3A, %eq3A_784 : vector<16xi32>
      %broadcast_in_dim3A_786 = vector.broadcast %squeeze3A_766 : f32 to vector<16xf32>
      %select_n3A_787 = arith.select %eq3A_785, %broadcast_in_dim3A_786, %get3A_783 : vector<16xi1>, vector<16xf32>
      %swap3A_788 = arith.index_cast %add3A_776 : i32 to index
      %swap3A_789 = tpu.vector_load %arg7[%swap3A_788] {strides = array<i32>} : memref<32768xf32, #tpu.memory_space<vmem>>, vector<16xf32>,
      %swap3A_790 = vector.shape_cast %swap3A_789 : vector<16xf32> to vector<16xf32>
      %swap3A_791 = vector.shape_cast %select_n3A_787 : vector<16xf32> to vector<16xf32>
      tpu.vector_store %arg7[%swap3A_788], %swap3A_791 {strides = array<i32>} : memref<32768xf32, #tpu.memory_space<vmem>>, vector<16xf32>,
      %slice3A_792 = vector.extract_strided_slice %get3A_494 {offsets = [10], sizes = [1], strides = [1]} : vector<16xi32> to vector<1xi32>
      %squeeze3A_793 = vector.extract %slice3A_792[0] : i32 from vector<1xi32>
      %slice3A_794 = vector.extract_strided_slice %get3A_501 {offsets = [10], sizes = [1], strides = [1]} : vector<16xf32> to vector<1xf32>
      %squeeze3A_795 = vector.extract %slice3A_794[0] : f32 from vector<1xf32>
      %lt3A_796 = arith.constant 512 : i32
      %lt3A_797 = arith.cmpi slt, %squeeze3A_793, %lt3A_796 : i32
      %jit3A_798 = arith.constant 0 : i32
      %select_n3A_799 = arith.select %lt3A_797, %squeeze3A_793, %jit3A_798 : i32
      %shift_right_arithmetic3A_800 = arith.constant 4 : i32
      %shift_right_arithmetic3A_801 = arith.shrsi %select_n3A_799, %shift_right_arithmetic3A_800 : i32
      %shift_left3A_802 = arith.constant 4 : i32
      %shift_left3A_803 = arith.shli %shift_right_arithmetic3A_801, %shift_left3A_802 : i32
      %add3A_804 = arith.constant 13312 : i32
      %add3A_805 = arith.addi %add3A_804, %shift_left3A_803 : i32
      %and3A_806 = arith.constant 15 : i32
      %and3A_807 = arith.andi %select_n3A_799, %and3A_806 : i32
      %jit3A_808 = arith.constant 16 : i32
      %select_n3A_809 = arith.select %lt3A_797, %and3A_807, %jit3A_808 : i32
      %get3A_810 = arith.index_cast %add3A_805 : i32 to index
      %get3A_811 = tpu.vector_load %arg7[%get3A_810] {strides = array<i32>} : memref<32768xf32, #tpu.memory_space<vmem>>, vector<16xf32>,
      %get3A_812 = vector.shape_cast %get3A_811 : vector<16xf32> to vector<16xf32>
      %eq3A_813 = vector.broadcast %select_n3A_809 : i32 to vector<16xi32>
      %eq3A_814 = arith.cmpi eq, %iota3A, %eq3A_813 : vector<16xi32>
      %broadcast_in_dim3A_815 = vector.broadcast %squeeze3A_795 : f32 to vector<16xf32>
      %select_n3A_816 = arith.select %eq3A_814, %broadcast_in_dim3A_815, %get3A_812 : vector<16xi1>, vector<16xf32>
      %swap3A_817 = arith.index_cast %add3A_805 : i32 to index
      %swap3A_818 = tpu.vector_load %arg7[%swap3A_817] {strides = array<i32>} : memref<32768xf32, #tpu.memory_space<vmem>>, vector<16xf32>,
      %swap3A_819 = vector.shape_cast %swap3A_818 : vector<16xf32> to vector<16xf32>
      %swap3A_820 = vector.shape_cast %select_n3A_816 : vector<16xf32> to vector<16xf32>
      tpu.vector_store %arg7[%swap3A_817], %swap3A_820 {strides = array<i32>} : memref<32768xf32, #tpu.memory_space<vmem>>, vector<16xf32>,
      %slice3A_821 = vector.extract_strided_slice %get3A_494 {offsets = [11], sizes = [1], strides = [1]} : vector<16xi32> to vector<1xi32>
      %squeeze3A_822 = vector.extract %slice3A_821[0] : i32 from vector<1xi32>
      %slice3A_823 = vector.extract_strided_slice %get3A_501 {offsets = [11], sizes = [1], strides = [1]} : vector<16xf32> to vector<1xf32>
      %squeeze3A_824 = vector.extract %slice3A_823[0] : f32 from vector<1xf32>
      %lt3A_825 = arith.constant 512 : i32
      %lt3A_826 = arith.cmpi slt, %squeeze3A_822, %lt3A_825 : i32
      %jit3A_827 = arith.constant 0 : i32
      %select_n3A_828 = arith.select %lt3A_826, %squeeze3A_822, %jit3A_827 : i32
      %shift_right_arithmetic3A_829 = arith.constant 4 : i32
      %shift_right_arithmetic3A_830 = arith.shrsi %select_n3A_828, %shift_right_arithmetic3A_829 : i32
      %shift_left3A_831 = arith.constant 4 : i32
      %shift_left3A_832 = arith.shli %shift_right_arithmetic3A_830, %shift_left3A_831 : i32
      %add3A_833 = arith.constant 13824 : i32
      %add3A_834 = arith.addi %add3A_833, %shift_left3A_832 : i32
      %and3A_835 = arith.constant 15 : i32
      %and3A_836 = arith.andi %select_n3A_828, %and3A_835 : i32
      %jit3A_837 = arith.constant 16 : i32
      %select_n3A_838 = arith.select %lt3A_826, %and3A_836, %jit3A_837 : i32
      %get3A_839 = arith.index_cast %add3A_834 : i32 to index
      %get3A_840 = tpu.vector_load %arg7[%get3A_839] {strides = array<i32>} : memref<32768xf32, #tpu.memory_space<vmem>>, vector<16xf32>,
      %get3A_841 = vector.shape_cast %get3A_840 : vector<16xf32> to vector<16xf32>
      %eq3A_842 = vector.broadcast %select_n3A_838 : i32 to vector<16xi32>
      %eq3A_843 = arith.cmpi eq, %iota3A, %eq3A_842 : vector<16xi32>
      %broadcast_in_dim3A_844 = vector.broadcast %squeeze3A_824 : f32 to vector<16xf32>
      %select_n3A_845 = arith.select %eq3A_843, %broadcast_in_dim3A_844, %get3A_841 : vector<16xi1>, vector<16xf32>
      %swap3A_846 = arith.index_cast %add3A_834 : i32 to index
      %swap3A_847 = tpu.vector_load %arg7[%swap3A_846] {strides = array<i32>} : memref<32768xf32, #tpu.memory_space<vmem>>, vector<16xf32>,
      %swap3A_848 = vector.shape_cast %swap3A_847 : vector<16xf32> to vector<16xf32>
      %swap3A_849 = vector.shape_cast %select_n3A_845 : vector<16xf32> to vector<16xf32>
      tpu.vector_store %arg7[%swap3A_846], %swap3A_849 {strides = array<i32>} : memref<32768xf32, #tpu.memory_space<vmem>>, vector<16xf32>,
      %slice3A_850 = vector.extract_strided_slice %get3A_494 {offsets = [12], sizes = [1], strides = [1]} : vector<16xi32> to vector<1xi32>
      %squeeze3A_851 = vector.extract %slice3A_850[0] : i32 from vector<1xi32>
      %slice3A_852 = vector.extract_strided_slice %get3A_501 {offsets = [12], sizes = [1], strides = [1]} : vector<16xf32> to vector<1xf32>
      %squeeze3A_853 = vector.extract %slice3A_852[0] : f32 from vector<1xf32>
      %lt3A_854 = arith.constant 512 : i32
      %lt3A_855 = arith.cmpi slt, %squeeze3A_851, %lt3A_854 : i32
      %jit3A_856 = arith.constant 0 : i32
      %select_n3A_857 = arith.select %lt3A_855, %squeeze3A_851, %jit3A_856 : i32
      %shift_right_arithmetic3A_858 = arith.constant 4 : i32
      %shift_right_arithmetic3A_859 = arith.shrsi %select_n3A_857, %shift_right_arithmetic3A_858 : i32
      %shift_left3A_860 = arith.constant 4 : i32
      %shift_left3A_861 = arith.shli %shift_right_arithmetic3A_859, %shift_left3A_860 : i32
      %add3A_862 = arith.constant 14336 : i32
      %add3A_863 = arith.addi %add3A_862, %shift_left3A_861 : i32
      %and3A_864 = arith.constant 15 : i32
      %and3A_865 = arith.andi %select_n3A_857, %and3A_864 : i32
      %jit3A_866 = arith.constant 16 : i32
      %select_n3A_867 = arith.select %lt3A_855, %and3A_865, %jit3A_866 : i32
      %get3A_868 = arith.index_cast %add3A_863 : i32 to index
      %get3A_869 = tpu.vector_load %arg7[%get3A_868] {strides = array<i32>} : memref<32768xf32, #tpu.memory_space<vmem>>, vector<16xf32>,
      %get3A_870 = vector.shape_cast %get3A_869 : vector<16xf32> to vector<16xf32>
      %eq3A_871 = vector.broadcast %select_n3A_867 : i32 to vector<16xi32>
      %eq3A_872 = arith.cmpi eq, %iota3A, %eq3A_871 : vector<16xi32>
      %broadcast_in_dim3A_873 = vector.broadcast %squeeze3A_853 : f32 to vector<16xf32>
      %select_n3A_874 = arith.select %eq3A_872, %broadcast_in_dim3A_873, %get3A_870 : vector<16xi1>, vector<16xf32>
      %swap3A_875 = arith.index_cast %add3A_863 : i32 to index
      %swap3A_876 = tpu.vector_load %arg7[%swap3A_875] {strides = array<i32>} : memref<32768xf32, #tpu.memory_space<vmem>>, vector<16xf32>,
      %swap3A_877 = vector.shape_cast %swap3A_876 : vector<16xf32> to vector<16xf32>
      %swap3A_878 = vector.shape_cast %select_n3A_874 : vector<16xf32> to vector<16xf32>
      tpu.vector_store %arg7[%swap3A_875], %swap3A_878 {strides = array<i32>} : memref<32768xf32, #tpu.memory_space<vmem>>, vector<16xf32>,
      %slice3A_879 = vector.extract_strided_slice %get3A_494 {offsets = [13], sizes = [1], strides = [1]} : vector<16xi32> to vector<1xi32>
      %squeeze3A_880 = vector.extract %slice3A_879[0] : i32 from vector<1xi32>
      %slice3A_881 = vector.extract_strided_slice %get3A_501 {offsets = [13], sizes = [1], strides = [1]} : vector<16xf32> to vector<1xf32>
      %squeeze3A_882 = vector.extract %slice3A_881[0] : f32 from vector<1xf32>
      %lt3A_883 = arith.constant 512 : i32
      %lt3A_884 = arith.cmpi slt, %squeeze3A_880, %lt3A_883 : i32
      %jit3A_885 = arith.constant 0 : i32
      %select_n3A_886 = arith.select %lt3A_884, %squeeze3A_880, %jit3A_885 : i32
      %shift_right_arithmetic3A_887 = arith.constant 4 : i32
      %shift_right_arithmetic3A_888 = arith.shrsi %select_n3A_886, %shift_right_arithmetic3A_887 : i32
      %shift_left3A_889 = arith.constant 4 : i32
      %shift_left3A_890 = arith.shli %shift_right_arithmetic3A_888, %shift_left3A_889 : i32
      %add3A_891 = arith.constant 14848 : i32
      %add3A_892 = arith.addi %add3A_891, %shift_left3A_890 : i32
      %and3A_893 = arith.constant 15 : i32
      %and3A_894 = arith.andi %select_n3A_886, %and3A_893 : i32
      %jit3A_895 = arith.constant 16 : i32
      %select_n3A_896 = arith.select %lt3A_884, %and3A_894, %jit3A_895 : i32
      %get3A_897 = arith.index_cast %add3A_892 : i32 to index
      %get3A_898 = tpu.vector_load %arg7[%get3A_897] {strides = array<i32>} : memref<32768xf32, #tpu.memory_space<vmem>>, vector<16xf32>,
      %get3A_899 = vector.shape_cast %get3A_898 : vector<16xf32> to vector<16xf32>
      %eq3A_900 = vector.broadcast %select_n3A_896 : i32 to vector<16xi32>
      %eq3A_901 = arith.cmpi eq, %iota3A, %eq3A_900 : vector<16xi32>
      %broadcast_in_dim3A_902 = vector.broadcast %squeeze3A_882 : f32 to vector<16xf32>
      %select_n3A_903 = arith.select %eq3A_901, %broadcast_in_dim3A_902, %get3A_899 : vector<16xi1>, vector<16xf32>
      %swap3A_904 = arith.index_cast %add3A_892 : i32 to index
      %swap3A_905 = tpu.vector_load %arg7[%swap3A_904] {strides = array<i32>} : memref<32768xf32, #tpu.memory_space<vmem>>, vector<16xf32>,
      %swap3A_906 = vector.shape_cast %swap3A_905 : vector<16xf32> to vector<16xf32>
      %swap3A_907 = vector.shape_cast %select_n3A_903 : vector<16xf32> to vector<16xf32>
      tpu.vector_store %arg7[%swap3A_904], %swap3A_907 {strides = array<i32>} : memref<32768xf32, #tpu.memory_space<vmem>>, vector<16xf32>,
      %slice3A_908 = vector.extract_strided_slice %get3A_494 {offsets = [14], sizes = [1], strides = [1]} : vector<16xi32> to vector<1xi32>
      %squeeze3A_909 = vector.extract %slice3A_908[0] : i32 from vector<1xi32>
      %slice3A_910 = vector.extract_strided_slice %get3A_501 {offsets = [14], sizes = [1], strides = [1]} : vector<16xf32> to vector<1xf32>
      %squeeze3A_911 = vector.extract %slice3A_910[0] : f32 from vector<1xf32>
      %lt3A_912 = arith.constant 512 : i32
      %lt3A_913 = arith.cmpi slt, %squeeze3A_909, %lt3A_912 : i32
      %jit3A_914 = arith.constant 0 : i32
      %select_n3A_915 = arith.select %lt3A_913, %squeeze3A_909, %jit3A_914 : i32
      %shift_right_arithmetic3A_916 = arith.constant 4 : i32
      %shift_right_arithmetic3A_917 = arith.shrsi %select_n3A_915, %shift_right_arithmetic3A_916 : i32
      %shift_left3A_918 = arith.constant 4 : i32
      %shift_left3A_919 = arith.shli %shift_right_arithmetic3A_917, %shift_left3A_918 : i32
      %add3A_920 = arith.constant 15360 : i32
      %add3A_921 = arith.addi %add3A_920, %shift_left3A_919 : i32
      %and3A_922 = arith.constant 15 : i32
      %and3A_923 = arith.andi %select_n3A_915, %and3A_922 : i32
      %jit3A_924 = arith.constant 16 : i32
      %select_n3A_925 = arith.select %lt3A_913, %and3A_923, %jit3A_924 : i32
      %get3A_926 = arith.index_cast %add3A_921 : i32 to index
      %get3A_927 = tpu.vector_load %arg7[%get3A_926] {strides = array<i32>} : memref<32768xf32, #tpu.memory_space<vmem>>, vector<16xf32>,
      %get3A_928 = vector.shape_cast %get3A_927 : vector<16xf32> to vector<16xf32>
      %eq3A_929 = vector.broadcast %select_n3A_925 : i32 to vector<16xi32>
      %eq3A_930 = arith.cmpi eq, %iota3A, %eq3A_929 : vector<16xi32>
      %broadcast_in_dim3A_931 = vector.broadcast %squeeze3A_911 : f32 to vector<16xf32>
      %select_n3A_932 = arith.select %eq3A_930, %broadcast_in_dim3A_931, %get3A_928 : vector<16xi1>, vector<16xf32>
      %swap3A_933 = arith.index_cast %add3A_921 : i32 to index
      %swap3A_934 = tpu.vector_load %arg7[%swap3A_933] {strides = array<i32>} : memref<32768xf32, #tpu.memory_space<vmem>>, vector<16xf32>,
      %swap3A_935 = vector.shape_cast %swap3A_934 : vector<16xf32> to vector<16xf32>
      %swap3A_936 = vector.shape_cast %select_n3A_932 : vector<16xf32> to vector<16xf32>
      tpu.vector_store %arg7[%swap3A_933], %swap3A_936 {strides = array<i32>} : memref<32768xf32, #tpu.memory_space<vmem>>, vector<16xf32>,
      %slice3A_937 = vector.extract_strided_slice %get3A_494 {offsets = [15], sizes = [1], strides = [1]} : vector<16xi32> to vector<1xi32>
      %squeeze3A_938 = vector.extract %slice3A_937[0] : i32 from vector<1xi32>
      %slice3A_939 = vector.extract_strided_slice %get3A_501 {offsets = [15], sizes = [1], strides = [1]} : vector<16xf32> to vector<1xf32>
      %squeeze3A_940 = vector.extract %slice3A_939[0] : f32 from vector<1xf32>
      %lt3A_941 = arith.constant 512 : i32
      %lt3A_942 = arith.cmpi slt, %squeeze3A_938, %lt3A_941 : i32
      %jit3A_943 = arith.constant 0 : i32
      %select_n3A_944 = arith.select %lt3A_942, %squeeze3A_938, %jit3A_943 : i32
      %shift_right_arithmetic3A_945 = arith.constant 4 : i32
      %shift_right_arithmetic3A_946 = arith.shrsi %select_n3A_944, %shift_right_arithmetic3A_945 : i32
      %shift_left3A_947 = arith.constant 4 : i32
      %shift_left3A_948 = arith.shli %shift_right_arithmetic3A_946, %shift_left3A_947 : i32
      %add3A_949 = arith.constant 15872 : i32
      %add3A_950 = arith.addi %add3A_949, %shift_left3A_948 : i32
      %and3A_951 = arith.constant 15 : i32
      %and3A_952 = arith.andi %select_n3A_944, %and3A_951 : i32
      %jit3A_953 = arith.constant 16 : i32
      %select_n3A_954 = arith.select %lt3A_942, %and3A_952, %jit3A_953 : i32
      %get3A_955 = arith.index_cast %add3A_950 : i32 to index
      %get3A_956 = tpu.vector_load %arg7[%get3A_955] {strides = array<i32>} : memref<32768xf32, #tpu.memory_space<vmem>>, vector<16xf32>,
      %get3A_957 = vector.shape_cast %get3A_956 : vector<16xf32> to vector<16xf32>
      %eq3A_958 = vector.broadcast %select_n3A_954 : i32 to vector<16xi32>
      %eq3A_959 = arith.cmpi eq, %iota3A, %eq3A_958 : vector<16xi32>
      %broadcast_in_dim3A_960 = vector.broadcast %squeeze3A_940 : f32 to vector<16xf32>
      %select_n3A_961 = arith.select %eq3A_959, %broadcast_in_dim3A_960, %get3A_957 : vector<16xi1>, vector<16xf32>
      %swap3A_962 = arith.index_cast %add3A_950 : i32 to index
      %swap3A_963 = tpu.vector_load %arg7[%swap3A_962] {strides = array<i32>} : memref<32768xf32, #tpu.memory_space<vmem>>, vector<16xf32>,
      %swap3A_964 = vector.shape_cast %swap3A_963 : vector<16xf32> to vector<16xf32>
      %swap3A_965 = vector.shape_cast %select_n3A_961 : vector<16xf32> to vector<16xf32>
      tpu.vector_store %arg7[%swap3A_962], %swap3A_965 {strides = array<i32>} : memref<32768xf32, #tpu.memory_space<vmem>>, vector<16xf32>,
      %mul3A_966 = arith.constant 64 : i32
      %mul3A_967 = arith.muli %scan3A_19, %mul3A_966 : i32
      %add3A_968 = arith.constant 32 : i32
      %add3A_969 = arith.addi %mul3A_967, %add3A_968 : i32
      %get3A_970 = arith.index_cast %add3A_969 : i32 to index
      %get3A_971 = tpu.vector_load %arg5[%get3A_970] {strides = array<i32>} : memref<1024xi32, #tpu.memory_space<vmem>>, vector<16xi32>,
      %get3A_972 = vector.shape_cast %get3A_971 : vector<16xi32> to vector<16xi32>
      %mul3A_973 = arith.constant 64 : i32
      %mul3A_974 = arith.muli %scan3A_19, %mul3A_973 : i32
      %add3A_975 = arith.constant 32 : i32
      %add3A_976 = arith.addi %mul3A_974, %add3A_975 : i32
      %get3A_977 = arith.index_cast %add3A_976 : i32 to index
      %get3A_978 = tpu.vector_load %arg6[%get3A_977] {strides = array<i32>} : memref<1024xf32, #tpu.memory_space<vmem>>, vector<16xf32>,
      %get3A_979 = vector.shape_cast %get3A_978 : vector<16xf32> to vector<16xf32>
      %slice3A_980 = vector.extract_strided_slice %get3A_972 {offsets = [0], sizes = [1], strides = [1]} : vector<16xi32> to vector<1xi32>
      %squeeze3A_981 = vector.extract %slice3A_980[0] : i32 from vector<1xi32>
      %slice3A_982 = vector.extract_strided_slice %get3A_979 {offsets = [0], sizes = [1], strides = [1]} : vector<16xf32> to vector<1xf32>
      %squeeze3A_983 = vector.extract %slice3A_982[0] : f32 from vector<1xf32>
      %lt3A_984 = arith.constant 512 : i32
      %lt3A_985 = arith.cmpi slt, %squeeze3A_981, %lt3A_984 : i32
      %jit3A_986 = arith.constant 0 : i32
      %select_n3A_987 = arith.select %lt3A_985, %squeeze3A_981, %jit3A_986 : i32
      %shift_right_arithmetic3A_988 = arith.constant 4 : i32
      %shift_right_arithmetic3A_989 = arith.shrsi %select_n3A_987, %shift_right_arithmetic3A_988 : i32
      %shift_left3A_990 = arith.constant 4 : i32
      %shift_left3A_991 = arith.shli %shift_right_arithmetic3A_989, %shift_left3A_990 : i32
      %add3A_992 = arith.constant 16384 : i32
      %add3A_993 = arith.addi %add3A_992, %shift_left3A_991 : i32
      %and3A_994 = arith.constant 15 : i32
      %and3A_995 = arith.andi %select_n3A_987, %and3A_994 : i32
      %jit3A_996 = arith.constant 16 : i32
      %select_n3A_997 = arith.select %lt3A_985, %and3A_995, %jit3A_996 : i32
      %get3A_998 = arith.index_cast %add3A_993 : i32 to index
      %get3A_999 = tpu.vector_load %arg7[%get3A_998] {strides = array<i32>} : memref<32768xf32, #tpu.memory_space<vmem>>, vector<16xf32>,
      %get3A_1000 = vector.shape_cast %get3A_999 : vector<16xf32> to vector<16xf32>
      %eq3A_1001 = vector.broadcast %select_n3A_997 : i32 to vector<16xi32>
      %eq3A_1002 = arith.cmpi eq, %iota3A, %eq3A_1001 : vector<16xi32>
      %broadcast_in_dim3A_1003 = vector.broadcast %squeeze3A_983 : f32 to vector<16xf32>
      %select_n3A_1004 = arith.select %eq3A_1002, %broadcast_in_dim3A_1003, %get3A_1000 : vector<16xi1>, vector<16xf32>
      %swap3A_1005 = arith.index_cast %add3A_993 : i32 to index
      %swap3A_1006 = tpu.vector_load %arg7[%swap3A_1005] {strides = array<i32>} : memref<32768xf32, #tpu.memory_space<vmem>>, vector<16xf32>,
      %swap3A_1007 = vector.shape_cast %swap3A_1006 : vector<16xf32> to vector<16xf32>
      %swap3A_1008 = vector.shape_cast %select_n3A_1004 : vector<16xf32> to vector<16xf32>
      tpu.vector_store %arg7[%swap3A_1005], %swap3A_1008 {strides = array<i32>} : memref<32768xf32, #tpu.memory_space<vmem>>, vector<16xf32>,
      %slice3A_1009 = vector.extract_strided_slice %get3A_972 {offsets = [1], sizes = [1], strides = [1]} : vector<16xi32> to vector<1xi32>
      %squeeze3A_1010 = vector.extract %slice3A_1009[0] : i32 from vector<1xi32>
      %slice3A_1011 = vector.extract_strided_slice %get3A_979 {offsets = [1], sizes = [1], strides = [1]} : vector<16xf32> to vector<1xf32>
      %squeeze3A_1012 = vector.extract %slice3A_1011[0] : f32 from vector<1xf32>
      %lt3A_1013 = arith.constant 512 : i32
      %lt3A_1014 = arith.cmpi slt, %squeeze3A_1010, %lt3A_1013 : i32
      %jit3A_1015 = arith.constant 0 : i32
      %select_n3A_1016 = arith.select %lt3A_1014, %squeeze3A_1010, %jit3A_1015 : i32
      %shift_right_arithmetic3A_1017 = arith.constant 4 : i32
      %shift_right_arithmetic3A_1018 = arith.shrsi %select_n3A_1016, %shift_right_arithmetic3A_1017 : i32
      %shift_left3A_1019 = arith.constant 4 : i32
      %shift_left3A_1020 = arith.shli %shift_right_arithmetic3A_1018, %shift_left3A_1019 : i32
      %add3A_1021 = arith.constant 16896 : i32
      %add3A_1022 = arith.addi %add3A_1021, %shift_left3A_1020 : i32
      %and3A_1023 = arith.constant 15 : i32
      %and3A_1024 = arith.andi %select_n3A_1016, %and3A_1023 : i32
      %jit3A_1025 = arith.constant 16 : i32
      %select_n3A_1026 = arith.select %lt3A_1014, %and3A_1024, %jit3A_1025 : i32
      %get3A_1027 = arith.index_cast %add3A_1022 : i32 to index
      %get3A_1028 = tpu.vector_load %arg7[%get3A_1027] {strides = array<i32>} : memref<32768xf32, #tpu.memory_space<vmem>>, vector<16xf32>,
      %get3A_1029 = vector.shape_cast %get3A_1028 : vector<16xf32> to vector<16xf32>
      %eq3A_1030 = vector.broadcast %select_n3A_1026 : i32 to vector<16xi32>
      %eq3A_1031 = arith.cmpi eq, %iota3A, %eq3A_1030 : vector<16xi32>
      %broadcast_in_dim3A_1032 = vector.broadcast %squeeze3A_1012 : f32 to vector<16xf32>
      %select_n3A_1033 = arith.select %eq3A_1031, %broadcast_in_dim3A_1032, %get3A_1029 : vector<16xi1>, vector<16xf32>
      %swap3A_1034 = arith.index_cast %add3A_1022 : i32 to index
      %swap3A_1035 = tpu.vector_load %arg7[%swap3A_1034] {strides = array<i32>} : memref<32768xf32, #tpu.memory_space<vmem>>, vector<16xf32>,
      %swap3A_1036 = vector.shape_cast %swap3A_1035 : vector<16xf32> to vector<16xf32>
      %swap3A_1037 = vector.shape_cast %select_n3A_1033 : vector<16xf32> to vector<16xf32>
      tpu.vector_store %arg7[%swap3A_1034], %swap3A_1037 {strides = array<i32>} : memref<32768xf32, #tpu.memory_space<vmem>>, vector<16xf32>,
      %slice3A_1038 = vector.extract_strided_slice %get3A_972 {offsets = [2], sizes = [1], strides = [1]} : vector<16xi32> to vector<1xi32>
      %squeeze3A_1039 = vector.extract %slice3A_1038[0] : i32 from vector<1xi32>
      %slice3A_1040 = vector.extract_strided_slice %get3A_979 {offsets = [2], sizes = [1], strides = [1]} : vector<16xf32> to vector<1xf32>
      %squeeze3A_1041 = vector.extract %slice3A_1040[0] : f32 from vector<1xf32>
      %lt3A_1042 = arith.constant 512 : i32
      %lt3A_1043 = arith.cmpi slt, %squeeze3A_1039, %lt3A_1042 : i32
      %jit3A_1044 = arith.constant 0 : i32
      %select_n3A_1045 = arith.select %lt3A_1043, %squeeze3A_1039, %jit3A_1044 : i32
      %shift_right_arithmetic3A_1046 = arith.constant 4 : i32
      %shift_right_arithmetic3A_1047 = arith.shrsi %select_n3A_1045, %shift_right_arithmetic3A_1046 : i32
      %shift_left3A_1048 = arith.constant 4 : i32
      %shift_left3A_1049 = arith.shli %shift_right_arithmetic3A_1047, %shift_left3A_1048 : i32
      %add3A_1050 = arith.constant 17408 : i32
      %add3A_1051 = arith.addi %add3A_1050, %shift_left3A_1049 : i32
      %and3A_1052 = arith.constant 15 : i32
      %and3A_1053 = arith.andi %select_n3A_1045, %and3A_1052 : i32
      %jit3A_1054 = arith.constant 16 : i32
      %select_n3A_1055 = arith.select %lt3A_1043, %and3A_1053, %jit3A_1054 : i32
      %get3A_1056 = arith.index_cast %add3A_1051 : i32 to index
      %get3A_1057 = tpu.vector_load %arg7[%get3A_1056] {strides = array<i32>} : memref<32768xf32, #tpu.memory_space<vmem>>, vector<16xf32>,
      %get3A_1058 = vector.shape_cast %get3A_1057 : vector<16xf32> to vector<16xf32>
      %eq3A_1059 = vector.broadcast %select_n3A_1055 : i32 to vector<16xi32>
      %eq3A_1060 = arith.cmpi eq, %iota3A, %eq3A_1059 : vector<16xi32>
      %broadcast_in_dim3A_1061 = vector.broadcast %squeeze3A_1041 : f32 to vector<16xf32>
      %select_n3A_1062 = arith.select %eq3A_1060, %broadcast_in_dim3A_1061, %get3A_1058 : vector<16xi1>, vector<16xf32>
      %swap3A_1063 = arith.index_cast %add3A_1051 : i32 to index
      %swap3A_1064 = tpu.vector_load %arg7[%swap3A_1063] {strides = array<i32>} : memref<32768xf32, #tpu.memory_space<vmem>>, vector<16xf32>,
      %swap3A_1065 = vector.shape_cast %swap3A_1064 : vector<16xf32> to vector<16xf32>
      %swap3A_1066 = vector.shape_cast %select_n3A_1062 : vector<16xf32> to vector<16xf32>
      tpu.vector_store %arg7[%swap3A_1063], %swap3A_1066 {strides = array<i32>} : memref<32768xf32, #tpu.memory_space<vmem>>, vector<16xf32>,
      %slice3A_1067 = vector.extract_strided_slice %get3A_972 {offsets = [3], sizes = [1], strides = [1]} : vector<16xi32> to vector<1xi32>
      %squeeze3A_1068 = vector.extract %slice3A_1067[0] : i32 from vector<1xi32>
      %slice3A_1069 = vector.extract_strided_slice %get3A_979 {offsets = [3], sizes = [1], strides = [1]} : vector<16xf32> to vector<1xf32>
      %squeeze3A_1070 = vector.extract %slice3A_1069[0] : f32 from vector<1xf32>
      %lt3A_1071 = arith.constant 512 : i32
      %lt3A_1072 = arith.cmpi slt, %squeeze3A_1068, %lt3A_1071 : i32
      %jit3A_1073 = arith.constant 0 : i32
      %select_n3A_1074 = arith.select %lt3A_1072, %squeeze3A_1068, %jit3A_1073 : i32
      %shift_right_arithmetic3A_1075 = arith.constant 4 : i32
      %shift_right_arithmetic3A_1076 = arith.shrsi %select_n3A_1074, %shift_right_arithmetic3A_1075 : i32
      %shift_left3A_1077 = arith.constant 4 : i32
      %shift_left3A_1078 = arith.shli %shift_right_arithmetic3A_1076, %shift_left3A_1077 : i32
      %add3A_1079 = arith.constant 17920 : i32
      %add3A_1080 = arith.addi %add3A_1079, %shift_left3A_1078 : i32
      %and3A_1081 = arith.constant 15 : i32
      %and3A_1082 = arith.andi %select_n3A_1074, %and3A_1081 : i32
      %jit3A_1083 = arith.constant 16 : i32
      %select_n3A_1084 = arith.select %lt3A_1072, %and3A_1082, %jit3A_1083 : i32
      %get3A_1085 = arith.index_cast %add3A_1080 : i32 to index
      %get3A_1086 = tpu.vector_load %arg7[%get3A_1085] {strides = array<i32>} : memref<32768xf32, #tpu.memory_space<vmem>>, vector<16xf32>,
      %get3A_1087 = vector.shape_cast %get3A_1086 : vector<16xf32> to vector<16xf32>
      %eq3A_1088 = vector.broadcast %select_n3A_1084 : i32 to vector<16xi32>
      %eq3A_1089 = arith.cmpi eq, %iota3A, %eq3A_1088 : vector<16xi32>
      %broadcast_in_dim3A_1090 = vector.broadcast %squeeze3A_1070 : f32 to vector<16xf32>
      %select_n3A_1091 = arith.select %eq3A_1089, %broadcast_in_dim3A_1090, %get3A_1087 : vector<16xi1>, vector<16xf32>
      %swap3A_1092 = arith.index_cast %add3A_1080 : i32 to index
      %swap3A_1093 = tpu.vector_load %arg7[%swap3A_1092] {strides = array<i32>} : memref<32768xf32, #tpu.memory_space<vmem>>, vector<16xf32>,
      %swap3A_1094 = vector.shape_cast %swap3A_1093 : vector<16xf32> to vector<16xf32>
      %swap3A_1095 = vector.shape_cast %select_n3A_1091 : vector<16xf32> to vector<16xf32>
      tpu.vector_store %arg7[%swap3A_1092], %swap3A_1095 {strides = array<i32>} : memref<32768xf32, #tpu.memory_space<vmem>>, vector<16xf32>,
      %slice3A_1096 = vector.extract_strided_slice %get3A_972 {offsets = [4], sizes = [1], strides = [1]} : vector<16xi32> to vector<1xi32>
      %squeeze3A_1097 = vector.extract %slice3A_1096[0] : i32 from vector<1xi32>
      %slice3A_1098 = vector.extract_strided_slice %get3A_979 {offsets = [4], sizes = [1], strides = [1]} : vector<16xf32> to vector<1xf32>
      %squeeze3A_1099 = vector.extract %slice3A_1098[0] : f32 from vector<1xf32>
      %lt3A_1100 = arith.constant 512 : i32
      %lt3A_1101 = arith.cmpi slt, %squeeze3A_1097, %lt3A_1100 : i32
      %jit3A_1102 = arith.constant 0 : i32
      %select_n3A_1103 = arith.select %lt3A_1101, %squeeze3A_1097, %jit3A_1102 : i32
      %shift_right_arithmetic3A_1104 = arith.constant 4 : i32
      %shift_right_arithmetic3A_1105 = arith.shrsi %select_n3A_1103, %shift_right_arithmetic3A_1104 : i32
      %shift_left3A_1106 = arith.constant 4 : i32
      %shift_left3A_1107 = arith.shli %shift_right_arithmetic3A_1105, %shift_left3A_1106 : i32
      %add3A_1108 = arith.constant 18432 : i32
      %add3A_1109 = arith.addi %add3A_1108, %shift_left3A_1107 : i32
      %and3A_1110 = arith.constant 15 : i32
      %and3A_1111 = arith.andi %select_n3A_1103, %and3A_1110 : i32
      %jit3A_1112 = arith.constant 16 : i32
      %select_n3A_1113 = arith.select %lt3A_1101, %and3A_1111, %jit3A_1112 : i32
      %get3A_1114 = arith.index_cast %add3A_1109 : i32 to index
      %get3A_1115 = tpu.vector_load %arg7[%get3A_1114] {strides = array<i32>} : memref<32768xf32, #tpu.memory_space<vmem>>, vector<16xf32>,
      %get3A_1116 = vector.shape_cast %get3A_1115 : vector<16xf32> to vector<16xf32>
      %eq3A_1117 = vector.broadcast %select_n3A_1113 : i32 to vector<16xi32>
      %eq3A_1118 = arith.cmpi eq, %iota3A, %eq3A_1117 : vector<16xi32>
      %broadcast_in_dim3A_1119 = vector.broadcast %squeeze3A_1099 : f32 to vector<16xf32>
      %select_n3A_1120 = arith.select %eq3A_1118, %broadcast_in_dim3A_1119, %get3A_1116 : vector<16xi1>, vector<16xf32>
      %swap3A_1121 = arith.index_cast %add3A_1109 : i32 to index
      %swap3A_1122 = tpu.vector_load %arg7[%swap3A_1121] {strides = array<i32>} : memref<32768xf32, #tpu.memory_space<vmem>>, vector<16xf32>,
      %swap3A_1123 = vector.shape_cast %swap3A_1122 : vector<16xf32> to vector<16xf32>
      %swap3A_1124 = vector.shape_cast %select_n3A_1120 : vector<16xf32> to vector<16xf32>
      tpu.vector_store %arg7[%swap3A_1121], %swap3A_1124 {strides = array<i32>} : memref<32768xf32, #tpu.memory_space<vmem>>, vector<16xf32>,
      %slice3A_1125 = vector.extract_strided_slice %get3A_972 {offsets = [5], sizes = [1], strides = [1]} : vector<16xi32> to vector<1xi32>
      %squeeze3A_1126 = vector.extract %slice3A_1125[0] : i32 from vector<1xi32>
      %slice3A_1127 = vector.extract_strided_slice %get3A_979 {offsets = [5], sizes = [1], strides = [1]} : vector<16xf32> to vector<1xf32>
      %squeeze3A_1128 = vector.extract %slice3A_1127[0] : f32 from vector<1xf32>
      %lt3A_1129 = arith.constant 512 : i32
      %lt3A_1130 = arith.cmpi slt, %squeeze3A_1126, %lt3A_1129 : i32
      %jit3A_1131 = arith.constant 0 : i32
      %select_n3A_1132 = arith.select %lt3A_1130, %squeeze3A_1126, %jit3A_1131 : i32
      %shift_right_arithmetic3A_1133 = arith.constant 4 : i32
      %shift_right_arithmetic3A_1134 = arith.shrsi %select_n3A_1132, %shift_right_arithmetic3A_1133 : i32
      %shift_left3A_1135 = arith.constant 4 : i32
      %shift_left3A_1136 = arith.shli %shift_right_arithmetic3A_1134, %shift_left3A_1135 : i32
      %add3A_1137 = arith.constant 18944 : i32
      %add3A_1138 = arith.addi %add3A_1137, %shift_left3A_1136 : i32
      %and3A_1139 = arith.constant 15 : i32
      %and3A_1140 = arith.andi %select_n3A_1132, %and3A_1139 : i32
      %jit3A_1141 = arith.constant 16 : i32
      %select_n3A_1142 = arith.select %lt3A_1130, %and3A_1140, %jit3A_1141 : i32
      %get3A_1143 = arith.index_cast %add3A_1138 : i32 to index
      %get3A_1144 = tpu.vector_load %arg7[%get3A_1143] {strides = array<i32>} : memref<32768xf32, #tpu.memory_space<vmem>>, vector<16xf32>,
      %get3A_1145 = vector.shape_cast %get3A_1144 : vector<16xf32> to vector<16xf32>
      %eq3A_1146 = vector.broadcast %select_n3A_1142 : i32 to vector<16xi32>
      %eq3A_1147 = arith.cmpi eq, %iota3A, %eq3A_1146 : vector<16xi32>
      %broadcast_in_dim3A_1148 = vector.broadcast %squeeze3A_1128 : f32 to vector<16xf32>
      %select_n3A_1149 = arith.select %eq3A_1147, %broadcast_in_dim3A_1148, %get3A_1145 : vector<16xi1>, vector<16xf32>
      %swap3A_1150 = arith.index_cast %add3A_1138 : i32 to index
      %swap3A_1151 = tpu.vector_load %arg7[%swap3A_1150] {strides = array<i32>} : memref<32768xf32, #tpu.memory_space<vmem>>, vector<16xf32>,
      %swap3A_1152 = vector.shape_cast %swap3A_1151 : vector<16xf32> to vector<16xf32>
      %swap3A_1153 = vector.shape_cast %select_n3A_1149 : vector<16xf32> to vector<16xf32>
      tpu.vector_store %arg7[%swap3A_1150], %swap3A_1153 {strides = array<i32>} : memref<32768xf32, #tpu.memory_space<vmem>>, vector<16xf32>,
      %slice3A_1154 = vector.extract_strided_slice %get3A_972 {offsets = [6], sizes = [1], strides = [1]} : vector<16xi32> to vector<1xi32>
      %squeeze3A_1155 = vector.extract %slice3A_1154[0] : i32 from vector<1xi32>
      %slice3A_1156 = vector.extract_strided_slice %get3A_979 {offsets = [6], sizes = [1], strides = [1]} : vector<16xf32> to vector<1xf32>
      %squeeze3A_1157 = vector.extract %slice3A_1156[0] : f32 from vector<1xf32>
      %lt3A_1158 = arith.constant 512 : i32
      %lt3A_1159 = arith.cmpi slt, %squeeze3A_1155, %lt3A_1158 : i32
      %jit3A_1160 = arith.constant 0 : i32
      %select_n3A_1161 = arith.select %lt3A_1159, %squeeze3A_1155, %jit3A_1160 : i32
      %shift_right_arithmetic3A_1162 = arith.constant 4 : i32
      %shift_right_arithmetic3A_1163 = arith.shrsi %select_n3A_1161, %shift_right_arithmetic3A_1162 : i32
      %shift_left3A_1164 = arith.constant 4 : i32
      %shift_left3A_1165 = arith.shli %shift_right_arithmetic3A_1163, %shift_left3A_1164 : i32
      %add3A_1166 = arith.constant 19456 : i32
      %add3A_1167 = arith.addi %add3A_1166, %shift_left3A_1165 : i32
      %and3A_1168 = arith.constant 15 : i32
      %and3A_1169 = arith.andi %select_n3A_1161, %and3A_1168 : i32
      %jit3A_1170 = arith.constant 16 : i32
      %select_n3A_1171 = arith.select %lt3A_1159, %and3A_1169, %jit3A_1170 : i32
      %get3A_1172 = arith.index_cast %add3A_1167 : i32 to index
      %get3A_1173 = tpu.vector_load %arg7[%get3A_1172] {strides = array<i32>} : memref<32768xf32, #tpu.memory_space<vmem>>, vector<16xf32>,
      %get3A_1174 = vector.shape_cast %get3A_1173 : vector<16xf32> to vector<16xf32>
      %eq3A_1175 = vector.broadcast %select_n3A_1171 : i32 to vector<16xi32>
      %eq3A_1176 = arith.cmpi eq, %iota3A, %eq3A_1175 : vector<16xi32>
      %broadcast_in_dim3A_1177 = vector.broadcast %squeeze3A_1157 : f32 to vector<16xf32>
      %select_n3A_1178 = arith.select %eq3A_1176, %broadcast_in_dim3A_1177, %get3A_1174 : vector<16xi1>, vector<16xf32>
      %swap3A_1179 = arith.index_cast %add3A_1167 : i32 to index
      %swap3A_1180 = tpu.vector_load %arg7[%swap3A_1179] {strides = array<i32>} : memref<32768xf32, #tpu.memory_space<vmem>>, vector<16xf32>,
      %swap3A_1181 = vector.shape_cast %swap3A_1180 : vector<16xf32> to vector<16xf32>
      %swap3A_1182 = vector.shape_cast %select_n3A_1178 : vector<16xf32> to vector<16xf32>
      tpu.vector_store %arg7[%swap3A_1179], %swap3A_1182 {strides = array<i32>} : memref<32768xf32, #tpu.memory_space<vmem>>, vector<16xf32>,
      %slice3A_1183 = vector.extract_strided_slice %get3A_972 {offsets = [7], sizes = [1], strides = [1]} : vector<16xi32> to vector<1xi32>
      %squeeze3A_1184 = vector.extract %slice3A_1183[0] : i32 from vector<1xi32>
      %slice3A_1185 = vector.extract_strided_slice %get3A_979 {offsets = [7], sizes = [1], strides = [1]} : vector<16xf32> to vector<1xf32>
      %squeeze3A_1186 = vector.extract %slice3A_1185[0] : f32 from vector<1xf32>
      %lt3A_1187 = arith.constant 512 : i32
      %lt3A_1188 = arith.cmpi slt, %squeeze3A_1184, %lt3A_1187 : i32
      %jit3A_1189 = arith.constant 0 : i32
      %select_n3A_1190 = arith.select %lt3A_1188, %squeeze3A_1184, %jit3A_1189 : i32
      %shift_right_arithmetic3A_1191 = arith.constant 4 : i32
      %shift_right_arithmetic3A_1192 = arith.shrsi %select_n3A_1190, %shift_right_arithmetic3A_1191 : i32
      %shift_left3A_1193 = arith.constant 4 : i32
      %shift_left3A_1194 = arith.shli %shift_right_arithmetic3A_1192, %shift_left3A_1193 : i32
      %add3A_1195 = arith.constant 19968 : i32
      %add3A_1196 = arith.addi %add3A_1195, %shift_left3A_1194 : i32
      %and3A_1197 = arith.constant 15 : i32
      %and3A_1198 = arith.andi %select_n3A_1190, %and3A_1197 : i32
      %jit3A_1199 = arith.constant 16 : i32
      %select_n3A_1200 = arith.select %lt3A_1188, %and3A_1198, %jit3A_1199 : i32
      %get3A_1201 = arith.index_cast %add3A_1196 : i32 to index
      %get3A_1202 = tpu.vector_load %arg7[%get3A_1201] {strides = array<i32>} : memref<32768xf32, #tpu.memory_space<vmem>>, vector<16xf32>,
      %get3A_1203 = vector.shape_cast %get3A_1202 : vector<16xf32> to vector<16xf32>
      %eq3A_1204 = vector.broadcast %select_n3A_1200 : i32 to vector<16xi32>
      %eq3A_1205 = arith.cmpi eq, %iota3A, %eq3A_1204 : vector<16xi32>
      %broadcast_in_dim3A_1206 = vector.broadcast %squeeze3A_1186 : f32 to vector<16xf32>
      %select_n3A_1207 = arith.select %eq3A_1205, %broadcast_in_dim3A_1206, %get3A_1203 : vector<16xi1>, vector<16xf32>
      %swap3A_1208 = arith.index_cast %add3A_1196 : i32 to index
      %swap3A_1209 = tpu.vector_load %arg7[%swap3A_1208] {strides = array<i32>} : memref<32768xf32, #tpu.memory_space<vmem>>, vector<16xf32>,
      %swap3A_1210 = vector.shape_cast %swap3A_1209 : vector<16xf32> to vector<16xf32>
      %swap3A_1211 = vector.shape_cast %select_n3A_1207 : vector<16xf32> to vector<16xf32>
      tpu.vector_store %arg7[%swap3A_1208], %swap3A_1211 {strides = array<i32>} : memref<32768xf32, #tpu.memory_space<vmem>>, vector<16xf32>,
      %slice3A_1212 = vector.extract_strided_slice %get3A_972 {offsets = [8], sizes = [1], strides = [1]} : vector<16xi32> to vector<1xi32>
      %squeeze3A_1213 = vector.extract %slice3A_1212[0] : i32 from vector<1xi32>
      %slice3A_1214 = vector.extract_strided_slice %get3A_979 {offsets = [8], sizes = [1], strides = [1]} : vector<16xf32> to vector<1xf32>
      %squeeze3A_1215 = vector.extract %slice3A_1214[0] : f32 from vector<1xf32>
      %lt3A_1216 = arith.constant 512 : i32
      %lt3A_1217 = arith.cmpi slt, %squeeze3A_1213, %lt3A_1216 : i32
      %jit3A_1218 = arith.constant 0 : i32
      %select_n3A_1219 = arith.select %lt3A_1217, %squeeze3A_1213, %jit3A_1218 : i32
      %shift_right_arithmetic3A_1220 = arith.constant 4 : i32
      %shift_right_arithmetic3A_1221 = arith.shrsi %select_n3A_1219, %shift_right_arithmetic3A_1220 : i32
      %shift_left3A_1222 = arith.constant 4 : i32
      %shift_left3A_1223 = arith.shli %shift_right_arithmetic3A_1221, %shift_left3A_1222 : i32
      %add3A_1224 = arith.constant 20480 : i32
      %add3A_1225 = arith.addi %add3A_1224, %shift_left3A_1223 : i32
      %and3A_1226 = arith.constant 15 : i32
      %and3A_1227 = arith.andi %select_n3A_1219, %and3A_1226 : i32
      %jit3A_1228 = arith.constant 16 : i32
      %select_n3A_1229 = arith.select %lt3A_1217, %and3A_1227, %jit3A_1228 : i32
      %get3A_1230 = arith.index_cast %add3A_1225 : i32 to index
      %get3A_1231 = tpu.vector_load %arg7[%get3A_1230] {strides = array<i32>} : memref<32768xf32, #tpu.memory_space<vmem>>, vector<16xf32>,
      %get3A_1232 = vector.shape_cast %get3A_1231 : vector<16xf32> to vector<16xf32>
      %eq3A_1233 = vector.broadcast %select_n3A_1229 : i32 to vector<16xi32>
      %eq3A_1234 = arith.cmpi eq, %iota3A, %eq3A_1233 : vector<16xi32>
      %broadcast_in_dim3A_1235 = vector.broadcast %squeeze3A_1215 : f32 to vector<16xf32>
      %select_n3A_1236 = arith.select %eq3A_1234, %broadcast_in_dim3A_1235, %get3A_1232 : vector<16xi1>, vector<16xf32>
      %swap3A_1237 = arith.index_cast %add3A_1225 : i32 to index
      %swap3A_1238 = tpu.vector_load %arg7[%swap3A_1237] {strides = array<i32>} : memref<32768xf32, #tpu.memory_space<vmem>>, vector<16xf32>,
      %swap3A_1239 = vector.shape_cast %swap3A_1238 : vector<16xf32> to vector<16xf32>
      %swap3A_1240 = vector.shape_cast %select_n3A_1236 : vector<16xf32> to vector<16xf32>
      tpu.vector_store %arg7[%swap3A_1237], %swap3A_1240 {strides = array<i32>} : memref<32768xf32, #tpu.memory_space<vmem>>, vector<16xf32>,
      %slice3A_1241 = vector.extract_strided_slice %get3A_972 {offsets = [9], sizes = [1], strides = [1]} : vector<16xi32> to vector<1xi32>
      %squeeze3A_1242 = vector.extract %slice3A_1241[0] : i32 from vector<1xi32>
      %slice3A_1243 = vector.extract_strided_slice %get3A_979 {offsets = [9], sizes = [1], strides = [1]} : vector<16xf32> to vector<1xf32>
      %squeeze3A_1244 = vector.extract %slice3A_1243[0] : f32 from vector<1xf32>
      %lt3A_1245 = arith.constant 512 : i32
      %lt3A_1246 = arith.cmpi slt, %squeeze3A_1242, %lt3A_1245 : i32
      %jit3A_1247 = arith.constant 0 : i32
      %select_n3A_1248 = arith.select %lt3A_1246, %squeeze3A_1242, %jit3A_1247 : i32
      %shift_right_arithmetic3A_1249 = arith.constant 4 : i32
      %shift_right_arithmetic3A_1250 = arith.shrsi %select_n3A_1248, %shift_right_arithmetic3A_1249 : i32
      %shift_left3A_1251 = arith.constant 4 : i32
      %shift_left3A_1252 = arith.shli %shift_right_arithmetic3A_1250, %shift_left3A_1251 : i32
      %add3A_1253 = arith.constant 20992 : i32
      %add3A_1254 = arith.addi %add3A_1253, %shift_left3A_1252 : i32
      %and3A_1255 = arith.constant 15 : i32
      %and3A_1256 = arith.andi %select_n3A_1248, %and3A_1255 : i32
      %jit3A_1257 = arith.constant 16 : i32
      %select_n3A_1258 = arith.select %lt3A_1246, %and3A_1256, %jit3A_1257 : i32
      %get3A_1259 = arith.index_cast %add3A_1254 : i32 to index
      %get3A_1260 = tpu.vector_load %arg7[%get3A_1259] {strides = array<i32>} : memref<32768xf32, #tpu.memory_space<vmem>>, vector<16xf32>,
      %get3A_1261 = vector.shape_cast %get3A_1260 : vector<16xf32> to vector<16xf32>
      %eq3A_1262 = vector.broadcast %select_n3A_1258 : i32 to vector<16xi32>
      %eq3A_1263 = arith.cmpi eq, %iota3A, %eq3A_1262 : vector<16xi32>
      %broadcast_in_dim3A_1264 = vector.broadcast %squeeze3A_1244 : f32 to vector<16xf32>
      %select_n3A_1265 = arith.select %eq3A_1263, %broadcast_in_dim3A_1264, %get3A_1261 : vector<16xi1>, vector<16xf32>
      %swap3A_1266 = arith.index_cast %add3A_1254 : i32 to index
      %swap3A_1267 = tpu.vector_load %arg7[%swap3A_1266] {strides = array<i32>} : memref<32768xf32, #tpu.memory_space<vmem>>, vector<16xf32>,
      %swap3A_1268 = vector.shape_cast %swap3A_1267 : vector<16xf32> to vector<16xf32>
      %swap3A_1269 = vector.shape_cast %select_n3A_1265 : vector<16xf32> to vector<16xf32>
      tpu.vector_store %arg7[%swap3A_1266], %swap3A_1269 {strides = array<i32>} : memref<32768xf32, #tpu.memory_space<vmem>>, vector<16xf32>,
      %slice3A_1270 = vector.extract_strided_slice %get3A_972 {offsets = [10], sizes = [1], strides = [1]} : vector<16xi32> to vector<1xi32>
      %squeeze3A_1271 = vector.extract %slice3A_1270[0] : i32 from vector<1xi32>
      %slice3A_1272 = vector.extract_strided_slice %get3A_979 {offsets = [10], sizes = [1], strides = [1]} : vector<16xf32> to vector<1xf32>
      %squeeze3A_1273 = vector.extract %slice3A_1272[0] : f32 from vector<1xf32>
      %lt3A_1274 = arith.constant 512 : i32
      %lt3A_1275 = arith.cmpi slt, %squeeze3A_1271, %lt3A_1274 : i32
      %jit3A_1276 = arith.constant 0 : i32
      %select_n3A_1277 = arith.select %lt3A_1275, %squeeze3A_1271, %jit3A_1276 : i32
      %shift_right_arithmetic3A_1278 = arith.constant 4 : i32
      %shift_right_arithmetic3A_1279 = arith.shrsi %select_n3A_1277, %shift_right_arithmetic3A_1278 : i32
      %shift_left3A_1280 = arith.constant 4 : i32
      %shift_left3A_1281 = arith.shli %shift_right_arithmetic3A_1279, %shift_left3A_1280 : i32
      %add3A_1282 = arith.constant 21504 : i32
      %add3A_1283 = arith.addi %add3A_1282, %shift_left3A_1281 : i32
      %and3A_1284 = arith.constant 15 : i32
      %and3A_1285 = arith.andi %select_n3A_1277, %and3A_1284 : i32
      %jit3A_1286 = arith.constant 16 : i32
      %select_n3A_1287 = arith.select %lt3A_1275, %and3A_1285, %jit3A_1286 : i32
      %get3A_1288 = arith.index_cast %add3A_1283 : i32 to index
      %get3A_1289 = tpu.vector_load %arg7[%get3A_1288] {strides = array<i32>} : memref<32768xf32, #tpu.memory_space<vmem>>, vector<16xf32>,
      %get3A_1290 = vector.shape_cast %get3A_1289 : vector<16xf32> to vector<16xf32>
      %eq3A_1291 = vector.broadcast %select_n3A_1287 : i32 to vector<16xi32>
      %eq3A_1292 = arith.cmpi eq, %iota3A, %eq3A_1291 : vector<16xi32>
      %broadcast_in_dim3A_1293 = vector.broadcast %squeeze3A_1273 : f32 to vector<16xf32>
      %select_n3A_1294 = arith.select %eq3A_1292, %broadcast_in_dim3A_1293, %get3A_1290 : vector<16xi1>, vector<16xf32>
      %swap3A_1295 = arith.index_cast %add3A_1283 : i32 to index
      %swap3A_1296 = tpu.vector_load %arg7[%swap3A_1295] {strides = array<i32>} : memref<32768xf32, #tpu.memory_space<vmem>>, vector<16xf32>,
      %swap3A_1297 = vector.shape_cast %swap3A_1296 : vector<16xf32> to vector<16xf32>
      %swap3A_1298 = vector.shape_cast %select_n3A_1294 : vector<16xf32> to vector<16xf32>
      tpu.vector_store %arg7[%swap3A_1295], %swap3A_1298 {strides = array<i32>} : memref<32768xf32, #tpu.memory_space<vmem>>, vector<16xf32>,
      %slice3A_1299 = vector.extract_strided_slice %get3A_972 {offsets = [11], sizes = [1], strides = [1]} : vector<16xi32> to vector<1xi32>
      %squeeze3A_1300 = vector.extract %slice3A_1299[0] : i32 from vector<1xi32>
      %slice3A_1301 = vector.extract_strided_slice %get3A_979 {offsets = [11], sizes = [1], strides = [1]} : vector<16xf32> to vector<1xf32>
      %squeeze3A_1302 = vector.extract %slice3A_1301[0] : f32 from vector<1xf32>
      %lt3A_1303 = arith.constant 512 : i32
      %lt3A_1304 = arith.cmpi slt, %squeeze3A_1300, %lt3A_1303 : i32
      %jit3A_1305 = arith.constant 0 : i32
      %select_n3A_1306 = arith.select %lt3A_1304, %squeeze3A_1300, %jit3A_1305 : i32
      %shift_right_arithmetic3A_1307 = arith.constant 4 : i32
      %shift_right_arithmetic3A_1308 = arith.shrsi %select_n3A_1306, %shift_right_arithmetic3A_1307 : i32
      %shift_left3A_1309 = arith.constant 4 : i32
      %shift_left3A_1310 = arith.shli %shift_right_arithmetic3A_1308, %shift_left3A_1309 : i32
      %add3A_1311 = arith.constant 22016 : i32
      %add3A_1312 = arith.addi %add3A_1311, %shift_left3A_1310 : i32
      %and3A_1313 = arith.constant 15 : i32
      %and3A_1314 = arith.andi %select_n3A_1306, %and3A_1313 : i32
      %jit3A_1315 = arith.constant 16 : i32
      %select_n3A_1316 = arith.select %lt3A_1304, %and3A_1314, %jit3A_1315 : i32
      %get3A_1317 = arith.index_cast %add3A_1312 : i32 to index
      %get3A_1318 = tpu.vector_load %arg7[%get3A_1317] {strides = array<i32>} : memref<32768xf32, #tpu.memory_space<vmem>>, vector<16xf32>,
      %get3A_1319 = vector.shape_cast %get3A_1318 : vector<16xf32> to vector<16xf32>
      %eq3A_1320 = vector.broadcast %select_n3A_1316 : i32 to vector<16xi32>
      %eq3A_1321 = arith.cmpi eq, %iota3A, %eq3A_1320 : vector<16xi32>
      %broadcast_in_dim3A_1322 = vector.broadcast %squeeze3A_1302 : f32 to vector<16xf32>
      %select_n3A_1323 = arith.select %eq3A_1321, %broadcast_in_dim3A_1322, %get3A_1319 : vector<16xi1>, vector<16xf32>
      %swap3A_1324 = arith.index_cast %add3A_1312 : i32 to index
      %swap3A_1325 = tpu.vector_load %arg7[%swap3A_1324] {strides = array<i32>} : memref<32768xf32, #tpu.memory_space<vmem>>, vector<16xf32>,
      %swap3A_1326 = vector.shape_cast %swap3A_1325 : vector<16xf32> to vector<16xf32>
      %swap3A_1327 = vector.shape_cast %select_n3A_1323 : vector<16xf32> to vector<16xf32>
      tpu.vector_store %arg7[%swap3A_1324], %swap3A_1327 {strides = array<i32>} : memref<32768xf32, #tpu.memory_space<vmem>>, vector<16xf32>,
      %slice3A_1328 = vector.extract_strided_slice %get3A_972 {offsets = [12], sizes = [1], strides = [1]} : vector<16xi32> to vector<1xi32>
      %squeeze3A_1329 = vector.extract %slice3A_1328[0] : i32 from vector<1xi32>
      %slice3A_1330 = vector.extract_strided_slice %get3A_979 {offsets = [12], sizes = [1], strides = [1]} : vector<16xf32> to vector<1xf32>
      %squeeze3A_1331 = vector.extract %slice3A_1330[0] : f32 from vector<1xf32>
      %lt3A_1332 = arith.constant 512 : i32
      %lt3A_1333 = arith.cmpi slt, %squeeze3A_1329, %lt3A_1332 : i32
      %jit3A_1334 = arith.constant 0 : i32
      %select_n3A_1335 = arith.select %lt3A_1333, %squeeze3A_1329, %jit3A_1334 : i32
      %shift_right_arithmetic3A_1336 = arith.constant 4 : i32
      %shift_right_arithmetic3A_1337 = arith.shrsi %select_n3A_1335, %shift_right_arithmetic3A_1336 : i32
      %shift_left3A_1338 = arith.constant 4 : i32
      %shift_left3A_1339 = arith.shli %shift_right_arithmetic3A_1337, %shift_left3A_1338 : i32
      %add3A_1340 = arith.constant 22528 : i32
      %add3A_1341 = arith.addi %add3A_1340, %shift_left3A_1339 : i32
      %and3A_1342 = arith.constant 15 : i32
      %and3A_1343 = arith.andi %select_n3A_1335, %and3A_1342 : i32
      %jit3A_1344 = arith.constant 16 : i32
      %select_n3A_1345 = arith.select %lt3A_1333, %and3A_1343, %jit3A_1344 : i32
      %get3A_1346 = arith.index_cast %add3A_1341 : i32 to index
      %get3A_1347 = tpu.vector_load %arg7[%get3A_1346] {strides = array<i32>} : memref<32768xf32, #tpu.memory_space<vmem>>, vector<16xf32>,
      %get3A_1348 = vector.shape_cast %get3A_1347 : vector<16xf32> to vector<16xf32>
      %eq3A_1349 = vector.broadcast %select_n3A_1345 : i32 to vector<16xi32>
      %eq3A_1350 = arith.cmpi eq, %iota3A, %eq3A_1349 : vector<16xi32>
      %broadcast_in_dim3A_1351 = vector.broadcast %squeeze3A_1331 : f32 to vector<16xf32>
      %select_n3A_1352 = arith.select %eq3A_1350, %broadcast_in_dim3A_1351, %get3A_1348 : vector<16xi1>, vector<16xf32>
      %swap3A_1353 = arith.index_cast %add3A_1341 : i32 to index
      %swap3A_1354 = tpu.vector_load %arg7[%swap3A_1353] {strides = array<i32>} : memref<32768xf32, #tpu.memory_space<vmem>>, vector<16xf32>,
      %swap3A_1355 = vector.shape_cast %swap3A_1354 : vector<16xf32> to vector<16xf32>
      %swap3A_1356 = vector.shape_cast %select_n3A_1352 : vector<16xf32> to vector<16xf32>
      tpu.vector_store %arg7[%swap3A_1353], %swap3A_1356 {strides = array<i32>} : memref<32768xf32, #tpu.memory_space<vmem>>, vector<16xf32>,
      %slice3A_1357 = vector.extract_strided_slice %get3A_972 {offsets = [13], sizes = [1], strides = [1]} : vector<16xi32> to vector<1xi32>
      %squeeze3A_1358 = vector.extract %slice3A_1357[0] : i32 from vector<1xi32>
      %slice3A_1359 = vector.extract_strided_slice %get3A_979 {offsets = [13], sizes = [1], strides = [1]} : vector<16xf32> to vector<1xf32>
      %squeeze3A_1360 = vector.extract %slice3A_1359[0] : f32 from vector<1xf32>
      %lt3A_1361 = arith.constant 512 : i32
      %lt3A_1362 = arith.cmpi slt, %squeeze3A_1358, %lt3A_1361 : i32
      %jit3A_1363 = arith.constant 0 : i32
      %select_n3A_1364 = arith.select %lt3A_1362, %squeeze3A_1358, %jit3A_1363 : i32
      %shift_right_arithmetic3A_1365 = arith.constant 4 : i32
      %shift_right_arithmetic3A_1366 = arith.shrsi %select_n3A_1364, %shift_right_arithmetic3A_1365 : i32
      %shift_left3A_1367 = arith.constant 4 : i32
      %shift_left3A_1368 = arith.shli %shift_right_arithmetic3A_1366, %shift_left3A_1367 : i32
      %add3A_1369 = arith.constant 23040 : i32
      %add3A_1370 = arith.addi %add3A_1369, %shift_left3A_1368 : i32
      %and3A_1371 = arith.constant 15 : i32
      %and3A_1372 = arith.andi %select_n3A_1364, %and3A_1371 : i32
      %jit3A_1373 = arith.constant 16 : i32
      %select_n3A_1374 = arith.select %lt3A_1362, %and3A_1372, %jit3A_1373 : i32
      %get3A_1375 = arith.index_cast %add3A_1370 : i32 to index
      %get3A_1376 = tpu.vector_load %arg7[%get3A_1375] {strides = array<i32>} : memref<32768xf32, #tpu.memory_space<vmem>>, vector<16xf32>,
      %get3A_1377 = vector.shape_cast %get3A_1376 : vector<16xf32> to vector<16xf32>
      %eq3A_1378 = vector.broadcast %select_n3A_1374 : i32 to vector<16xi32>
      %eq3A_1379 = arith.cmpi eq, %iota3A, %eq3A_1378 : vector<16xi32>
      %broadcast_in_dim3A_1380 = vector.broadcast %squeeze3A_1360 : f32 to vector<16xf32>
      %select_n3A_1381 = arith.select %eq3A_1379, %broadcast_in_dim3A_1380, %get3A_1377 : vector<16xi1>, vector<16xf32>
      %swap3A_1382 = arith.index_cast %add3A_1370 : i32 to index
      %swap3A_1383 = tpu.vector_load %arg7[%swap3A_1382] {strides = array<i32>} : memref<32768xf32, #tpu.memory_space<vmem>>, vector<16xf32>,
      %swap3A_1384 = vector.shape_cast %swap3A_1383 : vector<16xf32> to vector<16xf32>
      %swap3A_1385 = vector.shape_cast %select_n3A_1381 : vector<16xf32> to vector<16xf32>
      tpu.vector_store %arg7[%swap3A_1382], %swap3A_1385 {strides = array<i32>} : memref<32768xf32, #tpu.memory_space<vmem>>, vector<16xf32>,
      %slice3A_1386 = vector.extract_strided_slice %get3A_972 {offsets = [14], sizes = [1], strides = [1]} : vector<16xi32> to vector<1xi32>
      %squeeze3A_1387 = vector.extract %slice3A_1386[0] : i32 from vector<1xi32>
      %slice3A_1388 = vector.extract_strided_slice %get3A_979 {offsets = [14], sizes = [1], strides = [1]} : vector<16xf32> to vector<1xf32>
      %squeeze3A_1389 = vector.extract %slice3A_1388[0] : f32 from vector<1xf32>
      %lt3A_1390 = arith.constant 512 : i32
      %lt3A_1391 = arith.cmpi slt, %squeeze3A_1387, %lt3A_1390 : i32
      %jit3A_1392 = arith.constant 0 : i32
      %select_n3A_1393 = arith.select %lt3A_1391, %squeeze3A_1387, %jit3A_1392 : i32
      %shift_right_arithmetic3A_1394 = arith.constant 4 : i32
      %shift_right_arithmetic3A_1395 = arith.shrsi %select_n3A_1393, %shift_right_arithmetic3A_1394 : i32
      %shift_left3A_1396 = arith.constant 4 : i32
      %shift_left3A_1397 = arith.shli %shift_right_arithmetic3A_1395, %shift_left3A_1396 : i32
      %add3A_1398 = arith.constant 23552 : i32
      %add3A_1399 = arith.addi %add3A_1398, %shift_left3A_1397 : i32
      %and3A_1400 = arith.constant 15 : i32
      %and3A_1401 = arith.andi %select_n3A_1393, %and3A_1400 : i32
      %jit3A_1402 = arith.constant 16 : i32
      %select_n3A_1403 = arith.select %lt3A_1391, %and3A_1401, %jit3A_1402 : i32
      %get3A_1404 = arith.index_cast %add3A_1399 : i32 to index
      %get3A_1405 = tpu.vector_load %arg7[%get3A_1404] {strides = array<i32>} : memref<32768xf32, #tpu.memory_space<vmem>>, vector<16xf32>,
      %get3A_1406 = vector.shape_cast %get3A_1405 : vector<16xf32> to vector<16xf32>
      %eq3A_1407 = vector.broadcast %select_n3A_1403 : i32 to vector<16xi32>
      %eq3A_1408 = arith.cmpi eq, %iota3A, %eq3A_1407 : vector<16xi32>
      %broadcast_in_dim3A_1409 = vector.broadcast %squeeze3A_1389 : f32 to vector<16xf32>
      %select_n3A_1410 = arith.select %eq3A_1408, %broadcast_in_dim3A_1409, %get3A_1406 : vector<16xi1>, vector<16xf32>
      %swap3A_1411 = arith.index_cast %add3A_1399 : i32 to index
      %swap3A_1412 = tpu.vector_load %arg7[%swap3A_1411] {strides = array<i32>} : memref<32768xf32, #tpu.memory_space<vmem>>, vector<16xf32>,
      %swap3A_1413 = vector.shape_cast %swap3A_1412 : vector<16xf32> to vector<16xf32>
      %swap3A_1414 = vector.shape_cast %select_n3A_1410 : vector<16xf32> to vector<16xf32>
      tpu.vector_store %arg7[%swap3A_1411], %swap3A_1414 {strides = array<i32>} : memref<32768xf32, #tpu.memory_space<vmem>>, vector<16xf32>,
      %slice3A_1415 = vector.extract_strided_slice %get3A_972 {offsets = [15], sizes = [1], strides = [1]} : vector<16xi32> to vector<1xi32>
      %squeeze3A_1416 = vector.extract %slice3A_1415[0] : i32 from vector<1xi32>
      %slice3A_1417 = vector.extract_strided_slice %get3A_979 {offsets = [15], sizes = [1], strides = [1]} : vector<16xf32> to vector<1xf32>
      %squeeze3A_1418 = vector.extract %slice3A_1417[0] : f32 from vector<1xf32>
      %lt3A_1419 = arith.constant 512 : i32
      %lt3A_1420 = arith.cmpi slt, %squeeze3A_1416, %lt3A_1419 : i32
      %jit3A_1421 = arith.constant 0 : i32
      %select_n3A_1422 = arith.select %lt3A_1420, %squeeze3A_1416, %jit3A_1421 : i32
      %shift_right_arithmetic3A_1423 = arith.constant 4 : i32
      %shift_right_arithmetic3A_1424 = arith.shrsi %select_n3A_1422, %shift_right_arithmetic3A_1423 : i32
      %shift_left3A_1425 = arith.constant 4 : i32
      %shift_left3A_1426 = arith.shli %shift_right_arithmetic3A_1424, %shift_left3A_1425 : i32
      %add3A_1427 = arith.constant 24064 : i32
      %add3A_1428 = arith.addi %add3A_1427, %shift_left3A_1426 : i32
      %and3A_1429 = arith.constant 15 : i32
      %and3A_1430 = arith.andi %select_n3A_1422, %and3A_1429 : i32
      %jit3A_1431 = arith.constant 16 : i32
      %select_n3A_1432 = arith.select %lt3A_1420, %and3A_1430, %jit3A_1431 : i32
      %get3A_1433 = arith.index_cast %add3A_1428 : i32 to index
      %get3A_1434 = tpu.vector_load %arg7[%get3A_1433] {strides = array<i32>} : memref<32768xf32, #tpu.memory_space<vmem>>, vector<16xf32>,
      %get3A_1435 = vector.shape_cast %get3A_1434 : vector<16xf32> to vector<16xf32>
      %eq3A_1436 = vector.broadcast %select_n3A_1432 : i32 to vector<16xi32>
      %eq3A_1437 = arith.cmpi eq, %iota3A, %eq3A_1436 : vector<16xi32>
      %broadcast_in_dim3A_1438 = vector.broadcast %squeeze3A_1418 : f32 to vector<16xf32>
      %select_n3A_1439 = arith.select %eq3A_1437, %broadcast_in_dim3A_1438, %get3A_1435 : vector<16xi1>, vector<16xf32>
      %swap3A_1440 = arith.index_cast %add3A_1428 : i32 to index
      %swap3A_1441 = tpu.vector_load %arg7[%swap3A_1440] {strides = array<i32>} : memref<32768xf32, #tpu.memory_space<vmem>>, vector<16xf32>,
      %swap3A_1442 = vector.shape_cast %swap3A_1441 : vector<16xf32> to vector<16xf32>
      %swap3A_1443 = vector.shape_cast %select_n3A_1439 : vector<16xf32> to vector<16xf32>
      tpu.vector_store %arg7[%swap3A_1440], %swap3A_1443 {strides = array<i32>} : memref<32768xf32, #tpu.memory_space<vmem>>, vector<16xf32>,
      %mul3A_1444 = arith.constant 64 : i32
      %mul3A_1445 = arith.muli %scan3A_19, %mul3A_1444 : i32
      %add3A_1446 = arith.constant 48 : i32
      %add3A_1447 = arith.addi %mul3A_1445, %add3A_1446 : i32
      %get3A_1448 = arith.index_cast %add3A_1447 : i32 to index
      %get3A_1449 = tpu.vector_load %arg5[%get3A_1448] {strides = array<i32>} : memref<1024xi32, #tpu.memory_space<vmem>>, vector<16xi32>,
      %get3A_1450 = vector.shape_cast %get3A_1449 : vector<16xi32> to vector<16xi32>
      %mul3A_1451 = arith.constant 64 : i32
      %mul3A_1452 = arith.muli %scan3A_19, %mul3A_1451 : i32
      %add3A_1453 = arith.constant 48 : i32
      %add3A_1454 = arith.addi %mul3A_1452, %add3A_1453 : i32
      %get3A_1455 = arith.index_cast %add3A_1454 : i32 to index
      %get3A_1456 = tpu.vector_load %arg6[%get3A_1455] {strides = array<i32>} : memref<1024xf32, #tpu.memory_space<vmem>>, vector<16xf32>,
      %get3A_1457 = vector.shape_cast %get3A_1456 : vector<16xf32> to vector<16xf32>
      %slice3A_1458 = vector.extract_strided_slice %get3A_1450 {offsets = [0], sizes = [1], strides = [1]} : vector<16xi32> to vector<1xi32>
      %squeeze3A_1459 = vector.extract %slice3A_1458[0] : i32 from vector<1xi32>
      %slice3A_1460 = vector.extract_strided_slice %get3A_1457 {offsets = [0], sizes = [1], strides = [1]} : vector<16xf32> to vector<1xf32>
      %squeeze3A_1461 = vector.extract %slice3A_1460[0] : f32 from vector<1xf32>
      %lt3A_1462 = arith.constant 512 : i32
      %lt3A_1463 = arith.cmpi slt, %squeeze3A_1459, %lt3A_1462 : i32
      %jit3A_1464 = arith.constant 0 : i32
      %select_n3A_1465 = arith.select %lt3A_1463, %squeeze3A_1459, %jit3A_1464 : i32
      %shift_right_arithmetic3A_1466 = arith.constant 4 : i32
      %shift_right_arithmetic3A_1467 = arith.shrsi %select_n3A_1465, %shift_right_arithmetic3A_1466 : i32
      %shift_left3A_1468 = arith.constant 4 : i32
      %shift_left3A_1469 = arith.shli %shift_right_arithmetic3A_1467, %shift_left3A_1468 : i32
      %add3A_1470 = arith.constant 24576 : i32
      %add3A_1471 = arith.addi %add3A_1470, %shift_left3A_1469 : i32
      %and3A_1472 = arith.constant 15 : i32
      %and3A_1473 = arith.andi %select_n3A_1465, %and3A_1472 : i32
      %jit3A_1474 = arith.constant 16 : i32
      %select_n3A_1475 = arith.select %lt3A_1463, %and3A_1473, %jit3A_1474 : i32
      %get3A_1476 = arith.index_cast %add3A_1471 : i32 to index
      %get3A_1477 = tpu.vector_load %arg7[%get3A_1476] {strides = array<i32>} : memref<32768xf32, #tpu.memory_space<vmem>>, vector<16xf32>,
      %get3A_1478 = vector.shape_cast %get3A_1477 : vector<16xf32> to vector<16xf32>
      %eq3A_1479 = vector.broadcast %select_n3A_1475 : i32 to vector<16xi32>
      %eq3A_1480 = arith.cmpi eq, %iota3A, %eq3A_1479 : vector<16xi32>
      %broadcast_in_dim3A_1481 = vector.broadcast %squeeze3A_1461 : f32 to vector<16xf32>
      %select_n3A_1482 = arith.select %eq3A_1480, %broadcast_in_dim3A_1481, %get3A_1478 : vector<16xi1>, vector<16xf32>
      %swap3A_1483 = arith.index_cast %add3A_1471 : i32 to index
      %swap3A_1484 = tpu.vector_load %arg7[%swap3A_1483] {strides = array<i32>} : memref<32768xf32, #tpu.memory_space<vmem>>, vector<16xf32>,
      %swap3A_1485 = vector.shape_cast %swap3A_1484 : vector<16xf32> to vector<16xf32>
      %swap3A_1486 = vector.shape_cast %select_n3A_1482 : vector<16xf32> to vector<16xf32>
      tpu.vector_store %arg7[%swap3A_1483], %swap3A_1486 {strides = array<i32>} : memref<32768xf32, #tpu.memory_space<vmem>>, vector<16xf32>,
      %slice3A_1487 = vector.extract_strided_slice %get3A_1450 {offsets = [1], sizes = [1], strides = [1]} : vector<16xi32> to vector<1xi32>
      %squeeze3A_1488 = vector.extract %slice3A_1487[0] : i32 from vector<1xi32>
      %slice3A_1489 = vector.extract_strided_slice %get3A_1457 {offsets = [1], sizes = [1], strides = [1]} : vector<16xf32> to vector<1xf32>
      %squeeze3A_1490 = vector.extract %slice3A_1489[0] : f32 from vector<1xf32>
      %lt3A_1491 = arith.constant 512 : i32
      %lt3A_1492 = arith.cmpi slt, %squeeze3A_1488, %lt3A_1491 : i32
      %jit3A_1493 = arith.constant 0 : i32
      %select_n3A_1494 = arith.select %lt3A_1492, %squeeze3A_1488, %jit3A_1493 : i32
      %shift_right_arithmetic3A_1495 = arith.constant 4 : i32
      %shift_right_arithmetic3A_1496 = arith.shrsi %select_n3A_1494, %shift_right_arithmetic3A_1495 : i32
      %shift_left3A_1497 = arith.constant 4 : i32
      %shift_left3A_1498 = arith.shli %shift_right_arithmetic3A_1496, %shift_left3A_1497 : i32
      %add3A_1499 = arith.constant 25088 : i32
      %add3A_1500 = arith.addi %add3A_1499, %shift_left3A_1498 : i32
      %and3A_1501 = arith.constant 15 : i32
      %and3A_1502 = arith.andi %select_n3A_1494, %and3A_1501 : i32
      %jit3A_1503 = arith.constant 16 : i32
      %select_n3A_1504 = arith.select %lt3A_1492, %and3A_1502, %jit3A_1503 : i32
      %get3A_1505 = arith.index_cast %add3A_1500 : i32 to index
      %get3A_1506 = tpu.vector_load %arg7[%get3A_1505] {strides = array<i32>} : memref<32768xf32, #tpu.memory_space<vmem>>, vector<16xf32>,
      %get3A_1507 = vector.shape_cast %get3A_1506 : vector<16xf32> to vector<16xf32>
      %eq3A_1508 = vector.broadcast %select_n3A_1504 : i32 to vector<16xi32>
      %eq3A_1509 = arith.cmpi eq, %iota3A, %eq3A_1508 : vector<16xi32>
      %broadcast_in_dim3A_1510 = vector.broadcast %squeeze3A_1490 : f32 to vector<16xf32>
      %select_n3A_1511 = arith.select %eq3A_1509, %broadcast_in_dim3A_1510, %get3A_1507 : vector<16xi1>, vector<16xf32>
      %swap3A_1512 = arith.index_cast %add3A_1500 : i32 to index
      %swap3A_1513 = tpu.vector_load %arg7[%swap3A_1512] {strides = array<i32>} : memref<32768xf32, #tpu.memory_space<vmem>>, vector<16xf32>,
      %swap3A_1514 = vector.shape_cast %swap3A_1513 : vector<16xf32> to vector<16xf32>
      %swap3A_1515 = vector.shape_cast %select_n3A_1511 : vector<16xf32> to vector<16xf32>
      tpu.vector_store %arg7[%swap3A_1512], %swap3A_1515 {strides = array<i32>} : memref<32768xf32, #tpu.memory_space<vmem>>, vector<16xf32>,
      %slice3A_1516 = vector.extract_strided_slice %get3A_1450 {offsets = [2], sizes = [1], strides = [1]} : vector<16xi32> to vector<1xi32>
      %squeeze3A_1517 = vector.extract %slice3A_1516[0] : i32 from vector<1xi32>
      %slice3A_1518 = vector.extract_strided_slice %get3A_1457 {offsets = [2], sizes = [1], strides = [1]} : vector<16xf32> to vector<1xf32>
      %squeeze3A_1519 = vector.extract %slice3A_1518[0] : f32 from vector<1xf32>
      %lt3A_1520 = arith.constant 512 : i32
      %lt3A_1521 = arith.cmpi slt, %squeeze3A_1517, %lt3A_1520 : i32
      %jit3A_1522 = arith.constant 0 : i32
      %select_n3A_1523 = arith.select %lt3A_1521, %squeeze3A_1517, %jit3A_1522 : i32
      %shift_right_arithmetic3A_1524 = arith.constant 4 : i32
      %shift_right_arithmetic3A_1525 = arith.shrsi %select_n3A_1523, %shift_right_arithmetic3A_1524 : i32
      %shift_left3A_1526 = arith.constant 4 : i32
      %shift_left3A_1527 = arith.shli %shift_right_arithmetic3A_1525, %shift_left3A_1526 : i32
      %add3A_1528 = arith.constant 25600 : i32
      %add3A_1529 = arith.addi %add3A_1528, %shift_left3A_1527 : i32
      %and3A_1530 = arith.constant 15 : i32
      %and3A_1531 = arith.andi %select_n3A_1523, %and3A_1530 : i32
      %jit3A_1532 = arith.constant 16 : i32
      %select_n3A_1533 = arith.select %lt3A_1521, %and3A_1531, %jit3A_1532 : i32
      %get3A_1534 = arith.index_cast %add3A_1529 : i32 to index
      %get3A_1535 = tpu.vector_load %arg7[%get3A_1534] {strides = array<i32>} : memref<32768xf32, #tpu.memory_space<vmem>>, vector<16xf32>,
      %get3A_1536 = vector.shape_cast %get3A_1535 : vector<16xf32> to vector<16xf32>
      %eq3A_1537 = vector.broadcast %select_n3A_1533 : i32 to vector<16xi32>
      %eq3A_1538 = arith.cmpi eq, %iota3A, %eq3A_1537 : vector<16xi32>
      %broadcast_in_dim3A_1539 = vector.broadcast %squeeze3A_1519 : f32 to vector<16xf32>
      %select_n3A_1540 = arith.select %eq3A_1538, %broadcast_in_dim3A_1539, %get3A_1536 : vector<16xi1>, vector<16xf32>
      %swap3A_1541 = arith.index_cast %add3A_1529 : i32 to index
      %swap3A_1542 = tpu.vector_load %arg7[%swap3A_1541] {strides = array<i32>} : memref<32768xf32, #tpu.memory_space<vmem>>, vector<16xf32>,
      %swap3A_1543 = vector.shape_cast %swap3A_1542 : vector<16xf32> to vector<16xf32>
      %swap3A_1544 = vector.shape_cast %select_n3A_1540 : vector<16xf32> to vector<16xf32>
      tpu.vector_store %arg7[%swap3A_1541], %swap3A_1544 {strides = array<i32>} : memref<32768xf32, #tpu.memory_space<vmem>>, vector<16xf32>,
      %slice3A_1545 = vector.extract_strided_slice %get3A_1450 {offsets = [3], sizes = [1], strides = [1]} : vector<16xi32> to vector<1xi32>
      %squeeze3A_1546 = vector.extract %slice3A_1545[0] : i32 from vector<1xi32>
      %slice3A_1547 = vector.extract_strided_slice %get3A_1457 {offsets = [3], sizes = [1], strides = [1]} : vector<16xf32> to vector<1xf32>
      %squeeze3A_1548 = vector.extract %slice3A_1547[0] : f32 from vector<1xf32>
      %lt3A_1549 = arith.constant 512 : i32
      %lt3A_1550 = arith.cmpi slt, %squeeze3A_1546, %lt3A_1549 : i32
      %jit3A_1551 = arith.constant 0 : i32
      %select_n3A_1552 = arith.select %lt3A_1550, %squeeze3A_1546, %jit3A_1551 : i32
      %shift_right_arithmetic3A_1553 = arith.constant 4 : i32
      %shift_right_arithmetic3A_1554 = arith.shrsi %select_n3A_1552, %shift_right_arithmetic3A_1553 : i32
      %shift_left3A_1555 = arith.constant 4 : i32
      %shift_left3A_1556 = arith.shli %shift_right_arithmetic3A_1554, %shift_left3A_1555 : i32
      %add3A_1557 = arith.constant 26112 : i32
      %add3A_1558 = arith.addi %add3A_1557, %shift_left3A_1556 : i32
      %and3A_1559 = arith.constant 15 : i32
      %and3A_1560 = arith.andi %select_n3A_1552, %and3A_1559 : i32
      %jit3A_1561 = arith.constant 16 : i32
      %select_n3A_1562 = arith.select %lt3A_1550, %and3A_1560, %jit3A_1561 : i32
      %get3A_1563 = arith.index_cast %add3A_1558 : i32 to index
      %get3A_1564 = tpu.vector_load %arg7[%get3A_1563] {strides = array<i32>} : memref<32768xf32, #tpu.memory_space<vmem>>, vector<16xf32>,
      %get3A_1565 = vector.shape_cast %get3A_1564 : vector<16xf32> to vector<16xf32>
      %eq3A_1566 = vector.broadcast %select_n3A_1562 : i32 to vector<16xi32>
      %eq3A_1567 = arith.cmpi eq, %iota3A, %eq3A_1566 : vector<16xi32>
      %broadcast_in_dim3A_1568 = vector.broadcast %squeeze3A_1548 : f32 to vector<16xf32>
      %select_n3A_1569 = arith.select %eq3A_1567, %broadcast_in_dim3A_1568, %get3A_1565 : vector<16xi1>, vector<16xf32>
      %swap3A_1570 = arith.index_cast %add3A_1558 : i32 to index
      %swap3A_1571 = tpu.vector_load %arg7[%swap3A_1570] {strides = array<i32>} : memref<32768xf32, #tpu.memory_space<vmem>>, vector<16xf32>,
      %swap3A_1572 = vector.shape_cast %swap3A_1571 : vector<16xf32> to vector<16xf32>
      %swap3A_1573 = vector.shape_cast %select_n3A_1569 : vector<16xf32> to vector<16xf32>
      tpu.vector_store %arg7[%swap3A_1570], %swap3A_1573 {strides = array<i32>} : memref<32768xf32, #tpu.memory_space<vmem>>, vector<16xf32>,
      %slice3A_1574 = vector.extract_strided_slice %get3A_1450 {offsets = [4], sizes = [1], strides = [1]} : vector<16xi32> to vector<1xi32>
      %squeeze3A_1575 = vector.extract %slice3A_1574[0] : i32 from vector<1xi32>
      %slice3A_1576 = vector.extract_strided_slice %get3A_1457 {offsets = [4], sizes = [1], strides = [1]} : vector<16xf32> to vector<1xf32>
      %squeeze3A_1577 = vector.extract %slice3A_1576[0] : f32 from vector<1xf32>
      %lt3A_1578 = arith.constant 512 : i32
      %lt3A_1579 = arith.cmpi slt, %squeeze3A_1575, %lt3A_1578 : i32
      %jit3A_1580 = arith.constant 0 : i32
      %select_n3A_1581 = arith.select %lt3A_1579, %squeeze3A_1575, %jit3A_1580 : i32
      %shift_right_arithmetic3A_1582 = arith.constant 4 : i32
      %shift_right_arithmetic3A_1583 = arith.shrsi %select_n3A_1581, %shift_right_arithmetic3A_1582 : i32
      %shift_left3A_1584 = arith.constant 4 : i32
      %shift_left3A_1585 = arith.shli %shift_right_arithmetic3A_1583, %shift_left3A_1584 : i32
      %add3A_1586 = arith.constant 26624 : i32
      %add3A_1587 = arith.addi %add3A_1586, %shift_left3A_1585 : i32
      %and3A_1588 = arith.constant 15 : i32
      %and3A_1589 = arith.andi %select_n3A_1581, %and3A_1588 : i32
      %jit3A_1590 = arith.constant 16 : i32
      %select_n3A_1591 = arith.select %lt3A_1579, %and3A_1589, %jit3A_1590 : i32
      %get3A_1592 = arith.index_cast %add3A_1587 : i32 to index
      %get3A_1593 = tpu.vector_load %arg7[%get3A_1592] {strides = array<i32>} : memref<32768xf32, #tpu.memory_space<vmem>>, vector<16xf32>,
      %get3A_1594 = vector.shape_cast %get3A_1593 : vector<16xf32> to vector<16xf32>
      %eq3A_1595 = vector.broadcast %select_n3A_1591 : i32 to vector<16xi32>
      %eq3A_1596 = arith.cmpi eq, %iota3A, %eq3A_1595 : vector<16xi32>
      %broadcast_in_dim3A_1597 = vector.broadcast %squeeze3A_1577 : f32 to vector<16xf32>
      %select_n3A_1598 = arith.select %eq3A_1596, %broadcast_in_dim3A_1597, %get3A_1594 : vector<16xi1>, vector<16xf32>
      %swap3A_1599 = arith.index_cast %add3A_1587 : i32 to index
      %swap3A_1600 = tpu.vector_load %arg7[%swap3A_1599] {strides = array<i32>} : memref<32768xf32, #tpu.memory_space<vmem>>, vector<16xf32>,
      %swap3A_1601 = vector.shape_cast %swap3A_1600 : vector<16xf32> to vector<16xf32>
      %swap3A_1602 = vector.shape_cast %select_n3A_1598 : vector<16xf32> to vector<16xf32>
      tpu.vector_store %arg7[%swap3A_1599], %swap3A_1602 {strides = array<i32>} : memref<32768xf32, #tpu.memory_space<vmem>>, vector<16xf32>,
      %slice3A_1603 = vector.extract_strided_slice %get3A_1450 {offsets = [5], sizes = [1], strides = [1]} : vector<16xi32> to vector<1xi32>
      %squeeze3A_1604 = vector.extract %slice3A_1603[0] : i32 from vector<1xi32>
      %slice3A_1605 = vector.extract_strided_slice %get3A_1457 {offsets = [5], sizes = [1], strides = [1]} : vector<16xf32> to vector<1xf32>
      %squeeze3A_1606 = vector.extract %slice3A_1605[0] : f32 from vector<1xf32>
      %lt3A_1607 = arith.constant 512 : i32
      %lt3A_1608 = arith.cmpi slt, %squeeze3A_1604, %lt3A_1607 : i32
      %jit3A_1609 = arith.constant 0 : i32
      %select_n3A_1610 = arith.select %lt3A_1608, %squeeze3A_1604, %jit3A_1609 : i32
      %shift_right_arithmetic3A_1611 = arith.constant 4 : i32
      %shift_right_arithmetic3A_1612 = arith.shrsi %select_n3A_1610, %shift_right_arithmetic3A_1611 : i32
      %shift_left3A_1613 = arith.constant 4 : i32
      %shift_left3A_1614 = arith.shli %shift_right_arithmetic3A_1612, %shift_left3A_1613 : i32
      %add3A_1615 = arith.constant 27136 : i32
      %add3A_1616 = arith.addi %add3A_1615, %shift_left3A_1614 : i32
      %and3A_1617 = arith.constant 15 : i32
      %and3A_1618 = arith.andi %select_n3A_1610, %and3A_1617 : i32
      %jit3A_1619 = arith.constant 16 : i32
      %select_n3A_1620 = arith.select %lt3A_1608, %and3A_1618, %jit3A_1619 : i32
      %get3A_1621 = arith.index_cast %add3A_1616 : i32 to index
      %get3A_1622 = tpu.vector_load %arg7[%get3A_1621] {strides = array<i32>} : memref<32768xf32, #tpu.memory_space<vmem>>, vector<16xf32>,
      %get3A_1623 = vector.shape_cast %get3A_1622 : vector<16xf32> to vector<16xf32>
      %eq3A_1624 = vector.broadcast %select_n3A_1620 : i32 to vector<16xi32>
      %eq3A_1625 = arith.cmpi eq, %iota3A, %eq3A_1624 : vector<16xi32>
      %broadcast_in_dim3A_1626 = vector.broadcast %squeeze3A_1606 : f32 to vector<16xf32>
      %select_n3A_1627 = arith.select %eq3A_1625, %broadcast_in_dim3A_1626, %get3A_1623 : vector<16xi1>, vector<16xf32>
      %swap3A_1628 = arith.index_cast %add3A_1616 : i32 to index
      %swap3A_1629 = tpu.vector_load %arg7[%swap3A_1628] {strides = array<i32>} : memref<32768xf32, #tpu.memory_space<vmem>>, vector<16xf32>,
      %swap3A_1630 = vector.shape_cast %swap3A_1629 : vector<16xf32> to vector<16xf32>
      %swap3A_1631 = vector.shape_cast %select_n3A_1627 : vector<16xf32> to vector<16xf32>
      tpu.vector_store %arg7[%swap3A_1628], %swap3A_1631 {strides = array<i32>} : memref<32768xf32, #tpu.memory_space<vmem>>, vector<16xf32>,
      %slice3A_1632 = vector.extract_strided_slice %get3A_1450 {offsets = [6], sizes = [1], strides = [1]} : vector<16xi32> to vector<1xi32>
      %squeeze3A_1633 = vector.extract %slice3A_1632[0] : i32 from vector<1xi32>
      %slice3A_1634 = vector.extract_strided_slice %get3A_1457 {offsets = [6], sizes = [1], strides = [1]} : vector<16xf32> to vector<1xf32>
      %squeeze3A_1635 = vector.extract %slice3A_1634[0] : f32 from vector<1xf32>
      %lt3A_1636 = arith.constant 512 : i32
      %lt3A_1637 = arith.cmpi slt, %squeeze3A_1633, %lt3A_1636 : i32
      %jit3A_1638 = arith.constant 0 : i32
      %select_n3A_1639 = arith.select %lt3A_1637, %squeeze3A_1633, %jit3A_1638 : i32
      %shift_right_arithmetic3A_1640 = arith.constant 4 : i32
      %shift_right_arithmetic3A_1641 = arith.shrsi %select_n3A_1639, %shift_right_arithmetic3A_1640 : i32
      %shift_left3A_1642 = arith.constant 4 : i32
      %shift_left3A_1643 = arith.shli %shift_right_arithmetic3A_1641, %shift_left3A_1642 : i32
      %add3A_1644 = arith.constant 27648 : i32
      %add3A_1645 = arith.addi %add3A_1644, %shift_left3A_1643 : i32
      %and3A_1646 = arith.constant 15 : i32
      %and3A_1647 = arith.andi %select_n3A_1639, %and3A_1646 : i32
      %jit3A_1648 = arith.constant 16 : i32
      %select_n3A_1649 = arith.select %lt3A_1637, %and3A_1647, %jit3A_1648 : i32
      %get3A_1650 = arith.index_cast %add3A_1645 : i32 to index
      %get3A_1651 = tpu.vector_load %arg7[%get3A_1650] {strides = array<i32>} : memref<32768xf32, #tpu.memory_space<vmem>>, vector<16xf32>,
      %get3A_1652 = vector.shape_cast %get3A_1651 : vector<16xf32> to vector<16xf32>
      %eq3A_1653 = vector.broadcast %select_n3A_1649 : i32 to vector<16xi32>
      %eq3A_1654 = arith.cmpi eq, %iota3A, %eq3A_1653 : vector<16xi32>
      %broadcast_in_dim3A_1655 = vector.broadcast %squeeze3A_1635 : f32 to vector<16xf32>
      %select_n3A_1656 = arith.select %eq3A_1654, %broadcast_in_dim3A_1655, %get3A_1652 : vector<16xi1>, vector<16xf32>
      %swap3A_1657 = arith.index_cast %add3A_1645 : i32 to index
      %swap3A_1658 = tpu.vector_load %arg7[%swap3A_1657] {strides = array<i32>} : memref<32768xf32, #tpu.memory_space<vmem>>, vector<16xf32>,
      %swap3A_1659 = vector.shape_cast %swap3A_1658 : vector<16xf32> to vector<16xf32>
      %swap3A_1660 = vector.shape_cast %select_n3A_1656 : vector<16xf32> to vector<16xf32>
      tpu.vector_store %arg7[%swap3A_1657], %swap3A_1660 {strides = array<i32>} : memref<32768xf32, #tpu.memory_space<vmem>>, vector<16xf32>,
      %slice3A_1661 = vector.extract_strided_slice %get3A_1450 {offsets = [7], sizes = [1], strides = [1]} : vector<16xi32> to vector<1xi32>
      %squeeze3A_1662 = vector.extract %slice3A_1661[0] : i32 from vector<1xi32>
      %slice3A_1663 = vector.extract_strided_slice %get3A_1457 {offsets = [7], sizes = [1], strides = [1]} : vector<16xf32> to vector<1xf32>
      %squeeze3A_1664 = vector.extract %slice3A_1663[0] : f32 from vector<1xf32>
      %lt3A_1665 = arith.constant 512 : i32
      %lt3A_1666 = arith.cmpi slt, %squeeze3A_1662, %lt3A_1665 : i32
      %jit3A_1667 = arith.constant 0 : i32
      %select_n3A_1668 = arith.select %lt3A_1666, %squeeze3A_1662, %jit3A_1667 : i32
      %shift_right_arithmetic3A_1669 = arith.constant 4 : i32
      %shift_right_arithmetic3A_1670 = arith.shrsi %select_n3A_1668, %shift_right_arithmetic3A_1669 : i32
      %shift_left3A_1671 = arith.constant 4 : i32
      %shift_left3A_1672 = arith.shli %shift_right_arithmetic3A_1670, %shift_left3A_1671 : i32
      %add3A_1673 = arith.constant 28160 : i32
      %add3A_1674 = arith.addi %add3A_1673, %shift_left3A_1672 : i32
      %and3A_1675 = arith.constant 15 : i32
      %and3A_1676 = arith.andi %select_n3A_1668, %and3A_1675 : i32
      %jit3A_1677 = arith.constant 16 : i32
      %select_n3A_1678 = arith.select %lt3A_1666, %and3A_1676, %jit3A_1677 : i32
      %get3A_1679 = arith.index_cast %add3A_1674 : i32 to index
      %get3A_1680 = tpu.vector_load %arg7[%get3A_1679] {strides = array<i32>} : memref<32768xf32, #tpu.memory_space<vmem>>, vector<16xf32>,
      %get3A_1681 = vector.shape_cast %get3A_1680 : vector<16xf32> to vector<16xf32>
      %eq3A_1682 = vector.broadcast %select_n3A_1678 : i32 to vector<16xi32>
      %eq3A_1683 = arith.cmpi eq, %iota3A, %eq3A_1682 : vector<16xi32>
      %broadcast_in_dim3A_1684 = vector.broadcast %squeeze3A_1664 : f32 to vector<16xf32>
      %select_n3A_1685 = arith.select %eq3A_1683, %broadcast_in_dim3A_1684, %get3A_1681 : vector<16xi1>, vector<16xf32>
      %swap3A_1686 = arith.index_cast %add3A_1674 : i32 to index
      %swap3A_1687 = tpu.vector_load %arg7[%swap3A_1686] {strides = array<i32>} : memref<32768xf32, #tpu.memory_space<vmem>>, vector<16xf32>,
      %swap3A_1688 = vector.shape_cast %swap3A_1687 : vector<16xf32> to vector<16xf32>
      %swap3A_1689 = vector.shape_cast %select_n3A_1685 : vector<16xf32> to vector<16xf32>
      tpu.vector_store %arg7[%swap3A_1686], %swap3A_1689 {strides = array<i32>} : memref<32768xf32, #tpu.memory_space<vmem>>, vector<16xf32>,
      %slice3A_1690 = vector.extract_strided_slice %get3A_1450 {offsets = [8], sizes = [1], strides = [1]} : vector<16xi32> to vector<1xi32>
      %squeeze3A_1691 = vector.extract %slice3A_1690[0] : i32 from vector<1xi32>
      %slice3A_1692 = vector.extract_strided_slice %get3A_1457 {offsets = [8], sizes = [1], strides = [1]} : vector<16xf32> to vector<1xf32>
      %squeeze3A_1693 = vector.extract %slice3A_1692[0] : f32 from vector<1xf32>
      %lt3A_1694 = arith.constant 512 : i32
      %lt3A_1695 = arith.cmpi slt, %squeeze3A_1691, %lt3A_1694 : i32
      %jit3A_1696 = arith.constant 0 : i32
      %select_n3A_1697 = arith.select %lt3A_1695, %squeeze3A_1691, %jit3A_1696 : i32
      %shift_right_arithmetic3A_1698 = arith.constant 4 : i32
      %shift_right_arithmetic3A_1699 = arith.shrsi %select_n3A_1697, %shift_right_arithmetic3A_1698 : i32
      %shift_left3A_1700 = arith.constant 4 : i32
      %shift_left3A_1701 = arith.shli %shift_right_arithmetic3A_1699, %shift_left3A_1700 : i32
      %add3A_1702 = arith.constant 28672 : i32
      %add3A_1703 = arith.addi %add3A_1702, %shift_left3A_1701 : i32
      %and3A_1704 = arith.constant 15 : i32
      %and3A_1705 = arith.andi %select_n3A_1697, %and3A_1704 : i32
      %jit3A_1706 = arith.constant 16 : i32
      %select_n3A_1707 = arith.select %lt3A_1695, %and3A_1705, %jit3A_1706 : i32
      %get3A_1708 = arith.index_cast %add3A_1703 : i32 to index
      %get3A_1709 = tpu.vector_load %arg7[%get3A_1708] {strides = array<i32>} : memref<32768xf32, #tpu.memory_space<vmem>>, vector<16xf32>,
      %get3A_1710 = vector.shape_cast %get3A_1709 : vector<16xf32> to vector<16xf32>
      %eq3A_1711 = vector.broadcast %select_n3A_1707 : i32 to vector<16xi32>
      %eq3A_1712 = arith.cmpi eq, %iota3A, %eq3A_1711 : vector<16xi32>
      %broadcast_in_dim3A_1713 = vector.broadcast %squeeze3A_1693 : f32 to vector<16xf32>
      %select_n3A_1714 = arith.select %eq3A_1712, %broadcast_in_dim3A_1713, %get3A_1710 : vector<16xi1>, vector<16xf32>
      %swap3A_1715 = arith.index_cast %add3A_1703 : i32 to index
      %swap3A_1716 = tpu.vector_load %arg7[%swap3A_1715] {strides = array<i32>} : memref<32768xf32, #tpu.memory_space<vmem>>, vector<16xf32>,
      %swap3A_1717 = vector.shape_cast %swap3A_1716 : vector<16xf32> to vector<16xf32>
      %swap3A_1718 = vector.shape_cast %select_n3A_1714 : vector<16xf32> to vector<16xf32>
      tpu.vector_store %arg7[%swap3A_1715], %swap3A_1718 {strides = array<i32>} : memref<32768xf32, #tpu.memory_space<vmem>>, vector<16xf32>,
      %slice3A_1719 = vector.extract_strided_slice %get3A_1450 {offsets = [9], sizes = [1], strides = [1]} : vector<16xi32> to vector<1xi32>
      %squeeze3A_1720 = vector.extract %slice3A_1719[0] : i32 from vector<1xi32>
      %slice3A_1721 = vector.extract_strided_slice %get3A_1457 {offsets = [9], sizes = [1], strides = [1]} : vector<16xf32> to vector<1xf32>
      %squeeze3A_1722 = vector.extract %slice3A_1721[0] : f32 from vector<1xf32>
      %lt3A_1723 = arith.constant 512 : i32
      %lt3A_1724 = arith.cmpi slt, %squeeze3A_1720, %lt3A_1723 : i32
      %jit3A_1725 = arith.constant 0 : i32
      %select_n3A_1726 = arith.select %lt3A_1724, %squeeze3A_1720, %jit3A_1725 : i32
      %shift_right_arithmetic3A_1727 = arith.constant 4 : i32
      %shift_right_arithmetic3A_1728 = arith.shrsi %select_n3A_1726, %shift_right_arithmetic3A_1727 : i32
      %shift_left3A_1729 = arith.constant 4 : i32
      %shift_left3A_1730 = arith.shli %shift_right_arithmetic3A_1728, %shift_left3A_1729 : i32
      %add3A_1731 = arith.constant 29184 : i32
      %add3A_1732 = arith.addi %add3A_1731, %shift_left3A_1730 : i32
      %and3A_1733 = arith.constant 15 : i32
      %and3A_1734 = arith.andi %select_n3A_1726, %and3A_1733 : i32
      %jit3A_1735 = arith.constant 16 : i32
      %select_n3A_1736 = arith.select %lt3A_1724, %and3A_1734, %jit3A_1735 : i32
      %get3A_1737 = arith.index_cast %add3A_1732 : i32 to index
      %get3A_1738 = tpu.vector_load %arg7[%get3A_1737] {strides = array<i32>} : memref<32768xf32, #tpu.memory_space<vmem>>, vector<16xf32>,
      %get3A_1739 = vector.shape_cast %get3A_1738 : vector<16xf32> to vector<16xf32>
      %eq3A_1740 = vector.broadcast %select_n3A_1736 : i32 to vector<16xi32>
      %eq3A_1741 = arith.cmpi eq, %iota3A, %eq3A_1740 : vector<16xi32>
      %broadcast_in_dim3A_1742 = vector.broadcast %squeeze3A_1722 : f32 to vector<16xf32>
      %select_n3A_1743 = arith.select %eq3A_1741, %broadcast_in_dim3A_1742, %get3A_1739 : vector<16xi1>, vector<16xf32>
      %swap3A_1744 = arith.index_cast %add3A_1732 : i32 to index
      %swap3A_1745 = tpu.vector_load %arg7[%swap3A_1744] {strides = array<i32>} : memref<32768xf32, #tpu.memory_space<vmem>>, vector<16xf32>,
      %swap3A_1746 = vector.shape_cast %swap3A_1745 : vector<16xf32> to vector<16xf32>
      %swap3A_1747 = vector.shape_cast %select_n3A_1743 : vector<16xf32> to vector<16xf32>
      tpu.vector_store %arg7[%swap3A_1744], %swap3A_1747 {strides = array<i32>} : memref<32768xf32, #tpu.memory_space<vmem>>, vector<16xf32>,
      %slice3A_1748 = vector.extract_strided_slice %get3A_1450 {offsets = [10], sizes = [1], strides = [1]} : vector<16xi32> to vector<1xi32>
      %squeeze3A_1749 = vector.extract %slice3A_1748[0] : i32 from vector<1xi32>
      %slice3A_1750 = vector.extract_strided_slice %get3A_1457 {offsets = [10], sizes = [1], strides = [1]} : vector<16xf32> to vector<1xf32>
      %squeeze3A_1751 = vector.extract %slice3A_1750[0] : f32 from vector<1xf32>
      %lt3A_1752 = arith.constant 512 : i32
      %lt3A_1753 = arith.cmpi slt, %squeeze3A_1749, %lt3A_1752 : i32
      %jit3A_1754 = arith.constant 0 : i32
      %select_n3A_1755 = arith.select %lt3A_1753, %squeeze3A_1749, %jit3A_1754 : i32
      %shift_right_arithmetic3A_1756 = arith.constant 4 : i32
      %shift_right_arithmetic3A_1757 = arith.shrsi %select_n3A_1755, %shift_right_arithmetic3A_1756 : i32
      %shift_left3A_1758 = arith.constant 4 : i32
      %shift_left3A_1759 = arith.shli %shift_right_arithmetic3A_1757, %shift_left3A_1758 : i32
      %add3A_1760 = arith.constant 29696 : i32
      %add3A_1761 = arith.addi %add3A_1760, %shift_left3A_1759 : i32
      %and3A_1762 = arith.constant 15 : i32
      %and3A_1763 = arith.andi %select_n3A_1755, %and3A_1762 : i32
      %jit3A_1764 = arith.constant 16 : i32
      %select_n3A_1765 = arith.select %lt3A_1753, %and3A_1763, %jit3A_1764 : i32
      %get3A_1766 = arith.index_cast %add3A_1761 : i32 to index
      %get3A_1767 = tpu.vector_load %arg7[%get3A_1766] {strides = array<i32>} : memref<32768xf32, #tpu.memory_space<vmem>>, vector<16xf32>,
      %get3A_1768 = vector.shape_cast %get3A_1767 : vector<16xf32> to vector<16xf32>
      %eq3A_1769 = vector.broadcast %select_n3A_1765 : i32 to vector<16xi32>
      %eq3A_1770 = arith.cmpi eq, %iota3A, %eq3A_1769 : vector<16xi32>
      %broadcast_in_dim3A_1771 = vector.broadcast %squeeze3A_1751 : f32 to vector<16xf32>
      %select_n3A_1772 = arith.select %eq3A_1770, %broadcast_in_dim3A_1771, %get3A_1768 : vector<16xi1>, vector<16xf32>
      %swap3A_1773 = arith.index_cast %add3A_1761 : i32 to index
      %swap3A_1774 = tpu.vector_load %arg7[%swap3A_1773] {strides = array<i32>} : memref<32768xf32, #tpu.memory_space<vmem>>, vector<16xf32>,
      %swap3A_1775 = vector.shape_cast %swap3A_1774 : vector<16xf32> to vector<16xf32>
      %swap3A_1776 = vector.shape_cast %select_n3A_1772 : vector<16xf32> to vector<16xf32>
      tpu.vector_store %arg7[%swap3A_1773], %swap3A_1776 {strides = array<i32>} : memref<32768xf32, #tpu.memory_space<vmem>>, vector<16xf32>,
      %slice3A_1777 = vector.extract_strided_slice %get3A_1450 {offsets = [11], sizes = [1], strides = [1]} : vector<16xi32> to vector<1xi32>
      %squeeze3A_1778 = vector.extract %slice3A_1777[0] : i32 from vector<1xi32>
      %slice3A_1779 = vector.extract_strided_slice %get3A_1457 {offsets = [11], sizes = [1], strides = [1]} : vector<16xf32> to vector<1xf32>
      %squeeze3A_1780 = vector.extract %slice3A_1779[0] : f32 from vector<1xf32>
      %lt3A_1781 = arith.constant 512 : i32
      %lt3A_1782 = arith.cmpi slt, %squeeze3A_1778, %lt3A_1781 : i32
      %jit3A_1783 = arith.constant 0 : i32
      %select_n3A_1784 = arith.select %lt3A_1782, %squeeze3A_1778, %jit3A_1783 : i32
      %shift_right_arithmetic3A_1785 = arith.constant 4 : i32
      %shift_right_arithmetic3A_1786 = arith.shrsi %select_n3A_1784, %shift_right_arithmetic3A_1785 : i32
      %shift_left3A_1787 = arith.constant 4 : i32
      %shift_left3A_1788 = arith.shli %shift_right_arithmetic3A_1786, %shift_left3A_1787 : i32
      %add3A_1789 = arith.constant 30208 : i32
      %add3A_1790 = arith.addi %add3A_1789, %shift_left3A_1788 : i32
      %and3A_1791 = arith.constant 15 : i32
      %and3A_1792 = arith.andi %select_n3A_1784, %and3A_1791 : i32
      %jit3A_1793 = arith.constant 16 : i32
      %select_n3A_1794 = arith.select %lt3A_1782, %and3A_1792, %jit3A_1793 : i32
      %get3A_1795 = arith.index_cast %add3A_1790 : i32 to index
      %get3A_1796 = tpu.vector_load %arg7[%get3A_1795] {strides = array<i32>} : memref<32768xf32, #tpu.memory_space<vmem>>, vector<16xf32>,
      %get3A_1797 = vector.shape_cast %get3A_1796 : vector<16xf32> to vector<16xf32>
      %eq3A_1798 = vector.broadcast %select_n3A_1794 : i32 to vector<16xi32>
      %eq3A_1799 = arith.cmpi eq, %iota3A, %eq3A_1798 : vector<16xi32>
      %broadcast_in_dim3A_1800 = vector.broadcast %squeeze3A_1780 : f32 to vector<16xf32>
      %select_n3A_1801 = arith.select %eq3A_1799, %broadcast_in_dim3A_1800, %get3A_1797 : vector<16xi1>, vector<16xf32>
      %swap3A_1802 = arith.index_cast %add3A_1790 : i32 to index
      %swap3A_1803 = tpu.vector_load %arg7[%swap3A_1802] {strides = array<i32>} : memref<32768xf32, #tpu.memory_space<vmem>>, vector<16xf32>,
      %swap3A_1804 = vector.shape_cast %swap3A_1803 : vector<16xf32> to vector<16xf32>
      %swap3A_1805 = vector.shape_cast %select_n3A_1801 : vector<16xf32> to vector<16xf32>
      tpu.vector_store %arg7[%swap3A_1802], %swap3A_1805 {strides = array<i32>} : memref<32768xf32, #tpu.memory_space<vmem>>, vector<16xf32>,
      %slice3A_1806 = vector.extract_strided_slice %get3A_1450 {offsets = [12], sizes = [1], strides = [1]} : vector<16xi32> to vector<1xi32>
      %squeeze3A_1807 = vector.extract %slice3A_1806[0] : i32 from vector<1xi32>
      %slice3A_1808 = vector.extract_strided_slice %get3A_1457 {offsets = [12], sizes = [1], strides = [1]} : vector<16xf32> to vector<1xf32>
      %squeeze3A_1809 = vector.extract %slice3A_1808[0] : f32 from vector<1xf32>
      %lt3A_1810 = arith.constant 512 : i32
      %lt3A_1811 = arith.cmpi slt, %squeeze3A_1807, %lt3A_1810 : i32
      %jit3A_1812 = arith.constant 0 : i32
      %select_n3A_1813 = arith.select %lt3A_1811, %squeeze3A_1807, %jit3A_1812 : i32
      %shift_right_arithmetic3A_1814 = arith.constant 4 : i32
      %shift_right_arithmetic3A_1815 = arith.shrsi %select_n3A_1813, %shift_right_arithmetic3A_1814 : i32
      %shift_left3A_1816 = arith.constant 4 : i32
      %shift_left3A_1817 = arith.shli %shift_right_arithmetic3A_1815, %shift_left3A_1816 : i32
      %add3A_1818 = arith.constant 30720 : i32
      %add3A_1819 = arith.addi %add3A_1818, %shift_left3A_1817 : i32
      %and3A_1820 = arith.constant 15 : i32
      %and3A_1821 = arith.andi %select_n3A_1813, %and3A_1820 : i32
      %jit3A_1822 = arith.constant 16 : i32
      %select_n3A_1823 = arith.select %lt3A_1811, %and3A_1821, %jit3A_1822 : i32
      %get3A_1824 = arith.index_cast %add3A_1819 : i32 to index
      %get3A_1825 = tpu.vector_load %arg7[%get3A_1824] {strides = array<i32>} : memref<32768xf32, #tpu.memory_space<vmem>>, vector<16xf32>,
      %get3A_1826 = vector.shape_cast %get3A_1825 : vector<16xf32> to vector<16xf32>
      %eq3A_1827 = vector.broadcast %select_n3A_1823 : i32 to vector<16xi32>
      %eq3A_1828 = arith.cmpi eq, %iota3A, %eq3A_1827 : vector<16xi32>
      %broadcast_in_dim3A_1829 = vector.broadcast %squeeze3A_1809 : f32 to vector<16xf32>
      %select_n3A_1830 = arith.select %eq3A_1828, %broadcast_in_dim3A_1829, %get3A_1826 : vector<16xi1>, vector<16xf32>
      %swap3A_1831 = arith.index_cast %add3A_1819 : i32 to index
      %swap3A_1832 = tpu.vector_load %arg7[%swap3A_1831] {strides = array<i32>} : memref<32768xf32, #tpu.memory_space<vmem>>, vector<16xf32>,
      %swap3A_1833 = vector.shape_cast %swap3A_1832 : vector<16xf32> to vector<16xf32>
      %swap3A_1834 = vector.shape_cast %select_n3A_1830 : vector<16xf32> to vector<16xf32>
      tpu.vector_store %arg7[%swap3A_1831], %swap3A_1834 {strides = array<i32>} : memref<32768xf32, #tpu.memory_space<vmem>>, vector<16xf32>,
      %slice3A_1835 = vector.extract_strided_slice %get3A_1450 {offsets = [13], sizes = [1], strides = [1]} : vector<16xi32> to vector<1xi32>
      %squeeze3A_1836 = vector.extract %slice3A_1835[0] : i32 from vector<1xi32>
      %slice3A_1837 = vector.extract_strided_slice %get3A_1457 {offsets = [13], sizes = [1], strides = [1]} : vector<16xf32> to vector<1xf32>
      %squeeze3A_1838 = vector.extract %slice3A_1837[0] : f32 from vector<1xf32>
      %lt3A_1839 = arith.constant 512 : i32
      %lt3A_1840 = arith.cmpi slt, %squeeze3A_1836, %lt3A_1839 : i32
      %jit3A_1841 = arith.constant 0 : i32
      %select_n3A_1842 = arith.select %lt3A_1840, %squeeze3A_1836, %jit3A_1841 : i32
      %shift_right_arithmetic3A_1843 = arith.constant 4 : i32
      %shift_right_arithmetic3A_1844 = arith.shrsi %select_n3A_1842, %shift_right_arithmetic3A_1843 : i32
      %shift_left3A_1845 = arith.constant 4 : i32
      %shift_left3A_1846 = arith.shli %shift_right_arithmetic3A_1844, %shift_left3A_1845 : i32
      %add3A_1847 = arith.constant 31232 : i32
      %add3A_1848 = arith.addi %add3A_1847, %shift_left3A_1846 : i32
      %and3A_1849 = arith.constant 15 : i32
      %and3A_1850 = arith.andi %select_n3A_1842, %and3A_1849 : i32
      %jit3A_1851 = arith.constant 16 : i32
      %select_n3A_1852 = arith.select %lt3A_1840, %and3A_1850, %jit3A_1851 : i32
      %get3A_1853 = arith.index_cast %add3A_1848 : i32 to index
      %get3A_1854 = tpu.vector_load %arg7[%get3A_1853] {strides = array<i32>} : memref<32768xf32, #tpu.memory_space<vmem>>, vector<16xf32>,
      %get3A_1855 = vector.shape_cast %get3A_1854 : vector<16xf32> to vector<16xf32>
      %eq3A_1856 = vector.broadcast %select_n3A_1852 : i32 to vector<16xi32>
      %eq3A_1857 = arith.cmpi eq, %iota3A, %eq3A_1856 : vector<16xi32>
      %broadcast_in_dim3A_1858 = vector.broadcast %squeeze3A_1838 : f32 to vector<16xf32>
      %select_n3A_1859 = arith.select %eq3A_1857, %broadcast_in_dim3A_1858, %get3A_1855 : vector<16xi1>, vector<16xf32>
      %swap3A_1860 = arith.index_cast %add3A_1848 : i32 to index
      %swap3A_1861 = tpu.vector_load %arg7[%swap3A_1860] {strides = array<i32>} : memref<32768xf32, #tpu.memory_space<vmem>>, vector<16xf32>,
      %swap3A_1862 = vector.shape_cast %swap3A_1861 : vector<16xf32> to vector<16xf32>
      %swap3A_1863 = vector.shape_cast %select_n3A_1859 : vector<16xf32> to vector<16xf32>
      tpu.vector_store %arg7[%swap3A_1860], %swap3A_1863 {strides = array<i32>} : memref<32768xf32, #tpu.memory_space<vmem>>, vector<16xf32>,
      %slice3A_1864 = vector.extract_strided_slice %get3A_1450 {offsets = [14], sizes = [1], strides = [1]} : vector<16xi32> to vector<1xi32>
      %squeeze3A_1865 = vector.extract %slice3A_1864[0] : i32 from vector<1xi32>
      %slice3A_1866 = vector.extract_strided_slice %get3A_1457 {offsets = [14], sizes = [1], strides = [1]} : vector<16xf32> to vector<1xf32>
      %squeeze3A_1867 = vector.extract %slice3A_1866[0] : f32 from vector<1xf32>
      %lt3A_1868 = arith.constant 512 : i32
      %lt3A_1869 = arith.cmpi slt, %squeeze3A_1865, %lt3A_1868 : i32
      %jit3A_1870 = arith.constant 0 : i32
      %select_n3A_1871 = arith.select %lt3A_1869, %squeeze3A_1865, %jit3A_1870 : i32
      %shift_right_arithmetic3A_1872 = arith.constant 4 : i32
      %shift_right_arithmetic3A_1873 = arith.shrsi %select_n3A_1871, %shift_right_arithmetic3A_1872 : i32
      %shift_left3A_1874 = arith.constant 4 : i32
      %shift_left3A_1875 = arith.shli %shift_right_arithmetic3A_1873, %shift_left3A_1874 : i32
      %add3A_1876 = arith.constant 31744 : i32
      %add3A_1877 = arith.addi %add3A_1876, %shift_left3A_1875 : i32
      %and3A_1878 = arith.constant 15 : i32
      %and3A_1879 = arith.andi %select_n3A_1871, %and3A_1878 : i32
      %jit3A_1880 = arith.constant 16 : i32
      %select_n3A_1881 = arith.select %lt3A_1869, %and3A_1879, %jit3A_1880 : i32
      %get3A_1882 = arith.index_cast %add3A_1877 : i32 to index
      %get3A_1883 = tpu.vector_load %arg7[%get3A_1882] {strides = array<i32>} : memref<32768xf32, #tpu.memory_space<vmem>>, vector<16xf32>,
      %get3A_1884 = vector.shape_cast %get3A_1883 : vector<16xf32> to vector<16xf32>
      %eq3A_1885 = vector.broadcast %select_n3A_1881 : i32 to vector<16xi32>
      %eq3A_1886 = arith.cmpi eq, %iota3A, %eq3A_1885 : vector<16xi32>
      %broadcast_in_dim3A_1887 = vector.broadcast %squeeze3A_1867 : f32 to vector<16xf32>
      %select_n3A_1888 = arith.select %eq3A_1886, %broadcast_in_dim3A_1887, %get3A_1884 : vector<16xi1>, vector<16xf32>
      %swap3A_1889 = arith.index_cast %add3A_1877 : i32 to index
      %swap3A_1890 = tpu.vector_load %arg7[%swap3A_1889] {strides = array<i32>} : memref<32768xf32, #tpu.memory_space<vmem>>, vector<16xf32>,
      %swap3A_1891 = vector.shape_cast %swap3A_1890 : vector<16xf32> to vector<16xf32>
      %swap3A_1892 = vector.shape_cast %select_n3A_1888 : vector<16xf32> to vector<16xf32>
      tpu.vector_store %arg7[%swap3A_1889], %swap3A_1892 {strides = array<i32>} : memref<32768xf32, #tpu.memory_space<vmem>>, vector<16xf32>,
      %slice3A_1893 = vector.extract_strided_slice %get3A_1450 {offsets = [15], sizes = [1], strides = [1]} : vector<16xi32> to vector<1xi32>
      %squeeze3A_1894 = vector.extract %slice3A_1893[0] : i32 from vector<1xi32>
      %slice3A_1895 = vector.extract_strided_slice %get3A_1457 {offsets = [15], sizes = [1], strides = [1]} : vector<16xf32> to vector<1xf32>
      %squeeze3A_1896 = vector.extract %slice3A_1895[0] : f32 from vector<1xf32>
      %lt3A_1897 = arith.constant 512 : i32
      %lt3A_1898 = arith.cmpi slt, %squeeze3A_1894, %lt3A_1897 : i32
      %jit3A_1899 = arith.constant 0 : i32
      %select_n3A_1900 = arith.select %lt3A_1898, %squeeze3A_1894, %jit3A_1899 : i32
      %shift_right_arithmetic3A_1901 = arith.constant 4 : i32
      %shift_right_arithmetic3A_1902 = arith.shrsi %select_n3A_1900, %shift_right_arithmetic3A_1901 : i32
      %shift_left3A_1903 = arith.constant 4 : i32
      %shift_left3A_1904 = arith.shli %shift_right_arithmetic3A_1902, %shift_left3A_1903 : i32
      %add3A_1905 = arith.constant 32256 : i32
      %add3A_1906 = arith.addi %add3A_1905, %shift_left3A_1904 : i32
      %and3A_1907 = arith.constant 15 : i32
      %and3A_1908 = arith.andi %select_n3A_1900, %and3A_1907 : i32
      %jit3A_1909 = arith.constant 16 : i32
      %select_n3A_1910 = arith.select %lt3A_1898, %and3A_1908, %jit3A_1909 : i32
      %get3A_1911 = arith.index_cast %add3A_1906 : i32 to index
      %get3A_1912 = tpu.vector_load %arg7[%get3A_1911] {strides = array<i32>} : memref<32768xf32, #tpu.memory_space<vmem>>, vector<16xf32>,
      %get3A_1913 = vector.shape_cast %get3A_1912 : vector<16xf32> to vector<16xf32>
      %eq3A_1914 = vector.broadcast %select_n3A_1910 : i32 to vector<16xi32>
      %eq3A_1915 = arith.cmpi eq, %iota3A, %eq3A_1914 : vector<16xi32>
      %broadcast_in_dim3A_1916 = vector.broadcast %squeeze3A_1896 : f32 to vector<16xf32>
      %select_n3A_1917 = arith.select %eq3A_1915, %broadcast_in_dim3A_1916, %get3A_1913 : vector<16xi1>, vector<16xf32>
      %swap3A_1918 = arith.index_cast %add3A_1906 : i32 to index
      %swap3A_1919 = tpu.vector_load %arg7[%swap3A_1918] {strides = array<i32>} : memref<32768xf32, #tpu.memory_space<vmem>>, vector<16xf32>,
      %swap3A_1920 = vector.shape_cast %swap3A_1919 : vector<16xf32> to vector<16xf32>
      %swap3A_1921 = vector.shape_cast %select_n3A_1917 : vector<16xf32> to vector<16xf32>
      tpu.vector_store %arg7[%swap3A_1918], %swap3A_1921 {strides = array<i32>} : memref<32768xf32, #tpu.memory_space<vmem>>, vector<16xf32>,
      %mul3A_1922 = arith.constant 8 : i32
      %mul3A_1923 = arith.muli %scan3A_19, %mul3A_1922 : i32
      %add3A_1924 = arith.addi %mul3A_4, %mul3A_1923 : i32
      %mul3A_1925 = arith.constant 4096 : i32
      %mul3A_1926 = arith.muli %add3A_1924, %mul3A_1925 : i32
      "tpu.region"() ({
        %run_scoped3A = tpu.sem_alloc : memref<!tpu.dma_semaphore, #tpu.memory_space<semaphore_mem>>
        %dma_start3A = tpu.memref_slice %arg4[%mul3A_1926] : memref<16777216xf32, #tpu.memory_space<hbm>> -> memref<32768xf32, #tpu.memory_space<hbm>>
        %dma_start3A_3904 = tpu.memref_slice %arg4[%mul3A_1926] : memref<16777216xf32, #tpu.memory_space<hbm>> -> memref<32768xf32, #tpu.memory_space<hbm>>
        tpu.enqueue_dma source(%arg7 : memref<32768xf32, #tpu.memory_space<vmem>>) target(%dma_start3A_3904 : memref<32768xf32, #tpu.memory_space<hbm>>) target_semaphore(%run_scoped3A : memref<!tpu.dma_semaphore, #tpu.memory_space<semaphore_mem>>)
        %dma_wait3A = tpu.memref_slice %arg4[%mul3A_1926] : memref<16777216xf32, #tpu.memory_space<hbm>> -> memref<32768xf32, #tpu.memory_space<hbm>>
        %dma_wait3A_3905 = tpu.memref_slice %arg4[%mul3A_1926] : memref<16777216xf32, #tpu.memory_space<hbm>> -> memref<32768xf32, #tpu.memory_space<hbm>>
        tpu.wait_dma2 semaphore(%run_scoped3A : memref<!tpu.dma_semaphore, #tpu.memory_space<semaphore_mem>>) src(%arg7 : memref<32768xf32, #tpu.memory_space<vmem>>) dst(%dma_wait3A_3905 : memref<32768xf32, #tpu.memory_space<hbm>>)
        tpu.yield
      }) : () -> ()
      %mul3A_1927 = arith.constant 64 : i32
      %mul3A_1928 = arith.muli %scan3A_19, %mul3A_1927 : i32
      %add3A_1929 = arith.constant 0 : i32
      %add3A_1930 = arith.addi %mul3A_1928, %add3A_1929 : i32
      %get3A_1931 = arith.index_cast %add3A_1930 : i32 to index
      %get3A_1932 = tpu.vector_load %arg5[%get3A_1931] {strides = array<i32>} : memref<1024xi32, #tpu.memory_space<vmem>>, vector<16xi32>,
      %get3A_1933 = vector.shape_cast %get3A_1932 : vector<16xi32> to vector<16xi32>
      %mul3A_1934 = arith.constant 64 : i32
      %mul3A_1935 = arith.muli %scan3A_19, %mul3A_1934 : i32
      %add3A_1936 = arith.constant 0 : i32
      %add3A_1937 = arith.addi %mul3A_1935, %add3A_1936 : i32
      %get3A_1938 = arith.index_cast %add3A_1937 : i32 to index
      %get3A_1939 = tpu.vector_load %arg6[%get3A_1938] {strides = array<i32>} : memref<1024xf32, #tpu.memory_space<vmem>>, vector<16xf32>,
      %get3A_1940 = vector.shape_cast %get3A_1939 : vector<16xf32> to vector<16xf32>
      %slice3A_1941 = vector.extract_strided_slice %get3A_1933 {offsets = [0], sizes = [1], strides = [1]} : vector<16xi32> to vector<1xi32>
      %squeeze3A_1942 = vector.extract %slice3A_1941[0] : i32 from vector<1xi32>
      %slice3A_1943 = vector.extract_strided_slice %get3A_1940 {offsets = [0], sizes = [1], strides = [1]} : vector<16xf32> to vector<1xf32>
      %squeeze3A_1944 = vector.extract %slice3A_1943[0] : f32 from vector<1xf32>
      %lt3A_1945 = arith.constant 512 : i32
      %lt3A_1946 = arith.cmpi slt, %squeeze3A_1942, %lt3A_1945 : i32
      %jit3A_1947 = arith.constant 0 : i32
      %select_n3A_1948 = arith.select %lt3A_1946, %squeeze3A_1942, %jit3A_1947 : i32
      %shift_right_arithmetic3A_1949 = arith.constant 4 : i32
      %shift_right_arithmetic3A_1950 = arith.shrsi %select_n3A_1948, %shift_right_arithmetic3A_1949 : i32
      %shift_left3A_1951 = arith.constant 4 : i32
      %shift_left3A_1952 = arith.shli %shift_right_arithmetic3A_1950, %shift_left3A_1951 : i32
      %add3A_1953 = arith.constant 0 : i32
      %add3A_1954 = arith.addi %add3A_1953, %shift_left3A_1952 : i32
      %and3A_1955 = arith.constant 15 : i32
      %and3A_1956 = arith.andi %select_n3A_1948, %and3A_1955 : i32
      %jit3A_1957 = arith.constant 16 : i32
      %select_n3A_1958 = arith.select %lt3A_1946, %and3A_1956, %jit3A_1957 : i32
      %get3A_1959 = arith.index_cast %add3A_1954 : i32 to index
      %get3A_1960 = tpu.vector_load %arg7[%get3A_1959] {strides = array<i32>} : memref<32768xf32, #tpu.memory_space<vmem>>, vector<16xf32>,
      %get3A_1961 = vector.shape_cast %get3A_1960 : vector<16xf32> to vector<16xf32>
      %eq3A_1962 = vector.broadcast %select_n3A_1958 : i32 to vector<16xi32>
      %eq3A_1963 = arith.cmpi eq, %iota3A, %eq3A_1962 : vector<16xi32>
      %broadcast_in_dim3A_1964 = arith.constant 0.000000e+00 : f32
      %broadcast_in_dim3A_1965 = vector.broadcast %broadcast_in_dim3A_1964 : f32 to vector<16xf32>
      %select_n3A_1966 = arith.select %eq3A_1963, %broadcast_in_dim3A_1965, %get3A_1961 : vector<16xi1>, vector<16xf32>
      %swap3A_1967 = arith.index_cast %add3A_1954 : i32 to index
      %swap3A_1968 = tpu.vector_load %arg7[%swap3A_1967] {strides = array<i32>} : memref<32768xf32, #tpu.memory_space<vmem>>, vector<16xf32>,
      %swap3A_1969 = vector.shape_cast %swap3A_1968 : vector<16xf32> to vector<16xf32>
      %swap3A_1970 = vector.shape_cast %select_n3A_1966 : vector<16xf32> to vector<16xf32>
      tpu.vector_store %arg7[%swap3A_1967], %swap3A_1970 {strides = array<i32>} : memref<32768xf32, #tpu.memory_space<vmem>>, vector<16xf32>,
      %slice3A_1971 = vector.extract_strided_slice %get3A_1933 {offsets = [1], sizes = [1], strides = [1]} : vector<16xi32> to vector<1xi32>
      %squeeze3A_1972 = vector.extract %slice3A_1971[0] : i32 from vector<1xi32>
      %slice3A_1973 = vector.extract_strided_slice %get3A_1940 {offsets = [1], sizes = [1], strides = [1]} : vector<16xf32> to vector<1xf32>
      %squeeze3A_1974 = vector.extract %slice3A_1973[0] : f32 from vector<1xf32>
      %lt3A_1975 = arith.constant 512 : i32
      %lt3A_1976 = arith.cmpi slt, %squeeze3A_1972, %lt3A_1975 : i32
      %jit3A_1977 = arith.constant 0 : i32
      %select_n3A_1978 = arith.select %lt3A_1976, %squeeze3A_1972, %jit3A_1977 : i32
      %shift_right_arithmetic3A_1979 = arith.constant 4 : i32
      %shift_right_arithmetic3A_1980 = arith.shrsi %select_n3A_1978, %shift_right_arithmetic3A_1979 : i32
      %shift_left3A_1981 = arith.constant 4 : i32
      %shift_left3A_1982 = arith.shli %shift_right_arithmetic3A_1980, %shift_left3A_1981 : i32
      %add3A_1983 = arith.constant 512 : i32
      %add3A_1984 = arith.addi %add3A_1983, %shift_left3A_1982 : i32
      %and3A_1985 = arith.constant 15 : i32
      %and3A_1986 = arith.andi %select_n3A_1978, %and3A_1985 : i32
      %jit3A_1987 = arith.constant 16 : i32
      %select_n3A_1988 = arith.select %lt3A_1976, %and3A_1986, %jit3A_1987 : i32
      %get3A_1989 = arith.index_cast %add3A_1984 : i32 to index
      %get3A_1990 = tpu.vector_load %arg7[%get3A_1989] {strides = array<i32>} : memref<32768xf32, #tpu.memory_space<vmem>>, vector<16xf32>,
      %get3A_1991 = vector.shape_cast %get3A_1990 : vector<16xf32> to vector<16xf32>
      %eq3A_1992 = vector.broadcast %select_n3A_1988 : i32 to vector<16xi32>
      %eq3A_1993 = arith.cmpi eq, %iota3A, %eq3A_1992 : vector<16xi32>
      %broadcast_in_dim3A_1994 = arith.constant 0.000000e+00 : f32
      %broadcast_in_dim3A_1995 = vector.broadcast %broadcast_in_dim3A_1994 : f32 to vector<16xf32>
      %select_n3A_1996 = arith.select %eq3A_1993, %broadcast_in_dim3A_1995, %get3A_1991 : vector<16xi1>, vector<16xf32>
      %swap3A_1997 = arith.index_cast %add3A_1984 : i32 to index
      %swap3A_1998 = tpu.vector_load %arg7[%swap3A_1997] {strides = array<i32>} : memref<32768xf32, #tpu.memory_space<vmem>>, vector<16xf32>,
      %swap3A_1999 = vector.shape_cast %swap3A_1998 : vector<16xf32> to vector<16xf32>
      %swap3A_2000 = vector.shape_cast %select_n3A_1996 : vector<16xf32> to vector<16xf32>
      tpu.vector_store %arg7[%swap3A_1997], %swap3A_2000 {strides = array<i32>} : memref<32768xf32, #tpu.memory_space<vmem>>, vector<16xf32>,
      %slice3A_2001 = vector.extract_strided_slice %get3A_1933 {offsets = [2], sizes = [1], strides = [1]} : vector<16xi32> to vector<1xi32>
      %squeeze3A_2002 = vector.extract %slice3A_2001[0] : i32 from vector<1xi32>
      %slice3A_2003 = vector.extract_strided_slice %get3A_1940 {offsets = [2], sizes = [1], strides = [1]} : vector<16xf32> to vector<1xf32>
      %squeeze3A_2004 = vector.extract %slice3A_2003[0] : f32 from vector<1xf32>
      %lt3A_2005 = arith.constant 512 : i32
      %lt3A_2006 = arith.cmpi slt, %squeeze3A_2002, %lt3A_2005 : i32
      %jit3A_2007 = arith.constant 0 : i32
      %select_n3A_2008 = arith.select %lt3A_2006, %squeeze3A_2002, %jit3A_2007 : i32
      %shift_right_arithmetic3A_2009 = arith.constant 4 : i32
      %shift_right_arithmetic3A_2010 = arith.shrsi %select_n3A_2008, %shift_right_arithmetic3A_2009 : i32
      %shift_left3A_2011 = arith.constant 4 : i32
      %shift_left3A_2012 = arith.shli %shift_right_arithmetic3A_2010, %shift_left3A_2011 : i32
      %add3A_2013 = arith.constant 1024 : i32
      %add3A_2014 = arith.addi %add3A_2013, %shift_left3A_2012 : i32
      %and3A_2015 = arith.constant 15 : i32
      %and3A_2016 = arith.andi %select_n3A_2008, %and3A_2015 : i32
      %jit3A_2017 = arith.constant 16 : i32
      %select_n3A_2018 = arith.select %lt3A_2006, %and3A_2016, %jit3A_2017 : i32
      %get3A_2019 = arith.index_cast %add3A_2014 : i32 to index
      %get3A_2020 = tpu.vector_load %arg7[%get3A_2019] {strides = array<i32>} : memref<32768xf32, #tpu.memory_space<vmem>>, vector<16xf32>,
      %get3A_2021 = vector.shape_cast %get3A_2020 : vector<16xf32> to vector<16xf32>
      %eq3A_2022 = vector.broadcast %select_n3A_2018 : i32 to vector<16xi32>
      %eq3A_2023 = arith.cmpi eq, %iota3A, %eq3A_2022 : vector<16xi32>
      %broadcast_in_dim3A_2024 = arith.constant 0.000000e+00 : f32
      %broadcast_in_dim3A_2025 = vector.broadcast %broadcast_in_dim3A_2024 : f32 to vector<16xf32>
      %select_n3A_2026 = arith.select %eq3A_2023, %broadcast_in_dim3A_2025, %get3A_2021 : vector<16xi1>, vector<16xf32>
      %swap3A_2027 = arith.index_cast %add3A_2014 : i32 to index
      %swap3A_2028 = tpu.vector_load %arg7[%swap3A_2027] {strides = array<i32>} : memref<32768xf32, #tpu.memory_space<vmem>>, vector<16xf32>,
      %swap3A_2029 = vector.shape_cast %swap3A_2028 : vector<16xf32> to vector<16xf32>
      %swap3A_2030 = vector.shape_cast %select_n3A_2026 : vector<16xf32> to vector<16xf32>
      tpu.vector_store %arg7[%swap3A_2027], %swap3A_2030 {strides = array<i32>} : memref<32768xf32, #tpu.memory_space<vmem>>, vector<16xf32>,
      %slice3A_2031 = vector.extract_strided_slice %get3A_1933 {offsets = [3], sizes = [1], strides = [1]} : vector<16xi32> to vector<1xi32>
      %squeeze3A_2032 = vector.extract %slice3A_2031[0] : i32 from vector<1xi32>
      %slice3A_2033 = vector.extract_strided_slice %get3A_1940 {offsets = [3], sizes = [1], strides = [1]} : vector<16xf32> to vector<1xf32>
      %squeeze3A_2034 = vector.extract %slice3A_2033[0] : f32 from vector<1xf32>
      %lt3A_2035 = arith.constant 512 : i32
      %lt3A_2036 = arith.cmpi slt, %squeeze3A_2032, %lt3A_2035 : i32
      %jit3A_2037 = arith.constant 0 : i32
      %select_n3A_2038 = arith.select %lt3A_2036, %squeeze3A_2032, %jit3A_2037 : i32
      %shift_right_arithmetic3A_2039 = arith.constant 4 : i32
      %shift_right_arithmetic3A_2040 = arith.shrsi %select_n3A_2038, %shift_right_arithmetic3A_2039 : i32
      %shift_left3A_2041 = arith.constant 4 : i32
      %shift_left3A_2042 = arith.shli %shift_right_arithmetic3A_2040, %shift_left3A_2041 : i32
      %add3A_2043 = arith.constant 1536 : i32
      %add3A_2044 = arith.addi %add3A_2043, %shift_left3A_2042 : i32
      %and3A_2045 = arith.constant 15 : i32
      %and3A_2046 = arith.andi %select_n3A_2038, %and3A_2045 : i32
      %jit3A_2047 = arith.constant 16 : i32
      %select_n3A_2048 = arith.select %lt3A_2036, %and3A_2046, %jit3A_2047 : i32
      %get3A_2049 = arith.index_cast %add3A_2044 : i32 to index
      %get3A_2050 = tpu.vector_load %arg7[%get3A_2049] {strides = array<i32>} : memref<32768xf32, #tpu.memory_space<vmem>>, vector<16xf32>,
      %get3A_2051 = vector.shape_cast %get3A_2050 : vector<16xf32> to vector<16xf32>
      %eq3A_2052 = vector.broadcast %select_n3A_2048 : i32 to vector<16xi32>
      %eq3A_2053 = arith.cmpi eq, %iota3A, %eq3A_2052 : vector<16xi32>
      %broadcast_in_dim3A_2054 = arith.constant 0.000000e+00 : f32
      %broadcast_in_dim3A_2055 = vector.broadcast %broadcast_in_dim3A_2054 : f32 to vector<16xf32>
      %select_n3A_2056 = arith.select %eq3A_2053, %broadcast_in_dim3A_2055, %get3A_2051 : vector<16xi1>, vector<16xf32>
      %swap3A_2057 = arith.index_cast %add3A_2044 : i32 to index
      %swap3A_2058 = tpu.vector_load %arg7[%swap3A_2057] {strides = array<i32>} : memref<32768xf32, #tpu.memory_space<vmem>>, vector<16xf32>,
      %swap3A_2059 = vector.shape_cast %swap3A_2058 : vector<16xf32> to vector<16xf32>
      %swap3A_2060 = vector.shape_cast %select_n3A_2056 : vector<16xf32> to vector<16xf32>
      tpu.vector_store %arg7[%swap3A_2057], %swap3A_2060 {strides = array<i32>} : memref<32768xf32, #tpu.memory_space<vmem>>, vector<16xf32>,
      %slice3A_2061 = vector.extract_strided_slice %get3A_1933 {offsets = [4], sizes = [1], strides = [1]} : vector<16xi32> to vector<1xi32>
      %squeeze3A_2062 = vector.extract %slice3A_2061[0] : i32 from vector<1xi32>
      %slice3A_2063 = vector.extract_strided_slice %get3A_1940 {offsets = [4], sizes = [1], strides = [1]} : vector<16xf32> to vector<1xf32>
      %squeeze3A_2064 = vector.extract %slice3A_2063[0] : f32 from vector<1xf32>
      %lt3A_2065 = arith.constant 512 : i32
      %lt3A_2066 = arith.cmpi slt, %squeeze3A_2062, %lt3A_2065 : i32
      %jit3A_2067 = arith.constant 0 : i32
      %select_n3A_2068 = arith.select %lt3A_2066, %squeeze3A_2062, %jit3A_2067 : i32
      %shift_right_arithmetic3A_2069 = arith.constant 4 : i32
      %shift_right_arithmetic3A_2070 = arith.shrsi %select_n3A_2068, %shift_right_arithmetic3A_2069 : i32
      %shift_left3A_2071 = arith.constant 4 : i32
      %shift_left3A_2072 = arith.shli %shift_right_arithmetic3A_2070, %shift_left3A_2071 : i32
      %add3A_2073 = arith.constant 2048 : i32
      %add3A_2074 = arith.addi %add3A_2073, %shift_left3A_2072 : i32
      %and3A_2075 = arith.constant 15 : i32
      %and3A_2076 = arith.andi %select_n3A_2068, %and3A_2075 : i32
      %jit3A_2077 = arith.constant 16 : i32
      %select_n3A_2078 = arith.select %lt3A_2066, %and3A_2076, %jit3A_2077 : i32
      %get3A_2079 = arith.index_cast %add3A_2074 : i32 to index
      %get3A_2080 = tpu.vector_load %arg7[%get3A_2079] {strides = array<i32>} : memref<32768xf32, #tpu.memory_space<vmem>>, vector<16xf32>,
      %get3A_2081 = vector.shape_cast %get3A_2080 : vector<16xf32> to vector<16xf32>
      %eq3A_2082 = vector.broadcast %select_n3A_2078 : i32 to vector<16xi32>
      %eq3A_2083 = arith.cmpi eq, %iota3A, %eq3A_2082 : vector<16xi32>
      %broadcast_in_dim3A_2084 = arith.constant 0.000000e+00 : f32
      %broadcast_in_dim3A_2085 = vector.broadcast %broadcast_in_dim3A_2084 : f32 to vector<16xf32>
      %select_n3A_2086 = arith.select %eq3A_2083, %broadcast_in_dim3A_2085, %get3A_2081 : vector<16xi1>, vector<16xf32>
      %swap3A_2087 = arith.index_cast %add3A_2074 : i32 to index
      %swap3A_2088 = tpu.vector_load %arg7[%swap3A_2087] {strides = array<i32>} : memref<32768xf32, #tpu.memory_space<vmem>>, vector<16xf32>,
      %swap3A_2089 = vector.shape_cast %swap3A_2088 : vector<16xf32> to vector<16xf32>
      %swap3A_2090 = vector.shape_cast %select_n3A_2086 : vector<16xf32> to vector<16xf32>
      tpu.vector_store %arg7[%swap3A_2087], %swap3A_2090 {strides = array<i32>} : memref<32768xf32, #tpu.memory_space<vmem>>, vector<16xf32>,
      %slice3A_2091 = vector.extract_strided_slice %get3A_1933 {offsets = [5], sizes = [1], strides = [1]} : vector<16xi32> to vector<1xi32>
      %squeeze3A_2092 = vector.extract %slice3A_2091[0] : i32 from vector<1xi32>
      %slice3A_2093 = vector.extract_strided_slice %get3A_1940 {offsets = [5], sizes = [1], strides = [1]} : vector<16xf32> to vector<1xf32>
      %squeeze3A_2094 = vector.extract %slice3A_2093[0] : f32 from vector<1xf32>
      %lt3A_2095 = arith.constant 512 : i32
      %lt3A_2096 = arith.cmpi slt, %squeeze3A_2092, %lt3A_2095 : i32
      %jit3A_2097 = arith.constant 0 : i32
      %select_n3A_2098 = arith.select %lt3A_2096, %squeeze3A_2092, %jit3A_2097 : i32
      %shift_right_arithmetic3A_2099 = arith.constant 4 : i32
      %shift_right_arithmetic3A_2100 = arith.shrsi %select_n3A_2098, %shift_right_arithmetic3A_2099 : i32
      %shift_left3A_2101 = arith.constant 4 : i32
      %shift_left3A_2102 = arith.shli %shift_right_arithmetic3A_2100, %shift_left3A_2101 : i32
      %add3A_2103 = arith.constant 2560 : i32
      %add3A_2104 = arith.addi %add3A_2103, %shift_left3A_2102 : i32
      %and3A_2105 = arith.constant 15 : i32
      %and3A_2106 = arith.andi %select_n3A_2098, %and3A_2105 : i32
      %jit3A_2107 = arith.constant 16 : i32
      %select_n3A_2108 = arith.select %lt3A_2096, %and3A_2106, %jit3A_2107 : i32
      %get3A_2109 = arith.index_cast %add3A_2104 : i32 to index
      %get3A_2110 = tpu.vector_load %arg7[%get3A_2109] {strides = array<i32>} : memref<32768xf32, #tpu.memory_space<vmem>>, vector<16xf32>,
      %get3A_2111 = vector.shape_cast %get3A_2110 : vector<16xf32> to vector<16xf32>
      %eq3A_2112 = vector.broadcast %select_n3A_2108 : i32 to vector<16xi32>
      %eq3A_2113 = arith.cmpi eq, %iota3A, %eq3A_2112 : vector<16xi32>
      %broadcast_in_dim3A_2114 = arith.constant 0.000000e+00 : f32
      %broadcast_in_dim3A_2115 = vector.broadcast %broadcast_in_dim3A_2114 : f32 to vector<16xf32>
      %select_n3A_2116 = arith.select %eq3A_2113, %broadcast_in_dim3A_2115, %get3A_2111 : vector<16xi1>, vector<16xf32>
      %swap3A_2117 = arith.index_cast %add3A_2104 : i32 to index
      %swap3A_2118 = tpu.vector_load %arg7[%swap3A_2117] {strides = array<i32>} : memref<32768xf32, #tpu.memory_space<vmem>>, vector<16xf32>,
      %swap3A_2119 = vector.shape_cast %swap3A_2118 : vector<16xf32> to vector<16xf32>
      %swap3A_2120 = vector.shape_cast %select_n3A_2116 : vector<16xf32> to vector<16xf32>
      tpu.vector_store %arg7[%swap3A_2117], %swap3A_2120 {strides = array<i32>} : memref<32768xf32, #tpu.memory_space<vmem>>, vector<16xf32>,
      %slice3A_2121 = vector.extract_strided_slice %get3A_1933 {offsets = [6], sizes = [1], strides = [1]} : vector<16xi32> to vector<1xi32>
      %squeeze3A_2122 = vector.extract %slice3A_2121[0] : i32 from vector<1xi32>
      %slice3A_2123 = vector.extract_strided_slice %get3A_1940 {offsets = [6], sizes = [1], strides = [1]} : vector<16xf32> to vector<1xf32>
      %squeeze3A_2124 = vector.extract %slice3A_2123[0] : f32 from vector<1xf32>
      %lt3A_2125 = arith.constant 512 : i32
      %lt3A_2126 = arith.cmpi slt, %squeeze3A_2122, %lt3A_2125 : i32
      %jit3A_2127 = arith.constant 0 : i32
      %select_n3A_2128 = arith.select %lt3A_2126, %squeeze3A_2122, %jit3A_2127 : i32
      %shift_right_arithmetic3A_2129 = arith.constant 4 : i32
      %shift_right_arithmetic3A_2130 = arith.shrsi %select_n3A_2128, %shift_right_arithmetic3A_2129 : i32
      %shift_left3A_2131 = arith.constant 4 : i32
      %shift_left3A_2132 = arith.shli %shift_right_arithmetic3A_2130, %shift_left3A_2131 : i32
      %add3A_2133 = arith.constant 3072 : i32
      %add3A_2134 = arith.addi %add3A_2133, %shift_left3A_2132 : i32
      %and3A_2135 = arith.constant 15 : i32
      %and3A_2136 = arith.andi %select_n3A_2128, %and3A_2135 : i32
      %jit3A_2137 = arith.constant 16 : i32
      %select_n3A_2138 = arith.select %lt3A_2126, %and3A_2136, %jit3A_2137 : i32
      %get3A_2139 = arith.index_cast %add3A_2134 : i32 to index
      %get3A_2140 = tpu.vector_load %arg7[%get3A_2139] {strides = array<i32>} : memref<32768xf32, #tpu.memory_space<vmem>>, vector<16xf32>,
      %get3A_2141 = vector.shape_cast %get3A_2140 : vector<16xf32> to vector<16xf32>
      %eq3A_2142 = vector.broadcast %select_n3A_2138 : i32 to vector<16xi32>
      %eq3A_2143 = arith.cmpi eq, %iota3A, %eq3A_2142 : vector<16xi32>
      %broadcast_in_dim3A_2144 = arith.constant 0.000000e+00 : f32
      %broadcast_in_dim3A_2145 = vector.broadcast %broadcast_in_dim3A_2144 : f32 to vector<16xf32>
      %select_n3A_2146 = arith.select %eq3A_2143, %broadcast_in_dim3A_2145, %get3A_2141 : vector<16xi1>, vector<16xf32>
      %swap3A_2147 = arith.index_cast %add3A_2134 : i32 to index
      %swap3A_2148 = tpu.vector_load %arg7[%swap3A_2147] {strides = array<i32>} : memref<32768xf32, #tpu.memory_space<vmem>>, vector<16xf32>,
      %swap3A_2149 = vector.shape_cast %swap3A_2148 : vector<16xf32> to vector<16xf32>
      %swap3A_2150 = vector.shape_cast %select_n3A_2146 : vector<16xf32> to vector<16xf32>
      tpu.vector_store %arg7[%swap3A_2147], %swap3A_2150 {strides = array<i32>} : memref<32768xf32, #tpu.memory_space<vmem>>, vector<16xf32>,
      %slice3A_2151 = vector.extract_strided_slice %get3A_1933 {offsets = [7], sizes = [1], strides = [1]} : vector<16xi32> to vector<1xi32>
      %squeeze3A_2152 = vector.extract %slice3A_2151[0] : i32 from vector<1xi32>
      %slice3A_2153 = vector.extract_strided_slice %get3A_1940 {offsets = [7], sizes = [1], strides = [1]} : vector<16xf32> to vector<1xf32>
      %squeeze3A_2154 = vector.extract %slice3A_2153[0] : f32 from vector<1xf32>
      %lt3A_2155 = arith.constant 512 : i32
      %lt3A_2156 = arith.cmpi slt, %squeeze3A_2152, %lt3A_2155 : i32
      %jit3A_2157 = arith.constant 0 : i32
      %select_n3A_2158 = arith.select %lt3A_2156, %squeeze3A_2152, %jit3A_2157 : i32
      %shift_right_arithmetic3A_2159 = arith.constant 4 : i32
      %shift_right_arithmetic3A_2160 = arith.shrsi %select_n3A_2158, %shift_right_arithmetic3A_2159 : i32
      %shift_left3A_2161 = arith.constant 4 : i32
      %shift_left3A_2162 = arith.shli %shift_right_arithmetic3A_2160, %shift_left3A_2161 : i32
      %add3A_2163 = arith.constant 3584 : i32
      %add3A_2164 = arith.addi %add3A_2163, %shift_left3A_2162 : i32
      %and3A_2165 = arith.constant 15 : i32
      %and3A_2166 = arith.andi %select_n3A_2158, %and3A_2165 : i32
      %jit3A_2167 = arith.constant 16 : i32
      %select_n3A_2168 = arith.select %lt3A_2156, %and3A_2166, %jit3A_2167 : i32
      %get3A_2169 = arith.index_cast %add3A_2164 : i32 to index
      %get3A_2170 = tpu.vector_load %arg7[%get3A_2169] {strides = array<i32>} : memref<32768xf32, #tpu.memory_space<vmem>>, vector<16xf32>,
      %get3A_2171 = vector.shape_cast %get3A_2170 : vector<16xf32> to vector<16xf32>
      %eq3A_2172 = vector.broadcast %select_n3A_2168 : i32 to vector<16xi32>
      %eq3A_2173 = arith.cmpi eq, %iota3A, %eq3A_2172 : vector<16xi32>
      %broadcast_in_dim3A_2174 = arith.constant 0.000000e+00 : f32
      %broadcast_in_dim3A_2175 = vector.broadcast %broadcast_in_dim3A_2174 : f32 to vector<16xf32>
      %select_n3A_2176 = arith.select %eq3A_2173, %broadcast_in_dim3A_2175, %get3A_2171 : vector<16xi1>, vector<16xf32>
      %swap3A_2177 = arith.index_cast %add3A_2164 : i32 to index
      %swap3A_2178 = tpu.vector_load %arg7[%swap3A_2177] {strides = array<i32>} : memref<32768xf32, #tpu.memory_space<vmem>>, vector<16xf32>,
      %swap3A_2179 = vector.shape_cast %swap3A_2178 : vector<16xf32> to vector<16xf32>
      %swap3A_2180 = vector.shape_cast %select_n3A_2176 : vector<16xf32> to vector<16xf32>
      tpu.vector_store %arg7[%swap3A_2177], %swap3A_2180 {strides = array<i32>} : memref<32768xf32, #tpu.memory_space<vmem>>, vector<16xf32>,
      %slice3A_2181 = vector.extract_strided_slice %get3A_1933 {offsets = [8], sizes = [1], strides = [1]} : vector<16xi32> to vector<1xi32>
      %squeeze3A_2182 = vector.extract %slice3A_2181[0] : i32 from vector<1xi32>
      %slice3A_2183 = vector.extract_strided_slice %get3A_1940 {offsets = [8], sizes = [1], strides = [1]} : vector<16xf32> to vector<1xf32>
      %squeeze3A_2184 = vector.extract %slice3A_2183[0] : f32 from vector<1xf32>
      %lt3A_2185 = arith.constant 512 : i32
      %lt3A_2186 = arith.cmpi slt, %squeeze3A_2182, %lt3A_2185 : i32
      %jit3A_2187 = arith.constant 0 : i32
      %select_n3A_2188 = arith.select %lt3A_2186, %squeeze3A_2182, %jit3A_2187 : i32
      %shift_right_arithmetic3A_2189 = arith.constant 4 : i32
      %shift_right_arithmetic3A_2190 = arith.shrsi %select_n3A_2188, %shift_right_arithmetic3A_2189 : i32
      %shift_left3A_2191 = arith.constant 4 : i32
      %shift_left3A_2192 = arith.shli %shift_right_arithmetic3A_2190, %shift_left3A_2191 : i32
      %add3A_2193 = arith.constant 4096 : i32
      %add3A_2194 = arith.addi %add3A_2193, %shift_left3A_2192 : i32
      %and3A_2195 = arith.constant 15 : i32
      %and3A_2196 = arith.andi %select_n3A_2188, %and3A_2195 : i32
      %jit3A_2197 = arith.constant 16 : i32
      %select_n3A_2198 = arith.select %lt3A_2186, %and3A_2196, %jit3A_2197 : i32
      %get3A_2199 = arith.index_cast %add3A_2194 : i32 to index
      %get3A_2200 = tpu.vector_load %arg7[%get3A_2199] {strides = array<i32>} : memref<32768xf32, #tpu.memory_space<vmem>>, vector<16xf32>,
      %get3A_2201 = vector.shape_cast %get3A_2200 : vector<16xf32> to vector<16xf32>
      %eq3A_2202 = vector.broadcast %select_n3A_2198 : i32 to vector<16xi32>
      %eq3A_2203 = arith.cmpi eq, %iota3A, %eq3A_2202 : vector<16xi32>
      %broadcast_in_dim3A_2204 = arith.constant 0.000000e+00 : f32
      %broadcast_in_dim3A_2205 = vector.broadcast %broadcast_in_dim3A_2204 : f32 to vector<16xf32>
      %select_n3A_2206 = arith.select %eq3A_2203, %broadcast_in_dim3A_2205, %get3A_2201 : vector<16xi1>, vector<16xf32>
      %swap3A_2207 = arith.index_cast %add3A_2194 : i32 to index
      %swap3A_2208 = tpu.vector_load %arg7[%swap3A_2207] {strides = array<i32>} : memref<32768xf32, #tpu.memory_space<vmem>>, vector<16xf32>,
      %swap3A_2209 = vector.shape_cast %swap3A_2208 : vector<16xf32> to vector<16xf32>
      %swap3A_2210 = vector.shape_cast %select_n3A_2206 : vector<16xf32> to vector<16xf32>
      tpu.vector_store %arg7[%swap3A_2207], %swap3A_2210 {strides = array<i32>} : memref<32768xf32, #tpu.memory_space<vmem>>, vector<16xf32>,
      %slice3A_2211 = vector.extract_strided_slice %get3A_1933 {offsets = [9], sizes = [1], strides = [1]} : vector<16xi32> to vector<1xi32>
      %squeeze3A_2212 = vector.extract %slice3A_2211[0] : i32 from vector<1xi32>
      %slice3A_2213 = vector.extract_strided_slice %get3A_1940 {offsets = [9], sizes = [1], strides = [1]} : vector<16xf32> to vector<1xf32>
      %squeeze3A_2214 = vector.extract %slice3A_2213[0] : f32 from vector<1xf32>
      %lt3A_2215 = arith.constant 512 : i32
      %lt3A_2216 = arith.cmpi slt, %squeeze3A_2212, %lt3A_2215 : i32
      %jit3A_2217 = arith.constant 0 : i32
      %select_n3A_2218 = arith.select %lt3A_2216, %squeeze3A_2212, %jit3A_2217 : i32
      %shift_right_arithmetic3A_2219 = arith.constant 4 : i32
      %shift_right_arithmetic3A_2220 = arith.shrsi %select_n3A_2218, %shift_right_arithmetic3A_2219 : i32
      %shift_left3A_2221 = arith.constant 4 : i32
      %shift_left3A_2222 = arith.shli %shift_right_arithmetic3A_2220, %shift_left3A_2221 : i32
      %add3A_2223 = arith.constant 4608 : i32
      %add3A_2224 = arith.addi %add3A_2223, %shift_left3A_2222 : i32
      %and3A_2225 = arith.constant 15 : i32
      %and3A_2226 = arith.andi %select_n3A_2218, %and3A_2225 : i32
      %jit3A_2227 = arith.constant 16 : i32
      %select_n3A_2228 = arith.select %lt3A_2216, %and3A_2226, %jit3A_2227 : i32
      %get3A_2229 = arith.index_cast %add3A_2224 : i32 to index
      %get3A_2230 = tpu.vector_load %arg7[%get3A_2229] {strides = array<i32>} : memref<32768xf32, #tpu.memory_space<vmem>>, vector<16xf32>,
      %get3A_2231 = vector.shape_cast %get3A_2230 : vector<16xf32> to vector<16xf32>
      %eq3A_2232 = vector.broadcast %select_n3A_2228 : i32 to vector<16xi32>
      %eq3A_2233 = arith.cmpi eq, %iota3A, %eq3A_2232 : vector<16xi32>
      %broadcast_in_dim3A_2234 = arith.constant 0.000000e+00 : f32
      %broadcast_in_dim3A_2235 = vector.broadcast %broadcast_in_dim3A_2234 : f32 to vector<16xf32>
      %select_n3A_2236 = arith.select %eq3A_2233, %broadcast_in_dim3A_2235, %get3A_2231 : vector<16xi1>, vector<16xf32>
      %swap3A_2237 = arith.index_cast %add3A_2224 : i32 to index
      %swap3A_2238 = tpu.vector_load %arg7[%swap3A_2237] {strides = array<i32>} : memref<32768xf32, #tpu.memory_space<vmem>>, vector<16xf32>,
      %swap3A_2239 = vector.shape_cast %swap3A_2238 : vector<16xf32> to vector<16xf32>
      %swap3A_2240 = vector.shape_cast %select_n3A_2236 : vector<16xf32> to vector<16xf32>
      tpu.vector_store %arg7[%swap3A_2237], %swap3A_2240 {strides = array<i32>} : memref<32768xf32, #tpu.memory_space<vmem>>, vector<16xf32>,
      %slice3A_2241 = vector.extract_strided_slice %get3A_1933 {offsets = [10], sizes = [1], strides = [1]} : vector<16xi32> to vector<1xi32>
      %squeeze3A_2242 = vector.extract %slice3A_2241[0] : i32 from vector<1xi32>
      %slice3A_2243 = vector.extract_strided_slice %get3A_1940 {offsets = [10], sizes = [1], strides = [1]} : vector<16xf32> to vector<1xf32>
      %squeeze3A_2244 = vector.extract %slice3A_2243[0] : f32 from vector<1xf32>
      %lt3A_2245 = arith.constant 512 : i32
      %lt3A_2246 = arith.cmpi slt, %squeeze3A_2242, %lt3A_2245 : i32
      %jit3A_2247 = arith.constant 0 : i32
      %select_n3A_2248 = arith.select %lt3A_2246, %squeeze3A_2242, %jit3A_2247 : i32
      %shift_right_arithmetic3A_2249 = arith.constant 4 : i32
      %shift_right_arithmetic3A_2250 = arith.shrsi %select_n3A_2248, %shift_right_arithmetic3A_2249 : i32
      %shift_left3A_2251 = arith.constant 4 : i32
      %shift_left3A_2252 = arith.shli %shift_right_arithmetic3A_2250, %shift_left3A_2251 : i32
      %add3A_2253 = arith.constant 5120 : i32
      %add3A_2254 = arith.addi %add3A_2253, %shift_left3A_2252 : i32
      %and3A_2255 = arith.constant 15 : i32
      %and3A_2256 = arith.andi %select_n3A_2248, %and3A_2255 : i32
      %jit3A_2257 = arith.constant 16 : i32
      %select_n3A_2258 = arith.select %lt3A_2246, %and3A_2256, %jit3A_2257 : i32
      %get3A_2259 = arith.index_cast %add3A_2254 : i32 to index
      %get3A_2260 = tpu.vector_load %arg7[%get3A_2259] {strides = array<i32>} : memref<32768xf32, #tpu.memory_space<vmem>>, vector<16xf32>,
      %get3A_2261 = vector.shape_cast %get3A_2260 : vector<16xf32> to vector<16xf32>
      %eq3A_2262 = vector.broadcast %select_n3A_2258 : i32 to vector<16xi32>
      %eq3A_2263 = arith.cmpi eq, %iota3A, %eq3A_2262 : vector<16xi32>
      %broadcast_in_dim3A_2264 = arith.constant 0.000000e+00 : f32
      %broadcast_in_dim3A_2265 = vector.broadcast %broadcast_in_dim3A_2264 : f32 to vector<16xf32>
      %select_n3A_2266 = arith.select %eq3A_2263, %broadcast_in_dim3A_2265, %get3A_2261 : vector<16xi1>, vector<16xf32>
      %swap3A_2267 = arith.index_cast %add3A_2254 : i32 to index
      %swap3A_2268 = tpu.vector_load %arg7[%swap3A_2267] {strides = array<i32>} : memref<32768xf32, #tpu.memory_space<vmem>>, vector<16xf32>,
      %swap3A_2269 = vector.shape_cast %swap3A_2268 : vector<16xf32> to vector<16xf32>
      %swap3A_2270 = vector.shape_cast %select_n3A_2266 : vector<16xf32> to vector<16xf32>
      tpu.vector_store %arg7[%swap3A_2267], %swap3A_2270 {strides = array<i32>} : memref<32768xf32, #tpu.memory_space<vmem>>, vector<16xf32>,
      %slice3A_2271 = vector.extract_strided_slice %get3A_1933 {offsets = [11], sizes = [1], strides = [1]} : vector<16xi32> to vector<1xi32>
      %squeeze3A_2272 = vector.extract %slice3A_2271[0] : i32 from vector<1xi32>
      %slice3A_2273 = vector.extract_strided_slice %get3A_1940 {offsets = [11], sizes = [1], strides = [1]} : vector<16xf32> to vector<1xf32>
      %squeeze3A_2274 = vector.extract %slice3A_2273[0] : f32 from vector<1xf32>
      %lt3A_2275 = arith.constant 512 : i32
      %lt3A_2276 = arith.cmpi slt, %squeeze3A_2272, %lt3A_2275 : i32
      %jit3A_2277 = arith.constant 0 : i32
      %select_n3A_2278 = arith.select %lt3A_2276, %squeeze3A_2272, %jit3A_2277 : i32
      %shift_right_arithmetic3A_2279 = arith.constant 4 : i32
      %shift_right_arithmetic3A_2280 = arith.shrsi %select_n3A_2278, %shift_right_arithmetic3A_2279 : i32
      %shift_left3A_2281 = arith.constant 4 : i32
      %shift_left3A_2282 = arith.shli %shift_right_arithmetic3A_2280, %shift_left3A_2281 : i32
      %add3A_2283 = arith.constant 5632 : i32
      %add3A_2284 = arith.addi %add3A_2283, %shift_left3A_2282 : i32
      %and3A_2285 = arith.constant 15 : i32
      %and3A_2286 = arith.andi %select_n3A_2278, %and3A_2285 : i32
      %jit3A_2287 = arith.constant 16 : i32
      %select_n3A_2288 = arith.select %lt3A_2276, %and3A_2286, %jit3A_2287 : i32
      %get3A_2289 = arith.index_cast %add3A_2284 : i32 to index
      %get3A_2290 = tpu.vector_load %arg7[%get3A_2289] {strides = array<i32>} : memref<32768xf32, #tpu.memory_space<vmem>>, vector<16xf32>,
      %get3A_2291 = vector.shape_cast %get3A_2290 : vector<16xf32> to vector<16xf32>
      %eq3A_2292 = vector.broadcast %select_n3A_2288 : i32 to vector<16xi32>
      %eq3A_2293 = arith.cmpi eq, %iota3A, %eq3A_2292 : vector<16xi32>
      %broadcast_in_dim3A_2294 = arith.constant 0.000000e+00 : f32
      %broadcast_in_dim3A_2295 = vector.broadcast %broadcast_in_dim3A_2294 : f32 to vector<16xf32>
      %select_n3A_2296 = arith.select %eq3A_2293, %broadcast_in_dim3A_2295, %get3A_2291 : vector<16xi1>, vector<16xf32>
      %swap3A_2297 = arith.index_cast %add3A_2284 : i32 to index
      %swap3A_2298 = tpu.vector_load %arg7[%swap3A_2297] {strides = array<i32>} : memref<32768xf32, #tpu.memory_space<vmem>>, vector<16xf32>,
      %swap3A_2299 = vector.shape_cast %swap3A_2298 : vector<16xf32> to vector<16xf32>
      %swap3A_2300 = vector.shape_cast %select_n3A_2296 : vector<16xf32> to vector<16xf32>
      tpu.vector_store %arg7[%swap3A_2297], %swap3A_2300 {strides = array<i32>} : memref<32768xf32, #tpu.memory_space<vmem>>, vector<16xf32>,
      %slice3A_2301 = vector.extract_strided_slice %get3A_1933 {offsets = [12], sizes = [1], strides = [1]} : vector<16xi32> to vector<1xi32>
      %squeeze3A_2302 = vector.extract %slice3A_2301[0] : i32 from vector<1xi32>
      %slice3A_2303 = vector.extract_strided_slice %get3A_1940 {offsets = [12], sizes = [1], strides = [1]} : vector<16xf32> to vector<1xf32>
      %squeeze3A_2304 = vector.extract %slice3A_2303[0] : f32 from vector<1xf32>
      %lt3A_2305 = arith.constant 512 : i32
      %lt3A_2306 = arith.cmpi slt, %squeeze3A_2302, %lt3A_2305 : i32
      %jit3A_2307 = arith.constant 0 : i32
      %select_n3A_2308 = arith.select %lt3A_2306, %squeeze3A_2302, %jit3A_2307 : i32
      %shift_right_arithmetic3A_2309 = arith.constant 4 : i32
      %shift_right_arithmetic3A_2310 = arith.shrsi %select_n3A_2308, %shift_right_arithmetic3A_2309 : i32
      %shift_left3A_2311 = arith.constant 4 : i32
      %shift_left3A_2312 = arith.shli %shift_right_arithmetic3A_2310, %shift_left3A_2311 : i32
      %add3A_2313 = arith.constant 6144 : i32
      %add3A_2314 = arith.addi %add3A_2313, %shift_left3A_2312 : i32
      %and3A_2315 = arith.constant 15 : i32
      %and3A_2316 = arith.andi %select_n3A_2308, %and3A_2315 : i32
      %jit3A_2317 = arith.constant 16 : i32
      %select_n3A_2318 = arith.select %lt3A_2306, %and3A_2316, %jit3A_2317 : i32
      %get3A_2319 = arith.index_cast %add3A_2314 : i32 to index
      %get3A_2320 = tpu.vector_load %arg7[%get3A_2319] {strides = array<i32>} : memref<32768xf32, #tpu.memory_space<vmem>>, vector<16xf32>,
      %get3A_2321 = vector.shape_cast %get3A_2320 : vector<16xf32> to vector<16xf32>
      %eq3A_2322 = vector.broadcast %select_n3A_2318 : i32 to vector<16xi32>
      %eq3A_2323 = arith.cmpi eq, %iota3A, %eq3A_2322 : vector<16xi32>
      %broadcast_in_dim3A_2324 = arith.constant 0.000000e+00 : f32
      %broadcast_in_dim3A_2325 = vector.broadcast %broadcast_in_dim3A_2324 : f32 to vector<16xf32>
      %select_n3A_2326 = arith.select %eq3A_2323, %broadcast_in_dim3A_2325, %get3A_2321 : vector<16xi1>, vector<16xf32>
      %swap3A_2327 = arith.index_cast %add3A_2314 : i32 to index
      %swap3A_2328 = tpu.vector_load %arg7[%swap3A_2327] {strides = array<i32>} : memref<32768xf32, #tpu.memory_space<vmem>>, vector<16xf32>,
      %swap3A_2329 = vector.shape_cast %swap3A_2328 : vector<16xf32> to vector<16xf32>
      %swap3A_2330 = vector.shape_cast %select_n3A_2326 : vector<16xf32> to vector<16xf32>
      tpu.vector_store %arg7[%swap3A_2327], %swap3A_2330 {strides = array<i32>} : memref<32768xf32, #tpu.memory_space<vmem>>, vector<16xf32>,
      %slice3A_2331 = vector.extract_strided_slice %get3A_1933 {offsets = [13], sizes = [1], strides = [1]} : vector<16xi32> to vector<1xi32>
      %squeeze3A_2332 = vector.extract %slice3A_2331[0] : i32 from vector<1xi32>
      %slice3A_2333 = vector.extract_strided_slice %get3A_1940 {offsets = [13], sizes = [1], strides = [1]} : vector<16xf32> to vector<1xf32>
      %squeeze3A_2334 = vector.extract %slice3A_2333[0] : f32 from vector<1xf32>
      %lt3A_2335 = arith.constant 512 : i32
      %lt3A_2336 = arith.cmpi slt, %squeeze3A_2332, %lt3A_2335 : i32
      %jit3A_2337 = arith.constant 0 : i32
      %select_n3A_2338 = arith.select %lt3A_2336, %squeeze3A_2332, %jit3A_2337 : i32
      %shift_right_arithmetic3A_2339 = arith.constant 4 : i32
      %shift_right_arithmetic3A_2340 = arith.shrsi %select_n3A_2338, %shift_right_arithmetic3A_2339 : i32
      %shift_left3A_2341 = arith.constant 4 : i32
      %shift_left3A_2342 = arith.shli %shift_right_arithmetic3A_2340, %shift_left3A_2341 : i32
      %add3A_2343 = arith.constant 6656 : i32
      %add3A_2344 = arith.addi %add3A_2343, %shift_left3A_2342 : i32
      %and3A_2345 = arith.constant 15 : i32
      %and3A_2346 = arith.andi %select_n3A_2338, %and3A_2345 : i32
      %jit3A_2347 = arith.constant 16 : i32
      %select_n3A_2348 = arith.select %lt3A_2336, %and3A_2346, %jit3A_2347 : i32
      %get3A_2349 = arith.index_cast %add3A_2344 : i32 to index
      %get3A_2350 = tpu.vector_load %arg7[%get3A_2349] {strides = array<i32>} : memref<32768xf32, #tpu.memory_space<vmem>>, vector<16xf32>,
      %get3A_2351 = vector.shape_cast %get3A_2350 : vector<16xf32> to vector<16xf32>
      %eq3A_2352 = vector.broadcast %select_n3A_2348 : i32 to vector<16xi32>
      %eq3A_2353 = arith.cmpi eq, %iota3A, %eq3A_2352 : vector<16xi32>
      %broadcast_in_dim3A_2354 = arith.constant 0.000000e+00 : f32
      %broadcast_in_dim3A_2355 = vector.broadcast %broadcast_in_dim3A_2354 : f32 to vector<16xf32>
      %select_n3A_2356 = arith.select %eq3A_2353, %broadcast_in_dim3A_2355, %get3A_2351 : vector<16xi1>, vector<16xf32>
      %swap3A_2357 = arith.index_cast %add3A_2344 : i32 to index
      %swap3A_2358 = tpu.vector_load %arg7[%swap3A_2357] {strides = array<i32>} : memref<32768xf32, #tpu.memory_space<vmem>>, vector<16xf32>,
      %swap3A_2359 = vector.shape_cast %swap3A_2358 : vector<16xf32> to vector<16xf32>
      %swap3A_2360 = vector.shape_cast %select_n3A_2356 : vector<16xf32> to vector<16xf32>
      tpu.vector_store %arg7[%swap3A_2357], %swap3A_2360 {strides = array<i32>} : memref<32768xf32, #tpu.memory_space<vmem>>, vector<16xf32>,
      %slice3A_2361 = vector.extract_strided_slice %get3A_1933 {offsets = [14], sizes = [1], strides = [1]} : vector<16xi32> to vector<1xi32>
      %squeeze3A_2362 = vector.extract %slice3A_2361[0] : i32 from vector<1xi32>
      %slice3A_2363 = vector.extract_strided_slice %get3A_1940 {offsets = [14], sizes = [1], strides = [1]} : vector<16xf32> to vector<1xf32>
      %squeeze3A_2364 = vector.extract %slice3A_2363[0] : f32 from vector<1xf32>
      %lt3A_2365 = arith.constant 512 : i32
      %lt3A_2366 = arith.cmpi slt, %squeeze3A_2362, %lt3A_2365 : i32
      %jit3A_2367 = arith.constant 0 : i32
      %select_n3A_2368 = arith.select %lt3A_2366, %squeeze3A_2362, %jit3A_2367 : i32
      %shift_right_arithmetic3A_2369 = arith.constant 4 : i32
      %shift_right_arithmetic3A_2370 = arith.shrsi %select_n3A_2368, %shift_right_arithmetic3A_2369 : i32
      %shift_left3A_2371 = arith.constant 4 : i32
      %shift_left3A_2372 = arith.shli %shift_right_arithmetic3A_2370, %shift_left3A_2371 : i32
      %add3A_2373 = arith.constant 7168 : i32
      %add3A_2374 = arith.addi %add3A_2373, %shift_left3A_2372 : i32
      %and3A_2375 = arith.constant 15 : i32
      %and3A_2376 = arith.andi %select_n3A_2368, %and3A_2375 : i32
      %jit3A_2377 = arith.constant 16 : i32
      %select_n3A_2378 = arith.select %lt3A_2366, %and3A_2376, %jit3A_2377 : i32
      %get3A_2379 = arith.index_cast %add3A_2374 : i32 to index
      %get3A_2380 = tpu.vector_load %arg7[%get3A_2379] {strides = array<i32>} : memref<32768xf32, #tpu.memory_space<vmem>>, vector<16xf32>,
      %get3A_2381 = vector.shape_cast %get3A_2380 : vector<16xf32> to vector<16xf32>
      %eq3A_2382 = vector.broadcast %select_n3A_2378 : i32 to vector<16xi32>
      %eq3A_2383 = arith.cmpi eq, %iota3A, %eq3A_2382 : vector<16xi32>
      %broadcast_in_dim3A_2384 = arith.constant 0.000000e+00 : f32
      %broadcast_in_dim3A_2385 = vector.broadcast %broadcast_in_dim3A_2384 : f32 to vector<16xf32>
      %select_n3A_2386 = arith.select %eq3A_2383, %broadcast_in_dim3A_2385, %get3A_2381 : vector<16xi1>, vector<16xf32>
      %swap3A_2387 = arith.index_cast %add3A_2374 : i32 to index
      %swap3A_2388 = tpu.vector_load %arg7[%swap3A_2387] {strides = array<i32>} : memref<32768xf32, #tpu.memory_space<vmem>>, vector<16xf32>,
      %swap3A_2389 = vector.shape_cast %swap3A_2388 : vector<16xf32> to vector<16xf32>
      %swap3A_2390 = vector.shape_cast %select_n3A_2386 : vector<16xf32> to vector<16xf32>
      tpu.vector_store %arg7[%swap3A_2387], %swap3A_2390 {strides = array<i32>} : memref<32768xf32, #tpu.memory_space<vmem>>, vector<16xf32>,
      %slice3A_2391 = vector.extract_strided_slice %get3A_1933 {offsets = [15], sizes = [1], strides = [1]} : vector<16xi32> to vector<1xi32>
      %squeeze3A_2392 = vector.extract %slice3A_2391[0] : i32 from vector<1xi32>
      %slice3A_2393 = vector.extract_strided_slice %get3A_1940 {offsets = [15], sizes = [1], strides = [1]} : vector<16xf32> to vector<1xf32>
      %squeeze3A_2394 = vector.extract %slice3A_2393[0] : f32 from vector<1xf32>
      %lt3A_2395 = arith.constant 512 : i32
      %lt3A_2396 = arith.cmpi slt, %squeeze3A_2392, %lt3A_2395 : i32
      %jit3A_2397 = arith.constant 0 : i32
      %select_n3A_2398 = arith.select %lt3A_2396, %squeeze3A_2392, %jit3A_2397 : i32
      %shift_right_arithmetic3A_2399 = arith.constant 4 : i32
      %shift_right_arithmetic3A_2400 = arith.shrsi %select_n3A_2398, %shift_right_arithmetic3A_2399 : i32
      %shift_left3A_2401 = arith.constant 4 : i32
      %shift_left3A_2402 = arith.shli %shift_right_arithmetic3A_2400, %shift_left3A_2401 : i32
      %add3A_2403 = arith.constant 7680 : i32
      %add3A_2404 = arith.addi %add3A_2403, %shift_left3A_2402 : i32
      %and3A_2405 = arith.constant 15 : i32
      %and3A_2406 = arith.andi %select_n3A_2398, %and3A_2405 : i32
      %jit3A_2407 = arith.constant 16 : i32
      %select_n3A_2408 = arith.select %lt3A_2396, %and3A_2406, %jit3A_2407 : i32
      %get3A_2409 = arith.index_cast %add3A_2404 : i32 to index
      %get3A_2410 = tpu.vector_load %arg7[%get3A_2409] {strides = array<i32>} : memref<32768xf32, #tpu.memory_space<vmem>>, vector<16xf32>,
      %get3A_2411 = vector.shape_cast %get3A_2410 : vector<16xf32> to vector<16xf32>
      %eq3A_2412 = vector.broadcast %select_n3A_2408 : i32 to vector<16xi32>
      %eq3A_2413 = arith.cmpi eq, %iota3A, %eq3A_2412 : vector<16xi32>
      %broadcast_in_dim3A_2414 = arith.constant 0.000000e+00 : f32
      %broadcast_in_dim3A_2415 = vector.broadcast %broadcast_in_dim3A_2414 : f32 to vector<16xf32>
      %select_n3A_2416 = arith.select %eq3A_2413, %broadcast_in_dim3A_2415, %get3A_2411 : vector<16xi1>, vector<16xf32>
      %swap3A_2417 = arith.index_cast %add3A_2404 : i32 to index
      %swap3A_2418 = tpu.vector_load %arg7[%swap3A_2417] {strides = array<i32>} : memref<32768xf32, #tpu.memory_space<vmem>>, vector<16xf32>,
      %swap3A_2419 = vector.shape_cast %swap3A_2418 : vector<16xf32> to vector<16xf32>
      %swap3A_2420 = vector.shape_cast %select_n3A_2416 : vector<16xf32> to vector<16xf32>
      tpu.vector_store %arg7[%swap3A_2417], %swap3A_2420 {strides = array<i32>} : memref<32768xf32, #tpu.memory_space<vmem>>, vector<16xf32>,
      %mul3A_2421 = arith.constant 64 : i32
      %mul3A_2422 = arith.muli %scan3A_19, %mul3A_2421 : i32
      %add3A_2423 = arith.constant 16 : i32
      %add3A_2424 = arith.addi %mul3A_2422, %add3A_2423 : i32
      %get3A_2425 = arith.index_cast %add3A_2424 : i32 to index
      %get3A_2426 = tpu.vector_load %arg5[%get3A_2425] {strides = array<i32>} : memref<1024xi32, #tpu.memory_space<vmem>>, vector<16xi32>,
      %get3A_2427 = vector.shape_cast %get3A_2426 : vector<16xi32> to vector<16xi32>
      %mul3A_2428 = arith.constant 64 : i32
      %mul3A_2429 = arith.muli %scan3A_19, %mul3A_2428 : i32
      %add3A_2430 = arith.constant 16 : i32
      %add3A_2431 = arith.addi %mul3A_2429, %add3A_2430 : i32
      %get3A_2432 = arith.index_cast %add3A_2431 : i32 to index
      %get3A_2433 = tpu.vector_load %arg6[%get3A_2432] {strides = array<i32>} : memref<1024xf32, #tpu.memory_space<vmem>>, vector<16xf32>,
      %get3A_2434 = vector.shape_cast %get3A_2433 : vector<16xf32> to vector<16xf32>
      %slice3A_2435 = vector.extract_strided_slice %get3A_2427 {offsets = [0], sizes = [1], strides = [1]} : vector<16xi32> to vector<1xi32>
      %squeeze3A_2436 = vector.extract %slice3A_2435[0] : i32 from vector<1xi32>
      %slice3A_2437 = vector.extract_strided_slice %get3A_2434 {offsets = [0], sizes = [1], strides = [1]} : vector<16xf32> to vector<1xf32>
      %squeeze3A_2438 = vector.extract %slice3A_2437[0] : f32 from vector<1xf32>
      %lt3A_2439 = arith.constant 512 : i32
      %lt3A_2440 = arith.cmpi slt, %squeeze3A_2436, %lt3A_2439 : i32
      %jit3A_2441 = arith.constant 0 : i32
      %select_n3A_2442 = arith.select %lt3A_2440, %squeeze3A_2436, %jit3A_2441 : i32
      %shift_right_arithmetic3A_2443 = arith.constant 4 : i32
      %shift_right_arithmetic3A_2444 = arith.shrsi %select_n3A_2442, %shift_right_arithmetic3A_2443 : i32
      %shift_left3A_2445 = arith.constant 4 : i32
      %shift_left3A_2446 = arith.shli %shift_right_arithmetic3A_2444, %shift_left3A_2445 : i32
      %add3A_2447 = arith.constant 8192 : i32
      %add3A_2448 = arith.addi %add3A_2447, %shift_left3A_2446 : i32
      %and3A_2449 = arith.constant 15 : i32
      %and3A_2450 = arith.andi %select_n3A_2442, %and3A_2449 : i32
      %jit3A_2451 = arith.constant 16 : i32
      %select_n3A_2452 = arith.select %lt3A_2440, %and3A_2450, %jit3A_2451 : i32
      %get3A_2453 = arith.index_cast %add3A_2448 : i32 to index
      %get3A_2454 = tpu.vector_load %arg7[%get3A_2453] {strides = array<i32>} : memref<32768xf32, #tpu.memory_space<vmem>>, vector<16xf32>,
      %get3A_2455 = vector.shape_cast %get3A_2454 : vector<16xf32> to vector<16xf32>
      %eq3A_2456 = vector.broadcast %select_n3A_2452 : i32 to vector<16xi32>
      %eq3A_2457 = arith.cmpi eq, %iota3A, %eq3A_2456 : vector<16xi32>
      %broadcast_in_dim3A_2458 = arith.constant 0.000000e+00 : f32
      %broadcast_in_dim3A_2459 = vector.broadcast %broadcast_in_dim3A_2458 : f32 to vector<16xf32>
      %select_n3A_2460 = arith.select %eq3A_2457, %broadcast_in_dim3A_2459, %get3A_2455 : vector<16xi1>, vector<16xf32>
      %swap3A_2461 = arith.index_cast %add3A_2448 : i32 to index
      %swap3A_2462 = tpu.vector_load %arg7[%swap3A_2461] {strides = array<i32>} : memref<32768xf32, #tpu.memory_space<vmem>>, vector<16xf32>,
      %swap3A_2463 = vector.shape_cast %swap3A_2462 : vector<16xf32> to vector<16xf32>
      %swap3A_2464 = vector.shape_cast %select_n3A_2460 : vector<16xf32> to vector<16xf32>
      tpu.vector_store %arg7[%swap3A_2461], %swap3A_2464 {strides = array<i32>} : memref<32768xf32, #tpu.memory_space<vmem>>, vector<16xf32>,
      %slice3A_2465 = vector.extract_strided_slice %get3A_2427 {offsets = [1], sizes = [1], strides = [1]} : vector<16xi32> to vector<1xi32>
      %squeeze3A_2466 = vector.extract %slice3A_2465[0] : i32 from vector<1xi32>
      %slice3A_2467 = vector.extract_strided_slice %get3A_2434 {offsets = [1], sizes = [1], strides = [1]} : vector<16xf32> to vector<1xf32>
      %squeeze3A_2468 = vector.extract %slice3A_2467[0] : f32 from vector<1xf32>
      %lt3A_2469 = arith.constant 512 : i32
      %lt3A_2470 = arith.cmpi slt, %squeeze3A_2466, %lt3A_2469 : i32
      %jit3A_2471 = arith.constant 0 : i32
      %select_n3A_2472 = arith.select %lt3A_2470, %squeeze3A_2466, %jit3A_2471 : i32
      %shift_right_arithmetic3A_2473 = arith.constant 4 : i32
      %shift_right_arithmetic3A_2474 = arith.shrsi %select_n3A_2472, %shift_right_arithmetic3A_2473 : i32
      %shift_left3A_2475 = arith.constant 4 : i32
      %shift_left3A_2476 = arith.shli %shift_right_arithmetic3A_2474, %shift_left3A_2475 : i32
      %add3A_2477 = arith.constant 8704 : i32
      %add3A_2478 = arith.addi %add3A_2477, %shift_left3A_2476 : i32
      %and3A_2479 = arith.constant 15 : i32
      %and3A_2480 = arith.andi %select_n3A_2472, %and3A_2479 : i32
      %jit3A_2481 = arith.constant 16 : i32
      %select_n3A_2482 = arith.select %lt3A_2470, %and3A_2480, %jit3A_2481 : i32
      %get3A_2483 = arith.index_cast %add3A_2478 : i32 to index
      %get3A_2484 = tpu.vector_load %arg7[%get3A_2483] {strides = array<i32>} : memref<32768xf32, #tpu.memory_space<vmem>>, vector<16xf32>,
      %get3A_2485 = vector.shape_cast %get3A_2484 : vector<16xf32> to vector<16xf32>
      %eq3A_2486 = vector.broadcast %select_n3A_2482 : i32 to vector<16xi32>
      %eq3A_2487 = arith.cmpi eq, %iota3A, %eq3A_2486 : vector<16xi32>
      %broadcast_in_dim3A_2488 = arith.constant 0.000000e+00 : f32
      %broadcast_in_dim3A_2489 = vector.broadcast %broadcast_in_dim3A_2488 : f32 to vector<16xf32>
      %select_n3A_2490 = arith.select %eq3A_2487, %broadcast_in_dim3A_2489, %get3A_2485 : vector<16xi1>, vector<16xf32>
      %swap3A_2491 = arith.index_cast %add3A_2478 : i32 to index
      %swap3A_2492 = tpu.vector_load %arg7[%swap3A_2491] {strides = array<i32>} : memref<32768xf32, #tpu.memory_space<vmem>>, vector<16xf32>,
      %swap3A_2493 = vector.shape_cast %swap3A_2492 : vector<16xf32> to vector<16xf32>
      %swap3A_2494 = vector.shape_cast %select_n3A_2490 : vector<16xf32> to vector<16xf32>
      tpu.vector_store %arg7[%swap3A_2491], %swap3A_2494 {strides = array<i32>} : memref<32768xf32, #tpu.memory_space<vmem>>, vector<16xf32>,
      %slice3A_2495 = vector.extract_strided_slice %get3A_2427 {offsets = [2], sizes = [1], strides = [1]} : vector<16xi32> to vector<1xi32>
      %squeeze3A_2496 = vector.extract %slice3A_2495[0] : i32 from vector<1xi32>
      %slice3A_2497 = vector.extract_strided_slice %get3A_2434 {offsets = [2], sizes = [1], strides = [1]} : vector<16xf32> to vector<1xf32>
      %squeeze3A_2498 = vector.extract %slice3A_2497[0] : f32 from vector<1xf32>
      %lt3A_2499 = arith.constant 512 : i32
      %lt3A_2500 = arith.cmpi slt, %squeeze3A_2496, %lt3A_2499 : i32
      %jit3A_2501 = arith.constant 0 : i32
      %select_n3A_2502 = arith.select %lt3A_2500, %squeeze3A_2496, %jit3A_2501 : i32
      %shift_right_arithmetic3A_2503 = arith.constant 4 : i32
      %shift_right_arithmetic3A_2504 = arith.shrsi %select_n3A_2502, %shift_right_arithmetic3A_2503 : i32
      %shift_left3A_2505 = arith.constant 4 : i32
      %shift_left3A_2506 = arith.shli %shift_right_arithmetic3A_2504, %shift_left3A_2505 : i32
      %add3A_2507 = arith.constant 9216 : i32
      %add3A_2508 = arith.addi %add3A_2507, %shift_left3A_2506 : i32
      %and3A_2509 = arith.constant 15 : i32
      %and3A_2510 = arith.andi %select_n3A_2502, %and3A_2509 : i32
      %jit3A_2511 = arith.constant 16 : i32
      %select_n3A_2512 = arith.select %lt3A_2500, %and3A_2510, %jit3A_2511 : i32
      %get3A_2513 = arith.index_cast %add3A_2508 : i32 to index
      %get3A_2514 = tpu.vector_load %arg7[%get3A_2513] {strides = array<i32>} : memref<32768xf32, #tpu.memory_space<vmem>>, vector<16xf32>,
      %get3A_2515 = vector.shape_cast %get3A_2514 : vector<16xf32> to vector<16xf32>
      %eq3A_2516 = vector.broadcast %select_n3A_2512 : i32 to vector<16xi32>
      %eq3A_2517 = arith.cmpi eq, %iota3A, %eq3A_2516 : vector<16xi32>
      %broadcast_in_dim3A_2518 = arith.constant 0.000000e+00 : f32
      %broadcast_in_dim3A_2519 = vector.broadcast %broadcast_in_dim3A_2518 : f32 to vector<16xf32>
      %select_n3A_2520 = arith.select %eq3A_2517, %broadcast_in_dim3A_2519, %get3A_2515 : vector<16xi1>, vector<16xf32>
      %swap3A_2521 = arith.index_cast %add3A_2508 : i32 to index
      %swap3A_2522 = tpu.vector_load %arg7[%swap3A_2521] {strides = array<i32>} : memref<32768xf32, #tpu.memory_space<vmem>>, vector<16xf32>,
      %swap3A_2523 = vector.shape_cast %swap3A_2522 : vector<16xf32> to vector<16xf32>
      %swap3A_2524 = vector.shape_cast %select_n3A_2520 : vector<16xf32> to vector<16xf32>
      tpu.vector_store %arg7[%swap3A_2521], %swap3A_2524 {strides = array<i32>} : memref<32768xf32, #tpu.memory_space<vmem>>, vector<16xf32>,
      %slice3A_2525 = vector.extract_strided_slice %get3A_2427 {offsets = [3], sizes = [1], strides = [1]} : vector<16xi32> to vector<1xi32>
      %squeeze3A_2526 = vector.extract %slice3A_2525[0] : i32 from vector<1xi32>
      %slice3A_2527 = vector.extract_strided_slice %get3A_2434 {offsets = [3], sizes = [1], strides = [1]} : vector<16xf32> to vector<1xf32>
      %squeeze3A_2528 = vector.extract %slice3A_2527[0] : f32 from vector<1xf32>
      %lt3A_2529 = arith.constant 512 : i32
      %lt3A_2530 = arith.cmpi slt, %squeeze3A_2526, %lt3A_2529 : i32
      %jit3A_2531 = arith.constant 0 : i32
      %select_n3A_2532 = arith.select %lt3A_2530, %squeeze3A_2526, %jit3A_2531 : i32
      %shift_right_arithmetic3A_2533 = arith.constant 4 : i32
      %shift_right_arithmetic3A_2534 = arith.shrsi %select_n3A_2532, %shift_right_arithmetic3A_2533 : i32
      %shift_left3A_2535 = arith.constant 4 : i32
      %shift_left3A_2536 = arith.shli %shift_right_arithmetic3A_2534, %shift_left3A_2535 : i32
      %add3A_2537 = arith.constant 9728 : i32
      %add3A_2538 = arith.addi %add3A_2537, %shift_left3A_2536 : i32
      %and3A_2539 = arith.constant 15 : i32
      %and3A_2540 = arith.andi %select_n3A_2532, %and3A_2539 : i32
      %jit3A_2541 = arith.constant 16 : i32
      %select_n3A_2542 = arith.select %lt3A_2530, %and3A_2540, %jit3A_2541 : i32
      %get3A_2543 = arith.index_cast %add3A_2538 : i32 to index
      %get3A_2544 = tpu.vector_load %arg7[%get3A_2543] {strides = array<i32>} : memref<32768xf32, #tpu.memory_space<vmem>>, vector<16xf32>,
      %get3A_2545 = vector.shape_cast %get3A_2544 : vector<16xf32> to vector<16xf32>
      %eq3A_2546 = vector.broadcast %select_n3A_2542 : i32 to vector<16xi32>
      %eq3A_2547 = arith.cmpi eq, %iota3A, %eq3A_2546 : vector<16xi32>
      %broadcast_in_dim3A_2548 = arith.constant 0.000000e+00 : f32
      %broadcast_in_dim3A_2549 = vector.broadcast %broadcast_in_dim3A_2548 : f32 to vector<16xf32>
      %select_n3A_2550 = arith.select %eq3A_2547, %broadcast_in_dim3A_2549, %get3A_2545 : vector<16xi1>, vector<16xf32>
      %swap3A_2551 = arith.index_cast %add3A_2538 : i32 to index
      %swap3A_2552 = tpu.vector_load %arg7[%swap3A_2551] {strides = array<i32>} : memref<32768xf32, #tpu.memory_space<vmem>>, vector<16xf32>,
      %swap3A_2553 = vector.shape_cast %swap3A_2552 : vector<16xf32> to vector<16xf32>
      %swap3A_2554 = vector.shape_cast %select_n3A_2550 : vector<16xf32> to vector<16xf32>
      tpu.vector_store %arg7[%swap3A_2551], %swap3A_2554 {strides = array<i32>} : memref<32768xf32, #tpu.memory_space<vmem>>, vector<16xf32>,
      %slice3A_2555 = vector.extract_strided_slice %get3A_2427 {offsets = [4], sizes = [1], strides = [1]} : vector<16xi32> to vector<1xi32>
      %squeeze3A_2556 = vector.extract %slice3A_2555[0] : i32 from vector<1xi32>
      %slice3A_2557 = vector.extract_strided_slice %get3A_2434 {offsets = [4], sizes = [1], strides = [1]} : vector<16xf32> to vector<1xf32>
      %squeeze3A_2558 = vector.extract %slice3A_2557[0] : f32 from vector<1xf32>
      %lt3A_2559 = arith.constant 512 : i32
      %lt3A_2560 = arith.cmpi slt, %squeeze3A_2556, %lt3A_2559 : i32
      %jit3A_2561 = arith.constant 0 : i32
      %select_n3A_2562 = arith.select %lt3A_2560, %squeeze3A_2556, %jit3A_2561 : i32
      %shift_right_arithmetic3A_2563 = arith.constant 4 : i32
      %shift_right_arithmetic3A_2564 = arith.shrsi %select_n3A_2562, %shift_right_arithmetic3A_2563 : i32
      %shift_left3A_2565 = arith.constant 4 : i32
      %shift_left3A_2566 = arith.shli %shift_right_arithmetic3A_2564, %shift_left3A_2565 : i32
      %add3A_2567 = arith.constant 10240 : i32
      %add3A_2568 = arith.addi %add3A_2567, %shift_left3A_2566 : i32
      %and3A_2569 = arith.constant 15 : i32
      %and3A_2570 = arith.andi %select_n3A_2562, %and3A_2569 : i32
      %jit3A_2571 = arith.constant 16 : i32
      %select_n3A_2572 = arith.select %lt3A_2560, %and3A_2570, %jit3A_2571 : i32
      %get3A_2573 = arith.index_cast %add3A_2568 : i32 to index
      %get3A_2574 = tpu.vector_load %arg7[%get3A_2573] {strides = array<i32>} : memref<32768xf32, #tpu.memory_space<vmem>>, vector<16xf32>,
      %get3A_2575 = vector.shape_cast %get3A_2574 : vector<16xf32> to vector<16xf32>
      %eq3A_2576 = vector.broadcast %select_n3A_2572 : i32 to vector<16xi32>
      %eq3A_2577 = arith.cmpi eq, %iota3A, %eq3A_2576 : vector<16xi32>
      %broadcast_in_dim3A_2578 = arith.constant 0.000000e+00 : f32
      %broadcast_in_dim3A_2579 = vector.broadcast %broadcast_in_dim3A_2578 : f32 to vector<16xf32>
      %select_n3A_2580 = arith.select %eq3A_2577, %broadcast_in_dim3A_2579, %get3A_2575 : vector<16xi1>, vector<16xf32>
      %swap3A_2581 = arith.index_cast %add3A_2568 : i32 to index
      %swap3A_2582 = tpu.vector_load %arg7[%swap3A_2581] {strides = array<i32>} : memref<32768xf32, #tpu.memory_space<vmem>>, vector<16xf32>,
      %swap3A_2583 = vector.shape_cast %swap3A_2582 : vector<16xf32> to vector<16xf32>
      %swap3A_2584 = vector.shape_cast %select_n3A_2580 : vector<16xf32> to vector<16xf32>
      tpu.vector_store %arg7[%swap3A_2581], %swap3A_2584 {strides = array<i32>} : memref<32768xf32, #tpu.memory_space<vmem>>, vector<16xf32>,
      %slice3A_2585 = vector.extract_strided_slice %get3A_2427 {offsets = [5], sizes = [1], strides = [1]} : vector<16xi32> to vector<1xi32>
      %squeeze3A_2586 = vector.extract %slice3A_2585[0] : i32 from vector<1xi32>
      %slice3A_2587 = vector.extract_strided_slice %get3A_2434 {offsets = [5], sizes = [1], strides = [1]} : vector<16xf32> to vector<1xf32>
      %squeeze3A_2588 = vector.extract %slice3A_2587[0] : f32 from vector<1xf32>
      %lt3A_2589 = arith.constant 512 : i32
      %lt3A_2590 = arith.cmpi slt, %squeeze3A_2586, %lt3A_2589 : i32
      %jit3A_2591 = arith.constant 0 : i32
      %select_n3A_2592 = arith.select %lt3A_2590, %squeeze3A_2586, %jit3A_2591 : i32
      %shift_right_arithmetic3A_2593 = arith.constant 4 : i32
      %shift_right_arithmetic3A_2594 = arith.shrsi %select_n3A_2592, %shift_right_arithmetic3A_2593 : i32
      %shift_left3A_2595 = arith.constant 4 : i32
      %shift_left3A_2596 = arith.shli %shift_right_arithmetic3A_2594, %shift_left3A_2595 : i32
      %add3A_2597 = arith.constant 10752 : i32
      %add3A_2598 = arith.addi %add3A_2597, %shift_left3A_2596 : i32
      %and3A_2599 = arith.constant 15 : i32
      %and3A_2600 = arith.andi %select_n3A_2592, %and3A_2599 : i32
      %jit3A_2601 = arith.constant 16 : i32
      %select_n3A_2602 = arith.select %lt3A_2590, %and3A_2600, %jit3A_2601 : i32
      %get3A_2603 = arith.index_cast %add3A_2598 : i32 to index
      %get3A_2604 = tpu.vector_load %arg7[%get3A_2603] {strides = array<i32>} : memref<32768xf32, #tpu.memory_space<vmem>>, vector<16xf32>,
      %get3A_2605 = vector.shape_cast %get3A_2604 : vector<16xf32> to vector<16xf32>
      %eq3A_2606 = vector.broadcast %select_n3A_2602 : i32 to vector<16xi32>
      %eq3A_2607 = arith.cmpi eq, %iota3A, %eq3A_2606 : vector<16xi32>
      %broadcast_in_dim3A_2608 = arith.constant 0.000000e+00 : f32
      %broadcast_in_dim3A_2609 = vector.broadcast %broadcast_in_dim3A_2608 : f32 to vector<16xf32>
      %select_n3A_2610 = arith.select %eq3A_2607, %broadcast_in_dim3A_2609, %get3A_2605 : vector<16xi1>, vector<16xf32>
      %swap3A_2611 = arith.index_cast %add3A_2598 : i32 to index
      %swap3A_2612 = tpu.vector_load %arg7[%swap3A_2611] {strides = array<i32>} : memref<32768xf32, #tpu.memory_space<vmem>>, vector<16xf32>,
      %swap3A_2613 = vector.shape_cast %swap3A_2612 : vector<16xf32> to vector<16xf32>
      %swap3A_2614 = vector.shape_cast %select_n3A_2610 : vector<16xf32> to vector<16xf32>
      tpu.vector_store %arg7[%swap3A_2611], %swap3A_2614 {strides = array<i32>} : memref<32768xf32, #tpu.memory_space<vmem>>, vector<16xf32>,
      %slice3A_2615 = vector.extract_strided_slice %get3A_2427 {offsets = [6], sizes = [1], strides = [1]} : vector<16xi32> to vector<1xi32>
      %squeeze3A_2616 = vector.extract %slice3A_2615[0] : i32 from vector<1xi32>
      %slice3A_2617 = vector.extract_strided_slice %get3A_2434 {offsets = [6], sizes = [1], strides = [1]} : vector<16xf32> to vector<1xf32>
      %squeeze3A_2618 = vector.extract %slice3A_2617[0] : f32 from vector<1xf32>
      %lt3A_2619 = arith.constant 512 : i32
      %lt3A_2620 = arith.cmpi slt, %squeeze3A_2616, %lt3A_2619 : i32
      %jit3A_2621 = arith.constant 0 : i32
      %select_n3A_2622 = arith.select %lt3A_2620, %squeeze3A_2616, %jit3A_2621 : i32
      %shift_right_arithmetic3A_2623 = arith.constant 4 : i32
      %shift_right_arithmetic3A_2624 = arith.shrsi %select_n3A_2622, %shift_right_arithmetic3A_2623 : i32
      %shift_left3A_2625 = arith.constant 4 : i32
      %shift_left3A_2626 = arith.shli %shift_right_arithmetic3A_2624, %shift_left3A_2625 : i32
      %add3A_2627 = arith.constant 11264 : i32
      %add3A_2628 = arith.addi %add3A_2627, %shift_left3A_2626 : i32
      %and3A_2629 = arith.constant 15 : i32
      %and3A_2630 = arith.andi %select_n3A_2622, %and3A_2629 : i32
      %jit3A_2631 = arith.constant 16 : i32
      %select_n3A_2632 = arith.select %lt3A_2620, %and3A_2630, %jit3A_2631 : i32
      %get3A_2633 = arith.index_cast %add3A_2628 : i32 to index
      %get3A_2634 = tpu.vector_load %arg7[%get3A_2633] {strides = array<i32>} : memref<32768xf32, #tpu.memory_space<vmem>>, vector<16xf32>,
      %get3A_2635 = vector.shape_cast %get3A_2634 : vector<16xf32> to vector<16xf32>
      %eq3A_2636 = vector.broadcast %select_n3A_2632 : i32 to vector<16xi32>
      %eq3A_2637 = arith.cmpi eq, %iota3A, %eq3A_2636 : vector<16xi32>
      %broadcast_in_dim3A_2638 = arith.constant 0.000000e+00 : f32
      %broadcast_in_dim3A_2639 = vector.broadcast %broadcast_in_dim3A_2638 : f32 to vector<16xf32>
      %select_n3A_2640 = arith.select %eq3A_2637, %broadcast_in_dim3A_2639, %get3A_2635 : vector<16xi1>, vector<16xf32>
      %swap3A_2641 = arith.index_cast %add3A_2628 : i32 to index
      %swap3A_2642 = tpu.vector_load %arg7[%swap3A_2641] {strides = array<i32>} : memref<32768xf32, #tpu.memory_space<vmem>>, vector<16xf32>,
      %swap3A_2643 = vector.shape_cast %swap3A_2642 : vector<16xf32> to vector<16xf32>
      %swap3A_2644 = vector.shape_cast %select_n3A_2640 : vector<16xf32> to vector<16xf32>
      tpu.vector_store %arg7[%swap3A_2641], %swap3A_2644 {strides = array<i32>} : memref<32768xf32, #tpu.memory_space<vmem>>, vector<16xf32>,
      %slice3A_2645 = vector.extract_strided_slice %get3A_2427 {offsets = [7], sizes = [1], strides = [1]} : vector<16xi32> to vector<1xi32>
      %squeeze3A_2646 = vector.extract %slice3A_2645[0] : i32 from vector<1xi32>
      %slice3A_2647 = vector.extract_strided_slice %get3A_2434 {offsets = [7], sizes = [1], strides = [1]} : vector<16xf32> to vector<1xf32>
      %squeeze3A_2648 = vector.extract %slice3A_2647[0] : f32 from vector<1xf32>
      %lt3A_2649 = arith.constant 512 : i32
      %lt3A_2650 = arith.cmpi slt, %squeeze3A_2646, %lt3A_2649 : i32
      %jit3A_2651 = arith.constant 0 : i32
      %select_n3A_2652 = arith.select %lt3A_2650, %squeeze3A_2646, %jit3A_2651 : i32
      %shift_right_arithmetic3A_2653 = arith.constant 4 : i32
      %shift_right_arithmetic3A_2654 = arith.shrsi %select_n3A_2652, %shift_right_arithmetic3A_2653 : i32
      %shift_left3A_2655 = arith.constant 4 : i32
      %shift_left3A_2656 = arith.shli %shift_right_arithmetic3A_2654, %shift_left3A_2655 : i32
      %add3A_2657 = arith.constant 11776 : i32
      %add3A_2658 = arith.addi %add3A_2657, %shift_left3A_2656 : i32
      %and3A_2659 = arith.constant 15 : i32
      %and3A_2660 = arith.andi %select_n3A_2652, %and3A_2659 : i32
      %jit3A_2661 = arith.constant 16 : i32
      %select_n3A_2662 = arith.select %lt3A_2650, %and3A_2660, %jit3A_2661 : i32
      %get3A_2663 = arith.index_cast %add3A_2658 : i32 to index
      %get3A_2664 = tpu.vector_load %arg7[%get3A_2663] {strides = array<i32>} : memref<32768xf32, #tpu.memory_space<vmem>>, vector<16xf32>,
      %get3A_2665 = vector.shape_cast %get3A_2664 : vector<16xf32> to vector<16xf32>
      %eq3A_2666 = vector.broadcast %select_n3A_2662 : i32 to vector<16xi32>
      %eq3A_2667 = arith.cmpi eq, %iota3A, %eq3A_2666 : vector<16xi32>
      %broadcast_in_dim3A_2668 = arith.constant 0.000000e+00 : f32
      %broadcast_in_dim3A_2669 = vector.broadcast %broadcast_in_dim3A_2668 : f32 to vector<16xf32>
      %select_n3A_2670 = arith.select %eq3A_2667, %broadcast_in_dim3A_2669, %get3A_2665 : vector<16xi1>, vector<16xf32>
      %swap3A_2671 = arith.index_cast %add3A_2658 : i32 to index
      %swap3A_2672 = tpu.vector_load %arg7[%swap3A_2671] {strides = array<i32>} : memref<32768xf32, #tpu.memory_space<vmem>>, vector<16xf32>,
      %swap3A_2673 = vector.shape_cast %swap3A_2672 : vector<16xf32> to vector<16xf32>
      %swap3A_2674 = vector.shape_cast %select_n3A_2670 : vector<16xf32> to vector<16xf32>
      tpu.vector_store %arg7[%swap3A_2671], %swap3A_2674 {strides = array<i32>} : memref<32768xf32, #tpu.memory_space<vmem>>, vector<16xf32>,
      %slice3A_2675 = vector.extract_strided_slice %get3A_2427 {offsets = [8], sizes = [1], strides = [1]} : vector<16xi32> to vector<1xi32>
      %squeeze3A_2676 = vector.extract %slice3A_2675[0] : i32 from vector<1xi32>
      %slice3A_2677 = vector.extract_strided_slice %get3A_2434 {offsets = [8], sizes = [1], strides = [1]} : vector<16xf32> to vector<1xf32>
      %squeeze3A_2678 = vector.extract %slice3A_2677[0] : f32 from vector<1xf32>
      %lt3A_2679 = arith.constant 512 : i32
      %lt3A_2680 = arith.cmpi slt, %squeeze3A_2676, %lt3A_2679 : i32
      %jit3A_2681 = arith.constant 0 : i32
      %select_n3A_2682 = arith.select %lt3A_2680, %squeeze3A_2676, %jit3A_2681 : i32
      %shift_right_arithmetic3A_2683 = arith.constant 4 : i32
      %shift_right_arithmetic3A_2684 = arith.shrsi %select_n3A_2682, %shift_right_arithmetic3A_2683 : i32
      %shift_left3A_2685 = arith.constant 4 : i32
      %shift_left3A_2686 = arith.shli %shift_right_arithmetic3A_2684, %shift_left3A_2685 : i32
      %add3A_2687 = arith.constant 12288 : i32
      %add3A_2688 = arith.addi %add3A_2687, %shift_left3A_2686 : i32
      %and3A_2689 = arith.constant 15 : i32
      %and3A_2690 = arith.andi %select_n3A_2682, %and3A_2689 : i32
      %jit3A_2691 = arith.constant 16 : i32
      %select_n3A_2692 = arith.select %lt3A_2680, %and3A_2690, %jit3A_2691 : i32
      %get3A_2693 = arith.index_cast %add3A_2688 : i32 to index
      %get3A_2694 = tpu.vector_load %arg7[%get3A_2693] {strides = array<i32>} : memref<32768xf32, #tpu.memory_space<vmem>>, vector<16xf32>,
      %get3A_2695 = vector.shape_cast %get3A_2694 : vector<16xf32> to vector<16xf32>
      %eq3A_2696 = vector.broadcast %select_n3A_2692 : i32 to vector<16xi32>
      %eq3A_2697 = arith.cmpi eq, %iota3A, %eq3A_2696 : vector<16xi32>
      %broadcast_in_dim3A_2698 = arith.constant 0.000000e+00 : f32
      %broadcast_in_dim3A_2699 = vector.broadcast %broadcast_in_dim3A_2698 : f32 to vector<16xf32>
      %select_n3A_2700 = arith.select %eq3A_2697, %broadcast_in_dim3A_2699, %get3A_2695 : vector<16xi1>, vector<16xf32>
      %swap3A_2701 = arith.index_cast %add3A_2688 : i32 to index
      %swap3A_2702 = tpu.vector_load %arg7[%swap3A_2701] {strides = array<i32>} : memref<32768xf32, #tpu.memory_space<vmem>>, vector<16xf32>,
      %swap3A_2703 = vector.shape_cast %swap3A_2702 : vector<16xf32> to vector<16xf32>
      %swap3A_2704 = vector.shape_cast %select_n3A_2700 : vector<16xf32> to vector<16xf32>
      tpu.vector_store %arg7[%swap3A_2701], %swap3A_2704 {strides = array<i32>} : memref<32768xf32, #tpu.memory_space<vmem>>, vector<16xf32>,
      %slice3A_2705 = vector.extract_strided_slice %get3A_2427 {offsets = [9], sizes = [1], strides = [1]} : vector<16xi32> to vector<1xi32>
      %squeeze3A_2706 = vector.extract %slice3A_2705[0] : i32 from vector<1xi32>
      %slice3A_2707 = vector.extract_strided_slice %get3A_2434 {offsets = [9], sizes = [1], strides = [1]} : vector<16xf32> to vector<1xf32>
      %squeeze3A_2708 = vector.extract %slice3A_2707[0] : f32 from vector<1xf32>
      %lt3A_2709 = arith.constant 512 : i32
      %lt3A_2710 = arith.cmpi slt, %squeeze3A_2706, %lt3A_2709 : i32
      %jit3A_2711 = arith.constant 0 : i32
      %select_n3A_2712 = arith.select %lt3A_2710, %squeeze3A_2706, %jit3A_2711 : i32
      %shift_right_arithmetic3A_2713 = arith.constant 4 : i32
      %shift_right_arithmetic3A_2714 = arith.shrsi %select_n3A_2712, %shift_right_arithmetic3A_2713 : i32
      %shift_left3A_2715 = arith.constant 4 : i32
      %shift_left3A_2716 = arith.shli %shift_right_arithmetic3A_2714, %shift_left3A_2715 : i32
      %add3A_2717 = arith.constant 12800 : i32
      %add3A_2718 = arith.addi %add3A_2717, %shift_left3A_2716 : i32
      %and3A_2719 = arith.constant 15 : i32
      %and3A_2720 = arith.andi %select_n3A_2712, %and3A_2719 : i32
      %jit3A_2721 = arith.constant 16 : i32
      %select_n3A_2722 = arith.select %lt3A_2710, %and3A_2720, %jit3A_2721 : i32
      %get3A_2723 = arith.index_cast %add3A_2718 : i32 to index
      %get3A_2724 = tpu.vector_load %arg7[%get3A_2723] {strides = array<i32>} : memref<32768xf32, #tpu.memory_space<vmem>>, vector<16xf32>,
      %get3A_2725 = vector.shape_cast %get3A_2724 : vector<16xf32> to vector<16xf32>
      %eq3A_2726 = vector.broadcast %select_n3A_2722 : i32 to vector<16xi32>
      %eq3A_2727 = arith.cmpi eq, %iota3A, %eq3A_2726 : vector<16xi32>
      %broadcast_in_dim3A_2728 = arith.constant 0.000000e+00 : f32
      %broadcast_in_dim3A_2729 = vector.broadcast %broadcast_in_dim3A_2728 : f32 to vector<16xf32>
      %select_n3A_2730 = arith.select %eq3A_2727, %broadcast_in_dim3A_2729, %get3A_2725 : vector<16xi1>, vector<16xf32>
      %swap3A_2731 = arith.index_cast %add3A_2718 : i32 to index
      %swap3A_2732 = tpu.vector_load %arg7[%swap3A_2731] {strides = array<i32>} : memref<32768xf32, #tpu.memory_space<vmem>>, vector<16xf32>,
      %swap3A_2733 = vector.shape_cast %swap3A_2732 : vector<16xf32> to vector<16xf32>
      %swap3A_2734 = vector.shape_cast %select_n3A_2730 : vector<16xf32> to vector<16xf32>
      tpu.vector_store %arg7[%swap3A_2731], %swap3A_2734 {strides = array<i32>} : memref<32768xf32, #tpu.memory_space<vmem>>, vector<16xf32>,
      %slice3A_2735 = vector.extract_strided_slice %get3A_2427 {offsets = [10], sizes = [1], strides = [1]} : vector<16xi32> to vector<1xi32>
      %squeeze3A_2736 = vector.extract %slice3A_2735[0] : i32 from vector<1xi32>
      %slice3A_2737 = vector.extract_strided_slice %get3A_2434 {offsets = [10], sizes = [1], strides = [1]} : vector<16xf32> to vector<1xf32>
      %squeeze3A_2738 = vector.extract %slice3A_2737[0] : f32 from vector<1xf32>
      %lt3A_2739 = arith.constant 512 : i32
      %lt3A_2740 = arith.cmpi slt, %squeeze3A_2736, %lt3A_2739 : i32
      %jit3A_2741 = arith.constant 0 : i32
      %select_n3A_2742 = arith.select %lt3A_2740, %squeeze3A_2736, %jit3A_2741 : i32
      %shift_right_arithmetic3A_2743 = arith.constant 4 : i32
      %shift_right_arithmetic3A_2744 = arith.shrsi %select_n3A_2742, %shift_right_arithmetic3A_2743 : i32
      %shift_left3A_2745 = arith.constant 4 : i32
      %shift_left3A_2746 = arith.shli %shift_right_arithmetic3A_2744, %shift_left3A_2745 : i32
      %add3A_2747 = arith.constant 13312 : i32
      %add3A_2748 = arith.addi %add3A_2747, %shift_left3A_2746 : i32
      %and3A_2749 = arith.constant 15 : i32
      %and3A_2750 = arith.andi %select_n3A_2742, %and3A_2749 : i32
      %jit3A_2751 = arith.constant 16 : i32
      %select_n3A_2752 = arith.select %lt3A_2740, %and3A_2750, %jit3A_2751 : i32
      %get3A_2753 = arith.index_cast %add3A_2748 : i32 to index
      %get3A_2754 = tpu.vector_load %arg7[%get3A_2753] {strides = array<i32>} : memref<32768xf32, #tpu.memory_space<vmem>>, vector<16xf32>,
      %get3A_2755 = vector.shape_cast %get3A_2754 : vector<16xf32> to vector<16xf32>
      %eq3A_2756 = vector.broadcast %select_n3A_2752 : i32 to vector<16xi32>
      %eq3A_2757 = arith.cmpi eq, %iota3A, %eq3A_2756 : vector<16xi32>
      %broadcast_in_dim3A_2758 = arith.constant 0.000000e+00 : f32
      %broadcast_in_dim3A_2759 = vector.broadcast %broadcast_in_dim3A_2758 : f32 to vector<16xf32>
      %select_n3A_2760 = arith.select %eq3A_2757, %broadcast_in_dim3A_2759, %get3A_2755 : vector<16xi1>, vector<16xf32>
      %swap3A_2761 = arith.index_cast %add3A_2748 : i32 to index
      %swap3A_2762 = tpu.vector_load %arg7[%swap3A_2761] {strides = array<i32>} : memref<32768xf32, #tpu.memory_space<vmem>>, vector<16xf32>,
      %swap3A_2763 = vector.shape_cast %swap3A_2762 : vector<16xf32> to vector<16xf32>
      %swap3A_2764 = vector.shape_cast %select_n3A_2760 : vector<16xf32> to vector<16xf32>
      tpu.vector_store %arg7[%swap3A_2761], %swap3A_2764 {strides = array<i32>} : memref<32768xf32, #tpu.memory_space<vmem>>, vector<16xf32>,
      %slice3A_2765 = vector.extract_strided_slice %get3A_2427 {offsets = [11], sizes = [1], strides = [1]} : vector<16xi32> to vector<1xi32>
      %squeeze3A_2766 = vector.extract %slice3A_2765[0] : i32 from vector<1xi32>
      %slice3A_2767 = vector.extract_strided_slice %get3A_2434 {offsets = [11], sizes = [1], strides = [1]} : vector<16xf32> to vector<1xf32>
      %squeeze3A_2768 = vector.extract %slice3A_2767[0] : f32 from vector<1xf32>
      %lt3A_2769 = arith.constant 512 : i32
      %lt3A_2770 = arith.cmpi slt, %squeeze3A_2766, %lt3A_2769 : i32
      %jit3A_2771 = arith.constant 0 : i32
      %select_n3A_2772 = arith.select %lt3A_2770, %squeeze3A_2766, %jit3A_2771 : i32
      %shift_right_arithmetic3A_2773 = arith.constant 4 : i32
      %shift_right_arithmetic3A_2774 = arith.shrsi %select_n3A_2772, %shift_right_arithmetic3A_2773 : i32
      %shift_left3A_2775 = arith.constant 4 : i32
      %shift_left3A_2776 = arith.shli %shift_right_arithmetic3A_2774, %shift_left3A_2775 : i32
      %add3A_2777 = arith.constant 13824 : i32
      %add3A_2778 = arith.addi %add3A_2777, %shift_left3A_2776 : i32
      %and3A_2779 = arith.constant 15 : i32
      %and3A_2780 = arith.andi %select_n3A_2772, %and3A_2779 : i32
      %jit3A_2781 = arith.constant 16 : i32
      %select_n3A_2782 = arith.select %lt3A_2770, %and3A_2780, %jit3A_2781 : i32
      %get3A_2783 = arith.index_cast %add3A_2778 : i32 to index
      %get3A_2784 = tpu.vector_load %arg7[%get3A_2783] {strides = array<i32>} : memref<32768xf32, #tpu.memory_space<vmem>>, vector<16xf32>,
      %get3A_2785 = vector.shape_cast %get3A_2784 : vector<16xf32> to vector<16xf32>
      %eq3A_2786 = vector.broadcast %select_n3A_2782 : i32 to vector<16xi32>
      %eq3A_2787 = arith.cmpi eq, %iota3A, %eq3A_2786 : vector<16xi32>
      %broadcast_in_dim3A_2788 = arith.constant 0.000000e+00 : f32
      %broadcast_in_dim3A_2789 = vector.broadcast %broadcast_in_dim3A_2788 : f32 to vector<16xf32>
      %select_n3A_2790 = arith.select %eq3A_2787, %broadcast_in_dim3A_2789, %get3A_2785 : vector<16xi1>, vector<16xf32>
      %swap3A_2791 = arith.index_cast %add3A_2778 : i32 to index
      %swap3A_2792 = tpu.vector_load %arg7[%swap3A_2791] {strides = array<i32>} : memref<32768xf32, #tpu.memory_space<vmem>>, vector<16xf32>,
      %swap3A_2793 = vector.shape_cast %swap3A_2792 : vector<16xf32> to vector<16xf32>
      %swap3A_2794 = vector.shape_cast %select_n3A_2790 : vector<16xf32> to vector<16xf32>
      tpu.vector_store %arg7[%swap3A_2791], %swap3A_2794 {strides = array<i32>} : memref<32768xf32, #tpu.memory_space<vmem>>, vector<16xf32>,
      %slice3A_2795 = vector.extract_strided_slice %get3A_2427 {offsets = [12], sizes = [1], strides = [1]} : vector<16xi32> to vector<1xi32>
      %squeeze3A_2796 = vector.extract %slice3A_2795[0] : i32 from vector<1xi32>
      %slice3A_2797 = vector.extract_strided_slice %get3A_2434 {offsets = [12], sizes = [1], strides = [1]} : vector<16xf32> to vector<1xf32>
      %squeeze3A_2798 = vector.extract %slice3A_2797[0] : f32 from vector<1xf32>
      %lt3A_2799 = arith.constant 512 : i32
      %lt3A_2800 = arith.cmpi slt, %squeeze3A_2796, %lt3A_2799 : i32
      %jit3A_2801 = arith.constant 0 : i32
      %select_n3A_2802 = arith.select %lt3A_2800, %squeeze3A_2796, %jit3A_2801 : i32
      %shift_right_arithmetic3A_2803 = arith.constant 4 : i32
      %shift_right_arithmetic3A_2804 = arith.shrsi %select_n3A_2802, %shift_right_arithmetic3A_2803 : i32
      %shift_left3A_2805 = arith.constant 4 : i32
      %shift_left3A_2806 = arith.shli %shift_right_arithmetic3A_2804, %shift_left3A_2805 : i32
      %add3A_2807 = arith.constant 14336 : i32
      %add3A_2808 = arith.addi %add3A_2807, %shift_left3A_2806 : i32
      %and3A_2809 = arith.constant 15 : i32
      %and3A_2810 = arith.andi %select_n3A_2802, %and3A_2809 : i32
      %jit3A_2811 = arith.constant 16 : i32
      %select_n3A_2812 = arith.select %lt3A_2800, %and3A_2810, %jit3A_2811 : i32
      %get3A_2813 = arith.index_cast %add3A_2808 : i32 to index
      %get3A_2814 = tpu.vector_load %arg7[%get3A_2813] {strides = array<i32>} : memref<32768xf32, #tpu.memory_space<vmem>>, vector<16xf32>,
      %get3A_2815 = vector.shape_cast %get3A_2814 : vector<16xf32> to vector<16xf32>
      %eq3A_2816 = vector.broadcast %select_n3A_2812 : i32 to vector<16xi32>
      %eq3A_2817 = arith.cmpi eq, %iota3A, %eq3A_2816 : vector<16xi32>
      %broadcast_in_dim3A_2818 = arith.constant 0.000000e+00 : f32
      %broadcast_in_dim3A_2819 = vector.broadcast %broadcast_in_dim3A_2818 : f32 to vector<16xf32>
      %select_n3A_2820 = arith.select %eq3A_2817, %broadcast_in_dim3A_2819, %get3A_2815 : vector<16xi1>, vector<16xf32>
      %swap3A_2821 = arith.index_cast %add3A_2808 : i32 to index
      %swap3A_2822 = tpu.vector_load %arg7[%swap3A_2821] {strides = array<i32>} : memref<32768xf32, #tpu.memory_space<vmem>>, vector<16xf32>,
      %swap3A_2823 = vector.shape_cast %swap3A_2822 : vector<16xf32> to vector<16xf32>
      %swap3A_2824 = vector.shape_cast %select_n3A_2820 : vector<16xf32> to vector<16xf32>
      tpu.vector_store %arg7[%swap3A_2821], %swap3A_2824 {strides = array<i32>} : memref<32768xf32, #tpu.memory_space<vmem>>, vector<16xf32>,
      %slice3A_2825 = vector.extract_strided_slice %get3A_2427 {offsets = [13], sizes = [1], strides = [1]} : vector<16xi32> to vector<1xi32>
      %squeeze3A_2826 = vector.extract %slice3A_2825[0] : i32 from vector<1xi32>
      %slice3A_2827 = vector.extract_strided_slice %get3A_2434 {offsets = [13], sizes = [1], strides = [1]} : vector<16xf32> to vector<1xf32>
      %squeeze3A_2828 = vector.extract %slice3A_2827[0] : f32 from vector<1xf32>
      %lt3A_2829 = arith.constant 512 : i32
      %lt3A_2830 = arith.cmpi slt, %squeeze3A_2826, %lt3A_2829 : i32
      %jit3A_2831 = arith.constant 0 : i32
      %select_n3A_2832 = arith.select %lt3A_2830, %squeeze3A_2826, %jit3A_2831 : i32
      %shift_right_arithmetic3A_2833 = arith.constant 4 : i32
      %shift_right_arithmetic3A_2834 = arith.shrsi %select_n3A_2832, %shift_right_arithmetic3A_2833 : i32
      %shift_left3A_2835 = arith.constant 4 : i32
      %shift_left3A_2836 = arith.shli %shift_right_arithmetic3A_2834, %shift_left3A_2835 : i32
      %add3A_2837 = arith.constant 14848 : i32
      %add3A_2838 = arith.addi %add3A_2837, %shift_left3A_2836 : i32
      %and3A_2839 = arith.constant 15 : i32
      %and3A_2840 = arith.andi %select_n3A_2832, %and3A_2839 : i32
      %jit3A_2841 = arith.constant 16 : i32
      %select_n3A_2842 = arith.select %lt3A_2830, %and3A_2840, %jit3A_2841 : i32
      %get3A_2843 = arith.index_cast %add3A_2838 : i32 to index
      %get3A_2844 = tpu.vector_load %arg7[%get3A_2843] {strides = array<i32>} : memref<32768xf32, #tpu.memory_space<vmem>>, vector<16xf32>,
      %get3A_2845 = vector.shape_cast %get3A_2844 : vector<16xf32> to vector<16xf32>
      %eq3A_2846 = vector.broadcast %select_n3A_2842 : i32 to vector<16xi32>
      %eq3A_2847 = arith.cmpi eq, %iota3A, %eq3A_2846 : vector<16xi32>
      %broadcast_in_dim3A_2848 = arith.constant 0.000000e+00 : f32
      %broadcast_in_dim3A_2849 = vector.broadcast %broadcast_in_dim3A_2848 : f32 to vector<16xf32>
      %select_n3A_2850 = arith.select %eq3A_2847, %broadcast_in_dim3A_2849, %get3A_2845 : vector<16xi1>, vector<16xf32>
      %swap3A_2851 = arith.index_cast %add3A_2838 : i32 to index
      %swap3A_2852 = tpu.vector_load %arg7[%swap3A_2851] {strides = array<i32>} : memref<32768xf32, #tpu.memory_space<vmem>>, vector<16xf32>,
      %swap3A_2853 = vector.shape_cast %swap3A_2852 : vector<16xf32> to vector<16xf32>
      %swap3A_2854 = vector.shape_cast %select_n3A_2850 : vector<16xf32> to vector<16xf32>
      tpu.vector_store %arg7[%swap3A_2851], %swap3A_2854 {strides = array<i32>} : memref<32768xf32, #tpu.memory_space<vmem>>, vector<16xf32>,
      %slice3A_2855 = vector.extract_strided_slice %get3A_2427 {offsets = [14], sizes = [1], strides = [1]} : vector<16xi32> to vector<1xi32>
      %squeeze3A_2856 = vector.extract %slice3A_2855[0] : i32 from vector<1xi32>
      %slice3A_2857 = vector.extract_strided_slice %get3A_2434 {offsets = [14], sizes = [1], strides = [1]} : vector<16xf32> to vector<1xf32>
      %squeeze3A_2858 = vector.extract %slice3A_2857[0] : f32 from vector<1xf32>
      %lt3A_2859 = arith.constant 512 : i32
      %lt3A_2860 = arith.cmpi slt, %squeeze3A_2856, %lt3A_2859 : i32
      %jit3A_2861 = arith.constant 0 : i32
      %select_n3A_2862 = arith.select %lt3A_2860, %squeeze3A_2856, %jit3A_2861 : i32
      %shift_right_arithmetic3A_2863 = arith.constant 4 : i32
      %shift_right_arithmetic3A_2864 = arith.shrsi %select_n3A_2862, %shift_right_arithmetic3A_2863 : i32
      %shift_left3A_2865 = arith.constant 4 : i32
      %shift_left3A_2866 = arith.shli %shift_right_arithmetic3A_2864, %shift_left3A_2865 : i32
      %add3A_2867 = arith.constant 15360 : i32
      %add3A_2868 = arith.addi %add3A_2867, %shift_left3A_2866 : i32
      %and3A_2869 = arith.constant 15 : i32
      %and3A_2870 = arith.andi %select_n3A_2862, %and3A_2869 : i32
      %jit3A_2871 = arith.constant 16 : i32
      %select_n3A_2872 = arith.select %lt3A_2860, %and3A_2870, %jit3A_2871 : i32
      %get3A_2873 = arith.index_cast %add3A_2868 : i32 to index
      %get3A_2874 = tpu.vector_load %arg7[%get3A_2873] {strides = array<i32>} : memref<32768xf32, #tpu.memory_space<vmem>>, vector<16xf32>,
      %get3A_2875 = vector.shape_cast %get3A_2874 : vector<16xf32> to vector<16xf32>
      %eq3A_2876 = vector.broadcast %select_n3A_2872 : i32 to vector<16xi32>
      %eq3A_2877 = arith.cmpi eq, %iota3A, %eq3A_2876 : vector<16xi32>
      %broadcast_in_dim3A_2878 = arith.constant 0.000000e+00 : f32
      %broadcast_in_dim3A_2879 = vector.broadcast %broadcast_in_dim3A_2878 : f32 to vector<16xf32>
      %select_n3A_2880 = arith.select %eq3A_2877, %broadcast_in_dim3A_2879, %get3A_2875 : vector<16xi1>, vector<16xf32>
      %swap3A_2881 = arith.index_cast %add3A_2868 : i32 to index
      %swap3A_2882 = tpu.vector_load %arg7[%swap3A_2881] {strides = array<i32>} : memref<32768xf32, #tpu.memory_space<vmem>>, vector<16xf32>,
      %swap3A_2883 = vector.shape_cast %swap3A_2882 : vector<16xf32> to vector<16xf32>
      %swap3A_2884 = vector.shape_cast %select_n3A_2880 : vector<16xf32> to vector<16xf32>
      tpu.vector_store %arg7[%swap3A_2881], %swap3A_2884 {strides = array<i32>} : memref<32768xf32, #tpu.memory_space<vmem>>, vector<16xf32>,
      %slice3A_2885 = vector.extract_strided_slice %get3A_2427 {offsets = [15], sizes = [1], strides = [1]} : vector<16xi32> to vector<1xi32>
      %squeeze3A_2886 = vector.extract %slice3A_2885[0] : i32 from vector<1xi32>
      %slice3A_2887 = vector.extract_strided_slice %get3A_2434 {offsets = [15], sizes = [1], strides = [1]} : vector<16xf32> to vector<1xf32>
      %squeeze3A_2888 = vector.extract %slice3A_2887[0] : f32 from vector<1xf32>
      %lt3A_2889 = arith.constant 512 : i32
      %lt3A_2890 = arith.cmpi slt, %squeeze3A_2886, %lt3A_2889 : i32
      %jit3A_2891 = arith.constant 0 : i32
      %select_n3A_2892 = arith.select %lt3A_2890, %squeeze3A_2886, %jit3A_2891 : i32
      %shift_right_arithmetic3A_2893 = arith.constant 4 : i32
      %shift_right_arithmetic3A_2894 = arith.shrsi %select_n3A_2892, %shift_right_arithmetic3A_2893 : i32
      %shift_left3A_2895 = arith.constant 4 : i32
      %shift_left3A_2896 = arith.shli %shift_right_arithmetic3A_2894, %shift_left3A_2895 : i32
      %add3A_2897 = arith.constant 15872 : i32
      %add3A_2898 = arith.addi %add3A_2897, %shift_left3A_2896 : i32
      %and3A_2899 = arith.constant 15 : i32
      %and3A_2900 = arith.andi %select_n3A_2892, %and3A_2899 : i32
      %jit3A_2901 = arith.constant 16 : i32
      %select_n3A_2902 = arith.select %lt3A_2890, %and3A_2900, %jit3A_2901 : i32
      %get3A_2903 = arith.index_cast %add3A_2898 : i32 to index
      %get3A_2904 = tpu.vector_load %arg7[%get3A_2903] {strides = array<i32>} : memref<32768xf32, #tpu.memory_space<vmem>>, vector<16xf32>,
      %get3A_2905 = vector.shape_cast %get3A_2904 : vector<16xf32> to vector<16xf32>
      %eq3A_2906 = vector.broadcast %select_n3A_2902 : i32 to vector<16xi32>
      %eq3A_2907 = arith.cmpi eq, %iota3A, %eq3A_2906 : vector<16xi32>
      %broadcast_in_dim3A_2908 = arith.constant 0.000000e+00 : f32
      %broadcast_in_dim3A_2909 = vector.broadcast %broadcast_in_dim3A_2908 : f32 to vector<16xf32>
      %select_n3A_2910 = arith.select %eq3A_2907, %broadcast_in_dim3A_2909, %get3A_2905 : vector<16xi1>, vector<16xf32>
      %swap3A_2911 = arith.index_cast %add3A_2898 : i32 to index
      %swap3A_2912 = tpu.vector_load %arg7[%swap3A_2911] {strides = array<i32>} : memref<32768xf32, #tpu.memory_space<vmem>>, vector<16xf32>,
      %swap3A_2913 = vector.shape_cast %swap3A_2912 : vector<16xf32> to vector<16xf32>
      %swap3A_2914 = vector.shape_cast %select_n3A_2910 : vector<16xf32> to vector<16xf32>
      tpu.vector_store %arg7[%swap3A_2911], %swap3A_2914 {strides = array<i32>} : memref<32768xf32, #tpu.memory_space<vmem>>, vector<16xf32>,
      %mul3A_2915 = arith.constant 64 : i32
      %mul3A_2916 = arith.muli %scan3A_19, %mul3A_2915 : i32
      %add3A_2917 = arith.constant 32 : i32
      %add3A_2918 = arith.addi %mul3A_2916, %add3A_2917 : i32
      %get3A_2919 = arith.index_cast %add3A_2918 : i32 to index
      %get3A_2920 = tpu.vector_load %arg5[%get3A_2919] {strides = array<i32>} : memref<1024xi32, #tpu.memory_space<vmem>>, vector<16xi32>,
      %get3A_2921 = vector.shape_cast %get3A_2920 : vector<16xi32> to vector<16xi32>
      %mul3A_2922 = arith.constant 64 : i32
      %mul3A_2923 = arith.muli %scan3A_19, %mul3A_2922 : i32
      %add3A_2924 = arith.constant 32 : i32
      %add3A_2925 = arith.addi %mul3A_2923, %add3A_2924 : i32
      %get3A_2926 = arith.index_cast %add3A_2925 : i32 to index
      %get3A_2927 = tpu.vector_load %arg6[%get3A_2926] {strides = array<i32>} : memref<1024xf32, #tpu.memory_space<vmem>>, vector<16xf32>,
      %get3A_2928 = vector.shape_cast %get3A_2927 : vector<16xf32> to vector<16xf32>
      %slice3A_2929 = vector.extract_strided_slice %get3A_2921 {offsets = [0], sizes = [1], strides = [1]} : vector<16xi32> to vector<1xi32>
      %squeeze3A_2930 = vector.extract %slice3A_2929[0] : i32 from vector<1xi32>
      %slice3A_2931 = vector.extract_strided_slice %get3A_2928 {offsets = [0], sizes = [1], strides = [1]} : vector<16xf32> to vector<1xf32>
      %squeeze3A_2932 = vector.extract %slice3A_2931[0] : f32 from vector<1xf32>
      %lt3A_2933 = arith.constant 512 : i32
      %lt3A_2934 = arith.cmpi slt, %squeeze3A_2930, %lt3A_2933 : i32
      %jit3A_2935 = arith.constant 0 : i32
      %select_n3A_2936 = arith.select %lt3A_2934, %squeeze3A_2930, %jit3A_2935 : i32
      %shift_right_arithmetic3A_2937 = arith.constant 4 : i32
      %shift_right_arithmetic3A_2938 = arith.shrsi %select_n3A_2936, %shift_right_arithmetic3A_2937 : i32
      %shift_left3A_2939 = arith.constant 4 : i32
      %shift_left3A_2940 = arith.shli %shift_right_arithmetic3A_2938, %shift_left3A_2939 : i32
      %add3A_2941 = arith.constant 16384 : i32
      %add3A_2942 = arith.addi %add3A_2941, %shift_left3A_2940 : i32
      %and3A_2943 = arith.constant 15 : i32
      %and3A_2944 = arith.andi %select_n3A_2936, %and3A_2943 : i32
      %jit3A_2945 = arith.constant 16 : i32
      %select_n3A_2946 = arith.select %lt3A_2934, %and3A_2944, %jit3A_2945 : i32
      %get3A_2947 = arith.index_cast %add3A_2942 : i32 to index
      %get3A_2948 = tpu.vector_load %arg7[%get3A_2947] {strides = array<i32>} : memref<32768xf32, #tpu.memory_space<vmem>>, vector<16xf32>,
      %get3A_2949 = vector.shape_cast %get3A_2948 : vector<16xf32> to vector<16xf32>
      %eq3A_2950 = vector.broadcast %select_n3A_2946 : i32 to vector<16xi32>
      %eq3A_2951 = arith.cmpi eq, %iota3A, %eq3A_2950 : vector<16xi32>
      %broadcast_in_dim3A_2952 = arith.constant 0.000000e+00 : f32
      %broadcast_in_dim3A_2953 = vector.broadcast %broadcast_in_dim3A_2952 : f32 to vector<16xf32>
      %select_n3A_2954 = arith.select %eq3A_2951, %broadcast_in_dim3A_2953, %get3A_2949 : vector<16xi1>, vector<16xf32>
      %swap3A_2955 = arith.index_cast %add3A_2942 : i32 to index
      %swap3A_2956 = tpu.vector_load %arg7[%swap3A_2955] {strides = array<i32>} : memref<32768xf32, #tpu.memory_space<vmem>>, vector<16xf32>,
      %swap3A_2957 = vector.shape_cast %swap3A_2956 : vector<16xf32> to vector<16xf32>
      %swap3A_2958 = vector.shape_cast %select_n3A_2954 : vector<16xf32> to vector<16xf32>
      tpu.vector_store %arg7[%swap3A_2955], %swap3A_2958 {strides = array<i32>} : memref<32768xf32, #tpu.memory_space<vmem>>, vector<16xf32>,
      %slice3A_2959 = vector.extract_strided_slice %get3A_2921 {offsets = [1], sizes = [1], strides = [1]} : vector<16xi32> to vector<1xi32>
      %squeeze3A_2960 = vector.extract %slice3A_2959[0] : i32 from vector<1xi32>
      %slice3A_2961 = vector.extract_strided_slice %get3A_2928 {offsets = [1], sizes = [1], strides = [1]} : vector<16xf32> to vector<1xf32>
      %squeeze3A_2962 = vector.extract %slice3A_2961[0] : f32 from vector<1xf32>
      %lt3A_2963 = arith.constant 512 : i32
      %lt3A_2964 = arith.cmpi slt, %squeeze3A_2960, %lt3A_2963 : i32
      %jit3A_2965 = arith.constant 0 : i32
      %select_n3A_2966 = arith.select %lt3A_2964, %squeeze3A_2960, %jit3A_2965 : i32
      %shift_right_arithmetic3A_2967 = arith.constant 4 : i32
      %shift_right_arithmetic3A_2968 = arith.shrsi %select_n3A_2966, %shift_right_arithmetic3A_2967 : i32
      %shift_left3A_2969 = arith.constant 4 : i32
      %shift_left3A_2970 = arith.shli %shift_right_arithmetic3A_2968, %shift_left3A_2969 : i32
      %add3A_2971 = arith.constant 16896 : i32
      %add3A_2972 = arith.addi %add3A_2971, %shift_left3A_2970 : i32
      %and3A_2973 = arith.constant 15 : i32
      %and3A_2974 = arith.andi %select_n3A_2966, %and3A_2973 : i32
      %jit3A_2975 = arith.constant 16 : i32
      %select_n3A_2976 = arith.select %lt3A_2964, %and3A_2974, %jit3A_2975 : i32
      %get3A_2977 = arith.index_cast %add3A_2972 : i32 to index
      %get3A_2978 = tpu.vector_load %arg7[%get3A_2977] {strides = array<i32>} : memref<32768xf32, #tpu.memory_space<vmem>>, vector<16xf32>,
      %get3A_2979 = vector.shape_cast %get3A_2978 : vector<16xf32> to vector<16xf32>
      %eq3A_2980 = vector.broadcast %select_n3A_2976 : i32 to vector<16xi32>
      %eq3A_2981 = arith.cmpi eq, %iota3A, %eq3A_2980 : vector<16xi32>
      %broadcast_in_dim3A_2982 = arith.constant 0.000000e+00 : f32
      %broadcast_in_dim3A_2983 = vector.broadcast %broadcast_in_dim3A_2982 : f32 to vector<16xf32>
      %select_n3A_2984 = arith.select %eq3A_2981, %broadcast_in_dim3A_2983, %get3A_2979 : vector<16xi1>, vector<16xf32>
      %swap3A_2985 = arith.index_cast %add3A_2972 : i32 to index
      %swap3A_2986 = tpu.vector_load %arg7[%swap3A_2985] {strides = array<i32>} : memref<32768xf32, #tpu.memory_space<vmem>>, vector<16xf32>,
      %swap3A_2987 = vector.shape_cast %swap3A_2986 : vector<16xf32> to vector<16xf32>
      %swap3A_2988 = vector.shape_cast %select_n3A_2984 : vector<16xf32> to vector<16xf32>
      tpu.vector_store %arg7[%swap3A_2985], %swap3A_2988 {strides = array<i32>} : memref<32768xf32, #tpu.memory_space<vmem>>, vector<16xf32>,
      %slice3A_2989 = vector.extract_strided_slice %get3A_2921 {offsets = [2], sizes = [1], strides = [1]} : vector<16xi32> to vector<1xi32>
      %squeeze3A_2990 = vector.extract %slice3A_2989[0] : i32 from vector<1xi32>
      %slice3A_2991 = vector.extract_strided_slice %get3A_2928 {offsets = [2], sizes = [1], strides = [1]} : vector<16xf32> to vector<1xf32>
      %squeeze3A_2992 = vector.extract %slice3A_2991[0] : f32 from vector<1xf32>
      %lt3A_2993 = arith.constant 512 : i32
      %lt3A_2994 = arith.cmpi slt, %squeeze3A_2990, %lt3A_2993 : i32
      %jit3A_2995 = arith.constant 0 : i32
      %select_n3A_2996 = arith.select %lt3A_2994, %squeeze3A_2990, %jit3A_2995 : i32
      %shift_right_arithmetic3A_2997 = arith.constant 4 : i32
      %shift_right_arithmetic3A_2998 = arith.shrsi %select_n3A_2996, %shift_right_arithmetic3A_2997 : i32
      %shift_left3A_2999 = arith.constant 4 : i32
      %shift_left3A_3000 = arith.shli %shift_right_arithmetic3A_2998, %shift_left3A_2999 : i32
      %add3A_3001 = arith.constant 17408 : i32
      %add3A_3002 = arith.addi %add3A_3001, %shift_left3A_3000 : i32
      %and3A_3003 = arith.constant 15 : i32
      %and3A_3004 = arith.andi %select_n3A_2996, %and3A_3003 : i32
      %jit3A_3005 = arith.constant 16 : i32
      %select_n3A_3006 = arith.select %lt3A_2994, %and3A_3004, %jit3A_3005 : i32
      %get3A_3007 = arith.index_cast %add3A_3002 : i32 to index
      %get3A_3008 = tpu.vector_load %arg7[%get3A_3007] {strides = array<i32>} : memref<32768xf32, #tpu.memory_space<vmem>>, vector<16xf32>,
      %get3A_3009 = vector.shape_cast %get3A_3008 : vector<16xf32> to vector<16xf32>
      %eq3A_3010 = vector.broadcast %select_n3A_3006 : i32 to vector<16xi32>
      %eq3A_3011 = arith.cmpi eq, %iota3A, %eq3A_3010 : vector<16xi32>
      %broadcast_in_dim3A_3012 = arith.constant 0.000000e+00 : f32
      %broadcast_in_dim3A_3013 = vector.broadcast %broadcast_in_dim3A_3012 : f32 to vector<16xf32>
      %select_n3A_3014 = arith.select %eq3A_3011, %broadcast_in_dim3A_3013, %get3A_3009 : vector<16xi1>, vector<16xf32>
      %swap3A_3015 = arith.index_cast %add3A_3002 : i32 to index
      %swap3A_3016 = tpu.vector_load %arg7[%swap3A_3015] {strides = array<i32>} : memref<32768xf32, #tpu.memory_space<vmem>>, vector<16xf32>,
      %swap3A_3017 = vector.shape_cast %swap3A_3016 : vector<16xf32> to vector<16xf32>
      %swap3A_3018 = vector.shape_cast %select_n3A_3014 : vector<16xf32> to vector<16xf32>
      tpu.vector_store %arg7[%swap3A_3015], %swap3A_3018 {strides = array<i32>} : memref<32768xf32, #tpu.memory_space<vmem>>, vector<16xf32>,
      %slice3A_3019 = vector.extract_strided_slice %get3A_2921 {offsets = [3], sizes = [1], strides = [1]} : vector<16xi32> to vector<1xi32>
      %squeeze3A_3020 = vector.extract %slice3A_3019[0] : i32 from vector<1xi32>
      %slice3A_3021 = vector.extract_strided_slice %get3A_2928 {offsets = [3], sizes = [1], strides = [1]} : vector<16xf32> to vector<1xf32>
      %squeeze3A_3022 = vector.extract %slice3A_3021[0] : f32 from vector<1xf32>
      %lt3A_3023 = arith.constant 512 : i32
      %lt3A_3024 = arith.cmpi slt, %squeeze3A_3020, %lt3A_3023 : i32
      %jit3A_3025 = arith.constant 0 : i32
      %select_n3A_3026 = arith.select %lt3A_3024, %squeeze3A_3020, %jit3A_3025 : i32
      %shift_right_arithmetic3A_3027 = arith.constant 4 : i32
      %shift_right_arithmetic3A_3028 = arith.shrsi %select_n3A_3026, %shift_right_arithmetic3A_3027 : i32
      %shift_left3A_3029 = arith.constant 4 : i32
      %shift_left3A_3030 = arith.shli %shift_right_arithmetic3A_3028, %shift_left3A_3029 : i32
      %add3A_3031 = arith.constant 17920 : i32
      %add3A_3032 = arith.addi %add3A_3031, %shift_left3A_3030 : i32
      %and3A_3033 = arith.constant 15 : i32
      %and3A_3034 = arith.andi %select_n3A_3026, %and3A_3033 : i32
      %jit3A_3035 = arith.constant 16 : i32
      %select_n3A_3036 = arith.select %lt3A_3024, %and3A_3034, %jit3A_3035 : i32
      %get3A_3037 = arith.index_cast %add3A_3032 : i32 to index
      %get3A_3038 = tpu.vector_load %arg7[%get3A_3037] {strides = array<i32>} : memref<32768xf32, #tpu.memory_space<vmem>>, vector<16xf32>,
      %get3A_3039 = vector.shape_cast %get3A_3038 : vector<16xf32> to vector<16xf32>
      %eq3A_3040 = vector.broadcast %select_n3A_3036 : i32 to vector<16xi32>
      %eq3A_3041 = arith.cmpi eq, %iota3A, %eq3A_3040 : vector<16xi32>
      %broadcast_in_dim3A_3042 = arith.constant 0.000000e+00 : f32
      %broadcast_in_dim3A_3043 = vector.broadcast %broadcast_in_dim3A_3042 : f32 to vector<16xf32>
      %select_n3A_3044 = arith.select %eq3A_3041, %broadcast_in_dim3A_3043, %get3A_3039 : vector<16xi1>, vector<16xf32>
      %swap3A_3045 = arith.index_cast %add3A_3032 : i32 to index
      %swap3A_3046 = tpu.vector_load %arg7[%swap3A_3045] {strides = array<i32>} : memref<32768xf32, #tpu.memory_space<vmem>>, vector<16xf32>,
      %swap3A_3047 = vector.shape_cast %swap3A_3046 : vector<16xf32> to vector<16xf32>
      %swap3A_3048 = vector.shape_cast %select_n3A_3044 : vector<16xf32> to vector<16xf32>
      tpu.vector_store %arg7[%swap3A_3045], %swap3A_3048 {strides = array<i32>} : memref<32768xf32, #tpu.memory_space<vmem>>, vector<16xf32>,
      %slice3A_3049 = vector.extract_strided_slice %get3A_2921 {offsets = [4], sizes = [1], strides = [1]} : vector<16xi32> to vector<1xi32>
      %squeeze3A_3050 = vector.extract %slice3A_3049[0] : i32 from vector<1xi32>
      %slice3A_3051 = vector.extract_strided_slice %get3A_2928 {offsets = [4], sizes = [1], strides = [1]} : vector<16xf32> to vector<1xf32>
      %squeeze3A_3052 = vector.extract %slice3A_3051[0] : f32 from vector<1xf32>
      %lt3A_3053 = arith.constant 512 : i32
      %lt3A_3054 = arith.cmpi slt, %squeeze3A_3050, %lt3A_3053 : i32
      %jit3A_3055 = arith.constant 0 : i32
      %select_n3A_3056 = arith.select %lt3A_3054, %squeeze3A_3050, %jit3A_3055 : i32
      %shift_right_arithmetic3A_3057 = arith.constant 4 : i32
      %shift_right_arithmetic3A_3058 = arith.shrsi %select_n3A_3056, %shift_right_arithmetic3A_3057 : i32
      %shift_left3A_3059 = arith.constant 4 : i32
      %shift_left3A_3060 = arith.shli %shift_right_arithmetic3A_3058, %shift_left3A_3059 : i32
      %add3A_3061 = arith.constant 18432 : i32
      %add3A_3062 = arith.addi %add3A_3061, %shift_left3A_3060 : i32
      %and3A_3063 = arith.constant 15 : i32
      %and3A_3064 = arith.andi %select_n3A_3056, %and3A_3063 : i32
      %jit3A_3065 = arith.constant 16 : i32
      %select_n3A_3066 = arith.select %lt3A_3054, %and3A_3064, %jit3A_3065 : i32
      %get3A_3067 = arith.index_cast %add3A_3062 : i32 to index
      %get3A_3068 = tpu.vector_load %arg7[%get3A_3067] {strides = array<i32>} : memref<32768xf32, #tpu.memory_space<vmem>>, vector<16xf32>,
      %get3A_3069 = vector.shape_cast %get3A_3068 : vector<16xf32> to vector<16xf32>
      %eq3A_3070 = vector.broadcast %select_n3A_3066 : i32 to vector<16xi32>
      %eq3A_3071 = arith.cmpi eq, %iota3A, %eq3A_3070 : vector<16xi32>
      %broadcast_in_dim3A_3072 = arith.constant 0.000000e+00 : f32
      %broadcast_in_dim3A_3073 = vector.broadcast %broadcast_in_dim3A_3072 : f32 to vector<16xf32>
      %select_n3A_3074 = arith.select %eq3A_3071, %broadcast_in_dim3A_3073, %get3A_3069 : vector<16xi1>, vector<16xf32>
      %swap3A_3075 = arith.index_cast %add3A_3062 : i32 to index
      %swap3A_3076 = tpu.vector_load %arg7[%swap3A_3075] {strides = array<i32>} : memref<32768xf32, #tpu.memory_space<vmem>>, vector<16xf32>,
      %swap3A_3077 = vector.shape_cast %swap3A_3076 : vector<16xf32> to vector<16xf32>
      %swap3A_3078 = vector.shape_cast %select_n3A_3074 : vector<16xf32> to vector<16xf32>
      tpu.vector_store %arg7[%swap3A_3075], %swap3A_3078 {strides = array<i32>} : memref<32768xf32, #tpu.memory_space<vmem>>, vector<16xf32>,
      %slice3A_3079 = vector.extract_strided_slice %get3A_2921 {offsets = [5], sizes = [1], strides = [1]} : vector<16xi32> to vector<1xi32>
      %squeeze3A_3080 = vector.extract %slice3A_3079[0] : i32 from vector<1xi32>
      %slice3A_3081 = vector.extract_strided_slice %get3A_2928 {offsets = [5], sizes = [1], strides = [1]} : vector<16xf32> to vector<1xf32>
      %squeeze3A_3082 = vector.extract %slice3A_3081[0] : f32 from vector<1xf32>
      %lt3A_3083 = arith.constant 512 : i32
      %lt3A_3084 = arith.cmpi slt, %squeeze3A_3080, %lt3A_3083 : i32
      %jit3A_3085 = arith.constant 0 : i32
      %select_n3A_3086 = arith.select %lt3A_3084, %squeeze3A_3080, %jit3A_3085 : i32
      %shift_right_arithmetic3A_3087 = arith.constant 4 : i32
      %shift_right_arithmetic3A_3088 = arith.shrsi %select_n3A_3086, %shift_right_arithmetic3A_3087 : i32
      %shift_left3A_3089 = arith.constant 4 : i32
      %shift_left3A_3090 = arith.shli %shift_right_arithmetic3A_3088, %shift_left3A_3089 : i32
      %add3A_3091 = arith.constant 18944 : i32
      %add3A_3092 = arith.addi %add3A_3091, %shift_left3A_3090 : i32
      %and3A_3093 = arith.constant 15 : i32
      %and3A_3094 = arith.andi %select_n3A_3086, %and3A_3093 : i32
      %jit3A_3095 = arith.constant 16 : i32
      %select_n3A_3096 = arith.select %lt3A_3084, %and3A_3094, %jit3A_3095 : i32
      %get3A_3097 = arith.index_cast %add3A_3092 : i32 to index
      %get3A_3098 = tpu.vector_load %arg7[%get3A_3097] {strides = array<i32>} : memref<32768xf32, #tpu.memory_space<vmem>>, vector<16xf32>,
      %get3A_3099 = vector.shape_cast %get3A_3098 : vector<16xf32> to vector<16xf32>
      %eq3A_3100 = vector.broadcast %select_n3A_3096 : i32 to vector<16xi32>
      %eq3A_3101 = arith.cmpi eq, %iota3A, %eq3A_3100 : vector<16xi32>
      %broadcast_in_dim3A_3102 = arith.constant 0.000000e+00 : f32
      %broadcast_in_dim3A_3103 = vector.broadcast %broadcast_in_dim3A_3102 : f32 to vector<16xf32>
      %select_n3A_3104 = arith.select %eq3A_3101, %broadcast_in_dim3A_3103, %get3A_3099 : vector<16xi1>, vector<16xf32>
      %swap3A_3105 = arith.index_cast %add3A_3092 : i32 to index
      %swap3A_3106 = tpu.vector_load %arg7[%swap3A_3105] {strides = array<i32>} : memref<32768xf32, #tpu.memory_space<vmem>>, vector<16xf32>,
      %swap3A_3107 = vector.shape_cast %swap3A_3106 : vector<16xf32> to vector<16xf32>
      %swap3A_3108 = vector.shape_cast %select_n3A_3104 : vector<16xf32> to vector<16xf32>
      tpu.vector_store %arg7[%swap3A_3105], %swap3A_3108 {strides = array<i32>} : memref<32768xf32, #tpu.memory_space<vmem>>, vector<16xf32>,
      %slice3A_3109 = vector.extract_strided_slice %get3A_2921 {offsets = [6], sizes = [1], strides = [1]} : vector<16xi32> to vector<1xi32>
      %squeeze3A_3110 = vector.extract %slice3A_3109[0] : i32 from vector<1xi32>
      %slice3A_3111 = vector.extract_strided_slice %get3A_2928 {offsets = [6], sizes = [1], strides = [1]} : vector<16xf32> to vector<1xf32>
      %squeeze3A_3112 = vector.extract %slice3A_3111[0] : f32 from vector<1xf32>
      %lt3A_3113 = arith.constant 512 : i32
      %lt3A_3114 = arith.cmpi slt, %squeeze3A_3110, %lt3A_3113 : i32
      %jit3A_3115 = arith.constant 0 : i32
      %select_n3A_3116 = arith.select %lt3A_3114, %squeeze3A_3110, %jit3A_3115 : i32
      %shift_right_arithmetic3A_3117 = arith.constant 4 : i32
      %shift_right_arithmetic3A_3118 = arith.shrsi %select_n3A_3116, %shift_right_arithmetic3A_3117 : i32
      %shift_left3A_3119 = arith.constant 4 : i32
      %shift_left3A_3120 = arith.shli %shift_right_arithmetic3A_3118, %shift_left3A_3119 : i32
      %add3A_3121 = arith.constant 19456 : i32
      %add3A_3122 = arith.addi %add3A_3121, %shift_left3A_3120 : i32
      %and3A_3123 = arith.constant 15 : i32
      %and3A_3124 = arith.andi %select_n3A_3116, %and3A_3123 : i32
      %jit3A_3125 = arith.constant 16 : i32
      %select_n3A_3126 = arith.select %lt3A_3114, %and3A_3124, %jit3A_3125 : i32
      %get3A_3127 = arith.index_cast %add3A_3122 : i32 to index
      %get3A_3128 = tpu.vector_load %arg7[%get3A_3127] {strides = array<i32>} : memref<32768xf32, #tpu.memory_space<vmem>>, vector<16xf32>,
      %get3A_3129 = vector.shape_cast %get3A_3128 : vector<16xf32> to vector<16xf32>
      %eq3A_3130 = vector.broadcast %select_n3A_3126 : i32 to vector<16xi32>
      %eq3A_3131 = arith.cmpi eq, %iota3A, %eq3A_3130 : vector<16xi32>
      %broadcast_in_dim3A_3132 = arith.constant 0.000000e+00 : f32
      %broadcast_in_dim3A_3133 = vector.broadcast %broadcast_in_dim3A_3132 : f32 to vector<16xf32>
      %select_n3A_3134 = arith.select %eq3A_3131, %broadcast_in_dim3A_3133, %get3A_3129 : vector<16xi1>, vector<16xf32>
      %swap3A_3135 = arith.index_cast %add3A_3122 : i32 to index
      %swap3A_3136 = tpu.vector_load %arg7[%swap3A_3135] {strides = array<i32>} : memref<32768xf32, #tpu.memory_space<vmem>>, vector<16xf32>,
      %swap3A_3137 = vector.shape_cast %swap3A_3136 : vector<16xf32> to vector<16xf32>
      %swap3A_3138 = vector.shape_cast %select_n3A_3134 : vector<16xf32> to vector<16xf32>
      tpu.vector_store %arg7[%swap3A_3135], %swap3A_3138 {strides = array<i32>} : memref<32768xf32, #tpu.memory_space<vmem>>, vector<16xf32>,
      %slice3A_3139 = vector.extract_strided_slice %get3A_2921 {offsets = [7], sizes = [1], strides = [1]} : vector<16xi32> to vector<1xi32>
      %squeeze3A_3140 = vector.extract %slice3A_3139[0] : i32 from vector<1xi32>
      %slice3A_3141 = vector.extract_strided_slice %get3A_2928 {offsets = [7], sizes = [1], strides = [1]} : vector<16xf32> to vector<1xf32>
      %squeeze3A_3142 = vector.extract %slice3A_3141[0] : f32 from vector<1xf32>
      %lt3A_3143 = arith.constant 512 : i32
      %lt3A_3144 = arith.cmpi slt, %squeeze3A_3140, %lt3A_3143 : i32
      %jit3A_3145 = arith.constant 0 : i32
      %select_n3A_3146 = arith.select %lt3A_3144, %squeeze3A_3140, %jit3A_3145 : i32
      %shift_right_arithmetic3A_3147 = arith.constant 4 : i32
      %shift_right_arithmetic3A_3148 = arith.shrsi %select_n3A_3146, %shift_right_arithmetic3A_3147 : i32
      %shift_left3A_3149 = arith.constant 4 : i32
      %shift_left3A_3150 = arith.shli %shift_right_arithmetic3A_3148, %shift_left3A_3149 : i32
      %add3A_3151 = arith.constant 19968 : i32
      %add3A_3152 = arith.addi %add3A_3151, %shift_left3A_3150 : i32
      %and3A_3153 = arith.constant 15 : i32
      %and3A_3154 = arith.andi %select_n3A_3146, %and3A_3153 : i32
      %jit3A_3155 = arith.constant 16 : i32
      %select_n3A_3156 = arith.select %lt3A_3144, %and3A_3154, %jit3A_3155 : i32
      %get3A_3157 = arith.index_cast %add3A_3152 : i32 to index
      %get3A_3158 = tpu.vector_load %arg7[%get3A_3157] {strides = array<i32>} : memref<32768xf32, #tpu.memory_space<vmem>>, vector<16xf32>,
      %get3A_3159 = vector.shape_cast %get3A_3158 : vector<16xf32> to vector<16xf32>
      %eq3A_3160 = vector.broadcast %select_n3A_3156 : i32 to vector<16xi32>
      %eq3A_3161 = arith.cmpi eq, %iota3A, %eq3A_3160 : vector<16xi32>
      %broadcast_in_dim3A_3162 = arith.constant 0.000000e+00 : f32
      %broadcast_in_dim3A_3163 = vector.broadcast %broadcast_in_dim3A_3162 : f32 to vector<16xf32>
      %select_n3A_3164 = arith.select %eq3A_3161, %broadcast_in_dim3A_3163, %get3A_3159 : vector<16xi1>, vector<16xf32>
      %swap3A_3165 = arith.index_cast %add3A_3152 : i32 to index
      %swap3A_3166 = tpu.vector_load %arg7[%swap3A_3165] {strides = array<i32>} : memref<32768xf32, #tpu.memory_space<vmem>>, vector<16xf32>,
      %swap3A_3167 = vector.shape_cast %swap3A_3166 : vector<16xf32> to vector<16xf32>
      %swap3A_3168 = vector.shape_cast %select_n3A_3164 : vector<16xf32> to vector<16xf32>
      tpu.vector_store %arg7[%swap3A_3165], %swap3A_3168 {strides = array<i32>} : memref<32768xf32, #tpu.memory_space<vmem>>, vector<16xf32>,
      %slice3A_3169 = vector.extract_strided_slice %get3A_2921 {offsets = [8], sizes = [1], strides = [1]} : vector<16xi32> to vector<1xi32>
      %squeeze3A_3170 = vector.extract %slice3A_3169[0] : i32 from vector<1xi32>
      %slice3A_3171 = vector.extract_strided_slice %get3A_2928 {offsets = [8], sizes = [1], strides = [1]} : vector<16xf32> to vector<1xf32>
      %squeeze3A_3172 = vector.extract %slice3A_3171[0] : f32 from vector<1xf32>
      %lt3A_3173 = arith.constant 512 : i32
      %lt3A_3174 = arith.cmpi slt, %squeeze3A_3170, %lt3A_3173 : i32
      %jit3A_3175 = arith.constant 0 : i32
      %select_n3A_3176 = arith.select %lt3A_3174, %squeeze3A_3170, %jit3A_3175 : i32
      %shift_right_arithmetic3A_3177 = arith.constant 4 : i32
      %shift_right_arithmetic3A_3178 = arith.shrsi %select_n3A_3176, %shift_right_arithmetic3A_3177 : i32
      %shift_left3A_3179 = arith.constant 4 : i32
      %shift_left3A_3180 = arith.shli %shift_right_arithmetic3A_3178, %shift_left3A_3179 : i32
      %add3A_3181 = arith.constant 20480 : i32
      %add3A_3182 = arith.addi %add3A_3181, %shift_left3A_3180 : i32
      %and3A_3183 = arith.constant 15 : i32
      %and3A_3184 = arith.andi %select_n3A_3176, %and3A_3183 : i32
      %jit3A_3185 = arith.constant 16 : i32
      %select_n3A_3186 = arith.select %lt3A_3174, %and3A_3184, %jit3A_3185 : i32
      %get3A_3187 = arith.index_cast %add3A_3182 : i32 to index
      %get3A_3188 = tpu.vector_load %arg7[%get3A_3187] {strides = array<i32>} : memref<32768xf32, #tpu.memory_space<vmem>>, vector<16xf32>,
      %get3A_3189 = vector.shape_cast %get3A_3188 : vector<16xf32> to vector<16xf32>
      %eq3A_3190 = vector.broadcast %select_n3A_3186 : i32 to vector<16xi32>
      %eq3A_3191 = arith.cmpi eq, %iota3A, %eq3A_3190 : vector<16xi32>
      %broadcast_in_dim3A_3192 = arith.constant 0.000000e+00 : f32
      %broadcast_in_dim3A_3193 = vector.broadcast %broadcast_in_dim3A_3192 : f32 to vector<16xf32>
      %select_n3A_3194 = arith.select %eq3A_3191, %broadcast_in_dim3A_3193, %get3A_3189 : vector<16xi1>, vector<16xf32>
      %swap3A_3195 = arith.index_cast %add3A_3182 : i32 to index
      %swap3A_3196 = tpu.vector_load %arg7[%swap3A_3195] {strides = array<i32>} : memref<32768xf32, #tpu.memory_space<vmem>>, vector<16xf32>,
      %swap3A_3197 = vector.shape_cast %swap3A_3196 : vector<16xf32> to vector<16xf32>
      %swap3A_3198 = vector.shape_cast %select_n3A_3194 : vector<16xf32> to vector<16xf32>
      tpu.vector_store %arg7[%swap3A_3195], %swap3A_3198 {strides = array<i32>} : memref<32768xf32, #tpu.memory_space<vmem>>, vector<16xf32>,
      %slice3A_3199 = vector.extract_strided_slice %get3A_2921 {offsets = [9], sizes = [1], strides = [1]} : vector<16xi32> to vector<1xi32>
      %squeeze3A_3200 = vector.extract %slice3A_3199[0] : i32 from vector<1xi32>
      %slice3A_3201 = vector.extract_strided_slice %get3A_2928 {offsets = [9], sizes = [1], strides = [1]} : vector<16xf32> to vector<1xf32>
      %squeeze3A_3202 = vector.extract %slice3A_3201[0] : f32 from vector<1xf32>
      %lt3A_3203 = arith.constant 512 : i32
      %lt3A_3204 = arith.cmpi slt, %squeeze3A_3200, %lt3A_3203 : i32
      %jit3A_3205 = arith.constant 0 : i32
      %select_n3A_3206 = arith.select %lt3A_3204, %squeeze3A_3200, %jit3A_3205 : i32
      %shift_right_arithmetic3A_3207 = arith.constant 4 : i32
      %shift_right_arithmetic3A_3208 = arith.shrsi %select_n3A_3206, %shift_right_arithmetic3A_3207 : i32
      %shift_left3A_3209 = arith.constant 4 : i32
      %shift_left3A_3210 = arith.shli %shift_right_arithmetic3A_3208, %shift_left3A_3209 : i32
      %add3A_3211 = arith.constant 20992 : i32
      %add3A_3212 = arith.addi %add3A_3211, %shift_left3A_3210 : i32
      %and3A_3213 = arith.constant 15 : i32
      %and3A_3214 = arith.andi %select_n3A_3206, %and3A_3213 : i32
      %jit3A_3215 = arith.constant 16 : i32
      %select_n3A_3216 = arith.select %lt3A_3204, %and3A_3214, %jit3A_3215 : i32
      %get3A_3217 = arith.index_cast %add3A_3212 : i32 to index
      %get3A_3218 = tpu.vector_load %arg7[%get3A_3217] {strides = array<i32>} : memref<32768xf32, #tpu.memory_space<vmem>>, vector<16xf32>,
      %get3A_3219 = vector.shape_cast %get3A_3218 : vector<16xf32> to vector<16xf32>
      %eq3A_3220 = vector.broadcast %select_n3A_3216 : i32 to vector<16xi32>
      %eq3A_3221 = arith.cmpi eq, %iota3A, %eq3A_3220 : vector<16xi32>
      %broadcast_in_dim3A_3222 = arith.constant 0.000000e+00 : f32
      %broadcast_in_dim3A_3223 = vector.broadcast %broadcast_in_dim3A_3222 : f32 to vector<16xf32>
      %select_n3A_3224 = arith.select %eq3A_3221, %broadcast_in_dim3A_3223, %get3A_3219 : vector<16xi1>, vector<16xf32>
      %swap3A_3225 = arith.index_cast %add3A_3212 : i32 to index
      %swap3A_3226 = tpu.vector_load %arg7[%swap3A_3225] {strides = array<i32>} : memref<32768xf32, #tpu.memory_space<vmem>>, vector<16xf32>,
      %swap3A_3227 = vector.shape_cast %swap3A_3226 : vector<16xf32> to vector<16xf32>
      %swap3A_3228 = vector.shape_cast %select_n3A_3224 : vector<16xf32> to vector<16xf32>
      tpu.vector_store %arg7[%swap3A_3225], %swap3A_3228 {strides = array<i32>} : memref<32768xf32, #tpu.memory_space<vmem>>, vector<16xf32>,
      %slice3A_3229 = vector.extract_strided_slice %get3A_2921 {offsets = [10], sizes = [1], strides = [1]} : vector<16xi32> to vector<1xi32>
      %squeeze3A_3230 = vector.extract %slice3A_3229[0] : i32 from vector<1xi32>
      %slice3A_3231 = vector.extract_strided_slice %get3A_2928 {offsets = [10], sizes = [1], strides = [1]} : vector<16xf32> to vector<1xf32>
      %squeeze3A_3232 = vector.extract %slice3A_3231[0] : f32 from vector<1xf32>
      %lt3A_3233 = arith.constant 512 : i32
      %lt3A_3234 = arith.cmpi slt, %squeeze3A_3230, %lt3A_3233 : i32
      %jit3A_3235 = arith.constant 0 : i32
      %select_n3A_3236 = arith.select %lt3A_3234, %squeeze3A_3230, %jit3A_3235 : i32
      %shift_right_arithmetic3A_3237 = arith.constant 4 : i32
      %shift_right_arithmetic3A_3238 = arith.shrsi %select_n3A_3236, %shift_right_arithmetic3A_3237 : i32
      %shift_left3A_3239 = arith.constant 4 : i32
      %shift_left3A_3240 = arith.shli %shift_right_arithmetic3A_3238, %shift_left3A_3239 : i32
      %add3A_3241 = arith.constant 21504 : i32
      %add3A_3242 = arith.addi %add3A_3241, %shift_left3A_3240 : i32
      %and3A_3243 = arith.constant 15 : i32
      %and3A_3244 = arith.andi %select_n3A_3236, %and3A_3243 : i32
      %jit3A_3245 = arith.constant 16 : i32
      %select_n3A_3246 = arith.select %lt3A_3234, %and3A_3244, %jit3A_3245 : i32
      %get3A_3247 = arith.index_cast %add3A_3242 : i32 to index
      %get3A_3248 = tpu.vector_load %arg7[%get3A_3247] {strides = array<i32>} : memref<32768xf32, #tpu.memory_space<vmem>>, vector<16xf32>,
      %get3A_3249 = vector.shape_cast %get3A_3248 : vector<16xf32> to vector<16xf32>
      %eq3A_3250 = vector.broadcast %select_n3A_3246 : i32 to vector<16xi32>
      %eq3A_3251 = arith.cmpi eq, %iota3A, %eq3A_3250 : vector<16xi32>
      %broadcast_in_dim3A_3252 = arith.constant 0.000000e+00 : f32
      %broadcast_in_dim3A_3253 = vector.broadcast %broadcast_in_dim3A_3252 : f32 to vector<16xf32>
      %select_n3A_3254 = arith.select %eq3A_3251, %broadcast_in_dim3A_3253, %get3A_3249 : vector<16xi1>, vector<16xf32>
      %swap3A_3255 = arith.index_cast %add3A_3242 : i32 to index
      %swap3A_3256 = tpu.vector_load %arg7[%swap3A_3255] {strides = array<i32>} : memref<32768xf32, #tpu.memory_space<vmem>>, vector<16xf32>,
      %swap3A_3257 = vector.shape_cast %swap3A_3256 : vector<16xf32> to vector<16xf32>
      %swap3A_3258 = vector.shape_cast %select_n3A_3254 : vector<16xf32> to vector<16xf32>
      tpu.vector_store %arg7[%swap3A_3255], %swap3A_3258 {strides = array<i32>} : memref<32768xf32, #tpu.memory_space<vmem>>, vector<16xf32>,
      %slice3A_3259 = vector.extract_strided_slice %get3A_2921 {offsets = [11], sizes = [1], strides = [1]} : vector<16xi32> to vector<1xi32>
      %squeeze3A_3260 = vector.extract %slice3A_3259[0] : i32 from vector<1xi32>
      %slice3A_3261 = vector.extract_strided_slice %get3A_2928 {offsets = [11], sizes = [1], strides = [1]} : vector<16xf32> to vector<1xf32>
      %squeeze3A_3262 = vector.extract %slice3A_3261[0] : f32 from vector<1xf32>
      %lt3A_3263 = arith.constant 512 : i32
      %lt3A_3264 = arith.cmpi slt, %squeeze3A_3260, %lt3A_3263 : i32
      %jit3A_3265 = arith.constant 0 : i32
      %select_n3A_3266 = arith.select %lt3A_3264, %squeeze3A_3260, %jit3A_3265 : i32
      %shift_right_arithmetic3A_3267 = arith.constant 4 : i32
      %shift_right_arithmetic3A_3268 = arith.shrsi %select_n3A_3266, %shift_right_arithmetic3A_3267 : i32
      %shift_left3A_3269 = arith.constant 4 : i32
      %shift_left3A_3270 = arith.shli %shift_right_arithmetic3A_3268, %shift_left3A_3269 : i32
      %add3A_3271 = arith.constant 22016 : i32
      %add3A_3272 = arith.addi %add3A_3271, %shift_left3A_3270 : i32
      %and3A_3273 = arith.constant 15 : i32
      %and3A_3274 = arith.andi %select_n3A_3266, %and3A_3273 : i32
      %jit3A_3275 = arith.constant 16 : i32
      %select_n3A_3276 = arith.select %lt3A_3264, %and3A_3274, %jit3A_3275 : i32
      %get3A_3277 = arith.index_cast %add3A_3272 : i32 to index
      %get3A_3278 = tpu.vector_load %arg7[%get3A_3277] {strides = array<i32>} : memref<32768xf32, #tpu.memory_space<vmem>>, vector<16xf32>,
      %get3A_3279 = vector.shape_cast %get3A_3278 : vector<16xf32> to vector<16xf32>
      %eq3A_3280 = vector.broadcast %select_n3A_3276 : i32 to vector<16xi32>
      %eq3A_3281 = arith.cmpi eq, %iota3A, %eq3A_3280 : vector<16xi32>
      %broadcast_in_dim3A_3282 = arith.constant 0.000000e+00 : f32
      %broadcast_in_dim3A_3283 = vector.broadcast %broadcast_in_dim3A_3282 : f32 to vector<16xf32>
      %select_n3A_3284 = arith.select %eq3A_3281, %broadcast_in_dim3A_3283, %get3A_3279 : vector<16xi1>, vector<16xf32>
      %swap3A_3285 = arith.index_cast %add3A_3272 : i32 to index
      %swap3A_3286 = tpu.vector_load %arg7[%swap3A_3285] {strides = array<i32>} : memref<32768xf32, #tpu.memory_space<vmem>>, vector<16xf32>,
      %swap3A_3287 = vector.shape_cast %swap3A_3286 : vector<16xf32> to vector<16xf32>
      %swap3A_3288 = vector.shape_cast %select_n3A_3284 : vector<16xf32> to vector<16xf32>
      tpu.vector_store %arg7[%swap3A_3285], %swap3A_3288 {strides = array<i32>} : memref<32768xf32, #tpu.memory_space<vmem>>, vector<16xf32>,
      %slice3A_3289 = vector.extract_strided_slice %get3A_2921 {offsets = [12], sizes = [1], strides = [1]} : vector<16xi32> to vector<1xi32>
      %squeeze3A_3290 = vector.extract %slice3A_3289[0] : i32 from vector<1xi32>
      %slice3A_3291 = vector.extract_strided_slice %get3A_2928 {offsets = [12], sizes = [1], strides = [1]} : vector<16xf32> to vector<1xf32>
      %squeeze3A_3292 = vector.extract %slice3A_3291[0] : f32 from vector<1xf32>
      %lt3A_3293 = arith.constant 512 : i32
      %lt3A_3294 = arith.cmpi slt, %squeeze3A_3290, %lt3A_3293 : i32
      %jit3A_3295 = arith.constant 0 : i32
      %select_n3A_3296 = arith.select %lt3A_3294, %squeeze3A_3290, %jit3A_3295 : i32
      %shift_right_arithmetic3A_3297 = arith.constant 4 : i32
      %shift_right_arithmetic3A_3298 = arith.shrsi %select_n3A_3296, %shift_right_arithmetic3A_3297 : i32
      %shift_left3A_3299 = arith.constant 4 : i32
      %shift_left3A_3300 = arith.shli %shift_right_arithmetic3A_3298, %shift_left3A_3299 : i32
      %add3A_3301 = arith.constant 22528 : i32
      %add3A_3302 = arith.addi %add3A_3301, %shift_left3A_3300 : i32
      %and3A_3303 = arith.constant 15 : i32
      %and3A_3304 = arith.andi %select_n3A_3296, %and3A_3303 : i32
      %jit3A_3305 = arith.constant 16 : i32
      %select_n3A_3306 = arith.select %lt3A_3294, %and3A_3304, %jit3A_3305 : i32
      %get3A_3307 = arith.index_cast %add3A_3302 : i32 to index
      %get3A_3308 = tpu.vector_load %arg7[%get3A_3307] {strides = array<i32>} : memref<32768xf32, #tpu.memory_space<vmem>>, vector<16xf32>,
      %get3A_3309 = vector.shape_cast %get3A_3308 : vector<16xf32> to vector<16xf32>
      %eq3A_3310 = vector.broadcast %select_n3A_3306 : i32 to vector<16xi32>
      %eq3A_3311 = arith.cmpi eq, %iota3A, %eq3A_3310 : vector<16xi32>
      %broadcast_in_dim3A_3312 = arith.constant 0.000000e+00 : f32
      %broadcast_in_dim3A_3313 = vector.broadcast %broadcast_in_dim3A_3312 : f32 to vector<16xf32>
      %select_n3A_3314 = arith.select %eq3A_3311, %broadcast_in_dim3A_3313, %get3A_3309 : vector<16xi1>, vector<16xf32>
      %swap3A_3315 = arith.index_cast %add3A_3302 : i32 to index
      %swap3A_3316 = tpu.vector_load %arg7[%swap3A_3315] {strides = array<i32>} : memref<32768xf32, #tpu.memory_space<vmem>>, vector<16xf32>,
      %swap3A_3317 = vector.shape_cast %swap3A_3316 : vector<16xf32> to vector<16xf32>
      %swap3A_3318 = vector.shape_cast %select_n3A_3314 : vector<16xf32> to vector<16xf32>
      tpu.vector_store %arg7[%swap3A_3315], %swap3A_3318 {strides = array<i32>} : memref<32768xf32, #tpu.memory_space<vmem>>, vector<16xf32>,
      %slice3A_3319 = vector.extract_strided_slice %get3A_2921 {offsets = [13], sizes = [1], strides = [1]} : vector<16xi32> to vector<1xi32>
      %squeeze3A_3320 = vector.extract %slice3A_3319[0] : i32 from vector<1xi32>
      %slice3A_3321 = vector.extract_strided_slice %get3A_2928 {offsets = [13], sizes = [1], strides = [1]} : vector<16xf32> to vector<1xf32>
      %squeeze3A_3322 = vector.extract %slice3A_3321[0] : f32 from vector<1xf32>
      %lt3A_3323 = arith.constant 512 : i32
      %lt3A_3324 = arith.cmpi slt, %squeeze3A_3320, %lt3A_3323 : i32
      %jit3A_3325 = arith.constant 0 : i32
      %select_n3A_3326 = arith.select %lt3A_3324, %squeeze3A_3320, %jit3A_3325 : i32
      %shift_right_arithmetic3A_3327 = arith.constant 4 : i32
      %shift_right_arithmetic3A_3328 = arith.shrsi %select_n3A_3326, %shift_right_arithmetic3A_3327 : i32
      %shift_left3A_3329 = arith.constant 4 : i32
      %shift_left3A_3330 = arith.shli %shift_right_arithmetic3A_3328, %shift_left3A_3329 : i32
      %add3A_3331 = arith.constant 23040 : i32
      %add3A_3332 = arith.addi %add3A_3331, %shift_left3A_3330 : i32
      %and3A_3333 = arith.constant 15 : i32
      %and3A_3334 = arith.andi %select_n3A_3326, %and3A_3333 : i32
      %jit3A_3335 = arith.constant 16 : i32
      %select_n3A_3336 = arith.select %lt3A_3324, %and3A_3334, %jit3A_3335 : i32
      %get3A_3337 = arith.index_cast %add3A_3332 : i32 to index
      %get3A_3338 = tpu.vector_load %arg7[%get3A_3337] {strides = array<i32>} : memref<32768xf32, #tpu.memory_space<vmem>>, vector<16xf32>,
      %get3A_3339 = vector.shape_cast %get3A_3338 : vector<16xf32> to vector<16xf32>
      %eq3A_3340 = vector.broadcast %select_n3A_3336 : i32 to vector<16xi32>
      %eq3A_3341 = arith.cmpi eq, %iota3A, %eq3A_3340 : vector<16xi32>
      %broadcast_in_dim3A_3342 = arith.constant 0.000000e+00 : f32
      %broadcast_in_dim3A_3343 = vector.broadcast %broadcast_in_dim3A_3342 : f32 to vector<16xf32>
      %select_n3A_3344 = arith.select %eq3A_3341, %broadcast_in_dim3A_3343, %get3A_3339 : vector<16xi1>, vector<16xf32>
      %swap3A_3345 = arith.index_cast %add3A_3332 : i32 to index
      %swap3A_3346 = tpu.vector_load %arg7[%swap3A_3345] {strides = array<i32>} : memref<32768xf32, #tpu.memory_space<vmem>>, vector<16xf32>,
      %swap3A_3347 = vector.shape_cast %swap3A_3346 : vector<16xf32> to vector<16xf32>
      %swap3A_3348 = vector.shape_cast %select_n3A_3344 : vector<16xf32> to vector<16xf32>
      tpu.vector_store %arg7[%swap3A_3345], %swap3A_3348 {strides = array<i32>} : memref<32768xf32, #tpu.memory_space<vmem>>, vector<16xf32>,
      %slice3A_3349 = vector.extract_strided_slice %get3A_2921 {offsets = [14], sizes = [1], strides = [1]} : vector<16xi32> to vector<1xi32>
      %squeeze3A_3350 = vector.extract %slice3A_3349[0] : i32 from vector<1xi32>
      %slice3A_3351 = vector.extract_strided_slice %get3A_2928 {offsets = [14], sizes = [1], strides = [1]} : vector<16xf32> to vector<1xf32>
      %squeeze3A_3352 = vector.extract %slice3A_3351[0] : f32 from vector<1xf32>
      %lt3A_3353 = arith.constant 512 : i32
      %lt3A_3354 = arith.cmpi slt, %squeeze3A_3350, %lt3A_3353 : i32
      %jit3A_3355 = arith.constant 0 : i32
      %select_n3A_3356 = arith.select %lt3A_3354, %squeeze3A_3350, %jit3A_3355 : i32
      %shift_right_arithmetic3A_3357 = arith.constant 4 : i32
      %shift_right_arithmetic3A_3358 = arith.shrsi %select_n3A_3356, %shift_right_arithmetic3A_3357 : i32
      %shift_left3A_3359 = arith.constant 4 : i32
      %shift_left3A_3360 = arith.shli %shift_right_arithmetic3A_3358, %shift_left3A_3359 : i32
      %add3A_3361 = arith.constant 23552 : i32
      %add3A_3362 = arith.addi %add3A_3361, %shift_left3A_3360 : i32
      %and3A_3363 = arith.constant 15 : i32
      %and3A_3364 = arith.andi %select_n3A_3356, %and3A_3363 : i32
      %jit3A_3365 = arith.constant 16 : i32
      %select_n3A_3366 = arith.select %lt3A_3354, %and3A_3364, %jit3A_3365 : i32
      %get3A_3367 = arith.index_cast %add3A_3362 : i32 to index
      %get3A_3368 = tpu.vector_load %arg7[%get3A_3367] {strides = array<i32>} : memref<32768xf32, #tpu.memory_space<vmem>>, vector<16xf32>,
      %get3A_3369 = vector.shape_cast %get3A_3368 : vector<16xf32> to vector<16xf32>
      %eq3A_3370 = vector.broadcast %select_n3A_3366 : i32 to vector<16xi32>
      %eq3A_3371 = arith.cmpi eq, %iota3A, %eq3A_3370 : vector<16xi32>
      %broadcast_in_dim3A_3372 = arith.constant 0.000000e+00 : f32
      %broadcast_in_dim3A_3373 = vector.broadcast %broadcast_in_dim3A_3372 : f32 to vector<16xf32>
      %select_n3A_3374 = arith.select %eq3A_3371, %broadcast_in_dim3A_3373, %get3A_3369 : vector<16xi1>, vector<16xf32>
      %swap3A_3375 = arith.index_cast %add3A_3362 : i32 to index
      %swap3A_3376 = tpu.vector_load %arg7[%swap3A_3375] {strides = array<i32>} : memref<32768xf32, #tpu.memory_space<vmem>>, vector<16xf32>,
      %swap3A_3377 = vector.shape_cast %swap3A_3376 : vector<16xf32> to vector<16xf32>
      %swap3A_3378 = vector.shape_cast %select_n3A_3374 : vector<16xf32> to vector<16xf32>
      tpu.vector_store %arg7[%swap3A_3375], %swap3A_3378 {strides = array<i32>} : memref<32768xf32, #tpu.memory_space<vmem>>, vector<16xf32>,
      %slice3A_3379 = vector.extract_strided_slice %get3A_2921 {offsets = [15], sizes = [1], strides = [1]} : vector<16xi32> to vector<1xi32>
      %squeeze3A_3380 = vector.extract %slice3A_3379[0] : i32 from vector<1xi32>
      %slice3A_3381 = vector.extract_strided_slice %get3A_2928 {offsets = [15], sizes = [1], strides = [1]} : vector<16xf32> to vector<1xf32>
      %squeeze3A_3382 = vector.extract %slice3A_3381[0] : f32 from vector<1xf32>
      %lt3A_3383 = arith.constant 512 : i32
      %lt3A_3384 = arith.cmpi slt, %squeeze3A_3380, %lt3A_3383 : i32
      %jit3A_3385 = arith.constant 0 : i32
      %select_n3A_3386 = arith.select %lt3A_3384, %squeeze3A_3380, %jit3A_3385 : i32
      %shift_right_arithmetic3A_3387 = arith.constant 4 : i32
      %shift_right_arithmetic3A_3388 = arith.shrsi %select_n3A_3386, %shift_right_arithmetic3A_3387 : i32
      %shift_left3A_3389 = arith.constant 4 : i32
      %shift_left3A_3390 = arith.shli %shift_right_arithmetic3A_3388, %shift_left3A_3389 : i32
      %add3A_3391 = arith.constant 24064 : i32
      %add3A_3392 = arith.addi %add3A_3391, %shift_left3A_3390 : i32
      %and3A_3393 = arith.constant 15 : i32
      %and3A_3394 = arith.andi %select_n3A_3386, %and3A_3393 : i32
      %jit3A_3395 = arith.constant 16 : i32
      %select_n3A_3396 = arith.select %lt3A_3384, %and3A_3394, %jit3A_3395 : i32
      %get3A_3397 = arith.index_cast %add3A_3392 : i32 to index
      %get3A_3398 = tpu.vector_load %arg7[%get3A_3397] {strides = array<i32>} : memref<32768xf32, #tpu.memory_space<vmem>>, vector<16xf32>,
      %get3A_3399 = vector.shape_cast %get3A_3398 : vector<16xf32> to vector<16xf32>
      %eq3A_3400 = vector.broadcast %select_n3A_3396 : i32 to vector<16xi32>
      %eq3A_3401 = arith.cmpi eq, %iota3A, %eq3A_3400 : vector<16xi32>
      %broadcast_in_dim3A_3402 = arith.constant 0.000000e+00 : f32
      %broadcast_in_dim3A_3403 = vector.broadcast %broadcast_in_dim3A_3402 : f32 to vector<16xf32>
      %select_n3A_3404 = arith.select %eq3A_3401, %broadcast_in_dim3A_3403, %get3A_3399 : vector<16xi1>, vector<16xf32>
      %swap3A_3405 = arith.index_cast %add3A_3392 : i32 to index
      %swap3A_3406 = tpu.vector_load %arg7[%swap3A_3405] {strides = array<i32>} : memref<32768xf32, #tpu.memory_space<vmem>>, vector<16xf32>,
      %swap3A_3407 = vector.shape_cast %swap3A_3406 : vector<16xf32> to vector<16xf32>
      %swap3A_3408 = vector.shape_cast %select_n3A_3404 : vector<16xf32> to vector<16xf32>
      tpu.vector_store %arg7[%swap3A_3405], %swap3A_3408 {strides = array<i32>} : memref<32768xf32, #tpu.memory_space<vmem>>, vector<16xf32>,
      %mul3A_3409 = arith.constant 64 : i32
      %mul3A_3410 = arith.muli %scan3A_19, %mul3A_3409 : i32
      %add3A_3411 = arith.constant 48 : i32
      %add3A_3412 = arith.addi %mul3A_3410, %add3A_3411 : i32
      %get3A_3413 = arith.index_cast %add3A_3412 : i32 to index
      %get3A_3414 = tpu.vector_load %arg5[%get3A_3413] {strides = array<i32>} : memref<1024xi32, #tpu.memory_space<vmem>>, vector<16xi32>,
      %get3A_3415 = vector.shape_cast %get3A_3414 : vector<16xi32> to vector<16xi32>
      %mul3A_3416 = arith.constant 64 : i32
      %mul3A_3417 = arith.muli %scan3A_19, %mul3A_3416 : i32
      %add3A_3418 = arith.constant 48 : i32
      %add3A_3419 = arith.addi %mul3A_3417, %add3A_3418 : i32
      %get3A_3420 = arith.index_cast %add3A_3419 : i32 to index
      %get3A_3421 = tpu.vector_load %arg6[%get3A_3420] {strides = array<i32>} : memref<1024xf32, #tpu.memory_space<vmem>>, vector<16xf32>,
      %get3A_3422 = vector.shape_cast %get3A_3421 : vector<16xf32> to vector<16xf32>
      %slice3A_3423 = vector.extract_strided_slice %get3A_3415 {offsets = [0], sizes = [1], strides = [1]} : vector<16xi32> to vector<1xi32>
      %squeeze3A_3424 = vector.extract %slice3A_3423[0] : i32 from vector<1xi32>
      %slice3A_3425 = vector.extract_strided_slice %get3A_3422 {offsets = [0], sizes = [1], strides = [1]} : vector<16xf32> to vector<1xf32>
      %squeeze3A_3426 = vector.extract %slice3A_3425[0] : f32 from vector<1xf32>
      %lt3A_3427 = arith.constant 512 : i32
      %lt3A_3428 = arith.cmpi slt, %squeeze3A_3424, %lt3A_3427 : i32
      %jit3A_3429 = arith.constant 0 : i32
      %select_n3A_3430 = arith.select %lt3A_3428, %squeeze3A_3424, %jit3A_3429 : i32
      %shift_right_arithmetic3A_3431 = arith.constant 4 : i32
      %shift_right_arithmetic3A_3432 = arith.shrsi %select_n3A_3430, %shift_right_arithmetic3A_3431 : i32
      %shift_left3A_3433 = arith.constant 4 : i32
      %shift_left3A_3434 = arith.shli %shift_right_arithmetic3A_3432, %shift_left3A_3433 : i32
      %add3A_3435 = arith.constant 24576 : i32
      %add3A_3436 = arith.addi %add3A_3435, %shift_left3A_3434 : i32
      %and3A_3437 = arith.constant 15 : i32
      %and3A_3438 = arith.andi %select_n3A_3430, %and3A_3437 : i32
      %jit3A_3439 = arith.constant 16 : i32
      %select_n3A_3440 = arith.select %lt3A_3428, %and3A_3438, %jit3A_3439 : i32
      %get3A_3441 = arith.index_cast %add3A_3436 : i32 to index
      %get3A_3442 = tpu.vector_load %arg7[%get3A_3441] {strides = array<i32>} : memref<32768xf32, #tpu.memory_space<vmem>>, vector<16xf32>,
      %get3A_3443 = vector.shape_cast %get3A_3442 : vector<16xf32> to vector<16xf32>
      %eq3A_3444 = vector.broadcast %select_n3A_3440 : i32 to vector<16xi32>
      %eq3A_3445 = arith.cmpi eq, %iota3A, %eq3A_3444 : vector<16xi32>
      %broadcast_in_dim3A_3446 = arith.constant 0.000000e+00 : f32
      %broadcast_in_dim3A_3447 = vector.broadcast %broadcast_in_dim3A_3446 : f32 to vector<16xf32>
      %select_n3A_3448 = arith.select %eq3A_3445, %broadcast_in_dim3A_3447, %get3A_3443 : vector<16xi1>, vector<16xf32>
      %swap3A_3449 = arith.index_cast %add3A_3436 : i32 to index
      %swap3A_3450 = tpu.vector_load %arg7[%swap3A_3449] {strides = array<i32>} : memref<32768xf32, #tpu.memory_space<vmem>>, vector<16xf32>,
      %swap3A_3451 = vector.shape_cast %swap3A_3450 : vector<16xf32> to vector<16xf32>
      %swap3A_3452 = vector.shape_cast %select_n3A_3448 : vector<16xf32> to vector<16xf32>
      tpu.vector_store %arg7[%swap3A_3449], %swap3A_3452 {strides = array<i32>} : memref<32768xf32, #tpu.memory_space<vmem>>, vector<16xf32>,
      %slice3A_3453 = vector.extract_strided_slice %get3A_3415 {offsets = [1], sizes = [1], strides = [1]} : vector<16xi32> to vector<1xi32>
      %squeeze3A_3454 = vector.extract %slice3A_3453[0] : i32 from vector<1xi32>
      %slice3A_3455 = vector.extract_strided_slice %get3A_3422 {offsets = [1], sizes = [1], strides = [1]} : vector<16xf32> to vector<1xf32>
      %squeeze3A_3456 = vector.extract %slice3A_3455[0] : f32 from vector<1xf32>
      %lt3A_3457 = arith.constant 512 : i32
      %lt3A_3458 = arith.cmpi slt, %squeeze3A_3454, %lt3A_3457 : i32
      %jit3A_3459 = arith.constant 0 : i32
      %select_n3A_3460 = arith.select %lt3A_3458, %squeeze3A_3454, %jit3A_3459 : i32
      %shift_right_arithmetic3A_3461 = arith.constant 4 : i32
      %shift_right_arithmetic3A_3462 = arith.shrsi %select_n3A_3460, %shift_right_arithmetic3A_3461 : i32
      %shift_left3A_3463 = arith.constant 4 : i32
      %shift_left3A_3464 = arith.shli %shift_right_arithmetic3A_3462, %shift_left3A_3463 : i32
      %add3A_3465 = arith.constant 25088 : i32
      %add3A_3466 = arith.addi %add3A_3465, %shift_left3A_3464 : i32
      %and3A_3467 = arith.constant 15 : i32
      %and3A_3468 = arith.andi %select_n3A_3460, %and3A_3467 : i32
      %jit3A_3469 = arith.constant 16 : i32
      %select_n3A_3470 = arith.select %lt3A_3458, %and3A_3468, %jit3A_3469 : i32
      %get3A_3471 = arith.index_cast %add3A_3466 : i32 to index
      %get3A_3472 = tpu.vector_load %arg7[%get3A_3471] {strides = array<i32>} : memref<32768xf32, #tpu.memory_space<vmem>>, vector<16xf32>,
      %get3A_3473 = vector.shape_cast %get3A_3472 : vector<16xf32> to vector<16xf32>
      %eq3A_3474 = vector.broadcast %select_n3A_3470 : i32 to vector<16xi32>
      %eq3A_3475 = arith.cmpi eq, %iota3A, %eq3A_3474 : vector<16xi32>
      %broadcast_in_dim3A_3476 = arith.constant 0.000000e+00 : f32
      %broadcast_in_dim3A_3477 = vector.broadcast %broadcast_in_dim3A_3476 : f32 to vector<16xf32>
      %select_n3A_3478 = arith.select %eq3A_3475, %broadcast_in_dim3A_3477, %get3A_3473 : vector<16xi1>, vector<16xf32>
      %swap3A_3479 = arith.index_cast %add3A_3466 : i32 to index
      %swap3A_3480 = tpu.vector_load %arg7[%swap3A_3479] {strides = array<i32>} : memref<32768xf32, #tpu.memory_space<vmem>>, vector<16xf32>,
      %swap3A_3481 = vector.shape_cast %swap3A_3480 : vector<16xf32> to vector<16xf32>
      %swap3A_3482 = vector.shape_cast %select_n3A_3478 : vector<16xf32> to vector<16xf32>
      tpu.vector_store %arg7[%swap3A_3479], %swap3A_3482 {strides = array<i32>} : memref<32768xf32, #tpu.memory_space<vmem>>, vector<16xf32>,
      %slice3A_3483 = vector.extract_strided_slice %get3A_3415 {offsets = [2], sizes = [1], strides = [1]} : vector<16xi32> to vector<1xi32>
      %squeeze3A_3484 = vector.extract %slice3A_3483[0] : i32 from vector<1xi32>
      %slice3A_3485 = vector.extract_strided_slice %get3A_3422 {offsets = [2], sizes = [1], strides = [1]} : vector<16xf32> to vector<1xf32>
      %squeeze3A_3486 = vector.extract %slice3A_3485[0] : f32 from vector<1xf32>
      %lt3A_3487 = arith.constant 512 : i32
      %lt3A_3488 = arith.cmpi slt, %squeeze3A_3484, %lt3A_3487 : i32
      %jit3A_3489 = arith.constant 0 : i32
      %select_n3A_3490 = arith.select %lt3A_3488, %squeeze3A_3484, %jit3A_3489 : i32
      %shift_right_arithmetic3A_3491 = arith.constant 4 : i32
      %shift_right_arithmetic3A_3492 = arith.shrsi %select_n3A_3490, %shift_right_arithmetic3A_3491 : i32
      %shift_left3A_3493 = arith.constant 4 : i32
      %shift_left3A_3494 = arith.shli %shift_right_arithmetic3A_3492, %shift_left3A_3493 : i32
      %add3A_3495 = arith.constant 25600 : i32
      %add3A_3496 = arith.addi %add3A_3495, %shift_left3A_3494 : i32
      %and3A_3497 = arith.constant 15 : i32
      %and3A_3498 = arith.andi %select_n3A_3490, %and3A_3497 : i32
      %jit3A_3499 = arith.constant 16 : i32
      %select_n3A_3500 = arith.select %lt3A_3488, %and3A_3498, %jit3A_3499 : i32
      %get3A_3501 = arith.index_cast %add3A_3496 : i32 to index
      %get3A_3502 = tpu.vector_load %arg7[%get3A_3501] {strides = array<i32>} : memref<32768xf32, #tpu.memory_space<vmem>>, vector<16xf32>,
      %get3A_3503 = vector.shape_cast %get3A_3502 : vector<16xf32> to vector<16xf32>
      %eq3A_3504 = vector.broadcast %select_n3A_3500 : i32 to vector<16xi32>
      %eq3A_3505 = arith.cmpi eq, %iota3A, %eq3A_3504 : vector<16xi32>
      %broadcast_in_dim3A_3506 = arith.constant 0.000000e+00 : f32
      %broadcast_in_dim3A_3507 = vector.broadcast %broadcast_in_dim3A_3506 : f32 to vector<16xf32>
      %select_n3A_3508 = arith.select %eq3A_3505, %broadcast_in_dim3A_3507, %get3A_3503 : vector<16xi1>, vector<16xf32>
      %swap3A_3509 = arith.index_cast %add3A_3496 : i32 to index
      %swap3A_3510 = tpu.vector_load %arg7[%swap3A_3509] {strides = array<i32>} : memref<32768xf32, #tpu.memory_space<vmem>>, vector<16xf32>,
      %swap3A_3511 = vector.shape_cast %swap3A_3510 : vector<16xf32> to vector<16xf32>
      %swap3A_3512 = vector.shape_cast %select_n3A_3508 : vector<16xf32> to vector<16xf32>
      tpu.vector_store %arg7[%swap3A_3509], %swap3A_3512 {strides = array<i32>} : memref<32768xf32, #tpu.memory_space<vmem>>, vector<16xf32>,
      %slice3A_3513 = vector.extract_strided_slice %get3A_3415 {offsets = [3], sizes = [1], strides = [1]} : vector<16xi32> to vector<1xi32>
      %squeeze3A_3514 = vector.extract %slice3A_3513[0] : i32 from vector<1xi32>
      %slice3A_3515 = vector.extract_strided_slice %get3A_3422 {offsets = [3], sizes = [1], strides = [1]} : vector<16xf32> to vector<1xf32>
      %squeeze3A_3516 = vector.extract %slice3A_3515[0] : f32 from vector<1xf32>
      %lt3A_3517 = arith.constant 512 : i32
      %lt3A_3518 = arith.cmpi slt, %squeeze3A_3514, %lt3A_3517 : i32
      %jit3A_3519 = arith.constant 0 : i32
      %select_n3A_3520 = arith.select %lt3A_3518, %squeeze3A_3514, %jit3A_3519 : i32
      %shift_right_arithmetic3A_3521 = arith.constant 4 : i32
      %shift_right_arithmetic3A_3522 = arith.shrsi %select_n3A_3520, %shift_right_arithmetic3A_3521 : i32
      %shift_left3A_3523 = arith.constant 4 : i32
      %shift_left3A_3524 = arith.shli %shift_right_arithmetic3A_3522, %shift_left3A_3523 : i32
      %add3A_3525 = arith.constant 26112 : i32
      %add3A_3526 = arith.addi %add3A_3525, %shift_left3A_3524 : i32
      %and3A_3527 = arith.constant 15 : i32
      %and3A_3528 = arith.andi %select_n3A_3520, %and3A_3527 : i32
      %jit3A_3529 = arith.constant 16 : i32
      %select_n3A_3530 = arith.select %lt3A_3518, %and3A_3528, %jit3A_3529 : i32
      %get3A_3531 = arith.index_cast %add3A_3526 : i32 to index
      %get3A_3532 = tpu.vector_load %arg7[%get3A_3531] {strides = array<i32>} : memref<32768xf32, #tpu.memory_space<vmem>>, vector<16xf32>,
      %get3A_3533 = vector.shape_cast %get3A_3532 : vector<16xf32> to vector<16xf32>
      %eq3A_3534 = vector.broadcast %select_n3A_3530 : i32 to vector<16xi32>
      %eq3A_3535 = arith.cmpi eq, %iota3A, %eq3A_3534 : vector<16xi32>
      %broadcast_in_dim3A_3536 = arith.constant 0.000000e+00 : f32
      %broadcast_in_dim3A_3537 = vector.broadcast %broadcast_in_dim3A_3536 : f32 to vector<16xf32>
      %select_n3A_3538 = arith.select %eq3A_3535, %broadcast_in_dim3A_3537, %get3A_3533 : vector<16xi1>, vector<16xf32>
      %swap3A_3539 = arith.index_cast %add3A_3526 : i32 to index
      %swap3A_3540 = tpu.vector_load %arg7[%swap3A_3539] {strides = array<i32>} : memref<32768xf32, #tpu.memory_space<vmem>>, vector<16xf32>,
      %swap3A_3541 = vector.shape_cast %swap3A_3540 : vector<16xf32> to vector<16xf32>
      %swap3A_3542 = vector.shape_cast %select_n3A_3538 : vector<16xf32> to vector<16xf32>
      tpu.vector_store %arg7[%swap3A_3539], %swap3A_3542 {strides = array<i32>} : memref<32768xf32, #tpu.memory_space<vmem>>, vector<16xf32>,
      %slice3A_3543 = vector.extract_strided_slice %get3A_3415 {offsets = [4], sizes = [1], strides = [1]} : vector<16xi32> to vector<1xi32>
      %squeeze3A_3544 = vector.extract %slice3A_3543[0] : i32 from vector<1xi32>
      %slice3A_3545 = vector.extract_strided_slice %get3A_3422 {offsets = [4], sizes = [1], strides = [1]} : vector<16xf32> to vector<1xf32>
      %squeeze3A_3546 = vector.extract %slice3A_3545[0] : f32 from vector<1xf32>
      %lt3A_3547 = arith.constant 512 : i32
      %lt3A_3548 = arith.cmpi slt, %squeeze3A_3544, %lt3A_3547 : i32
      %jit3A_3549 = arith.constant 0 : i32
      %select_n3A_3550 = arith.select %lt3A_3548, %squeeze3A_3544, %jit3A_3549 : i32
      %shift_right_arithmetic3A_3551 = arith.constant 4 : i32
      %shift_right_arithmetic3A_3552 = arith.shrsi %select_n3A_3550, %shift_right_arithmetic3A_3551 : i32
      %shift_left3A_3553 = arith.constant 4 : i32
      %shift_left3A_3554 = arith.shli %shift_right_arithmetic3A_3552, %shift_left3A_3553 : i32
      %add3A_3555 = arith.constant 26624 : i32
      %add3A_3556 = arith.addi %add3A_3555, %shift_left3A_3554 : i32
      %and3A_3557 = arith.constant 15 : i32
      %and3A_3558 = arith.andi %select_n3A_3550, %and3A_3557 : i32
      %jit3A_3559 = arith.constant 16 : i32
      %select_n3A_3560 = arith.select %lt3A_3548, %and3A_3558, %jit3A_3559 : i32
      %get3A_3561 = arith.index_cast %add3A_3556 : i32 to index
      %get3A_3562 = tpu.vector_load %arg7[%get3A_3561] {strides = array<i32>} : memref<32768xf32, #tpu.memory_space<vmem>>, vector<16xf32>,
      %get3A_3563 = vector.shape_cast %get3A_3562 : vector<16xf32> to vector<16xf32>
      %eq3A_3564 = vector.broadcast %select_n3A_3560 : i32 to vector<16xi32>
      %eq3A_3565 = arith.cmpi eq, %iota3A, %eq3A_3564 : vector<16xi32>
      %broadcast_in_dim3A_3566 = arith.constant 0.000000e+00 : f32
      %broadcast_in_dim3A_3567 = vector.broadcast %broadcast_in_dim3A_3566 : f32 to vector<16xf32>
      %select_n3A_3568 = arith.select %eq3A_3565, %broadcast_in_dim3A_3567, %get3A_3563 : vector<16xi1>, vector<16xf32>
      %swap3A_3569 = arith.index_cast %add3A_3556 : i32 to index
      %swap3A_3570 = tpu.vector_load %arg7[%swap3A_3569] {strides = array<i32>} : memref<32768xf32, #tpu.memory_space<vmem>>, vector<16xf32>,
      %swap3A_3571 = vector.shape_cast %swap3A_3570 : vector<16xf32> to vector<16xf32>
      %swap3A_3572 = vector.shape_cast %select_n3A_3568 : vector<16xf32> to vector<16xf32>
      tpu.vector_store %arg7[%swap3A_3569], %swap3A_3572 {strides = array<i32>} : memref<32768xf32, #tpu.memory_space<vmem>>, vector<16xf32>,
      %slice3A_3573 = vector.extract_strided_slice %get3A_3415 {offsets = [5], sizes = [1], strides = [1]} : vector<16xi32> to vector<1xi32>
      %squeeze3A_3574 = vector.extract %slice3A_3573[0] : i32 from vector<1xi32>
      %slice3A_3575 = vector.extract_strided_slice %get3A_3422 {offsets = [5], sizes = [1], strides = [1]} : vector<16xf32> to vector<1xf32>
      %squeeze3A_3576 = vector.extract %slice3A_3575[0] : f32 from vector<1xf32>
      %lt3A_3577 = arith.constant 512 : i32
      %lt3A_3578 = arith.cmpi slt, %squeeze3A_3574, %lt3A_3577 : i32
      %jit3A_3579 = arith.constant 0 : i32
      %select_n3A_3580 = arith.select %lt3A_3578, %squeeze3A_3574, %jit3A_3579 : i32
      %shift_right_arithmetic3A_3581 = arith.constant 4 : i32
      %shift_right_arithmetic3A_3582 = arith.shrsi %select_n3A_3580, %shift_right_arithmetic3A_3581 : i32
      %shift_left3A_3583 = arith.constant 4 : i32
      %shift_left3A_3584 = arith.shli %shift_right_arithmetic3A_3582, %shift_left3A_3583 : i32
      %add3A_3585 = arith.constant 27136 : i32
      %add3A_3586 = arith.addi %add3A_3585, %shift_left3A_3584 : i32
      %and3A_3587 = arith.constant 15 : i32
      %and3A_3588 = arith.andi %select_n3A_3580, %and3A_3587 : i32
      %jit3A_3589 = arith.constant 16 : i32
      %select_n3A_3590 = arith.select %lt3A_3578, %and3A_3588, %jit3A_3589 : i32
      %get3A_3591 = arith.index_cast %add3A_3586 : i32 to index
      %get3A_3592 = tpu.vector_load %arg7[%get3A_3591] {strides = array<i32>} : memref<32768xf32, #tpu.memory_space<vmem>>, vector<16xf32>,
      %get3A_3593 = vector.shape_cast %get3A_3592 : vector<16xf32> to vector<16xf32>
      %eq3A_3594 = vector.broadcast %select_n3A_3590 : i32 to vector<16xi32>
      %eq3A_3595 = arith.cmpi eq, %iota3A, %eq3A_3594 : vector<16xi32>
      %broadcast_in_dim3A_3596 = arith.constant 0.000000e+00 : f32
      %broadcast_in_dim3A_3597 = vector.broadcast %broadcast_in_dim3A_3596 : f32 to vector<16xf32>
      %select_n3A_3598 = arith.select %eq3A_3595, %broadcast_in_dim3A_3597, %get3A_3593 : vector<16xi1>, vector<16xf32>
      %swap3A_3599 = arith.index_cast %add3A_3586 : i32 to index
      %swap3A_3600 = tpu.vector_load %arg7[%swap3A_3599] {strides = array<i32>} : memref<32768xf32, #tpu.memory_space<vmem>>, vector<16xf32>,
      %swap3A_3601 = vector.shape_cast %swap3A_3600 : vector<16xf32> to vector<16xf32>
      %swap3A_3602 = vector.shape_cast %select_n3A_3598 : vector<16xf32> to vector<16xf32>
      tpu.vector_store %arg7[%swap3A_3599], %swap3A_3602 {strides = array<i32>} : memref<32768xf32, #tpu.memory_space<vmem>>, vector<16xf32>,
      %slice3A_3603 = vector.extract_strided_slice %get3A_3415 {offsets = [6], sizes = [1], strides = [1]} : vector<16xi32> to vector<1xi32>
      %squeeze3A_3604 = vector.extract %slice3A_3603[0] : i32 from vector<1xi32>
      %slice3A_3605 = vector.extract_strided_slice %get3A_3422 {offsets = [6], sizes = [1], strides = [1]} : vector<16xf32> to vector<1xf32>
      %squeeze3A_3606 = vector.extract %slice3A_3605[0] : f32 from vector<1xf32>
      %lt3A_3607 = arith.constant 512 : i32
      %lt3A_3608 = arith.cmpi slt, %squeeze3A_3604, %lt3A_3607 : i32
      %jit3A_3609 = arith.constant 0 : i32
      %select_n3A_3610 = arith.select %lt3A_3608, %squeeze3A_3604, %jit3A_3609 : i32
      %shift_right_arithmetic3A_3611 = arith.constant 4 : i32
      %shift_right_arithmetic3A_3612 = arith.shrsi %select_n3A_3610, %shift_right_arithmetic3A_3611 : i32
      %shift_left3A_3613 = arith.constant 4 : i32
      %shift_left3A_3614 = arith.shli %shift_right_arithmetic3A_3612, %shift_left3A_3613 : i32
      %add3A_3615 = arith.constant 27648 : i32
      %add3A_3616 = arith.addi %add3A_3615, %shift_left3A_3614 : i32
      %and3A_3617 = arith.constant 15 : i32
      %and3A_3618 = arith.andi %select_n3A_3610, %and3A_3617 : i32
      %jit3A_3619 = arith.constant 16 : i32
      %select_n3A_3620 = arith.select %lt3A_3608, %and3A_3618, %jit3A_3619 : i32
      %get3A_3621 = arith.index_cast %add3A_3616 : i32 to index
      %get3A_3622 = tpu.vector_load %arg7[%get3A_3621] {strides = array<i32>} : memref<32768xf32, #tpu.memory_space<vmem>>, vector<16xf32>,
      %get3A_3623 = vector.shape_cast %get3A_3622 : vector<16xf32> to vector<16xf32>
      %eq3A_3624 = vector.broadcast %select_n3A_3620 : i32 to vector<16xi32>
      %eq3A_3625 = arith.cmpi eq, %iota3A, %eq3A_3624 : vector<16xi32>
      %broadcast_in_dim3A_3626 = arith.constant 0.000000e+00 : f32
      %broadcast_in_dim3A_3627 = vector.broadcast %broadcast_in_dim3A_3626 : f32 to vector<16xf32>
      %select_n3A_3628 = arith.select %eq3A_3625, %broadcast_in_dim3A_3627, %get3A_3623 : vector<16xi1>, vector<16xf32>
      %swap3A_3629 = arith.index_cast %add3A_3616 : i32 to index
      %swap3A_3630 = tpu.vector_load %arg7[%swap3A_3629] {strides = array<i32>} : memref<32768xf32, #tpu.memory_space<vmem>>, vector<16xf32>,
      %swap3A_3631 = vector.shape_cast %swap3A_3630 : vector<16xf32> to vector<16xf32>
      %swap3A_3632 = vector.shape_cast %select_n3A_3628 : vector<16xf32> to vector<16xf32>
      tpu.vector_store %arg7[%swap3A_3629], %swap3A_3632 {strides = array<i32>} : memref<32768xf32, #tpu.memory_space<vmem>>, vector<16xf32>,
      %slice3A_3633 = vector.extract_strided_slice %get3A_3415 {offsets = [7], sizes = [1], strides = [1]} : vector<16xi32> to vector<1xi32>
      %squeeze3A_3634 = vector.extract %slice3A_3633[0] : i32 from vector<1xi32>
      %slice3A_3635 = vector.extract_strided_slice %get3A_3422 {offsets = [7], sizes = [1], strides = [1]} : vector<16xf32> to vector<1xf32>
      %squeeze3A_3636 = vector.extract %slice3A_3635[0] : f32 from vector<1xf32>
      %lt3A_3637 = arith.constant 512 : i32
      %lt3A_3638 = arith.cmpi slt, %squeeze3A_3634, %lt3A_3637 : i32
      %jit3A_3639 = arith.constant 0 : i32
      %select_n3A_3640 = arith.select %lt3A_3638, %squeeze3A_3634, %jit3A_3639 : i32
      %shift_right_arithmetic3A_3641 = arith.constant 4 : i32
      %shift_right_arithmetic3A_3642 = arith.shrsi %select_n3A_3640, %shift_right_arithmetic3A_3641 : i32
      %shift_left3A_3643 = arith.constant 4 : i32
      %shift_left3A_3644 = arith.shli %shift_right_arithmetic3A_3642, %shift_left3A_3643 : i32
      %add3A_3645 = arith.constant 28160 : i32
      %add3A_3646 = arith.addi %add3A_3645, %shift_left3A_3644 : i32
      %and3A_3647 = arith.constant 15 : i32
      %and3A_3648 = arith.andi %select_n3A_3640, %and3A_3647 : i32
      %jit3A_3649 = arith.constant 16 : i32
      %select_n3A_3650 = arith.select %lt3A_3638, %and3A_3648, %jit3A_3649 : i32
      %get3A_3651 = arith.index_cast %add3A_3646 : i32 to index
      %get3A_3652 = tpu.vector_load %arg7[%get3A_3651] {strides = array<i32>} : memref<32768xf32, #tpu.memory_space<vmem>>, vector<16xf32>,
      %get3A_3653 = vector.shape_cast %get3A_3652 : vector<16xf32> to vector<16xf32>
      %eq3A_3654 = vector.broadcast %select_n3A_3650 : i32 to vector<16xi32>
      %eq3A_3655 = arith.cmpi eq, %iota3A, %eq3A_3654 : vector<16xi32>
      %broadcast_in_dim3A_3656 = arith.constant 0.000000e+00 : f32
      %broadcast_in_dim3A_3657 = vector.broadcast %broadcast_in_dim3A_3656 : f32 to vector<16xf32>
      %select_n3A_3658 = arith.select %eq3A_3655, %broadcast_in_dim3A_3657, %get3A_3653 : vector<16xi1>, vector<16xf32>
      %swap3A_3659 = arith.index_cast %add3A_3646 : i32 to index
      %swap3A_3660 = tpu.vector_load %arg7[%swap3A_3659] {strides = array<i32>} : memref<32768xf32, #tpu.memory_space<vmem>>, vector<16xf32>,
      %swap3A_3661 = vector.shape_cast %swap3A_3660 : vector<16xf32> to vector<16xf32>
      %swap3A_3662 = vector.shape_cast %select_n3A_3658 : vector<16xf32> to vector<16xf32>
      tpu.vector_store %arg7[%swap3A_3659], %swap3A_3662 {strides = array<i32>} : memref<32768xf32, #tpu.memory_space<vmem>>, vector<16xf32>,
      %slice3A_3663 = vector.extract_strided_slice %get3A_3415 {offsets = [8], sizes = [1], strides = [1]} : vector<16xi32> to vector<1xi32>
      %squeeze3A_3664 = vector.extract %slice3A_3663[0] : i32 from vector<1xi32>
      %slice3A_3665 = vector.extract_strided_slice %get3A_3422 {offsets = [8], sizes = [1], strides = [1]} : vector<16xf32> to vector<1xf32>
      %squeeze3A_3666 = vector.extract %slice3A_3665[0] : f32 from vector<1xf32>
      %lt3A_3667 = arith.constant 512 : i32
      %lt3A_3668 = arith.cmpi slt, %squeeze3A_3664, %lt3A_3667 : i32
      %jit3A_3669 = arith.constant 0 : i32
      %select_n3A_3670 = arith.select %lt3A_3668, %squeeze3A_3664, %jit3A_3669 : i32
      %shift_right_arithmetic3A_3671 = arith.constant 4 : i32
      %shift_right_arithmetic3A_3672 = arith.shrsi %select_n3A_3670, %shift_right_arithmetic3A_3671 : i32
      %shift_left3A_3673 = arith.constant 4 : i32
      %shift_left3A_3674 = arith.shli %shift_right_arithmetic3A_3672, %shift_left3A_3673 : i32
      %add3A_3675 = arith.constant 28672 : i32
      %add3A_3676 = arith.addi %add3A_3675, %shift_left3A_3674 : i32
      %and3A_3677 = arith.constant 15 : i32
      %and3A_3678 = arith.andi %select_n3A_3670, %and3A_3677 : i32
      %jit3A_3679 = arith.constant 16 : i32
      %select_n3A_3680 = arith.select %lt3A_3668, %and3A_3678, %jit3A_3679 : i32
      %get3A_3681 = arith.index_cast %add3A_3676 : i32 to index
      %get3A_3682 = tpu.vector_load %arg7[%get3A_3681] {strides = array<i32>} : memref<32768xf32, #tpu.memory_space<vmem>>, vector<16xf32>,
      %get3A_3683 = vector.shape_cast %get3A_3682 : vector<16xf32> to vector<16xf32>
      %eq3A_3684 = vector.broadcast %select_n3A_3680 : i32 to vector<16xi32>
      %eq3A_3685 = arith.cmpi eq, %iota3A, %eq3A_3684 : vector<16xi32>
      %broadcast_in_dim3A_3686 = arith.constant 0.000000e+00 : f32
      %broadcast_in_dim3A_3687 = vector.broadcast %broadcast_in_dim3A_3686 : f32 to vector<16xf32>
      %select_n3A_3688 = arith.select %eq3A_3685, %broadcast_in_dim3A_3687, %get3A_3683 : vector<16xi1>, vector<16xf32>
      %swap3A_3689 = arith.index_cast %add3A_3676 : i32 to index
      %swap3A_3690 = tpu.vector_load %arg7[%swap3A_3689] {strides = array<i32>} : memref<32768xf32, #tpu.memory_space<vmem>>, vector<16xf32>,
      %swap3A_3691 = vector.shape_cast %swap3A_3690 : vector<16xf32> to vector<16xf32>
      %swap3A_3692 = vector.shape_cast %select_n3A_3688 : vector<16xf32> to vector<16xf32>
      tpu.vector_store %arg7[%swap3A_3689], %swap3A_3692 {strides = array<i32>} : memref<32768xf32, #tpu.memory_space<vmem>>, vector<16xf32>,
      %slice3A_3693 = vector.extract_strided_slice %get3A_3415 {offsets = [9], sizes = [1], strides = [1]} : vector<16xi32> to vector<1xi32>
      %squeeze3A_3694 = vector.extract %slice3A_3693[0] : i32 from vector<1xi32>
      %slice3A_3695 = vector.extract_strided_slice %get3A_3422 {offsets = [9], sizes = [1], strides = [1]} : vector<16xf32> to vector<1xf32>
      %squeeze3A_3696 = vector.extract %slice3A_3695[0] : f32 from vector<1xf32>
      %lt3A_3697 = arith.constant 512 : i32
      %lt3A_3698 = arith.cmpi slt, %squeeze3A_3694, %lt3A_3697 : i32
      %jit3A_3699 = arith.constant 0 : i32
      %select_n3A_3700 = arith.select %lt3A_3698, %squeeze3A_3694, %jit3A_3699 : i32
      %shift_right_arithmetic3A_3701 = arith.constant 4 : i32
      %shift_right_arithmetic3A_3702 = arith.shrsi %select_n3A_3700, %shift_right_arithmetic3A_3701 : i32
      %shift_left3A_3703 = arith.constant 4 : i32
      %shift_left3A_3704 = arith.shli %shift_right_arithmetic3A_3702, %shift_left3A_3703 : i32
      %add3A_3705 = arith.constant 29184 : i32
      %add3A_3706 = arith.addi %add3A_3705, %shift_left3A_3704 : i32
      %and3A_3707 = arith.constant 15 : i32
      %and3A_3708 = arith.andi %select_n3A_3700, %and3A_3707 : i32
      %jit3A_3709 = arith.constant 16 : i32
      %select_n3A_3710 = arith.select %lt3A_3698, %and3A_3708, %jit3A_3709 : i32
      %get3A_3711 = arith.index_cast %add3A_3706 : i32 to index
      %get3A_3712 = tpu.vector_load %arg7[%get3A_3711] {strides = array<i32>} : memref<32768xf32, #tpu.memory_space<vmem>>, vector<16xf32>,
      %get3A_3713 = vector.shape_cast %get3A_3712 : vector<16xf32> to vector<16xf32>
      %eq3A_3714 = vector.broadcast %select_n3A_3710 : i32 to vector<16xi32>
      %eq3A_3715 = arith.cmpi eq, %iota3A, %eq3A_3714 : vector<16xi32>
      %broadcast_in_dim3A_3716 = arith.constant 0.000000e+00 : f32
      %broadcast_in_dim3A_3717 = vector.broadcast %broadcast_in_dim3A_3716 : f32 to vector<16xf32>
      %select_n3A_3718 = arith.select %eq3A_3715, %broadcast_in_dim3A_3717, %get3A_3713 : vector<16xi1>, vector<16xf32>
      %swap3A_3719 = arith.index_cast %add3A_3706 : i32 to index
      %swap3A_3720 = tpu.vector_load %arg7[%swap3A_3719] {strides = array<i32>} : memref<32768xf32, #tpu.memory_space<vmem>>, vector<16xf32>,
      %swap3A_3721 = vector.shape_cast %swap3A_3720 : vector<16xf32> to vector<16xf32>
      %swap3A_3722 = vector.shape_cast %select_n3A_3718 : vector<16xf32> to vector<16xf32>
      tpu.vector_store %arg7[%swap3A_3719], %swap3A_3722 {strides = array<i32>} : memref<32768xf32, #tpu.memory_space<vmem>>, vector<16xf32>,
      %slice3A_3723 = vector.extract_strided_slice %get3A_3415 {offsets = [10], sizes = [1], strides = [1]} : vector<16xi32> to vector<1xi32>
      %squeeze3A_3724 = vector.extract %slice3A_3723[0] : i32 from vector<1xi32>
      %slice3A_3725 = vector.extract_strided_slice %get3A_3422 {offsets = [10], sizes = [1], strides = [1]} : vector<16xf32> to vector<1xf32>
      %squeeze3A_3726 = vector.extract %slice3A_3725[0] : f32 from vector<1xf32>
      %lt3A_3727 = arith.constant 512 : i32
      %lt3A_3728 = arith.cmpi slt, %squeeze3A_3724, %lt3A_3727 : i32
      %jit3A_3729 = arith.constant 0 : i32
      %select_n3A_3730 = arith.select %lt3A_3728, %squeeze3A_3724, %jit3A_3729 : i32
      %shift_right_arithmetic3A_3731 = arith.constant 4 : i32
      %shift_right_arithmetic3A_3732 = arith.shrsi %select_n3A_3730, %shift_right_arithmetic3A_3731 : i32
      %shift_left3A_3733 = arith.constant 4 : i32
      %shift_left3A_3734 = arith.shli %shift_right_arithmetic3A_3732, %shift_left3A_3733 : i32
      %add3A_3735 = arith.constant 29696 : i32
      %add3A_3736 = arith.addi %add3A_3735, %shift_left3A_3734 : i32
      %and3A_3737 = arith.constant 15 : i32
      %and3A_3738 = arith.andi %select_n3A_3730, %and3A_3737 : i32
      %jit3A_3739 = arith.constant 16 : i32
      %select_n3A_3740 = arith.select %lt3A_3728, %and3A_3738, %jit3A_3739 : i32
      %get3A_3741 = arith.index_cast %add3A_3736 : i32 to index
      %get3A_3742 = tpu.vector_load %arg7[%get3A_3741] {strides = array<i32>} : memref<32768xf32, #tpu.memory_space<vmem>>, vector<16xf32>,
      %get3A_3743 = vector.shape_cast %get3A_3742 : vector<16xf32> to vector<16xf32>
      %eq3A_3744 = vector.broadcast %select_n3A_3740 : i32 to vector<16xi32>
      %eq3A_3745 = arith.cmpi eq, %iota3A, %eq3A_3744 : vector<16xi32>
      %broadcast_in_dim3A_3746 = arith.constant 0.000000e+00 : f32
      %broadcast_in_dim3A_3747 = vector.broadcast %broadcast_in_dim3A_3746 : f32 to vector<16xf32>
      %select_n3A_3748 = arith.select %eq3A_3745, %broadcast_in_dim3A_3747, %get3A_3743 : vector<16xi1>, vector<16xf32>
      %swap3A_3749 = arith.index_cast %add3A_3736 : i32 to index
      %swap3A_3750 = tpu.vector_load %arg7[%swap3A_3749] {strides = array<i32>} : memref<32768xf32, #tpu.memory_space<vmem>>, vector<16xf32>,
      %swap3A_3751 = vector.shape_cast %swap3A_3750 : vector<16xf32> to vector<16xf32>
      %swap3A_3752 = vector.shape_cast %select_n3A_3748 : vector<16xf32> to vector<16xf32>
      tpu.vector_store %arg7[%swap3A_3749], %swap3A_3752 {strides = array<i32>} : memref<32768xf32, #tpu.memory_space<vmem>>, vector<16xf32>,
      %slice3A_3753 = vector.extract_strided_slice %get3A_3415 {offsets = [11], sizes = [1], strides = [1]} : vector<16xi32> to vector<1xi32>
      %squeeze3A_3754 = vector.extract %slice3A_3753[0] : i32 from vector<1xi32>
      %slice3A_3755 = vector.extract_strided_slice %get3A_3422 {offsets = [11], sizes = [1], strides = [1]} : vector<16xf32> to vector<1xf32>
      %squeeze3A_3756 = vector.extract %slice3A_3755[0] : f32 from vector<1xf32>
      %lt3A_3757 = arith.constant 512 : i32
      %lt3A_3758 = arith.cmpi slt, %squeeze3A_3754, %lt3A_3757 : i32
      %jit3A_3759 = arith.constant 0 : i32
      %select_n3A_3760 = arith.select %lt3A_3758, %squeeze3A_3754, %jit3A_3759 : i32
      %shift_right_arithmetic3A_3761 = arith.constant 4 : i32
      %shift_right_arithmetic3A_3762 = arith.shrsi %select_n3A_3760, %shift_right_arithmetic3A_3761 : i32
      %shift_left3A_3763 = arith.constant 4 : i32
      %shift_left3A_3764 = arith.shli %shift_right_arithmetic3A_3762, %shift_left3A_3763 : i32
      %add3A_3765 = arith.constant 30208 : i32
      %add3A_3766 = arith.addi %add3A_3765, %shift_left3A_3764 : i32
      %and3A_3767 = arith.constant 15 : i32
      %and3A_3768 = arith.andi %select_n3A_3760, %and3A_3767 : i32
      %jit3A_3769 = arith.constant 16 : i32
      %select_n3A_3770 = arith.select %lt3A_3758, %and3A_3768, %jit3A_3769 : i32
      %get3A_3771 = arith.index_cast %add3A_3766 : i32 to index
      %get3A_3772 = tpu.vector_load %arg7[%get3A_3771] {strides = array<i32>} : memref<32768xf32, #tpu.memory_space<vmem>>, vector<16xf32>,
      %get3A_3773 = vector.shape_cast %get3A_3772 : vector<16xf32> to vector<16xf32>
      %eq3A_3774 = vector.broadcast %select_n3A_3770 : i32 to vector<16xi32>
      %eq3A_3775 = arith.cmpi eq, %iota3A, %eq3A_3774 : vector<16xi32>
      %broadcast_in_dim3A_3776 = arith.constant 0.000000e+00 : f32
      %broadcast_in_dim3A_3777 = vector.broadcast %broadcast_in_dim3A_3776 : f32 to vector<16xf32>
      %select_n3A_3778 = arith.select %eq3A_3775, %broadcast_in_dim3A_3777, %get3A_3773 : vector<16xi1>, vector<16xf32>
      %swap3A_3779 = arith.index_cast %add3A_3766 : i32 to index
      %swap3A_3780 = tpu.vector_load %arg7[%swap3A_3779] {strides = array<i32>} : memref<32768xf32, #tpu.memory_space<vmem>>, vector<16xf32>,
      %swap3A_3781 = vector.shape_cast %swap3A_3780 : vector<16xf32> to vector<16xf32>
      %swap3A_3782 = vector.shape_cast %select_n3A_3778 : vector<16xf32> to vector<16xf32>
      tpu.vector_store %arg7[%swap3A_3779], %swap3A_3782 {strides = array<i32>} : memref<32768xf32, #tpu.memory_space<vmem>>, vector<16xf32>,
      %slice3A_3783 = vector.extract_strided_slice %get3A_3415 {offsets = [12], sizes = [1], strides = [1]} : vector<16xi32> to vector<1xi32>
      %squeeze3A_3784 = vector.extract %slice3A_3783[0] : i32 from vector<1xi32>
      %slice3A_3785 = vector.extract_strided_slice %get3A_3422 {offsets = [12], sizes = [1], strides = [1]} : vector<16xf32> to vector<1xf32>
      %squeeze3A_3786 = vector.extract %slice3A_3785[0] : f32 from vector<1xf32>
      %lt3A_3787 = arith.constant 512 : i32
      %lt3A_3788 = arith.cmpi slt, %squeeze3A_3784, %lt3A_3787 : i32
      %jit3A_3789 = arith.constant 0 : i32
      %select_n3A_3790 = arith.select %lt3A_3788, %squeeze3A_3784, %jit3A_3789 : i32
      %shift_right_arithmetic3A_3791 = arith.constant 4 : i32
      %shift_right_arithmetic3A_3792 = arith.shrsi %select_n3A_3790, %shift_right_arithmetic3A_3791 : i32
      %shift_left3A_3793 = arith.constant 4 : i32
      %shift_left3A_3794 = arith.shli %shift_right_arithmetic3A_3792, %shift_left3A_3793 : i32
      %add3A_3795 = arith.constant 30720 : i32
      %add3A_3796 = arith.addi %add3A_3795, %shift_left3A_3794 : i32
      %and3A_3797 = arith.constant 15 : i32
      %and3A_3798 = arith.andi %select_n3A_3790, %and3A_3797 : i32
      %jit3A_3799 = arith.constant 16 : i32
      %select_n3A_3800 = arith.select %lt3A_3788, %and3A_3798, %jit3A_3799 : i32
      %get3A_3801 = arith.index_cast %add3A_3796 : i32 to index
      %get3A_3802 = tpu.vector_load %arg7[%get3A_3801] {strides = array<i32>} : memref<32768xf32, #tpu.memory_space<vmem>>, vector<16xf32>,
      %get3A_3803 = vector.shape_cast %get3A_3802 : vector<16xf32> to vector<16xf32>
      %eq3A_3804 = vector.broadcast %select_n3A_3800 : i32 to vector<16xi32>
      %eq3A_3805 = arith.cmpi eq, %iota3A, %eq3A_3804 : vector<16xi32>
      %broadcast_in_dim3A_3806 = arith.constant 0.000000e+00 : f32
      %broadcast_in_dim3A_3807 = vector.broadcast %broadcast_in_dim3A_3806 : f32 to vector<16xf32>
      %select_n3A_3808 = arith.select %eq3A_3805, %broadcast_in_dim3A_3807, %get3A_3803 : vector<16xi1>, vector<16xf32>
      %swap3A_3809 = arith.index_cast %add3A_3796 : i32 to index
      %swap3A_3810 = tpu.vector_load %arg7[%swap3A_3809] {strides = array<i32>} : memref<32768xf32, #tpu.memory_space<vmem>>, vector<16xf32>,
      %swap3A_3811 = vector.shape_cast %swap3A_3810 : vector<16xf32> to vector<16xf32>
      %swap3A_3812 = vector.shape_cast %select_n3A_3808 : vector<16xf32> to vector<16xf32>
      tpu.vector_store %arg7[%swap3A_3809], %swap3A_3812 {strides = array<i32>} : memref<32768xf32, #tpu.memory_space<vmem>>, vector<16xf32>,
      %slice3A_3813 = vector.extract_strided_slice %get3A_3415 {offsets = [13], sizes = [1], strides = [1]} : vector<16xi32> to vector<1xi32>
      %squeeze3A_3814 = vector.extract %slice3A_3813[0] : i32 from vector<1xi32>
      %slice3A_3815 = vector.extract_strided_slice %get3A_3422 {offsets = [13], sizes = [1], strides = [1]} : vector<16xf32> to vector<1xf32>
      %squeeze3A_3816 = vector.extract %slice3A_3815[0] : f32 from vector<1xf32>
      %lt3A_3817 = arith.constant 512 : i32
      %lt3A_3818 = arith.cmpi slt, %squeeze3A_3814, %lt3A_3817 : i32
      %jit3A_3819 = arith.constant 0 : i32
      %select_n3A_3820 = arith.select %lt3A_3818, %squeeze3A_3814, %jit3A_3819 : i32
      %shift_right_arithmetic3A_3821 = arith.constant 4 : i32
      %shift_right_arithmetic3A_3822 = arith.shrsi %select_n3A_3820, %shift_right_arithmetic3A_3821 : i32
      %shift_left3A_3823 = arith.constant 4 : i32
      %shift_left3A_3824 = arith.shli %shift_right_arithmetic3A_3822, %shift_left3A_3823 : i32
      %add3A_3825 = arith.constant 31232 : i32
      %add3A_3826 = arith.addi %add3A_3825, %shift_left3A_3824 : i32
      %and3A_3827 = arith.constant 15 : i32
      %and3A_3828 = arith.andi %select_n3A_3820, %and3A_3827 : i32
      %jit3A_3829 = arith.constant 16 : i32
      %select_n3A_3830 = arith.select %lt3A_3818, %and3A_3828, %jit3A_3829 : i32
      %get3A_3831 = arith.index_cast %add3A_3826 : i32 to index
      %get3A_3832 = tpu.vector_load %arg7[%get3A_3831] {strides = array<i32>} : memref<32768xf32, #tpu.memory_space<vmem>>, vector<16xf32>,
      %get3A_3833 = vector.shape_cast %get3A_3832 : vector<16xf32> to vector<16xf32>
      %eq3A_3834 = vector.broadcast %select_n3A_3830 : i32 to vector<16xi32>
      %eq3A_3835 = arith.cmpi eq, %iota3A, %eq3A_3834 : vector<16xi32>
      %broadcast_in_dim3A_3836 = arith.constant 0.000000e+00 : f32
      %broadcast_in_dim3A_3837 = vector.broadcast %broadcast_in_dim3A_3836 : f32 to vector<16xf32>
      %select_n3A_3838 = arith.select %eq3A_3835, %broadcast_in_dim3A_3837, %get3A_3833 : vector<16xi1>, vector<16xf32>
      %swap3A_3839 = arith.index_cast %add3A_3826 : i32 to index
      %swap3A_3840 = tpu.vector_load %arg7[%swap3A_3839] {strides = array<i32>} : memref<32768xf32, #tpu.memory_space<vmem>>, vector<16xf32>,
      %swap3A_3841 = vector.shape_cast %swap3A_3840 : vector<16xf32> to vector<16xf32>
      %swap3A_3842 = vector.shape_cast %select_n3A_3838 : vector<16xf32> to vector<16xf32>
      tpu.vector_store %arg7[%swap3A_3839], %swap3A_3842 {strides = array<i32>} : memref<32768xf32, #tpu.memory_space<vmem>>, vector<16xf32>,
      %slice3A_3843 = vector.extract_strided_slice %get3A_3415 {offsets = [14], sizes = [1], strides = [1]} : vector<16xi32> to vector<1xi32>
      %squeeze3A_3844 = vector.extract %slice3A_3843[0] : i32 from vector<1xi32>
      %slice3A_3845 = vector.extract_strided_slice %get3A_3422 {offsets = [14], sizes = [1], strides = [1]} : vector<16xf32> to vector<1xf32>
      %squeeze3A_3846 = vector.extract %slice3A_3845[0] : f32 from vector<1xf32>
      %lt3A_3847 = arith.constant 512 : i32
      %lt3A_3848 = arith.cmpi slt, %squeeze3A_3844, %lt3A_3847 : i32
      %jit3A_3849 = arith.constant 0 : i32
      %select_n3A_3850 = arith.select %lt3A_3848, %squeeze3A_3844, %jit3A_3849 : i32
      %shift_right_arithmetic3A_3851 = arith.constant 4 : i32
      %shift_right_arithmetic3A_3852 = arith.shrsi %select_n3A_3850, %shift_right_arithmetic3A_3851 : i32
      %shift_left3A_3853 = arith.constant 4 : i32
      %shift_left3A_3854 = arith.shli %shift_right_arithmetic3A_3852, %shift_left3A_3853 : i32
      %add3A_3855 = arith.constant 31744 : i32
      %add3A_3856 = arith.addi %add3A_3855, %shift_left3A_3854 : i32
      %and3A_3857 = arith.constant 15 : i32
      %and3A_3858 = arith.andi %select_n3A_3850, %and3A_3857 : i32
      %jit3A_3859 = arith.constant 16 : i32
      %select_n3A_3860 = arith.select %lt3A_3848, %and3A_3858, %jit3A_3859 : i32
      %get3A_3861 = arith.index_cast %add3A_3856 : i32 to index
      %get3A_3862 = tpu.vector_load %arg7[%get3A_3861] {strides = array<i32>} : memref<32768xf32, #tpu.memory_space<vmem>>, vector<16xf32>,
      %get3A_3863 = vector.shape_cast %get3A_3862 : vector<16xf32> to vector<16xf32>
      %eq3A_3864 = vector.broadcast %select_n3A_3860 : i32 to vector<16xi32>
      %eq3A_3865 = arith.cmpi eq, %iota3A, %eq3A_3864 : vector<16xi32>
      %broadcast_in_dim3A_3866 = arith.constant 0.000000e+00 : f32
      %broadcast_in_dim3A_3867 = vector.broadcast %broadcast_in_dim3A_3866 : f32 to vector<16xf32>
      %select_n3A_3868 = arith.select %eq3A_3865, %broadcast_in_dim3A_3867, %get3A_3863 : vector<16xi1>, vector<16xf32>
      %swap3A_3869 = arith.index_cast %add3A_3856 : i32 to index
      %swap3A_3870 = tpu.vector_load %arg7[%swap3A_3869] {strides = array<i32>} : memref<32768xf32, #tpu.memory_space<vmem>>, vector<16xf32>,
      %swap3A_3871 = vector.shape_cast %swap3A_3870 : vector<16xf32> to vector<16xf32>
      %swap3A_3872 = vector.shape_cast %select_n3A_3868 : vector<16xf32> to vector<16xf32>
      tpu.vector_store %arg7[%swap3A_3869], %swap3A_3872 {strides = array<i32>} : memref<32768xf32, #tpu.memory_space<vmem>>, vector<16xf32>,
      %slice3A_3873 = vector.extract_strided_slice %get3A_3415 {offsets = [15], sizes = [1], strides = [1]} : vector<16xi32> to vector<1xi32>
      %squeeze3A_3874 = vector.extract %slice3A_3873[0] : i32 from vector<1xi32>
      %slice3A_3875 = vector.extract_strided_slice %get3A_3422 {offsets = [15], sizes = [1], strides = [1]} : vector<16xf32> to vector<1xf32>
      %squeeze3A_3876 = vector.extract %slice3A_3875[0] : f32 from vector<1xf32>
      %lt3A_3877 = arith.constant 512 : i32
      %lt3A_3878 = arith.cmpi slt, %squeeze3A_3874, %lt3A_3877 : i32
      %jit3A_3879 = arith.constant 0 : i32
      %select_n3A_3880 = arith.select %lt3A_3878, %squeeze3A_3874, %jit3A_3879 : i32
      %shift_right_arithmetic3A_3881 = arith.constant 4 : i32
      %shift_right_arithmetic3A_3882 = arith.shrsi %select_n3A_3880, %shift_right_arithmetic3A_3881 : i32
      %shift_left3A_3883 = arith.constant 4 : i32
      %shift_left3A_3884 = arith.shli %shift_right_arithmetic3A_3882, %shift_left3A_3883 : i32
      %add3A_3885 = arith.constant 32256 : i32
      %add3A_3886 = arith.addi %add3A_3885, %shift_left3A_3884 : i32
      %and3A_3887 = arith.constant 15 : i32
      %and3A_3888 = arith.andi %select_n3A_3880, %and3A_3887 : i32
      %jit3A_3889 = arith.constant 16 : i32
      %select_n3A_3890 = arith.select %lt3A_3878, %and3A_3888, %jit3A_3889 : i32
      %get3A_3891 = arith.index_cast %add3A_3886 : i32 to index
      %get3A_3892 = tpu.vector_load %arg7[%get3A_3891] {strides = array<i32>} : memref<32768xf32, #tpu.memory_space<vmem>>, vector<16xf32>,
      %get3A_3893 = vector.shape_cast %get3A_3892 : vector<16xf32> to vector<16xf32>
      %eq3A_3894 = vector.broadcast %select_n3A_3890 : i32 to vector<16xi32>
      %eq3A_3895 = arith.cmpi eq, %iota3A, %eq3A_3894 : vector<16xi32>
      %broadcast_in_dim3A_3896 = arith.constant 0.000000e+00 : f32
      %broadcast_in_dim3A_3897 = vector.broadcast %broadcast_in_dim3A_3896 : f32 to vector<16xf32>
      %select_n3A_3898 = arith.select %eq3A_3895, %broadcast_in_dim3A_3897, %get3A_3893 : vector<16xi1>, vector<16xf32>
      %swap3A_3899 = arith.index_cast %add3A_3886 : i32 to index
      %swap3A_3900 = tpu.vector_load %arg7[%swap3A_3899] {strides = array<i32>} : memref<32768xf32, #tpu.memory_space<vmem>>, vector<16xf32>,
      %swap3A_3901 = vector.shape_cast %swap3A_3900 : vector<16xf32> to vector<16xf32>
      %swap3A_3902 = vector.shape_cast %select_n3A_3898 : vector<16xf32> to vector<16xf32>
      tpu.vector_store %arg7[%swap3A_3899], %swap3A_3902 {strides = array<i32>} : memref<32768xf32, #tpu.memory_space<vmem>>, vector<16xf32>,
      %scan3A_3903 = arith.constant 0 : i32
      scf.yield %scan3A_3903 : i32
    }
    %scan3A_18 = arith.constant 16 : i32
    return
  }
}

module attributes {stable_mosaic.version = 14 : i64} {
  func.func @_meta_kernel(%arg0: i32, %arg1: i32, %arg2: memref<1x512x1024xf32, #tpu.memory_space<vmem>>, %arg3: memref<1024x8xf32, #tpu.memory_space<vmem>>, %arg4: memref<1x512x8xi32, #tpu.memory_space<vmem>>, %arg5: memref<1x512x8xf32, #tpu.memory_space<vmem>>, %arg6: memref<1x1xf32, #tpu.memory_space<vmem>>, %arg7: memref<1x8xf32, #tpu.memory_space<vmem>>, %arg8: memref<1x8xf32, #tpu.memory_space<vmem>>, %arg9: memref<1x8xf32, #tpu.memory_space<vmem>>, %arg10: memref<1x1xf32, #tpu.memory_space<vmem>>) attributes {dimension_semantics = [#tpu.dimension_semantics<arbitrary>, #tpu.dimension_semantics<arbitrary>], iteration_bounds = array<i64: 2, 4>, scalar_prefetch = 0 : i64, scratch_operands = 4 : i64, tpu.core_type = #tpu.core_type<tc>, window_params = [{transform_indices = @transform_0, window_bounds = array<i64: 1, 512, 1024>}, {pipeline_mode = #tpu.pipeline_mode<synchronous>, transform_indices = @transform_1, window_bounds = array<i64: 1024, 8>}, {transform_indices = @transform_2, window_bounds = array<i64: 1, 512, 8>}, {transform_indices = @transform_3, window_bounds = array<i64: 1, 512, 8>}, {pipeline_mode = #tpu.pipeline_mode<synchronous>, transform_indices = @transform_4, window_bounds = array<i64: 1, 1>}]} {
    %eq3A = arith.constant 0 : i32
    %eq3A_0 = arith.cmpi eq, %arg1, %eq3A : i32
    %convert_element_type3A = arith.extui %eq3A_0 : i1 to i32
    %cond3A = arith.constant 0 : i32
    %cond3A_1 = arith.cmpi ne, %convert_element_type3A, %cond3A : i32
    scf.if %cond3A_1 {
      %broadcast_in_dim3A_169 = arith.constant 0.000000e+00 : f32
      %broadcast_in_dim3A_170 = vector.broadcast %broadcast_in_dim3A_169 : f32 to vector<1x8xf32>
      %swap3A_171 = arith.constant 0 : index
      %swap3A_172 = arith.constant 0 : index
      %swap3A_173 = vector.load %arg7[%swap3A_171, %swap3A_172] : memref<1x8xf32, #tpu.memory_space<vmem>>, vector<1x8xf32>
      tpu.vector_store %arg7[%swap3A_171, %swap3A_172], %broadcast_in_dim3A_170 {strides = array<i32>} : memref<1x8xf32, #tpu.memory_space<vmem>>, vector<1x8xf32>,
      %broadcast_in_dim3A_174 = arith.constant 0.000000e+00 : f32
      %broadcast_in_dim3A_175 = vector.broadcast %broadcast_in_dim3A_174 : f32 to vector<1x8xf32>
      %swap3A_176 = arith.constant 0 : index
      %swap3A_177 = arith.constant 0 : index
      %swap3A_178 = vector.load %arg8[%swap3A_176, %swap3A_177] : memref<1x8xf32, #tpu.memory_space<vmem>>, vector<1x8xf32>
      tpu.vector_store %arg8[%swap3A_176, %swap3A_177], %broadcast_in_dim3A_175 {strides = array<i32>} : memref<1x8xf32, #tpu.memory_space<vmem>>, vector<1x8xf32>,
      %broadcast_in_dim3A_179 = arith.constant 0.000000e+00 : f32
      %broadcast_in_dim3A_180 = vector.broadcast %broadcast_in_dim3A_179 : f32 to vector<1x8xf32>
      %swap3A_181 = arith.constant 0 : index
      %swap3A_182 = arith.constant 0 : index
      %swap3A_183 = vector.load %arg9[%swap3A_181, %swap3A_182] : memref<1x8xf32, #tpu.memory_space<vmem>>, vector<1x8xf32>
      tpu.vector_store %arg9[%swap3A_181, %swap3A_182], %broadcast_in_dim3A_180 {strides = array<i32>} : memref<1x8xf32, #tpu.memory_space<vmem>>, vector<1x8xf32>,
    } else {
    }
    %eq3A_2 = arith.constant 0 : i32
    %eq3A_3 = arith.cmpi eq, %arg0, %eq3A_2 : i32
    %eq3A_4 = arith.constant 0 : i32
    %eq3A_5 = arith.cmpi eq, %arg1, %eq3A_4 : i32
    %and3A = arith.andi %eq3A_3, %eq3A_5 : i1
    %convert_element_type3A_6 = arith.extui %and3A : i1 to i32
    %cond3A_7 = arith.constant 0 : i32
    %cond3A_8 = arith.cmpi ne, %convert_element_type3A_6, %cond3A_7 : i32
    scf.if %cond3A_8 {
      %broadcast_in_dim3A_169 = arith.constant 0.000000e+00 : f32
      %broadcast_in_dim3A_170 = vector.broadcast %broadcast_in_dim3A_169 : f32 to vector<1x1xf32>
      %swap3A_171 = arith.constant 0 : index
      %swap3A_172 = arith.constant 0 : index
      %swap3A_173 = vector.load %arg10[%swap3A_171, %swap3A_172] : memref<1x1xf32, #tpu.memory_space<vmem>>, vector<1x1xf32>
      tpu.vector_store %arg10[%swap3A_171, %swap3A_172], %broadcast_in_dim3A_170 {strides = array<i32>} : memref<1x1xf32, #tpu.memory_space<vmem>>, vector<1x1xf32>,
    } else {
    }
    %get3A = arith.constant 0 : index
    %get3A_9 = arith.constant 0 : index
    %get3A_10 = arith.constant 0 : index
    %get3A_11 = vector.load %arg2[%get3A, %get3A_9, %get3A_10] : memref<1x512x1024xf32, #tpu.memory_space<vmem>>, vector<1x512x1024xf32>
    %get3A_12 = vector.shape_cast %get3A_11 : vector<1x512x1024xf32> to vector<512x1024xf32>
    %get3A_13 = arith.constant 0 : index
    %get3A_14 = arith.constant 0 : index
    %get3A_15 = vector.load %arg3[%get3A_13, %get3A_14] : memref<1024x8xf32, #tpu.memory_space<vmem>>, vector<1024x8xf32>
    %dot_general3A = arith.constant dense<0.000000e+00> : vector<512x8xf32>
    %dot_general3A_16 = tpu.matmul %get3A_12, %get3A_15, %dot_general3A {dimension_numbers = #tpu.dot_dimension_numbers<[1], [0], [0], [1], [0, 0, 1, 1], [], []>, transpose_lhs_hint = false} : vector<512x1024xf32>, vector<1024x8xf32>, vector<512x8xf32> -> vector<512x8xf32>
    %reduce_max3A = arith.constant dense<0xFF800000> : vector<512xf32>
    %reduce_max3A_17 = vector.multi_reduction <maximumf>, %dot_general3A_16, %reduce_max3A [1] : vector<512x8xf32> to vector<512xf32>
    %broadcast_in_dim3A = vector.shape_cast %reduce_max3A_17 : vector<512xf32> to vector<512x1xf32>
    %sub3A = vector.broadcast %broadcast_in_dim3A : vector<512x1xf32> to vector<512x8xf32>
    %sub3A_18 = arith.subf %dot_general3A_16, %sub3A : vector<512x8xf32>
    %exp3A = math.exp %sub3A_18 : vector<512x8xf32>
    %reduce_sum3A = arith.constant dense<0.000000e+00> : vector<512xf32>
    %reduce_sum3A_19 = vector.multi_reduction <add>, %exp3A, %reduce_sum3A [1] : vector<512x8xf32> to vector<512xf32>
    %broadcast_in_dim3A_20 = vector.shape_cast %reduce_sum3A_19 : vector<512xf32> to vector<512x1xf32>
    %div3A = vector.broadcast %broadcast_in_dim3A_20 : vector<512x1xf32> to vector<512x8xf32>
    %div3A_21 = arith.divf %exp3A, %div3A : vector<512x8xf32>
    %slice3A = vector.extract_strided_slice %div3A_21 {offsets = [0, 7], sizes = [512, 1], strides = [1, 1]} : vector<512x8xf32> to vector<512x1xf32>
    %slice3A_22 = vector.extract_strided_slice %div3A_21 {offsets = [0, 0], sizes = [512, 7], strides = [1, 1]} : vector<512x8xf32> to vector<512x7xf32>
    %concatenate3A = tpu.concatenate %slice3A, %slice3A_22 in 1 : vector<512x1xf32>, vector<512x7xf32> -> vector<512x8xf32>
    %ge3A = arith.cmpf oge, %concatenate3A, %div3A_21 : vector<512x8xf32>
    %jit3A = arith.constant 0.000000e+00 : f32
    %broadcast_in_dim3A_23 = vector.broadcast %jit3A : f32 to vector<512x8xf32>
    %select_n3A = arith.select %ge3A, %concatenate3A, %broadcast_in_dim3A_23 : vector<512x8xi1>, vector<512x8xf32>
    %add3A = arith.addf %div3A_21, %select_n3A : vector<512x8xf32>
    %slice3A_24 = vector.extract_strided_slice %div3A_21 {offsets = [0, 6], sizes = [512, 2], strides = [1, 1]} : vector<512x8xf32> to vector<512x2xf32>
    %slice3A_25 = vector.extract_strided_slice %div3A_21 {offsets = [0, 0], sizes = [512, 6], strides = [1, 1]} : vector<512x8xf32> to vector<512x6xf32>
    %concatenate3A_26 = tpu.concatenate %slice3A_24, %slice3A_25 in 1 : vector<512x2xf32>, vector<512x6xf32> -> vector<512x8xf32>
    %ge3A_27 = arith.cmpf oge, %concatenate3A_26, %div3A_21 : vector<512x8xf32>
    %jit3A_28 = arith.constant 0.000000e+00 : f32
    %broadcast_in_dim3A_29 = vector.broadcast %jit3A_28 : f32 to vector<512x8xf32>
    %select_n3A_30 = arith.select %ge3A_27, %concatenate3A_26, %broadcast_in_dim3A_29 : vector<512x8xi1>, vector<512x8xf32>
    %add3A_31 = arith.addf %add3A, %select_n3A_30 : vector<512x8xf32>
    %slice3A_32 = vector.extract_strided_slice %div3A_21 {offsets = [0, 5], sizes = [512, 3], strides = [1, 1]} : vector<512x8xf32> to vector<512x3xf32>
    %slice3A_33 = vector.extract_strided_slice %div3A_21 {offsets = [0, 0], sizes = [512, 5], strides = [1, 1]} : vector<512x8xf32> to vector<512x5xf32>
    %concatenate3A_34 = tpu.concatenate %slice3A_32, %slice3A_33 in 1 : vector<512x3xf32>, vector<512x5xf32> -> vector<512x8xf32>
    %ge3A_35 = arith.cmpf oge, %concatenate3A_34, %div3A_21 : vector<512x8xf32>
    %jit3A_36 = arith.constant 0.000000e+00 : f32
    %broadcast_in_dim3A_37 = vector.broadcast %jit3A_36 : f32 to vector<512x8xf32>
    %select_n3A_38 = arith.select %ge3A_35, %concatenate3A_34, %broadcast_in_dim3A_37 : vector<512x8xi1>, vector<512x8xf32>
    %add3A_39 = arith.addf %add3A_31, %select_n3A_38 : vector<512x8xf32>
    %slice3A_40 = vector.extract_strided_slice %div3A_21 {offsets = [0, 4], sizes = [512, 4], strides = [1, 1]} : vector<512x8xf32> to vector<512x4xf32>
    %slice3A_41 = vector.extract_strided_slice %div3A_21 {offsets = [0, 0], sizes = [512, 4], strides = [1, 1]} : vector<512x8xf32> to vector<512x4xf32>
    %concatenate3A_42 = tpu.concatenate %slice3A_40, %slice3A_41 in 1 : vector<512x4xf32>, vector<512x4xf32> -> vector<512x8xf32>
    %ge3A_43 = arith.cmpf oge, %concatenate3A_42, %div3A_21 : vector<512x8xf32>
    %jit3A_44 = arith.constant 0.000000e+00 : f32
    %broadcast_in_dim3A_45 = vector.broadcast %jit3A_44 : f32 to vector<512x8xf32>
    %select_n3A_46 = arith.select %ge3A_43, %concatenate3A_42, %broadcast_in_dim3A_45 : vector<512x8xi1>, vector<512x8xf32>
    %add3A_47 = arith.addf %add3A_39, %select_n3A_46 : vector<512x8xf32>
    %slice3A_48 = vector.extract_strided_slice %div3A_21 {offsets = [0, 3], sizes = [512, 5], strides = [1, 1]} : vector<512x8xf32> to vector<512x5xf32>
    %slice3A_49 = vector.extract_strided_slice %div3A_21 {offsets = [0, 0], sizes = [512, 3], strides = [1, 1]} : vector<512x8xf32> to vector<512x3xf32>
    %concatenate3A_50 = tpu.concatenate %slice3A_48, %slice3A_49 in 1 : vector<512x5xf32>, vector<512x3xf32> -> vector<512x8xf32>
    %ge3A_51 = arith.cmpf oge, %concatenate3A_50, %div3A_21 : vector<512x8xf32>
    %jit3A_52 = arith.constant 0.000000e+00 : f32
    %broadcast_in_dim3A_53 = vector.broadcast %jit3A_52 : f32 to vector<512x8xf32>
    %select_n3A_54 = arith.select %ge3A_51, %concatenate3A_50, %broadcast_in_dim3A_53 : vector<512x8xi1>, vector<512x8xf32>
    %add3A_55 = arith.addf %add3A_47, %select_n3A_54 : vector<512x8xf32>
    %slice3A_56 = vector.extract_strided_slice %div3A_21 {offsets = [0, 2], sizes = [512, 6], strides = [1, 1]} : vector<512x8xf32> to vector<512x6xf32>
    %slice3A_57 = vector.extract_strided_slice %div3A_21 {offsets = [0, 0], sizes = [512, 2], strides = [1, 1]} : vector<512x8xf32> to vector<512x2xf32>
    %concatenate3A_58 = tpu.concatenate %slice3A_56, %slice3A_57 in 1 : vector<512x6xf32>, vector<512x2xf32> -> vector<512x8xf32>
    %ge3A_59 = arith.cmpf oge, %concatenate3A_58, %div3A_21 : vector<512x8xf32>
    %jit3A_60 = arith.constant 0.000000e+00 : f32
    %broadcast_in_dim3A_61 = vector.broadcast %jit3A_60 : f32 to vector<512x8xf32>
    %select_n3A_62 = arith.select %ge3A_59, %concatenate3A_58, %broadcast_in_dim3A_61 : vector<512x8xi1>, vector<512x8xf32>
    %add3A_63 = arith.addf %add3A_55, %select_n3A_62 : vector<512x8xf32>
    %slice3A_64 = vector.extract_strided_slice %div3A_21 {offsets = [0, 1], sizes = [512, 7], strides = [1, 1]} : vector<512x8xf32> to vector<512x7xf32>
    %slice3A_65 = vector.extract_strided_slice %div3A_21 {offsets = [0, 0], sizes = [512, 1], strides = [1, 1]} : vector<512x8xf32> to vector<512x1xf32>
    %concatenate3A_66 = tpu.concatenate %slice3A_64, %slice3A_65 in 1 : vector<512x7xf32>, vector<512x1xf32> -> vector<512x8xf32>
    %ge3A_67 = arith.cmpf oge, %concatenate3A_66, %div3A_21 : vector<512x8xf32>
    %jit3A_68 = arith.constant 0.000000e+00 : f32
    %broadcast_in_dim3A_69 = vector.broadcast %jit3A_68 : f32 to vector<512x8xf32>
    %select_n3A_70 = arith.select %ge3A_67, %concatenate3A_66, %broadcast_in_dim3A_69 : vector<512x8xi1>, vector<512x8xf32>
    %add3A_71 = arith.addf %add3A_63, %select_n3A_70 : vector<512x8xf32>
    %reduce_max3A_72 = arith.constant dense<0xFF800000> : vector<512xf32>
    %reduce_max3A_73 = vector.multi_reduction <maximumf>, %div3A_21, %reduce_max3A_72 [1] : vector<512x8xf32> to vector<512xf32>
    %broadcast_in_dim3A_74 = vector.shape_cast %reduce_max3A_73 : vector<512xf32> to vector<512x1xf32>
    %lt3A = arith.constant 8.000000e-01 : f32
    %lt3A_75 = vector.broadcast %lt3A : f32 to vector<512x8xf32>
    %lt3A_76 = arith.cmpf olt, %add3A_71, %lt3A_75 : vector<512x8xf32>
    %ge3A_77 = vector.broadcast %broadcast_in_dim3A_74 : vector<512x1xf32> to vector<512x8xf32>
    %ge3A_78 = arith.cmpf oge, %div3A_21, %ge3A_77 : vector<512x8xf32>
    %or3A = arith.ori %lt3A_76, %ge3A_78 : vector<512x8xi1>
    %convert_element_type3A_79 = arith.extui %or3A : vector<512x8xi1> to vector<512x8xi32>
    %convert_element_type3A_80 = arith.sitofp %convert_element_type3A_79 : vector<512x8xi32> to vector<512x8xf32>
    %mul3A = arith.mulf %div3A_21, %convert_element_type3A_80 : vector<512x8xf32>
    %reduce_sum3A_81 = arith.constant dense<0.000000e+00> : vector<512xf32>
    %reduce_sum3A_82 = vector.multi_reduction <add>, %mul3A, %reduce_sum3A_81 [1] : vector<512x8xf32> to vector<512xf32>
    %broadcast_in_dim3A_83 = vector.shape_cast %reduce_sum3A_82 : vector<512xf32> to vector<512x1xf32>
    %max3A = arith.constant 9.99999971E-10 : f32
    %max3A_84 = vector.broadcast %max3A : f32 to vector<512x1xf32>
    %max3A_85 = arith.maximumf %broadcast_in_dim3A_83, %max3A_84 : vector<512x1xf32>
    %div3A_86 = vector.broadcast %max3A_85 : vector<512x1xf32> to vector<512x8xf32>
    %div3A_87 = arith.divf %mul3A, %div3A_86 : vector<512x8xf32>
    %iota3A = tpu.iota {dimensions = array<i32: 0>} : vector<512x512xi32>
    %iota3A_88 = tpu.iota {dimensions = array<i32: 1>} : vector<512x512xi32>
    %lt3A_89 = arith.cmpi slt, %iota3A_88, %iota3A : vector<512x512xi32>
    %convert_element_type3A_90 = arith.extui %lt3A_89 : vector<512x512xi1> to vector<512x512xi32>
    %convert_element_type3A_91 = arith.sitofp %convert_element_type3A_90 : vector<512x512xi32> to vector<512x512xf32>
    %dot_general3A_92 = arith.constant dense<0.000000e+00> : vector<512x8xf32>
    %dot_general3A_93 = tpu.matmul %convert_element_type3A_91, %convert_element_type3A_80, %dot_general3A_92 {dimension_numbers = #tpu.dot_dimension_numbers<[1], [0], [0], [1], [0, 0, 1, 1], [], []>, transpose_lhs_hint = false} : vector<512x512xf32>, vector<512x8xf32>, vector<512x8xf32> -> vector<512x8xf32>
    %get3A_94 = arith.constant 0 : index
    %get3A_95 = arith.constant 0 : index
    %get3A_96 = vector.load %arg7[%get3A_94, %get3A_95] : memref<1x8xf32, #tpu.memory_space<vmem>>, vector<1x8xf32>
    %get3A_97 = vector.shape_cast %get3A_96 : vector<1x8xf32> to vector<8xf32>
    %broadcast_in_dim3A_98 = vector.shape_cast %get3A_97 : vector<8xf32> to vector<1x8xf32>
    %add3A_99 = vector.broadcast %broadcast_in_dim3A_98 : vector<1x8xf32> to vector<512x8xf32>
    %add3A_100 = arith.addf %dot_general3A_93, %add3A_99 : vector<512x8xf32>
    %get3A_101 = arith.constant 0 : index
    %get3A_102 = arith.constant 0 : index
    %get3A_103 = vector.load %arg7[%get3A_101, %get3A_102] : memref<1x8xf32, #tpu.memory_space<vmem>>, vector<1x8xf32>
    %get3A_104 = vector.shape_cast %get3A_103 : vector<1x8xf32> to vector<8xf32>
    %reduce_sum3A_105 = arith.constant dense<0.000000e+00> : vector<8xf32>
    %reduce_sum3A_106 = vector.multi_reduction <add>, %convert_element_type3A_80, %reduce_sum3A_105 [0] : vector<512x8xf32> to vector<8xf32>
    %add3A_107 = arith.addf %get3A_104, %reduce_sum3A_106 : vector<8xf32>
    %swap3A = arith.constant 0 : index
    %swap3A_108 = arith.constant 0 : index
    %swap3A_109 = vector.load %arg7[%swap3A, %swap3A_108] : memref<1x8xf32, #tpu.memory_space<vmem>>, vector<1x8xf32>
    %swap3A_110 = vector.shape_cast %swap3A_109 : vector<1x8xf32> to vector<8xf32>
    %swap3A_111 = vector.shape_cast %add3A_107 : vector<8xf32> to vector<1x8xf32>
    tpu.vector_store %arg7[%swap3A, %swap3A_108], %swap3A_111 {strides = array<i32>} : memref<1x8xf32, #tpu.memory_space<vmem>>, vector<1x8xf32>,
    %get3A_112 = arith.constant 0 : index
    %get3A_113 = arith.constant 0 : index
    %get3A_114 = vector.load %arg8[%get3A_112, %get3A_113] : memref<1x8xf32, #tpu.memory_space<vmem>>, vector<1x8xf32>
    %get3A_115 = vector.shape_cast %get3A_114 : vector<1x8xf32> to vector<8xf32>
    %reduce_sum3A_116 = arith.constant dense<0.000000e+00> : vector<8xf32>
    %reduce_sum3A_117 = vector.multi_reduction <add>, %convert_element_type3A_80, %reduce_sum3A_116 [0] : vector<512x8xf32> to vector<8xf32>
    %add3A_118 = arith.addf %get3A_115, %reduce_sum3A_117 : vector<8xf32>
    %swap3A_119 = arith.constant 0 : index
    %swap3A_120 = arith.constant 0 : index
    %swap3A_121 = vector.load %arg8[%swap3A_119, %swap3A_120] : memref<1x8xf32, #tpu.memory_space<vmem>>, vector<1x8xf32>
    %swap3A_122 = vector.shape_cast %swap3A_121 : vector<1x8xf32> to vector<8xf32>
    %swap3A_123 = vector.shape_cast %add3A_118 : vector<8xf32> to vector<1x8xf32>
    tpu.vector_store %arg8[%swap3A_119, %swap3A_120], %swap3A_123 {strides = array<i32>} : memref<1x8xf32, #tpu.memory_space<vmem>>, vector<1x8xf32>,
    %get3A_124 = arith.constant 0 : index
    %get3A_125 = arith.constant 0 : index
    %get3A_126 = vector.load %arg9[%get3A_124, %get3A_125] : memref<1x8xf32, #tpu.memory_space<vmem>>, vector<1x8xf32>
    %get3A_127 = vector.shape_cast %get3A_126 : vector<1x8xf32> to vector<8xf32>
    %reduce_sum3A_128 = arith.constant dense<0.000000e+00> : vector<8xf32>
    %reduce_sum3A_129 = vector.multi_reduction <add>, %div3A_21, %reduce_sum3A_128 [0] : vector<512x8xf32> to vector<8xf32>
    %add3A_130 = arith.addf %get3A_127, %reduce_sum3A_129 : vector<8xf32>
    %swap3A_131 = arith.constant 0 : index
    %swap3A_132 = arith.constant 0 : index
    %swap3A_133 = vector.load %arg9[%swap3A_131, %swap3A_132] : memref<1x8xf32, #tpu.memory_space<vmem>>, vector<1x8xf32>
    %swap3A_134 = vector.shape_cast %swap3A_133 : vector<1x8xf32> to vector<8xf32>
    %swap3A_135 = vector.shape_cast %add3A_130 : vector<8xf32> to vector<1x8xf32>
    tpu.vector_store %arg9[%swap3A_131, %swap3A_132], %swap3A_135 {strides = array<i32>} : memref<1x8xf32, #tpu.memory_space<vmem>>, vector<1x8xf32>,
    %lt3A_136 = arith.constant 5.120000e+02 : f32
    %lt3A_137 = vector.broadcast %lt3A_136 : f32 to vector<512x8xf32>
    %lt3A_138 = arith.cmpf olt, %add3A_100, %lt3A_137 : vector<512x8xf32>
    %and3A_139 = arith.andi %lt3A_138, %or3A : vector<512x8xi1>
    %jit3A_140 = arith.constant 5.120000e+02 : f32
    %broadcast_in_dim3A_141 = vector.broadcast %jit3A_140 : f32 to vector<512x8xf32>
    %select_n3A_142 = arith.select %and3A_139, %add3A_100, %broadcast_in_dim3A_141 : vector<512x8xi1>, vector<512x8xf32>
    %convert_element_type3A_143 = arith.fptosi %select_n3A_142 : vector<512x8xf32> to vector<512x8xi32>
    %swap3A_144 = arith.constant 0 : index
    %swap3A_145 = arith.constant 0 : index
    %swap3A_146 = arith.constant 0 : index
    %swap3A_147 = vector.load %arg4[%swap3A_144, %swap3A_145, %swap3A_146] : memref<1x512x8xi32, #tpu.memory_space<vmem>>, vector<1x512x8xi32>
    %swap3A_148 = vector.shape_cast %swap3A_147 : vector<1x512x8xi32> to vector<512x8xi32>
    %swap3A_149 = vector.shape_cast %convert_element_type3A_143 : vector<512x8xi32> to vector<1x512x8xi32>
    tpu.vector_store %arg4[%swap3A_144, %swap3A_145, %swap3A_146], %swap3A_149 {strides = array<i32>} : memref<1x512x8xi32, #tpu.memory_space<vmem>>, vector<1x512x8xi32>,
    %swap3A_150 = arith.constant 0 : index
    %swap3A_151 = arith.constant 0 : index
    %swap3A_152 = arith.constant 0 : index
    %swap3A_153 = vector.load %arg5[%swap3A_150, %swap3A_151, %swap3A_152] : memref<1x512x8xf32, #tpu.memory_space<vmem>>, vector<1x512x8xf32>
    %swap3A_154 = vector.shape_cast %swap3A_153 : vector<1x512x8xf32> to vector<512x8xf32>
    %swap3A_155 = vector.shape_cast %div3A_87 : vector<512x8xf32> to vector<1x512x8xf32>
    tpu.vector_store %arg5[%swap3A_150, %swap3A_151, %swap3A_152], %swap3A_155 {strides = array<i32>} : memref<1x512x8xf32, #tpu.memory_space<vmem>>, vector<1x512x8xf32>,
    %eq3A_156 = arith.constant 3 : i32
    %eq3A_157 = arith.cmpi eq, %arg1, %eq3A_156 : i32
    %convert_element_type3A_158 = arith.extui %eq3A_157 : i1 to i32
    %cond3A_159 = arith.constant 0 : i32
    %cond3A_160 = arith.cmpi ne, %convert_element_type3A_158, %cond3A_159 : i32
    scf.if %cond3A_160 {
      %get3A_169 = arith.constant 0 : index
      %get3A_170 = arith.constant 0 : index
      %get3A_171 = vector.load %arg10[%get3A_169, %get3A_170] : memref<1x1xf32, #tpu.memory_space<vmem>>, vector<1x1xf32>
      %get3A_172 = arith.constant 0 : index
      %get3A_173 = arith.constant 0 : index
      %get3A_174 = vector.load %arg8[%get3A_172, %get3A_173] : memref<1x8xf32, #tpu.memory_space<vmem>>, vector<1x8xf32>
      %get3A_175 = arith.constant 0 : index
      %get3A_176 = arith.constant 0 : index
      %get3A_177 = vector.load %arg9[%get3A_175, %get3A_176] : memref<1x8xf32, #tpu.memory_space<vmem>>, vector<1x8xf32>
      %mul3A_178 = arith.mulf %get3A_174, %get3A_177 : vector<1x8xf32>
      %reduce_sum3A_179 = vector.shape_cast %mul3A_178 : vector<1x8xf32> to vector<1x1x8xf32>
      %reduce_sum3A_180 = arith.constant dense<0.000000e+00> : vector<1xf32>
      %reduce_sum3A_181 = vector.multi_reduction <add>, %reduce_sum3A_179, %reduce_sum3A_180 [1, 2] : vector<1x1x8xf32> to vector<1xf32>
      %reduce_sum3A_182 = vector.shape_cast %reduce_sum3A_181 : vector<1xf32> to vector<1x1x1xf32>
      %reduce_sum3A_183 = vector.extract %reduce_sum3A_182[0, 0, 0] : f32 from vector<1x1x1xf32>
      %broadcast_in_dim3A_184 = vector.broadcast %reduce_sum3A_183 : f32 to vector<1x1xf32>
      %add3A_185 = arith.addf %get3A_171, %broadcast_in_dim3A_184 : vector<1x1xf32>
      %swap3A_186 = arith.constant 0 : index
      %swap3A_187 = arith.constant 0 : index
      %swap3A_188 = vector.load %arg10[%swap3A_186, %swap3A_187] : memref<1x1xf32, #tpu.memory_space<vmem>>, vector<1x1xf32>
      tpu.vector_store %arg10[%swap3A_186, %swap3A_187], %add3A_185 {strides = array<i32>} : memref<1x1xf32, #tpu.memory_space<vmem>>, vector<1x1xf32>,
    } else {
    }
    %eq3A_161 = arith.constant 1 : i32
    %eq3A_162 = arith.cmpi eq, %arg0, %eq3A_161 : i32
    %eq3A_163 = arith.constant 3 : i32
    %eq3A_164 = arith.cmpi eq, %arg1, %eq3A_163 : i32
    %and3A_165 = arith.andi %eq3A_162, %eq3A_164 : i1
    %convert_element_type3A_166 = arith.extui %and3A_165 : i1 to i32
    %cond3A_167 = arith.constant 0 : i32
    %cond3A_168 = arith.cmpi ne, %convert_element_type3A_166, %cond3A_167 : i32
    scf.if %cond3A_168 {
      %get3A_169 = arith.constant 0 : index
      %get3A_170 = arith.constant 0 : index
      %get3A_171 = vector.load %arg10[%get3A_169, %get3A_170] : memref<1x1xf32, #tpu.memory_space<vmem>>, vector<1x1xf32>
      %mul3A_172 = arith.constant 9.53674316E-7 : f32
      %mul3A_173 = vector.broadcast %mul3A_172 : f32 to vector<1x1xf32>
      %mul3A_174 = arith.mulf %get3A_171, %mul3A_173 : vector<1x1xf32>
      %swap3A_175 = arith.constant 0 : index
      %swap3A_176 = arith.constant 0 : index
      %swap3A_177 = vector.load %arg6[%swap3A_175, %swap3A_176] : memref<1x1xf32, #tpu.memory_space<vmem>>, vector<1x1xf32>
      tpu.vector_store %arg6[%swap3A_175, %swap3A_176], %mul3A_174 {strides = array<i32>} : memref<1x1xf32, #tpu.memory_space<vmem>>, vector<1x1xf32>,
    } else {
    }
    return
  }
  func.func @transform_0(%arg0: i32, %arg1: i32) -> (i32, i32, i32) {
    %c0_i32 = arith.constant 0 : i32
    %c0_i32_0 = arith.constant 0 : i32
    return %arg0, %arg1, %c0_i32 : i32, i32, i32
  }
  func.func @transform_1(%arg0: i32, %arg1: i32) -> (i32, i32) {
    %c0_i32 = arith.constant 0 : i32
    %c0_i32_0 = arith.constant 0 : i32
    %c0_i32_1 = arith.constant 0 : i32
    return %c0_i32, %c0_i32_0 : i32, i32
  }
  func.func @transform_2(%arg0: i32, %arg1: i32) -> (i32, i32, i32) {
    %c0_i32 = arith.constant 0 : i32
    %c0_i32_0 = arith.constant 0 : i32
    return %arg0, %arg1, %c0_i32 : i32, i32, i32
  }
  func.func @transform_3(%arg0: i32, %arg1: i32) -> (i32, i32, i32) {
    %c0_i32 = arith.constant 0 : i32
    %c0_i32_0 = arith.constant 0 : i32
    return %arg0, %arg1, %c0_i32 : i32, i32, i32
  }
  func.func @transform_4(%arg0: i32, %arg1: i32) -> (i32, i32) {
    %c0_i32 = arith.constant 0 : i32
    %c0_i32_0 = arith.constant 0 : i32
    %c0_i32_1 = arith.constant 0 : i32
    return %c0_i32, %c0_i32_0 : i32, i32
  }
}

module attributes {stable_mosaic.version = 14 : i64} {
  func.func @_disp_kernel(%arg0: i32, %arg1: i32, %arg2: memref<1x512x8xi32, #tpu.memory_space<vmem>>, %arg3: memref<1x512x8x512xf32, #tpu.memory_space<vmem>>) attributes {dimension_semantics = [#tpu.dimension_semantics<arbitrary>, #tpu.dimension_semantics<arbitrary>], iteration_bounds = array<i64: 2, 4>, scalar_prefetch = 0 : i64, scratch_operands = 0 : i64, tpu.core_type = #tpu.core_type<tc>, window_params = [{transform_indices = @transform_0, window_bounds = array<i64: 1, 512, 8>}, {transform_indices = @transform_1, window_bounds = array<i64: 1, 512, 8, 512>}]} {
    %get3A = arith.constant 0 : index
    %get3A_0 = arith.constant 0 : index
    %get3A_1 = arith.constant 0 : index
    %get3A_2 = vector.load %arg2[%get3A, %get3A_0, %get3A_1] : memref<1x512x8xi32, #tpu.memory_space<vmem>>, vector<1x512x8xi32>
    %get3A_3 = vector.shape_cast %get3A_2 : vector<1x512x8xi32> to vector<512x8xi32>
    %iota3A = tpu.iota {dimensions = array<i32: 2>} : vector<512x8x512xi32>
    %broadcast_in_dim3A = vector.shape_cast %get3A_3 : vector<512x8xi32> to vector<512x8x1xi32>
    %eq3A = vector.broadcast %broadcast_in_dim3A : vector<512x8x1xi32> to vector<512x8x512xi32>
    %eq3A_4 = arith.cmpi eq, %iota3A, %eq3A : vector<512x8x512xi32>
    %convert_element_type3A = arith.extui %eq3A_4 : vector<512x8x512xi1> to vector<512x8x512xi32>
    %convert_element_type3A_5 = arith.sitofp %convert_element_type3A : vector<512x8x512xi32> to vector<512x8x512xf32>
    %swap3A = arith.constant 0 : index
    %swap3A_6 = arith.constant 0 : index
    %swap3A_7 = arith.constant 0 : index
    %swap3A_8 = arith.constant 0 : index
    %swap3A_9 = vector.load %arg3[%swap3A, %swap3A_6, %swap3A_7, %swap3A_8] : memref<1x512x8x512xf32, #tpu.memory_space<vmem>>, vector<1x512x8x512xf32>
    %swap3A_10 = vector.shape_cast %swap3A_9 : vector<1x512x8x512xf32> to vector<512x8x512xf32>
    %swap3A_11 = vector.shape_cast %convert_element_type3A_5 : vector<512x8x512xf32> to vector<1x512x8x512xf32>
    tpu.vector_store %arg3[%swap3A, %swap3A_6, %swap3A_7, %swap3A_8], %swap3A_11 {strides = array<i32>} : memref<1x512x8x512xf32, #tpu.memory_space<vmem>>, vector<1x512x8x512xf32>,
    return
  }
  func.func @transform_0(%arg0: i32, %arg1: i32) -> (i32, i32, i32) {
    %c0_i32 = arith.constant 0 : i32
    %c0_i32_0 = arith.constant 0 : i32
    return %arg0, %arg1, %c0_i32 : i32, i32, i32
  }
  func.func @transform_1(%arg0: i32, %arg1: i32) -> (i32, i32, i32, i32) {
    %c0_i32 = arith.constant 0 : i32
    %c0_i32_0 = arith.constant 0 : i32
    %c0_i32_1 = arith.constant 0 : i32
    return %arg0, %arg1, %c0_i32, %c0_i32_0 : i32, i32, i32, i32
  }
}

</mosaic_0001>

<sc_bundles>
// kernel: kernel.5.cloned.1.call-start
scs
__scs_entry_jumppad:
0x0: {  	(pc) =	sbr.rel $0x88, $3  }
0x1: {  	(tag) =	ssettag $0x0;
	lr =	simm.s32 $0x1  }
0x2: {  	[smem:$0x3F9F] =	sst lr;
	_ =	strace $0xD0000000  }
0x3: {  	_ = 	snop  }
0x4: {  	_ = 	snop  }
0x5: {  	_ = 	snop  }
0x6: {  	_ = 	snop  }
0x7: {  	_ = 	snop  }
__scs_overlays_trampoline_lowered:
0x8: {  	[smem:$0x3FAE] =	sst s0  }
0x9: {  	[smem:$0x3FAF] =	sst s1  }
0xa: {  	[smem:$0x3FB0] =	sst s2  }
0xb: {  	[smem:$0x3FB1] =	sst s3  }
0xc: {  	[smem:$0x3FB2] =	sst s4  }
0xd: {  	[smem:$0x3FB3] =	sst s5  }
0xe: {  	[smem:$0x3FB4] =	sst s6  }
0xf: {  	[smem:$0x3FB5] =	sst s7  }
0x10: {  	[smem:$0x3FB6] =	sst s8  }
0x11: {  	[smem:$0x3FB7] =	sst s9;
	s0 =	simm.s32 @!p0 $0x0  }
0x12: {  	s1 =	sld [smem:$0x3F9D];
	s0 =	simm.s32 @p0 $0x1  }
0x13: {  	[smem:$0x3FB8] =	sst s0;
	s0 =	simm.s32 @!p1 $0x0  }
0x14: {  	s2 =	sld [smem:$0x3F9C];
	s0 =	simm.s32 @p1 $0x1  }
0x15: {  	[smem:$0x3FB9] =	sst s0;
	s0 =	simm.s32 @!p2 $0x0  }
0x16: {  	s3 =	sld [smem:$0x3FDB];
	s0 =	simm.s32 @p2 $0x1  }
0x17: {  	s4 =	simm.s32 $0x1BF5;
	[smem:$0x3FBB] =	sst s0  }
0x18: {  	s0 =	sld [smem:$0x3F9E];
	_ =	swait.ge [sflag:s4], $0x0  }
0x19: {  	s7 =	sld [smem:$0x3F9F]  }
0x1a: {  	s8 =	sadd.s32 $0xFFFFE003, lr  }
0x1b: {  	s9 =	sadd.s32 $0xFFFFFEF7, lr;
	s5 =	simm.s32 $0xFFFFFFFF;
	p2 =	slt.u32 s8, $0xFFFFF086  }
0x1c: {  	p1 =	slt.u32 s9, $0xF7A;
	s5 =	simm.s32 @!p2 $0x0  }
0x1d: {  	s5 =	simm.s32 @p1 $0x1;
	p0 =	seq.s32 s7, s2  }
0x1e: {  	s7 =	smul.u32 @!p0 $0xF7A, s2;
	p2 =	seq.s32 @!p0 s5, $0x0  }
0x1f: {  	s9 =	smul.u32 $0xF7A, s1;
	s8 =	simm.s32 @!p0 $0x1BF5;
	p2 =	por !p2, p0  }
0x20: {  	[sflag:s8] =	ssyncset.s32 @!p0 $0xFFFFF086;
	s6 =	sadd.s32 @!p0 s3, s7;
	s7 =	simm.s32 @!p0 $0x108  }
0x21: {  	s3 =	sadd.s32 s3, s9;
	s6 =	sadd.s32 @!p0 $0x88, s6;
	s7 =	simm.s32 @p2 $0x1082  }
0x22: {  	[simem:s7], [sflag:s8] =	dma.local @!p0 [hbm:s6], $0xF7A  }
0x23: {  	s9 =	sor.u32 $0xD0000000, s2;
	s6 =	simm.s32 $0x108;
	_ =	swait.ge @!p0 [sflag:s8], $0x0  }
0x24: {  	s3 =	sadd.s32 $0x88, s3;
	s6 =	simm.s32 @!p1 $0x1082;
	[sflag:s4] =	ssyncset.s32 $0xFFFFF086  }
0x25: {  	[simem:s6], [sflag:s4] =	dma.local [hbm:s3], $0xF7A  }
0x26: {  	[smem:$0x3F9F] =	sst s1;
	(tag) =	ssettag s2;
	_ =	strace s9  }
0x27: {  	s1 =	sld [smem:$0x3FAF]  }
0x28: {  	s2 =	sld [smem:$0x3FB0]  }
0x29: {  	s4 =	sld [smem:$0x3FB2]  }
0x2a: {  	p0 =	seq.s32 s5, $0x0;
	s5 =	sld [smem:$0x3FB3]  }
0x2b: {  	s6 =	sld [smem:$0x3FB4]  }
0x2c: {  	s7 =	sld [smem:$0x3FB5]  }
0x2d: {  	s3 =	simm.s32 $0x108;
	s8 =	sld [smem:$0x3FB6]  }
0x2e: {  	s3 =	simm.s32 @!p0 $0x1082;
	s9 =	sld [smem:$0x3FB7]  }
0x2f: {  	lr =	sadd.s32 s0, s3;
	s0 =	sld [smem:$0x3FAE]  }
0x30: {  	s3 =	sld [smem:$0x3FB1]  }
0x31: {  	[smem:$0x3FBA] =	sst s10  }
0x32: {  	s10 =	sld [smem:$0x3FB8];
	_ =	sdelay $0x3  }
0x33: {  	p0 =	seq.s32 s10, $0x1;
	s10 =	sld [smem:$0x3FBA];
	_ =	sdelay $0x3  }
0x34: {  	[smem:$0x3FBA] =	sst s10  }
0x35: {  	s10 =	sld [smem:$0x3FB9];
	_ =	sdelay $0x3  }
0x36: {  	p1 =	seq.s32 s10, $0x1;
	s10 =	sld [smem:$0x3FBA];
	_ =	sdelay $0x3  }
0x37: {  	[smem:$0x3FBA] =	sst s10  }
0x38: {  	s10 =	sld [smem:$0x3FBB]  }
0x39: {  	_ = 	snop;
	(pc) =	sbr.ind lr, $3  }
0x3a: {  	_ = 	snop  }
0x3b: {  	_ = 	snop  }
0x3c: {  	p2 =	seq.s32 s10, $0x1;
	s10 =	sld [smem:$0x3FBA]  }
0x3d: {  	_ =	shalt  }
0x3e: {  	_ =	shalt  }
0x3f: {  	_ =	shalt  }
0x40: {  	_ =	shalt  }
0x41: {  	_ =	shalt  }
0x42: {  	_ =	shalt  }
0x43: {  	_ =	shalt  }
0x44: {  	_ =	shalt  }
0x45: {  	_ =	shalt  }
0x46: {  	_ =	shalt  }
0x47: {  	_ =	shalt  }
0x48: {  	_ =	shalt  }
0x49: {  	_ =	shalt  }
0x4a: {  	_ =	shalt  }
0x4b: {  	_ =	shalt  }
0x4c: {  	_ =	shalt  }
0x4d: {  	_ =	shalt  }
0x4e: {  	_ =	shalt  }
0x4f: {  	_ =	shalt  }
0x50: {  	_ =	shalt  }
0x51: {  	_ =	shalt  }
0x52: {  	_ =	shalt  }
0x53: {  	_ =	shalt  }
0x54: {  	_ =	shalt  }
0x55: {  	_ =	shalt  }
0x56: {  	_ =	shalt  }
0x57: {  	_ =	shalt  }
0x58: {  	_ =	shalt  }
0x59: {  	_ =	shalt  }
0x5a: {  	_ =	shalt  }
0x5b: {  	_ =	shalt  }
0x5c: {  	_ =	shalt  }
0x5d: {  	_ =	shalt  }
0x5e: {  	_ =	shalt  }
0x5f: {  	_ =	shalt  }
0x60: {  	_ =	shalt  }
0x61: {  	_ =	shalt  }
0x62: {  	_ =	shalt  }
0x63: {  	_ =	shalt  }
0x64: {  	_ =	shalt  }
0x65: {  	_ =	shalt  }
0x66: {  	_ =	shalt  }
0x67: {  	_ =	shalt  }
0x68: {  	_ =	shalt  }
0x69: {  	_ =	shalt  }
0x6a: {  	_ =	shalt  }
0x6b: {  	_ =	shalt  }
0x6c: {  	_ =	shalt  }
0x6d: {  	_ =	shalt  }
0x6e: {  	_ =	shalt  }
0x6f: {  	_ =	shalt  }
0x70: {  	_ =	shalt  }
0x71: {  	_ =	shalt  }
0x72: {  	_ =	shalt  }
0x73: {  	_ =	shalt  }
0x74: {  	_ =	shalt  }
0x75: {  	_ =	shalt  }
0x76: {  	_ =	shalt  }
0x77: {  	_ =	shalt  }
0x78: {  	_ =	shalt  }
0x79: {  	_ =	shalt  }
0x7a: {  	_ =	shalt  }
0x7b: {  	_ =	shalt  }
0x7c: {  	_ =	shalt  }
0x7d: {  	_ =	shalt  }
0x7e: {  	_ =	shalt  }
0x7f: {  	_ =	shalt  }
0x80: {  	_ =	shalt  }
0x81: {  	_ =	shalt  }
0x82: {  	_ =	shalt  }
0x83: {  	_ =	shalt  }
0x84: {  	_ =	shalt  }
0x85: {  	_ =	shalt  }
0x86: {  	_ =	shalt  }
0x87: {  	_ =	shalt  }
.Lfunc_end0:
.L_simem_size_0:
called_computation_lowered:
.L_overlay_start_0:
0x88: {  	s2 =	sld [smem:$0x3FD9]  }
0x89: {  	s3 =	sld [smem:$0x3FFE];
	_ =	sdelay $0x1  }
0x8a: {  	s1 =	srdreg.scid  }
0x8b: {  	s0 =	sand.u32 $0x1, s1  }
0x8c: {  	s14 =	sshll.u32 s0, $0xA;
	s2 =	sadd.s32 s3, s2  }
0x8d: {  	s2 =	sadd.s32 s2, s14  }
0x8e: {  	[smem:$0x3FC6] =	sst s2  }
0x8f: {  	_ = 	snop  }
0x90: {  	s2 =	sld [smem:$0x3FD0];
	_ =	sdelay $0x2  }
0x91: {  	s15 =	simm.s32 $0xA;
	s4 =	simm.s32 $0x10  }
0x92: {  	[smem:s4], [sflag:s15] =	dma.local [hbm:s2], $0x1  }
0x93: {  	_ =	swait.eq [sflag:s15], $0x1  }
0x94: {  	[sflag:s15] =	ssyncset.done $0x0  }
0x95: {  	[sflag:s15] =	ssyncadd.s32 $0xFFFFFFFF  }
0x96: {  	s16 =	sld [smem:$0x11];
	(tm) =	ssettm $0x1  }
0x97: {  	s17 =	sld [smem:$0x3FFB];
	_ =	sdelay $0x3  }
0x98: {  	_ =	strace s17  }
0x99: {  	s3 =	sld [smem:$0x3FFC];
	_ =	sdelay $0x3  }
0x9a: {  	_ =	strace s3  }
0x9b: {  	s3 =	sld [smem:$0x3FFD];
	_ =	sdelay $0x3  }
0x9c: {  	_ =	strace s3  }
0x9d: {  	_ =	strace $0x8FFFFFFF  }
0x9e: {  	s18 =	sld [smem:$0x3FDB];
	_ =	sdelay $0x1  }
0x9f: {  	s19 =	simm.s32 $_scs_section_size  }
0xa0: {  	s5 =	simm.s32 $_size__tile_overlayer_lowered;
	s6 =	simm.s32 $_tile_overlayer_lowered  }
0xa1: {  	s22 =	simm.s32 $0x1BFF;
	s21 =	sshll.u32 s6, $0x1;
	s3 =	sadd.s32 s19, s18  }
0xa2: {  	s7 =	simm.s32 $0x0;
	s20 =	sshll.u32 s5, $0x1;
	s5 =	sadd.s32 s21, s3  }
0xa3: {  	[timem:s7], [sflag:s22] =	dma.local [hbm:s5], s20  }
0xa4: {  	_ =	swait.ge [sflag:s22], s20  }
0xa5: {  	s4 =	ssub.s32 $0x0, s20;
	[sflag:s22] =	ssyncset.done $0x0  }
0xa6: {  	[sflag:s22] =	ssyncadd.s32 s4;
	_ =	sdelay $0x1  }
0xa7: {  	s23 =	simm.s32 $0x1B8B  }
0xa8: {  	_ =	swait.ge [sflag:s23], $0x1  }
0xa9: {  	[sflag:s23] =	ssyncset.done $0x0  }
0xaa: {  	s25 =	simm.s32 $0x1B8E;
	s24 =	sld [smem:$0x3FFE];
	[sflag:s23] =	ssyncadd.s32 $0xFFFFFFFF  }
0xab: {  	s26 =	simm.s32 $execute0_lowered;
	[smem:$0x3FD2] =	sst s25  }
0xac: {  	s5 =	sshll.u32 s26, $0x1;
	_ =	strace $0x80000046;
	[dreg:$0x1] =	wrdreg $0xFFFFFFFF  }
0xad: {  	s28 =	simm.s32 $_size_execute0_lowered;
	s3 =	sadd.s32 s3, s5;
	[dreg:$0x0] =	wrdreg $0x0  }
0xae: {  	s5 =	sshll.u32 s28, $0x1;
	[dreg:$0x2] =	wrdreg s3  }
0xaf: {  	[dreg:$0x3] =	wrdreg s5  }
0xb0: {  	[dreg:$0x4] =	wrdreg $0xC0  }
0xb1: {  	_ =	task [dreg:s7], $0x5FFFF  }
0xb2: {  	[dreg:$0x1] =	wrdreg $0xFFFFFFFF  }
0xb3: {  	[dreg:$0x0] =	wrdreg $0x60  }
0xb4: {  	[dreg:$0x2] =	wrdreg s16  }
0xb5: {  	[dreg:$0x3] =	wrdreg s24  }
0xb6: {  	[dreg:$0x4] =	wrdreg $0x9  }
0xb7: {  	_ =	task.clear_ibuf [dreg:s7], $0x5FFFF;
	_ =	strace $0x90000046  }
0xb8: {  	s29 =	simm.s32 $0x9;
	_ =	strace $0x80000048  }
0xb9: {  	_ =	swait.ge [sflag:s29], $0x1  }
0xba: {  	[sflag:s29] =	ssyncadd.s32 $0xFFFFFFFF  }
0xbb: {  	_ =	strace $0x90000048  }
0xbc: {  	_ =	sfence  }
0xbd: {  	s30 =	sld [smem:$0x0];
	_ =	sdelay $0x2  }
0xbe: {  	s31 =	sshll.u32 s1, $0xD;
	s1 =	sshrl.u32 s1, $0x2  }
0xbf: {  	s3 =	sand.u32 $0x4000, s31;
	s1 =	sadd.s32 s1, s30  }
0xc0: {  	s0 =	sor.u32 s3, s0;
	s1 =	sshll.u32 s1, $0x11  }
0xc1: {  	s0 =	sor.u32 s1, s0  }
0xc2: {  	s0 =	sadd.s32 $0x8F2B, s0  }
0xc3: {  	[sflag:s0] =	ssyncadd.remote.s32 $0x1  }
0xc4: {  	_ =	sfence.sel $0xFFFF  }
0xc5: {  	[dreg:$0x0] =	wrdreg $0xFFFFFFFF;
	(pc) =	sbr.abs _section_cstart, $3  }
0xc6: {  	[dreg:$0x1] =	wrdreg $0xFFFFFFFF  }
0xc7: {  	_ =	task.clear_ibuf [dreg:s7], $0x2FFFF;
	_ =	strace $0x9FFFFFFF  }
0xc8: {  	(tm) =	ssettm $0x7FFFFFFF  }
0xc9: {  	_ =	shalt  }
tec
execute0_lowered:
.L_overlay_start_1:
0x0: {  	(tag) =	ssettag $0x1  }
0x1: {  	s3 =	rddreg [dreg:$0x0]  }
0x2: {  	s4 =	rddreg [dreg:$0x1]  }
0x3: {  	s0 =	rddreg [dreg:$0x2];
	s2 =	simm.s32 $0x0;
	s5 =	srdreg.scid  }
0x4: {  	s1 =	stileid.u32;
	s31 =	simm.s32 $0x800;
	[smem:$0x7FF] =	sst s2  }
0x5: {  	s5 =	sand.u32 $0x1, s5;
	s6 =	sshll.u32 s1, $0x8;
	s28 =	sshll.u32 s1, $0x11  }
0x6: {  	_ =	strace $0x80000047;
	s7 =	sshll.u32 s5, $0x7;
	s8 =	ssub.s32 $0x2, s5  }
0x7: {  	s30 =	sshll.u32 s5, $0x10;
	[dreg:$0x3] =	wrdreg s31;
	s6 =	sor.u32 s7, s6  }
0x8: {  	s7 =	sadd.s32 s28, s4;
	s29 =	sshrl.u32 s8, $0x1;
	s9 =	sadd.s32 s6, s4  }
0x9: {  	s8 =	ssub.s32 s8, s29;
	s3 =	sadd.s32 s3, s6;
	s6 =	sadd.s32 s30, s7  }
0xa: {  	s7 =	simm.s32 $0x1;
	s4 =	sadd.s32 $0x800, s9;
	s5 =	smax.u32 s8, $0x1  }
0xb: {  	v0 =	vimm.f32 $0.0e+00;
	v1 =	vlaneseq.u32;
	s6 =	sadd.s32 $0x1800, s6;
	s8 =	simm.s32 $0x400;
	s9 =	simm.s32 $0x0  }
.LBB2_1:
0xc: {  	[tilespmem:s2], [sflag:$0x1] =	stream.linear.gather [hbm4b:s3+s2], $0x400, $0x38;
	[tilespmem:$0x8800] =	vst v63  }
0xd: {  	_ =	swait.ge [sflag:s7], $0x400  }
0xe: {  	[sflag:s7] =	ssyncset.done $0x0  }
0xf: {  	[sflag:s7] =	ssyncadd.s32 $0xFFFFFC00  }
0x10: {  	[tilespmem:s8], [sflag:$0x1] =	stream.linear.gather [hbm4b:s4+s2], $0x400, $0x38;
	[tilespmem:$0x8800] =	vst v63  }
0x11: {  	_ =	swait.ge [sflag:s7], $0x400  }
0x12: {  	[sflag:s7] =	ssyncset.done $0x0  }
0x13: {  	s10 =	simm.s32 $0x0;
	[sflag:s7] =	ssyncadd.s32 $0xFFFFFC00  }
.LBB2_2:
0x14: {  	p0 =	sne.s32 s10, $0x1FFC0  }
.Ltmp0:
0x15: {  	_ = 	snop;
	(pc) =	sbr.rel @p0 .LBB2_2-.Ltmp0, $3  }
0x16: {  	_ =	sdelay $0x1  }
0x17: {  	s11 =	sshra.s32 s10, $0x2  }
0x18: {  	s10 =	sadd.s32 $0x40, s10;
	[tilespmem:s11+$0x800] =	vst v0  }
0x19: {  	s10 =	simm.s32 $0x0;
	s11 =	smov.u32 s6  }
.LBB2_4:
0x1a: {  	s12 =	sshra.s32 s10, $0x2  }
0x1b: {  	v3 =	vld [tilespmem:s12+$0x0];
	_ =	sdelay $0x4  }
0x1c: {  	(v2sf) =	vpush v3, $0x0;
	_ =	sdelay $0x5  }
0x1d: {  	(v2sf) =	vpush v3, $0x1;
	_ =	sdelay $0x6  }
0x1e: {  	(v2sf) =	vpush v3, $0x2;
	_ =	sdelay $0x1  }
0x1f: {  	s13 =	spop (v2sf)  }
0x20: {  	v2 =	vld [tilespmem:s12+$0x400];
	p0 =	slt.s32 s13, $0x200;
	s14 =	sand.u32 $0xFFFFFFF0, s13  }
0x21: {  	s14 =	simm.s32 @!p0 $0x0  }
0x22: {  	v4 =	vld [tilespmem:s14+$0x800]  }
0x23: {  	s13 =	sand.u32 $0xF, s13  }
0x24: {  	(v2sf) =	vpush v3, $0x3;
	s13 =	simm.s32 @!p0 $0x10  }
0x25: {  	v6 =	vbroadcast v2, $0x0;
	s21 =	spop (v2sf);
	v5 =	vmov s13  }
0x26: {  	s15 =	sand.u32 $0xFFFFFFF0, s21;
	vm0 =	veq.s32 v5, v1  }
0x27: {  	p0 =	slt.s32 s21, $0x200;
	s15 =	sadd.s32 $0x200, s15;
	v4 =	vsel vm0, v6, v4  }
0x28: {  	s15 =	simm.s32 @!p0 $0x200;
	[tilespmem:s14+$0x800] =	vst v4  }
0x29: {  	v4 =	vld [tilespmem:s15+$0x800]  }
0x2a: {  	s13 =	sand.u32 $0xF, s21  }
0x2b: {  	(v2sf) =	vpush v3, $0x4;
	s13 =	simm.s32 @!p0 $0x10  }
0x2c: {  	v62 =	vbroadcast v2, $0x1;
	s22 =	spop (v2sf);
	v61 =	vmov s13  }
0x2d: {  	s23 =	sand.u32 $0xFFFFFFF0, s22;
	vm9 =	veq.s32 v61, v1  }
0x2e: {  	p0 =	slt.s32 s22, $0x200;
	s14 =	sadd.s32 $0x400, s23;
	v4 =	vsel vm9, v62, v4  }
0x2f: {  	s14 =	simm.s32 @!p0 $0x400;
	[tilespmem:s15+$0x800] =	vst v4  }
0x30: {  	v4 =	vld [tilespmem:s14+$0x800]  }
0x31: {  	s13 =	sand.u32 $0xF, s22  }
0x32: {  	(v2sf) =	vpush v3, $0x5;
	s13 =	simm.s32 @!p0 $0x10  }
0x33: {  	v9 =	vbroadcast v2, $0x2;
	v63 =	vmov s13;
	s24 =	spop (v2sf)  }
0x34: {  	vm10 =	veq.s32 v63, v1;
	s25 =	sand.u32 $0xFFFFFFF0, s24  }
0x35: {  	p0 =	slt.s32 s24, $0x200;
	s15 =	sadd.s32 $0x600, s25;
	v4 =	vsel vm10, v9, v4  }
0x36: {  	s15 =	simm.s32 @!p0 $0x600;
	[tilespmem:s14+$0x800] =	vst v4  }
0x37: {  	v4 =	vld [tilespmem:s15+$0x800]  }
0x38: {  	s13 =	sand.u32 $0xF, s24  }
0x39: {  	(v2sf) =	vpush v3, $0x6;
	s13 =	simm.s32 @!p0 $0x10  }
0x3a: {  	v11 =	vbroadcast v2, $0x3;
	s26 =	spop (v2sf);
	v10 =	vmov s13  }
0x3b: {  	s28 =	sand.u32 $0xFFFFFFF0, s26;
	vm11 =	veq.s32 v10, v1  }
0x3c: {  	p0 =	slt.s32 s26, $0x200;
	s14 =	sadd.s32 $0x800, s28;
	v4 =	vsel vm11, v11, v4  }
0x3d: {  	s14 =	simm.s32 @!p0 $0x800;
	[tilespmem:s15+$0x800] =	vst v4  }
0x3e: {  	v4 =	vld [tilespmem:s14+$0x800]  }
0x3f: {  	s13 =	sand.u32 $0xF, s26  }
0x40: {  	s13 =	simm.s32 @!p0 $0x10  }
0x41: {  	v13 =	vbroadcast v2, $0x4;
	s29 =	spop (v2sf);
	v12 =	vmov s13  }
0x42: {  	s30 =	sand.u32 $0xFFFFFFF0, s29;
	vm12 =	veq.s32 v12, v1  }
0x43: {  	p0 =	slt.s32 s29, $0x200;
	s15 =	sadd.s32 $0xA00, s30;
	v4 =	vsel vm12, v13, v4  }
0x44: {  	s15 =	simm.s32 @!p0 $0xA00;
	[tilespmem:s14+$0x800] =	vst v4  }
0x45: {  	v4 =	vld [tilespmem:s15+$0x800]  }
0x46: {  	s13 =	sand.u32 $0xF, s29  }
0x47: {  	s13 =	simm.s32 @!p0 $0x10  }
0x48: {  	v15 =	vbroadcast v2, $0x5;
	v14 =	vmov s13;
	s31 =	spop (v2sf)  }
0x49: {  	vm13 =	veq.s32 v14, v1;
	s16 =	sand.u32 $0xFFFFFFF0, s31  }
0x4a: {  	p0 =	slt.s32 s31, $0x200;
	s14 =	sadd.s32 $0xC00, s16;
	v4 =	vsel vm13, v15, v4  }
0x4b: {  	s14 =	simm.s32 @!p0 $0xC00;
	[tilespmem:s15+$0x800] =	vst v4  }
0x4c: {  	v4 =	vld [tilespmem:s14+$0x800];
	(v2sf) =	vpush v3, $0x7;
	_ =	sdelay $0x6  }
0x4d: {  	(v2sf) =	vpush v3, $0x8;
	_ =	sdelay $0x5  }
0x4e: {  	s13 =	sand.u32 $0xF, s31  }
0x4f: {  	s13 =	simm.s32 @!p0 $0x10;
	(v2sf) =	vpush v3, $0x9  }
0x50: {  	v17 =	vbroadcast v2, $0x6;
	v16 =	vmov s13;
	s17 =	spop (v2sf)  }
0x51: {  	vm14 =	veq.s32 v16, v1;
	s18 =	sand.u32 $0xFFFFFFF0, s17  }
0x52: {  	v4 =	vsel vm14, v17, v4;
	p0 =	slt.s32 s17, $0x200;
	s15 =	sadd.s32 $0xE00, s18  }
0x53: {  	[tilespmem:s14+$0x800] =	vst v4;
	s15 =	simm.s32 @!p0 $0xE00  }
0x54: {  	v4 =	vld [tilespmem:s15+$0x800]  }
0x55: {  	s13 =	sand.u32 $0xF, s17  }
0x56: {  	(v2sf) =	vpush v3, $0xA;
	s13 =	simm.s32 @!p0 $0x10  }
0x57: {  	v19 =	vbroadcast v2, $0x7;
	s19 =	spop (v2sf);
	v18 =	vmov s13  }
0x58: {  	s20 =	sand.u32 $0xFFFFFFF0, s19;
	vm15 =	veq.s32 v18, v1  }
0x59: {  	p0 =	slt.s32 s19, $0x200;
	s14 =	sadd.s32 $0x1000, s20;
	v4 =	vsel vm15, v19, v4  }
0x5a: {  	s14 =	simm.s32 @!p0 $0x1000;
	[tilespmem:s15+$0x800] =	vst v4  }
0x5b: {  	v4 =	vld [tilespmem:s14+$0x800]  }
0x5c: {  	s13 =	sand.u32 $0xF, s19  }
0x5d: {  	(v2sf) =	vpush v3, $0xB;
	s13 =	simm.s32 @!p0 $0x10  }
0x5e: {  	v21 =	vbroadcast v2, $0x8;
	s21 =	spop (v2sf);
	v20 =	vmov s13  }
0x5f: {  	s22 =	sand.u32 $0xFFFFFFF0, s21;
	vm4 =	veq.s32 v20, v1  }
0x60: {  	p0 =	slt.s32 s21, $0x200;
	s15 =	sadd.s32 $0x1200, s22;
	v4 =	vsel vm4, v21, v4  }
0x61: {  	s15 =	simm.s32 @!p0 $0x1200;
	[tilespmem:s14+$0x800] =	vst v4  }
0x62: {  	v4 =	vld [tilespmem:s15+$0x800]  }
0x63: {  	s13 =	sand.u32 $0xF, s21  }
0x64: {  	(v2sf) =	vpush v3, $0xC;
	s13 =	simm.s32 @!p0 $0x10  }
0x65: {  	v23 =	vbroadcast v2, $0x9;
	v22 =	vmov s13;
	s23 =	spop (v2sf)  }
0x66: {  	vm5 =	veq.s32 v22, v1;
	s24 =	sand.u32 $0xFFFFFFF0, s23  }
0x67: {  	p0 =	slt.s32 s23, $0x200;
	s14 =	sadd.s32 $0x1400, s24;
	v4 =	vsel vm5, v23, v4  }
0x68: {  	s14 =	simm.s32 @!p0 $0x1400;
	[tilespmem:s15+$0x800] =	vst v4  }
0x69: {  	v4 =	vld [tilespmem:s14+$0x800]  }
0x6a: {  	s13 =	sand.u32 $0xF, s23  }
0x6b: {  	(v2sf) =	vpush v3, $0xD;
	s13 =	simm.s32 @!p0 $0x10  }
0x6c: {  	v25 =	vbroadcast v2, $0xA;
	s25 =	spop (v2sf);
	v24 =	vmov s13  }
0x6d: {  	s26 =	sand.u32 $0xFFFFFFF0, s25;
	vm6 =	veq.s32 v24, v1  }
0x6e: {  	p0 =	slt.s32 s25, $0x200;
	s15 =	sadd.s32 $0x1600, s26;
	v4 =	vsel vm6, v25, v4  }
0x6f: {  	s15 =	simm.s32 @!p0 $0x1600;
	[tilespmem:s14+$0x800] =	vst v4  }
0x70: {  	v4 =	vld [tilespmem:s15+$0x800]  }
0x71: {  	s13 =	sand.u32 $0xF, s25  }
0x72: {  	(v2sf) =	vpush v3, $0xE;
	s13 =	simm.s32 @!p0 $0x10  }
0x73: {  	v27 =	vbroadcast v2, $0xB;
	s28 =	spop (v2sf);
	v26 =	vmov s13  }
0x74: {  	s29 =	sand.u32 $0xFFFFFFF0, s28;
	vm7 =	veq.s32 v26, v1  }
0x75: {  	p0 =	slt.s32 s28, $0x200;
	s14 =	sadd.s32 $0x1800, s29;
	v4 =	vsel vm7, v27, v4  }
0x76: {  	s14 =	simm.s32 @!p0 $0x1800;
	[tilespmem:s15+$0x800] =	vst v4  }
0x77: {  	v4 =	vld [tilespmem:s14+$0x800]  }
0x78: {  	s13 =	sand.u32 $0xF, s28  }
0x79: {  	(v2sf) =	vpush v3, $0xF;
	s13 =	simm.s32 @!p0 $0x10  }
0x7a: {  	v28 =	vbroadcast v2, $0xC;
	v3 =	vmov s13;
	s30 =	spop (v2sf)  }
0x7b: {  	vm8 =	veq.s32 v3, v1;
	s31 =	sand.u32 $0xFFFFFFF0, s30  }
0x7c: {  	p0 =	slt.s32 s30, $0x200;
	s15 =	sadd.s32 $0x1A00, s31;
	v3 =	vsel vm8, v28, v4  }
0x7d: {  	s15 =	simm.s32 @!p0 $0x1A00;
	[tilespmem:s14+$0x800] =	vst v3  }
0x7e: {  	v3 =	vld [tilespmem:s15+$0x800]  }
0x7f: {  	s13 =	sand.u32 $0xF, s30  }
0x80: {  	s13 =	simm.s32 @!p0 $0x10  }
0x81: {  	v30 =	vbroadcast v2, $0xD;
	s16 =	spop (v2sf);
	v29 =	vmov s13  }
0x82: {  	s17 =	sand.u32 $0xFFFFFFF0, s16;
	vm9 =	veq.s32 v29, v1  }
0x83: {  	p0 =	slt.s32 s16, $0x200;
	s14 =	sadd.s32 $0x1C00, s17;
	v3 =	vsel vm9, v30, v3  }
0x84: {  	s14 =	simm.s32 @!p0 $0x1C00;
	[tilespmem:s15+$0x800] =	vst v3  }
0x85: {  	v3 =	vld [tilespmem:s14+$0x800]  }
0x86: {  	s13 =	sand.u32 $0xF, s16  }
0x87: {  	s13 =	simm.s32 @!p0 $0x10  }
0x88: {  	v32 =	vbroadcast v2, $0xE;
	s18 =	spop (v2sf);
	v31 =	vmov s13  }
0x89: {  	s19 =	sand.u32 $0xFFFFFFF0, s18;
	vm10 =	veq.s32 v31, v1  }
0x8a: {  	p0 =	slt.s32 s18, $0x200;
	s15 =	sadd.s32 $0x1E00, s19;
	v3 =	vsel vm10, v32, v3  }
0x8b: {  	s15 =	simm.s32 @!p0 $0x1E00;
	[tilespmem:s14+$0x800] =	vst v3  }
0x8c: {  	v3 =	vld [tilespmem:s15+$0x800]  }
0x8d: {  	s13 =	sand.u32 $0xF, s18  }
0x8e: {  	s13 =	simm.s32 @!p0 $0x10  }
0x8f: {  	v2 =	vbroadcast v2, $0xF;
	v33 =	vmov s13  }
0x90: {  	vm11 =	veq.s32 v33, v1  }
0x91: {  	v2 =	vsel vm11, v2, v3  }
0x92: {  	[tilespmem:s15+$0x800] =	vst v2  }
0x93: {  	v3 =	vld [tilespmem:s12+$0x10];
	_ =	sdelay $0x4  }
0x94: {  	(v2sf) =	vpush v3, $0x0;
	_ =	sdelay $0x6  }
0x95: {  	(v2sf) =	vpush v3, $0x1;
	_ =	sdelay $0x6  }
0x96: {  	(v2sf) =	vpush v3, $0x2  }
0x97: {  	s20 =	spop (v2sf)  }
0x98: {  	s21 =	sand.u32 $0xFFFFFFF0, s20  }
0x99: {  	v2 =	vld [tilespmem:s12+$0x410];
	p0 =	slt.s32 s20, $0x200;
	s14 =	sadd.s32 $0x2000, s21  }
0x9a: {  	s14 =	simm.s32 @!p0 $0x2000  }
0x9b: {  	v34 =	vld [tilespmem:s14+$0x800]  }
0x9c: {  	s13 =	sand.u32 $0xF, s20  }
0x9d: {  	(v2sf) =	vpush v3, $0x3;
	s13 =	simm.s32 @!p0 $0x10  }
0x9e: {  	v36 =	vbroadcast v2, $0x0;
	s22 =	spop (v2sf);
	v35 =	vmov s13  }
0x9f: {  	s23 =	sand.u32 $0xFFFFFFF0, s22;
	vm12 =	veq.s32 v35, v1  }
0xa0: {  	p0 =	slt.s32 s22, $0x200;
	s15 =	sadd.s32 $0x2200, s23;
	v4 =	vsel vm12, v36, v34  }
0xa1: {  	s15 =	simm.s32 @!p0 $0x2200;
	[tilespmem:s14+$0x800] =	vst v4  }
0xa2: {  	v4 =	vld [tilespmem:s15+$0x800]  }
0xa3: {  	s13 =	sand.u32 $0xF, s22  }
0xa4: {  	(v2sf) =	vpush v3, $0x4;
	s13 =	simm.s32 @!p0 $0x10  }
0xa5: {  	v38 =	vbroadcast v2, $0x1;
	s24 =	spop (v2sf);
	v37 =	vmov s13  }
0xa6: {  	s25 =	sand.u32 $0xFFFFFFF0, s24;
	vm13 =	veq.s32 v37, v1  }
0xa7: {  	p0 =	slt.s32 s24, $0x200;
	s14 =	sadd.s32 $0x2400, s25;
	v4 =	vsel vm13, v38, v4  }
0xa8: {  	s14 =	simm.s32 @!p0 $0x2400;
	[tilespmem:s15+$0x800] =	vst v4  }
0xa9: {  	v4 =	vld [tilespmem:s14+$0x800]  }
0xaa: {  	s13 =	sand.u32 $0xF, s24  }
0xab: {  	(v2sf) =	vpush v3, $0x5;
	s13 =	simm.s32 @!p0 $0x10  }
0xac: {  	v40 =	vbroadcast v2, $0x2;
	v39 =	vmov s13;
	s26 =	spop (v2sf)  }
0xad: {  	vm14 =	veq.s32 v39, v1;
	s28 =	sand.u32 $0xFFFFFFF0, s26  }
0xae: {  	p0 =	slt.s32 s26, $0x200;
	s15 =	sadd.s32 $0x2600, s28;
	v4 =	vsel vm14, v40, v4  }
0xaf: {  	s15 =	simm.s32 @!p0 $0x2600;
	[tilespmem:s14+$0x800] =	vst v4  }
0xb0: {  	v4 =	vld [tilespmem:s15+$0x800]  }
0xb1: {  	s13 =	sand.u32 $0xF, s26  }
0xb2: {  	(v2sf) =	vpush v3, $0x6;
	s13 =	simm.s32 @!p0 $0x10  }
0xb3: {  	v42 =	vbroadcast v2, $0x3;
	s29 =	spop (v2sf);
	v41 =	vmov s13  }
0xb4: {  	s30 =	sand.u32 $0xFFFFFFF0, s29;
	vm15 =	veq.s32 v41, v1  }
0xb5: {  	p0 =	slt.s32 s29, $0x200;
	s14 =	sadd.s32 $0x2800, s30;
	v4 =	vsel vm15, v42, v4  }
0xb6: {  	s14 =	simm.s32 @!p0 $0x2800;
	[tilespmem:s15+$0x800] =	vst v4  }
0xb7: {  	v4 =	vld [tilespmem:s14+$0x800]  }
0xb8: {  	s13 =	sand.u32 $0xF, s29  }
0xb9: {  	(v2sf) =	vpush v3, $0x7;
	s13 =	simm.s32 @!p0 $0x10  }
0xba: {  	v44 =	vbroadcast v2, $0x4;
	s31 =	spop (v2sf);
	v43 =	vmov s13  }
0xbb: {  	s16 =	sand.u32 $0xFFFFFFF0, s31;
	vm4 =	veq.s32 v43, v1  }
0xbc: {  	p0 =	slt.s32 s31, $0x200;
	s15 =	sadd.s32 $0x2A00, s16;
	v4 =	vsel vm4, v44, v4  }
0xbd: {  	s15 =	simm.s32 @!p0 $0x2A00;
	[tilespmem:s14+$0x800] =	vst v4  }
0xbe: {  	v4 =	vld [tilespmem:s15+$0x800]  }
0xbf: {  	s13 =	sand.u32 $0xF, s31  }
0xc0: {  	(v2sf) =	vpush v3, $0x8;
	s13 =	simm.s32 @!p0 $0x10  }
0xc1: {  	v46 =	vbroadcast v2, $0x5;
	v45 =	vmov s13;
	s17 =	spop (v2sf)  }
0xc2: {  	vm5 =	veq.s32 v45, v1;
	s18 =	sand.u32 $0xFFFFFFF0, s17  }
0xc3: {  	p0 =	slt.s32 s17, $0x200;
	s14 =	sadd.s32 $0x2C00, s18;
	v4 =	vsel vm5, v46, v4  }
0xc4: {  	s14 =	simm.s32 @!p0 $0x2C00;
	[tilespmem:s15+$0x800] =	vst v4  }
0xc5: {  	v4 =	vld [tilespmem:s14+$0x800]  }
0xc6: {  	s13 =	sand.u32 $0xF, s17  }
0xc7: {  	(v2sf) =	vpush v3, $0x9;
	s13 =	simm.s32 @!p0 $0x10  }
0xc8: {  	v48 =	vbroadcast v2, $0x6;
	s19 =	spop (v2sf);
	v47 =	vmov s13  }
0xc9: {  	s20 =	sand.u32 $0xFFFFFFF0, s19;
	vm6 =	veq.s32 v47, v1  }
0xca: {  	p0 =	slt.s32 s19, $0x200;
	s15 =	sadd.s32 $0x2E00, s20;
	v4 =	vsel vm6, v48, v4  }
0xcb: {  	s15 =	simm.s32 @!p0 $0x2E00;
	[tilespmem:s14+$0x800] =	vst v4  }
0xcc: {  	v4 =	vld [tilespmem:s15+$0x800]  }
0xcd: {  	s13 =	sand.u32 $0xF, s19  }
0xce: {  	(v2sf) =	vpush v3, $0xA;
	s13 =	simm.s32 @!p0 $0x10  }
0xcf: {  	v50 =	vbroadcast v2, $0x7;
	s21 =	spop (v2sf);
	v49 =	vmov s13  }
0xd0: {  	s22 =	sand.u32 $0xFFFFFFF0, s21;
	vm7 =	veq.s32 v49, v1  }
0xd1: {  	p0 =	slt.s32 s21, $0x200;
	s14 =	sadd.s32 $0x3000, s22;
	v4 =	vsel vm7, v50, v4  }
0xd2: {  	s14 =	simm.s32 @!p0 $0x3000;
	[tilespmem:s15+$0x800] =	vst v4  }
0xd3: {  	v4 =	vld [tilespmem:s14+$0x800]  }
0xd4: {  	s13 =	sand.u32 $0xF, s21  }
0xd5: {  	(v2sf) =	vpush v3, $0xB;
	s13 =	simm.s32 @!p0 $0x10  }
0xd6: {  	v52 =	vbroadcast v2, $0x8;
	s23 =	spop (v2sf);
	v51 =	vmov s13  }
0xd7: {  	s24 =	sand.u32 $0xFFFFFFF0, s23;
	vm8 =	veq.s32 v51, v1  }
0xd8: {  	p0 =	slt.s32 s23, $0x200;
	s15 =	sadd.s32 $0x3200, s24;
	v4 =	vsel vm8, v52, v4  }
0xd9: {  	s15 =	simm.s32 @!p0 $0x3200;
	[tilespmem:s14+$0x800] =	vst v4  }
0xda: {  	v4 =	vld [tilespmem:s15+$0x800]  }
0xdb: {  	s13 =	sand.u32 $0xF, s23  }
0xdc: {  	(v2sf) =	vpush v3, $0xC;
	s13 =	simm.s32 @!p0 $0x10  }
0xdd: {  	v54 =	vbroadcast v2, $0x9;
	s25 =	spop (v2sf);
	v53 =	vmov s13  }
0xde: {  	s26 =	sand.u32 $0xFFFFFFF0, s25;
	vm9 =	veq.s32 v53, v1  }
0xdf: {  	p0 =	slt.s32 s25, $0x200;
	s14 =	sadd.s32 $0x3400, s26;
	v4 =	vsel vm9, v54, v4  }
0xe0: {  	s14 =	simm.s32 @!p0 $0x3400;
	[tilespmem:s15+$0x800] =	vst v4  }
0xe1: {  	v4 =	vld [tilespmem:s14+$0x800]  }
0xe2: {  	s13 =	sand.u32 $0xF, s25  }
0xe3: {  	(v2sf) =	vpush v3, $0xD;
	s13 =	simm.s32 @!p0 $0x10  }
0xe4: {  	v56 =	vbroadcast v2, $0xA;
	s28 =	spop (v2sf);
	v55 =	vmov s13  }
0xe5: {  	s29 =	sand.u32 $0xFFFFFFF0, s28;
	vm10 =	veq.s32 v55, v1  }
0xe6: {  	p0 =	slt.s32 s28, $0x200;
	s15 =	sadd.s32 $0x3600, s29;
	v4 =	vsel vm10, v56, v4  }
0xe7: {  	s15 =	simm.s32 @!p0 $0x3600;
	[tilespmem:s14+$0x800] =	vst v4  }
0xe8: {  	v4 =	vld [tilespmem:s15+$0x800]  }
0xe9: {  	s13 =	sand.u32 $0xF, s28  }
0xea: {  	(v2sf) =	vpush v3, $0xE;
	s13 =	simm.s32 @!p0 $0x10  }
0xeb: {  	v58 =	vbroadcast v2, $0xB;
	s30 =	spop (v2sf);
	v57 =	vmov s13  }
0xec: {  	s31 =	sand.u32 $0xFFFFFFF0, s30;
	vm11 =	veq.s32 v57, v1  }
0xed: {  	p0 =	slt.s32 s30, $0x200;
	s14 =	sadd.s32 $0x3800, s31;
	v4 =	vsel vm11, v58, v4  }
0xee: {  	s14 =	simm.s32 @!p0 $0x3800;
	[tilespmem:s15+$0x800] =	vst v4  }
0xef: {  	v4 =	vld [tilespmem:s14+$0x800]  }
0xf0: {  	s13 =	sand.u32 $0xF, s30  }
0xf1: {  	(v2sf) =	vpush v3, $0xF;
	s13 =	simm.s32 @!p0 $0x10  }
0xf2: {  	v59 =	vbroadcast v2, $0xC;
	s16 =	spop (v2sf);
	v3 =	vmov s13  }
0xf3: {  	s17 =	sand.u32 $0xFFFFFFF0, s16;
	vm12 =	veq.s32 v3, v1  }
0xf4: {  	p0 =	slt.s32 s16, $0x200;
	s15 =	sadd.s32 $0x3A00, s17;
	v3 =	vsel vm12, v59, v4  }
0xf5: {  	s15 =	simm.s32 @!p0 $0x3A00;
	[tilespmem:s14+$0x800] =	vst v3  }
0xf6: {  	v3 =	vld [tilespmem:s15+$0x800]  }
0xf7: {  	s13 =	sand.u32 $0xF, s16  }
0xf8: {  	s13 =	simm.s32 @!p0 $0x10  }
0xf9: {  	v61 =	vbroadcast v2, $0xD;
	s18 =	spop (v2sf);
	v60 =	vmov s13  }
0xfa: {  	s19 =	sand.u32 $0xFFFFFFF0, s18;
	vm13 =	veq.s32 v60, v1  }
0xfb: {  	p0 =	slt.s32 s18, $0x200;
	s14 =	sadd.s32 $0x3C00, s19;
	v3 =	vsel vm13, v61, v3  }
0xfc: {  	s14 =	simm.s32 @!p0 $0x3C00;
	[tilespmem:s15+$0x800] =	vst v3  }
0xfd: {  	v3 =	vld [tilespmem:s14+$0x800]  }
0xfe: {  	s13 =	sand.u32 $0xF, s18  }
0xff: {  	s13 =	simm.s32 @!p0 $0x10  }
0x100: {  	v63 =	vbroadcast v2, $0xE;
	s20 =	spop (v2sf);
	v62 =	vmov s13  }
0x101: {  	s21 =	sand.u32 $0xFFFFFFF0, s20;
	vm14 =	veq.s32 v62, v1  }
0x102: {  	p0 =	slt.s32 s20, $0x200;
	s15 =	sadd.s32 $0x3E00, s21;
	v3 =	vsel vm14, v63, v3  }
0x103: {  	s15 =	simm.s32 @!p0 $0x3E00;
	[tilespmem:s14+$0x800] =	vst v3  }
0x104: {  	v3 =	vld [tilespmem:s15+$0x800]  }
0x105: {  	s13 =	sand.u32 $0xF, s20  }
0x106: {  	s13 =	simm.s32 @!p0 $0x10  }
0x107: {  	v2 =	vbroadcast v2, $0xF;
	v8 =	vmov s13  }
0x108: {  	vm15 =	veq.s32 v8, v1  }
0x109: {  	v2 =	vsel vm15, v2, v3  }
0x10a: {  	[tilespmem:s15+$0x800] =	vst v2  }
0x10b: {  	v3 =	vld [tilespmem:s12+$0x20];
	_ =	sdelay $0x4  }
0x10c: {  	(v2sf) =	vpush v3, $0x0;
	_ =	sdelay $0x6  }
0x10d: {  	(v2sf) =	vpush v3, $0x1;
	_ =	sdelay $0x6  }
0x10e: {  	(v2sf) =	vpush v3, $0x2  }
0x10f: {  	s22 =	spop (v2sf)  }
0x110: {  	s23 =	sand.u32 $0xFFFFFFF0, s22  }
0x111: {  	v2 =	vld [tilespmem:s12+$0x420];
	p0 =	slt.s32 s22, $0x200;
	s14 =	sadd.s32 $0x4000, s23  }
0x112: {  	s14 =	simm.s32 @!p0 $0x4000  }
0x113: {  	v9 =	vld [tilespmem:s14+$0x800]  }
0x114: {  	s13 =	sand.u32 $0xF, s22  }
0x115: {  	(v2sf) =	vpush v3, $0x3;
	s13 =	simm.s32 @!p0 $0x10  }
0x116: {  	v11 =	vbroadcast v2, $0x0;
	s24 =	spop (v2sf);
	v10 =	vmov s13  }
0x117: {  	s25 =	sand.u32 $0xFFFFFFF0, s24;
	vm4 =	veq.s32 v10, v1  }
0x118: {  	p0 =	slt.s32 s24, $0x200;
	s15 =	sadd.s32 $0x4200, s25;
	v4 =	vsel vm4, v11, v9  }
0x119: {  	s15 =	simm.s32 @!p0 $0x4200;
	[tilespmem:s14+$0x800] =	vst v4  }
0x11a: {  	v4 =	vld [tilespmem:s15+$0x800]  }
0x11b: {  	s13 =	sand.u32 $0xF, s24  }
0x11c: {  	(v2sf) =	vpush v3, $0x4;
	s13 =	simm.s32 @!p0 $0x10  }
0x11d: {  	v13 =	vbroadcast v2, $0x1;
	s26 =	spop (v2sf);
	v12 =	vmov s13  }
0x11e: {  	s28 =	sand.u32 $0xFFFFFFF0, s26;
	vm5 =	veq.s32 v12, v1  }
0x11f: {  	p0 =	slt.s32 s26, $0x200;
	s14 =	sadd.s32 $0x4400, s28;
	v4 =	vsel vm5, v13, v4  }
0x120: {  	s14 =	simm.s32 @!p0 $0x4400;
	[tilespmem:s15+$0x800] =	vst v4  }
0x121: {  	v4 =	vld [tilespmem:s14+$0x800]  }
0x122: {  	s13 =	sand.u32 $0xF, s26  }
0x123: {  	(v2sf) =	vpush v3, $0x5;
	s13 =	simm.s32 @!p0 $0x10  }
0x124: {  	v15 =	vbroadcast v2, $0x2;
	v14 =	vmov s13;
	s29 =	spop (v2sf)  }
0x125: {  	vm6 =	veq.s32 v14, v1;
	s30 =	sand.u32 $0xFFFFFFF0, s29  }
0x126: {  	p0 =	slt.s32 s29, $0x200;
	s15 =	sadd.s32 $0x4600, s30;
	v4 =	vsel vm6, v15, v4  }
0x127: {  	s15 =	simm.s32 @!p0 $0x4600;
	[tilespmem:s14+$0x800] =	vst v4  }
0x128: {  	v4 =	vld [tilespmem:s15+$0x800]  }
0x129: {  	s13 =	sand.u32 $0xF, s29  }
0x12a: {  	(v2sf) =	vpush v3, $0x6;
	s13 =	simm.s32 @!p0 $0x10  }
0x12b: {  	v17 =	vbroadcast v2, $0x3;
	s31 =	spop (v2sf);
	v16 =	vmov s13  }
0x12c: {  	s16 =	sand.u32 $0xFFFFFFF0, s31;
	vm7 =	veq.s32 v16, v1  }
0x12d: {  	p0 =	slt.s32 s31, $0x200;
	s14 =	sadd.s32 $0x4800, s16;
	v4 =	vsel vm7, v17, v4  }
0x12e: {  	s14 =	simm.s32 @!p0 $0x4800;
	[tilespmem:s15+$0x800] =	vst v4  }
0x12f: {  	v4 =	vld [tilespmem:s14+$0x800]  }
0x130: {  	s13 =	sand.u32 $0xF, s31  }
0x131: {  	(v2sf) =	vpush v3, $0x7;
	s13 =	simm.s32 @!p0 $0x10  }
0x132: {  	v19 =	vbroadcast v2, $0x4;
	s17 =	spop (v2sf);
	v18 =	vmov s13  }
0x133: {  	s18 =	sand.u32 $0xFFFFFFF0, s17;
	vm8 =	veq.s32 v18, v1  }
0x134: {  	p0 =	slt.s32 s17, $0x200;
	s15 =	sadd.s32 $0x4A00, s18;
	v4 =	vsel vm8, v19, v4  }
0x135: {  	s15 =	simm.s32 @!p0 $0x4A00;
	[tilespmem:s14+$0x800] =	vst v4  }
0x136: {  	v4 =	vld [tilespmem:s15+$0x800]  }
0x137: {  	s13 =	sand.u32 $0xF, s17  }
0x138: {  	(v2sf) =	vpush v3, $0x8;
	s13 =	simm.s32 @!p0 $0x10  }
0x139: {  	v21 =	vbroadcast v2, $0x5;
	v20 =	vmov s13;
	s19 =	spop (v2sf)  }
0x13a: {  	vm9 =	veq.s32 v20, v1;
	s20 =	sand.u32 $0xFFFFFFF0, s19  }
0x13b: {  	p0 =	slt.s32 s19, $0x200;
	s14 =	sadd.s32 $0x4C00, s20;
	v4 =	vsel vm9, v21, v4  }
0x13c: {  	s14 =	simm.s32 @!p0 $0x4C00;
	[tilespmem:s15+$0x800] =	vst v4  }
0x13d: {  	v4 =	vld [tilespmem:s14+$0x800]  }
0x13e: {  	s13 =	sand.u32 $0xF, s19  }
0x13f: {  	(v2sf) =	vpush v3, $0x9;
	s13 =	simm.s32 @!p0 $0x10  }
0x140: {  	v23 =	vbroadcast v2, $0x6;
	s21 =	spop (v2sf);
	v22 =	vmov s13  }
0x141: {  	s22 =	sand.u32 $0xFFFFFFF0, s21;
	vm10 =	veq.s32 v22, v1  }
0x142: {  	p0 =	slt.s32 s21, $0x200;
	s15 =	sadd.s32 $0x4E00, s22;
	v4 =	vsel vm10, v23, v4  }
0x143: {  	s15 =	simm.s32 @!p0 $0x4E00;
	[tilespmem:s14+$0x800] =	vst v4  }
0x144: {  	v4 =	vld [tilespmem:s15+$0x800]  }
0x145: {  	s13 =	sand.u32 $0xF, s21  }
0x146: {  	(v2sf) =	vpush v3, $0xA;
	s13 =	simm.s32 @!p0 $0x10  }
0x147: {  	v25 =	vbroadcast v2, $0x7;
	s23 =	spop (v2sf);
	v24 =	vmov s13  }
0x148: {  	s24 =	sand.u32 $0xFFFFFFF0, s23;
	vm11 =	veq.s32 v24, v1  }
0x149: {  	p0 =	slt.s32 s23, $0x200;
	s14 =	sadd.s32 $0x5000, s24;
	v4 =	vsel vm11, v25, v4  }
0x14a: {  	s14 =	simm.s32 @!p0 $0x5000;
	[tilespmem:s15+$0x800] =	vst v4  }
0x14b: {  	v4 =	vld [tilespmem:s14+$0x800]  }
0x14c: {  	s13 =	sand.u32 $0xF, s23  }
0x14d: {  	(v2sf) =	vpush v3, $0xB;
	s13 =	simm.s32 @!p0 $0x10  }
0x14e: {  	v27 =	vbroadcast v2, $0x8;
	s25 =	spop (v2sf);
	v26 =	vmov s13  }
0x14f: {  	s26 =	sand.u32 $0xFFFFFFF0, s25;
	vm12 =	veq.s32 v26, v1  }
0x150: {  	p0 =	slt.s32 s25, $0x200;
	s15 =	sadd.s32 $0x5200, s26;
	v4 =	vsel vm12, v27, v4  }
0x151: {  	s15 =	simm.s32 @!p0 $0x5200;
	[tilespmem:s14+$0x800] =	vst v4  }
0x152: {  	v4 =	vld [tilespmem:s15+$0x800]  }
0x153: {  	s13 =	sand.u32 $0xF, s25  }
0x154: {  	(v2sf) =	vpush v3, $0xC;
	s13 =	simm.s32 @!p0 $0x10  }
0x155: {  	v29 =	vbroadcast v2, $0x9;
	s28 =	spop (v2sf);
	v28 =	vmov s13  }
0x156: {  	s29 =	sand.u32 $0xFFFFFFF0, s28;
	vm13 =	veq.s32 v28, v1  }
0x157: {  	p0 =	slt.s32 s28, $0x200;
	s14 =	sadd.s32 $0x5400, s29;
	v4 =	vsel vm13, v29, v4  }
0x158: {  	s14 =	simm.s32 @!p0 $0x5400;
	[tilespmem:s15+$0x800] =	vst v4  }
0x159: {  	v4 =	vld [tilespmem:s14+$0x800]  }
0x15a: {  	s13 =	sand.u32 $0xF, s28  }
0x15b: {  	(v2sf) =	vpush v3, $0xD;
	s13 =	simm.s32 @!p0 $0x10  }
0x15c: {  	v31 =	vbroadcast v2, $0xA;
	s30 =	spop (v2sf);
	v30 =	vmov s13  }
0x15d: {  	s31 =	sand.u32 $0xFFFFFFF0, s30;
	vm14 =	veq.s32 v30, v1  }
0x15e: {  	p0 =	slt.s32 s30, $0x200;
	s15 =	sadd.s32 $0x5600, s31;
	v4 =	vsel vm14, v31, v4  }
0x15f: {  	s15 =	simm.s32 @!p0 $0x5600;
	[tilespmem:s14+$0x800] =	vst v4  }
0x160: {  	v4 =	vld [tilespmem:s15+$0x800]  }
0x161: {  	s13 =	sand.u32 $0xF, s30  }
0x162: {  	(v2sf) =	vpush v3, $0xE;
	s13 =	simm.s32 @!p0 $0x10  }
0x163: {  	v33 =	vbroadcast v2, $0xB;
	s16 =	spop (v2sf);
	v32 =	vmov s13  }
0x164: {  	s17 =	sand.u32 $0xFFFFFFF0, s16;
	vm15 =	veq.s32 v32, v1  }
0x165: {  	p0 =	slt.s32 s16, $0x200;
	s14 =	sadd.s32 $0x5800, s17;
	v4 =	vsel vm15, v33, v4  }
0x166: {  	s14 =	simm.s32 @!p0 $0x5800;
	[tilespmem:s15+$0x800] =	vst v4  }
0x167: {  	v4 =	vld [tilespmem:s14+$0x800]  }
0x168: {  	s13 =	sand.u32 $0xF, s16  }
0x169: {  	(v2sf) =	vpush v3, $0xF;
	s13 =	simm.s32 @!p0 $0x10  }
0x16a: {  	v34 =	vbroadcast v2, $0xC;
	s18 =	spop (v2sf);
	v3 =	vmov s13  }
0x16b: {  	s19 =	sand.u32 $0xFFFFFFF0, s18;
	vm4 =	veq.s32 v3, v1  }
0x16c: {  	p0 =	slt.s32 s18, $0x200;
	s15 =	sadd.s32 $0x5A00, s19;
	v3 =	vsel vm4, v34, v4  }
0x16d: {  	s15 =	simm.s32 @!p0 $0x5A00;
	[tilespmem:s14+$0x800] =	vst v3  }
0x16e: {  	v3 =	vld [tilespmem:s15+$0x800]  }
0x16f: {  	s13 =	sand.u32 $0xF, s18  }
0x170: {  	s13 =	simm.s32 @!p0 $0x10  }
0x171: {  	v36 =	vbroadcast v2, $0xD;
	s20 =	spop (v2sf);
	v35 =	vmov s13  }
0x172: {  	s21 =	sand.u32 $0xFFFFFFF0, s20;
	vm5 =	veq.s32 v35, v1  }
0x173: {  	p0 =	slt.s32 s20, $0x200;
	s14 =	sadd.s32 $0x5C00, s21;
	v3 =	vsel vm5, v36, v3  }
0x174: {  	s14 =	simm.s32 @!p0 $0x5C00;
	[tilespmem:s15+$0x800] =	vst v3  }
0x175: {  	v3 =	vld [tilespmem:s14+$0x800]  }
0x176: {  	s13 =	sand.u32 $0xF, s20  }
0x177: {  	s13 =	simm.s32 @!p0 $0x10  }
0x178: {  	v38 =	vbroadcast v2, $0xE;
	s22 =	spop (v2sf);
	v37 =	vmov s13  }
0x179: {  	s23 =	sand.u32 $0xFFFFFFF0, s22;
	vm6 =	veq.s32 v37, v1  }
0x17a: {  	p0 =	slt.s32 s22, $0x200;
	s15 =	sadd.s32 $0x5E00, s23;
	v3 =	vsel vm6, v38, v3  }
0x17b: {  	s15 =	simm.s32 @!p0 $0x5E00;
	[tilespmem:s14+$0x800] =	vst v3  }
0x17c: {  	v3 =	vld [tilespmem:s15+$0x800]  }
0x17d: {  	s13 =	sand.u32 $0xF, s22  }
0x17e: {  	s13 =	simm.s32 @!p0 $0x10  }
0x17f: {  	v2 =	vbroadcast v2, $0xF;
	v39 =	vmov s13  }
0x180: {  	vm7 =	veq.s32 v39, v1  }
0x181: {  	v2 =	vsel vm7, v2, v3  }
0x182: {  	[tilespmem:s15+$0x800] =	vst v2  }
0x183: {  	v3 =	vld [tilespmem:s12+$0x30];
	_ =	sdelay $0x4  }
0x184: {  	(v2sf) =	vpush v3, $0x0;
	_ =	sdelay $0x6  }
0x185: {  	(v2sf) =	vpush v3, $0x1;
	_ =	sdelay $0x6  }
0x186: {  	(v2sf) =	vpush v3, $0x2  }
0x187: {  	s24 =	spop (v2sf)  }
0x188: {  	s25 =	sand.u32 $0xFFFFFFF0, s24  }
0x189: {  	v2 =	vld [tilespmem:s12+$0x430];
	p0 =	slt.s32 s24, $0x200;
	s14 =	sadd.s32 $0x6000, s25  }
0x18a: {  	s14 =	simm.s32 @!p0 $0x6000  }
0x18b: {  	v40 =	vld [tilespmem:s14+$0x800]  }
0x18c: {  	s13 =	sand.u32 $0xF, s24  }
0x18d: {  	(v2sf) =	vpush v3, $0x3;
	s13 =	simm.s32 @!p0 $0x10  }
0x18e: {  	v42 =	vbroadcast v2, $0x0;
	s26 =	spop (v2sf);
	v41 =	vmov s13  }
0x18f: {  	s28 =	sand.u32 $0xFFFFFFF0, s26;
	vm8 =	veq.s32 v41, v1  }
0x190: {  	p0 =	slt.s32 s26, $0x200;
	s15 =	sadd.s32 $0x6200, s28;
	v4 =	vsel vm8, v42, v40  }
0x191: {  	s15 =	simm.s32 @!p0 $0x6200;
	[tilespmem:s14+$0x800] =	vst v4  }
0x192: {  	v4 =	vld [tilespmem:s15+$0x800]  }
0x193: {  	s13 =	sand.u32 $0xF, s26  }
0x194: {  	(v2sf) =	vpush v3, $0x4;
	s13 =	simm.s32 @!p0 $0x10  }
0x195: {  	v44 =	vbroadcast v2, $0x1;
	s29 =	spop (v2sf);
	v43 =	vmov s13  }
0x196: {  	s30 =	sand.u32 $0xFFFFFFF0, s29;
	vm9 =	veq.s32 v43, v1  }
0x197: {  	p0 =	slt.s32 s29, $0x200;
	s14 =	sadd.s32 $0x6400, s30;
	v4 =	vsel vm9, v44, v4  }
0x198: {  	s14 =	simm.s32 @!p0 $0x6400;
	[tilespmem:s15+$0x800] =	vst v4  }
0x199: {  	v4 =	vld [tilespmem:s14+$0x800]  }
0x19a: {  	s13 =	sand.u32 $0xF, s29  }
0x19b: {  	(v2sf) =	vpush v3, $0x5;
	s13 =	simm.s32 @!p0 $0x10  }
0x19c: {  	v46 =	vbroadcast v2, $0x2;
	v45 =	vmov s13;
	s31 =	spop (v2sf)  }
0x19d: {  	vm10 =	veq.s32 v45, v1;
	s16 =	sand.u32 $0xFFFFFFF0, s31  }
0x19e: {  	p0 =	slt.s32 s31, $0x200;
	s15 =	sadd.s32 $0x6600, s16;
	v4 =	vsel vm10, v46, v4  }
0x19f: {  	s15 =	simm.s32 @!p0 $0x6600;
	[tilespmem:s14+$0x800] =	vst v4  }
0x1a0: {  	v4 =	vld [tilespmem:s15+$0x800]  }
0x1a1: {  	s13 =	sand.u32 $0xF, s31  }
0x1a2: {  	(v2sf) =	vpush v3, $0x6;
	s13 =	simm.s32 @!p0 $0x10  }
0x1a3: {  	v48 =	vbroadcast v2, $0x3;
	s17 =	spop (v2sf);
	v47 =	vmov s13  }
0x1a4: {  	s18 =	sand.u32 $0xFFFFFFF0, s17;
	vm11 =	veq.s32 v47, v1  }
0x1a5: {  	p0 =	slt.s32 s17, $0x200;
	s14 =	sadd.s32 $0x6800, s18;
	v4 =	vsel vm11, v48, v4  }
0x1a6: {  	s14 =	simm.s32 @!p0 $0x6800;
	[tilespmem:s15+$0x800] =	vst v4  }
0x1a7: {  	v4 =	vld [tilespmem:s14+$0x800]  }
0x1a8: {  	s13 =	sand.u32 $0xF, s17  }
0x1a9: {  	(v2sf) =	vpush v3, $0x7;
	s13 =	simm.s32 @!p0 $0x10  }
0x1aa: {  	v50 =	vbroadcast v2, $0x4;
	s19 =	spop (v2sf);
	v49 =	vmov s13  }
0x1ab: {  	s20 =	sand.u32 $0xFFFFFFF0, s19;
	vm12 =	veq.s32 v49, v1  }
0x1ac: {  	p0 =	slt.s32 s19, $0x200;
	s15 =	sadd.s32 $0x6A00, s20;
	v4 =	vsel vm12, v50, v4  }
0x1ad: {  	s15 =	simm.s32 @!p0 $0x6A00;
	[tilespmem:s14+$0x800] =	vst v4  }
0x1ae: {  	v4 =	vld [tilespmem:s15+$0x800]  }
0x1af: {  	s13 =	sand.u32 $0xF, s19  }
0x1b0: {  	(v2sf) =	vpush v3, $0x8;
	s13 =	simm.s32 @!p0 $0x10  }
0x1b1: {  	v52 =	vbroadcast v2, $0x5;
	v51 =	vmov s13;
	s21 =	spop (v2sf)  }
0x1b2: {  	vm13 =	veq.s32 v51, v1;
	s22 =	sand.u32 $0xFFFFFFF0, s21  }
0x1b3: {  	p0 =	slt.s32 s21, $0x200;
	s14 =	sadd.s32 $0x6C00, s22;
	v4 =	vsel vm13, v52, v4  }
0x1b4: {  	s14 =	simm.s32 @!p0 $0x6C00;
	[tilespmem:s15+$0x800] =	vst v4  }
0x1b5: {  	v4 =	vld [tilespmem:s14+$0x800]  }
0x1b6: {  	s13 =	sand.u32 $0xF, s21  }
0x1b7: {  	(v2sf) =	vpush v3, $0x9;
	s13 =	simm.s32 @!p0 $0x10  }
0x1b8: {  	v54 =	vbroadcast v2, $0x6;
	s23 =	spop (v2sf);
	v53 =	vmov s13  }
0x1b9: {  	s24 =	sand.u32 $0xFFFFFFF0, s23;
	vm14 =	veq.s32 v53, v1  }
0x1ba: {  	p0 =	slt.s32 s23, $0x200;
	s15 =	sadd.s32 $0x6E00, s24;
	v4 =	vsel vm14, v54, v4  }
0x1bb: {  	s15 =	simm.s32 @!p0 $0x6E00;
	[tilespmem:s14+$0x800] =	vst v4  }
0x1bc: {  	v4 =	vld [tilespmem:s15+$0x800]  }
0x1bd: {  	s13 =	sand.u32 $0xF, s23  }
0x1be: {  	(v2sf) =	vpush v3, $0xA;
	s13 =	simm.s32 @!p0 $0x10  }
0x1bf: {  	v56 =	vbroadcast v2, $0x7;
	s25 =	spop (v2sf);
	v55 =	vmov s13  }
0x1c0: {  	s26 =	sand.u32 $0xFFFFFFF0, s25;
	vm15 =	veq.s32 v55, v1  }
0x1c1: {  	p0 =	slt.s32 s25, $0x200;
	s14 =	sadd.s32 $0x7000, s26;
	v4 =	vsel vm15, v56, v4  }
0x1c2: {  	s14 =	simm.s32 @!p0 $0x7000;
	[tilespmem:s15+$0x800] =	vst v4  }
0x1c3: {  	v4 =	vld [tilespmem:s14+$0x800]  }
0x1c4: {  	s13 =	sand.u32 $0xF, s25  }
0x1c5: {  	(v2sf) =	vpush v3, $0xB;
	s13 =	simm.s32 @!p0 $0x10  }
0x1c6: {  	v58 =	vbroadcast v2, $0x8;
	s28 =	spop (v2sf);
	v57 =	vmov s13  }
0x1c7: {  	s29 =	sand.u32 $0xFFFFFFF0, s28;
	vm4 =	veq.s32 v57, v1  }
0x1c8: {  	p0 =	slt.s32 s28, $0x200;
	s15 =	sadd.s32 $0x7200, s29;
	v4 =	vsel vm4, v58, v4  }
0x1c9: {  	s15 =	simm.s32 @!p0 $0x7200;
	[tilespmem:s14+$0x800] =	vst v4  }
0x1ca: {  	v4 =	vld [tilespmem:s15+$0x800]  }
0x1cb: {  	s13 =	sand.u32 $0xF, s28  }
0x1cc: {  	(v2sf) =	vpush v3, $0xC;
	s13 =	simm.s32 @!p0 $0x10  }
0x1cd: {  	v60 =	vbroadcast v2, $0x9;
	s30 =	spop (v2sf);
	v59 =	vmov s13  }
0x1ce: {  	s31 =	sand.u32 $0xFFFFFFF0, s30;
	vm5 =	veq.s32 v59, v1  }
0x1cf: {  	p0 =	slt.s32 s30, $0x200;
	s14 =	sadd.s32 $0x7400, s31;
	v4 =	vsel vm5, v60, v4  }
0x1d0: {  	s14 =	simm.s32 @!p0 $0x7400;
	[tilespmem:s15+$0x800] =	vst v4  }
0x1d1: {  	v4 =	vld [tilespmem:s14+$0x800]  }
0x1d2: {  	s13 =	sand.u32 $0xF, s30  }
0x1d3: {  	(v2sf) =	vpush v3, $0xD;
	s13 =	simm.s32 @!p0 $0x10  }
0x1d4: {  	v62 =	vbroadcast v2, $0xA;
	s16 =	spop (v2sf);
	v61 =	vmov s13  }
0x1d5: {  	s17 =	sand.u32 $0xFFFFFFF0, s16;
	vm6 =	veq.s32 v61, v1  }
0x1d6: {  	p0 =	slt.s32 s16, $0x200;
	s15 =	sadd.s32 $0x7600, s17;
	v4 =	vsel vm6, v62, v4  }
0x1d7: {  	s15 =	simm.s32 @!p0 $0x7600;
	[tilespmem:s14+$0x800] =	vst v4  }
0x1d8: {  	v4 =	vld [tilespmem:s15+$0x800]  }
0x1d9: {  	s13 =	sand.u32 $0xF, s16  }
0x1da: {  	(v2sf) =	vpush v3, $0xE;
	s13 =	simm.s32 @!p0 $0x10  }
0x1db: {  	v9 =	vbroadcast v2, $0xB;
	s18 =	spop (v2sf);
	v63 =	vmov s13  }
0x1dc: {  	s19 =	sand.u32 $0xFFFFFFF0, s18;
	vm7 =	veq.s32 v63, v1  }
0x1dd: {  	p0 =	slt.s32 s18, $0x200;
	s14 =	sadd.s32 $0x7800, s19;
	v4 =	vsel vm7, v9, v4  }
0x1de: {  	s14 =	simm.s32 @!p0 $0x7800;
	[tilespmem:s15+$0x800] =	vst v4  }
0x1df: {  	v4 =	vld [tilespmem:s14+$0x800]  }
0x1e0: {  	s13 =	sand.u32 $0xF, s18  }
0x1e1: {  	(v2sf) =	vpush v3, $0xF;
	s13 =	simm.s32 @!p0 $0x10  }
0x1e2: {  	v10 =	vbroadcast v2, $0xC;
	s20 =	spop (v2sf);
	v3 =	vmov s13  }
0x1e3: {  	s21 =	sand.u32 $0xFFFFFFF0, s20;
	vm8 =	veq.s32 v3, v1  }
0x1e4: {  	p0 =	slt.s32 s20, $0x200;
	s15 =	sadd.s32 $0x7A00, s21;
	v3 =	vsel vm8, v10, v4  }
0x1e5: {  	s15 =	simm.s32 @!p0 $0x7A00;
	[tilespmem:s14+$0x800] =	vst v3  }
0x1e6: {  	v3 =	vld [tilespmem:s15+$0x800]  }
0x1e7: {  	s13 =	sand.u32 $0xF, s20  }
0x1e8: {  	s13 =	simm.s32 @!p0 $0x10  }
0x1e9: {  	v12 =	vbroadcast v2, $0xD;
	s22 =	spop (v2sf);
	v11 =	vmov s13  }
0x1ea: {  	s23 =	sand.u32 $0xFFFFFFF0, s22;
	vm9 =	veq.s32 v11, v1  }
0x1eb: {  	p0 =	slt.s32 s22, $0x200;
	s14 =	sadd.s32 $0x7C00, s23;
	v3 =	vsel vm9, v12, v3  }
0x1ec: {  	s14 =	simm.s32 @!p0 $0x7C00;
	[tilespmem:s15+$0x800] =	vst v3  }
0x1ed: {  	v3 =	vld [tilespmem:s14+$0x800]  }
0x1ee: {  	s13 =	sand.u32 $0xF, s22  }
0x1ef: {  	s13 =	simm.s32 @!p0 $0x10  }
0x1f0: {  	v14 =	vbroadcast v2, $0xE;
	s24 =	spop (v2sf);
	v13 =	vmov s13  }
0x1f1: {  	s25 =	sand.u32 $0xFFFFFFF0, s24;
	vm10 =	veq.s32 v13, v1  }
0x1f2: {  	p0 =	slt.s32 s24, $0x200;
	s15 =	sadd.s32 $0x7E00, s25;
	v3 =	vsel vm10, v14, v3  }
0x1f3: {  	s15 =	simm.s32 @!p0 $0x7E00;
	[tilespmem:s14+$0x800] =	vst v3  }
0x1f4: {  	v3 =	vld [tilespmem:s15+$0x800]  }
0x1f5: {  	s13 =	sand.u32 $0xF, s24  }
0x1f6: {  	s13 =	simm.s32 @!p0 $0x10  }
0x1f7: {  	v2 =	vbroadcast v2, $0xF;
	v15 =	vmov s13  }
0x1f8: {  	vm11 =	veq.s32 v15, v1  }
0x1f9: {  	v2 =	vsel vm11, v2, v3  }
0x1fa: {  	s26 =	rddreg [dreg:$0x3];
	[tilespmem:s15+$0x800] =	vst v2  }
0x1fb: {  	[hbm4b:s11+s2] =	stream.linear.scatter [tilespmem:s26], [sflag:$0x1], $0x8000, $0x38;
	[tilespmem:$0x8800] =	vst v63  }
0x1fc: {  	_ =	swait.ge [sflag:s7], $0x8000  }
0x1fd: {  	[sflag:s7] =	ssyncset.done $0x0  }
0x1fe: {  	[sflag:s7] =	ssyncadd.s32 $0xFFFF8000  }
0x1ff: {  	v2 =	vld [tilespmem:s12+$0x0];
	_ =	sdelay $0x4  }
0x200: {  	(v2sf) =	vpush v2, $0x0;
	_ =	sdelay $0x5  }
0x201: {  	(v2sf) =	vpush v2, $0x1;
	_ =	sdelay $0x6  }
0x202: {  	(v2sf) =	vpush v2, $0x2;
	_ =	sdelay $0x1  }
0x203: {  	s28 =	spop (v2sf)  }
0x204: {  	p0 =	slt.s32 s28, $0x200;
	s14 =	sand.u32 $0xFFFFFFF0, s28  }
0x205: {  	s14 =	simm.s32 @!p0 $0x0  }
0x206: {  	v3 =	vld [tilespmem:s14+$0x800]  }
0x207: {  	s13 =	sand.u32 $0xF, s28  }
0x208: {  	(v2sf) =	vpush v2, $0x3;
	s13 =	simm.s32 @!p0 $0x10  }
0x209: {  	s29 =	spop (v2sf);
	v16 =	vmov s13  }
0x20a: {  	s30 =	sand.u32 $0xFFFFFFF0, s29;
	vm12 =	veq.s32 v16, v1  }
0x20b: {  	p0 =	slt.s32 s29, $0x200;
	s15 =	sadd.s32 $0x200, s30;
	v3 =	vsel vm12, $0x0, v3  }
0x20c: {  	s15 =	simm.s32 @!p0 $0x200;
	[tilespmem:s14+$0x800] =	vst v3  }
0x20d: {  	v3 =	vld [tilespmem:s15+$0x800]  }
0x20e: {  	s13 =	sand.u32 $0xF, s29  }
0x20f: {  	(v2sf) =	vpush v2, $0x4;
	s13 =	simm.s32 @!p0 $0x10  }
0x210: {  	s31 =	spop (v2sf);
	v17 =	vmov s13  }
0x211: {  	s16 =	sand.u32 $0xFFFFFFF0, s31;
	vm13 =	veq.s32 v17, v1  }
0x212: {  	p0 =	slt.s32 s31, $0x200;
	s14 =	sadd.s32 $0x400, s16;
	v3 =	vsel vm13, $0x0, v3  }
0x213: {  	s14 =	simm.s32 @!p0 $0x400;
	[tilespmem:s15+$0x800] =	vst v3  }
0x214: {  	v3 =	vld [tilespmem:s14+$0x800]  }
0x215: {  	s13 =	sand.u32 $0xF, s31  }
0x216: {  	(v2sf) =	vpush v2, $0x5;
	s13 =	simm.s32 @!p0 $0x10  }
0x217: {  	v18 =	vmov s13;
	s17 =	spop (v2sf)  }
0x218: {  	vm14 =	veq.s32 v18, v1;
	s18 =	sand.u32 $0xFFFFFFF0, s17  }
0x219: {  	p0 =	slt.s32 s17, $0x200;
	s15 =	sadd.s32 $0x600, s18;
	v3 =	vsel vm14, $0x0, v3  }
0x21a: {  	s15 =	simm.s32 @!p0 $0x600;
	[tilespmem:s14+$0x800] =	vst v3  }
0x21b: {  	v3 =	vld [tilespmem:s15+$0x800]  }
0x21c: {  	s13 =	sand.u32 $0xF, s17  }
0x21d: {  	(v2sf) =	vpush v2, $0x6;
	s13 =	simm.s32 @!p0 $0x10  }
0x21e: {  	s19 =	spop (v2sf);
	v19 =	vmov s13  }
0x21f: {  	s20 =	sand.u32 $0xFFFFFFF0, s19;
	vm15 =	veq.s32 v19, v1  }
0x220: {  	p0 =	slt.s32 s19, $0x200;
	s14 =	sadd.s32 $0x800, s20;
	v3 =	vsel vm15, $0x0, v3  }
0x221: {  	s14 =	simm.s32 @!p0 $0x800;
	[tilespmem:s15+$0x800] =	vst v3  }
0x222: {  	v3 =	vld [tilespmem:s14+$0x800]  }
0x223: {  	s13 =	sand.u32 $0xF, s19  }
0x224: {  	(v2sf) =	vpush v2, $0x7;
	s13 =	simm.s32 @!p0 $0x10  }
0x225: {  	s21 =	spop (v2sf);
	v20 =	vmov s13  }
0x226: {  	s22 =	sand.u32 $0xFFFFFFF0, s21;
	vm4 =	veq.s32 v20, v1  }
0x227: {  	p0 =	slt.s32 s21, $0x200;
	s15 =	sadd.s32 $0xA00, s22;
	v3 =	vsel vm4, $0x0, v3  }
0x228: {  	s15 =	simm.s32 @!p0 $0xA00;
	[tilespmem:s14+$0x800] =	vst v3  }
0x229: {  	v3 =	vld [tilespmem:s15+$0x800]  }
0x22a: {  	s13 =	sand.u32 $0xF, s21  }
0x22b: {  	(v2sf) =	vpush v2, $0x8;
	s13 =	simm.s32 @!p0 $0x10  }
0x22c: {  	v21 =	vmov s13;
	s23 =	spop (v2sf)  }
0x22d: {  	vm5 =	veq.s32 v21, v1;
	s24 =	sand.u32 $0xFFFFFFF0, s23  }
0x22e: {  	p0 =	slt.s32 s23, $0x200;
	s14 =	sadd.s32 $0xC00, s24;
	v3 =	vsel vm5, $0x0, v3  }
0x22f: {  	s14 =	simm.s32 @!p0 $0xC00;
	[tilespmem:s15+$0x800] =	vst v3  }
0x230: {  	v3 =	vld [tilespmem:s14+$0x800]  }
0x231: {  	s13 =	sand.u32 $0xF, s23  }
0x232: {  	(v2sf) =	vpush v2, $0x9;
	s13 =	simm.s32 @!p0 $0x10  }
0x233: {  	s25 =	spop (v2sf);
	v22 =	vmov s13  }
0x234: {  	s26 =	sand.u32 $0xFFFFFFF0, s25;
	vm6 =	veq.s32 v22, v1  }
0x235: {  	p0 =	slt.s32 s25, $0x200;
	s15 =	sadd.s32 $0xE00, s26;
	v3 =	vsel vm6, $0x0, v3  }
0x236: {  	s15 =	simm.s32 @!p0 $0xE00;
	[tilespmem:s14+$0x800] =	vst v3  }
0x237: {  	v3 =	vld [tilespmem:s15+$0x800]  }
0x238: {  	s13 =	sand.u32 $0xF, s25  }
0x239: {  	(v2sf) =	vpush v2, $0xA;
	s13 =	simm.s32 @!p0 $0x10  }
0x23a: {  	s28 =	spop (v2sf);
	v23 =	vmov s13  }
0x23b: {  	s29 =	sand.u32 $0xFFFFFFF0, s28;
	vm7 =	veq.s32 v23, v1  }
0x23c: {  	p0 =	slt.s32 s28, $0x200;
	s14 =	sadd.s32 $0x1000, s29;
	v3 =	vsel vm7, $0x0, v3  }
0x23d: {  	s14 =	simm.s32 @!p0 $0x1000;
	[tilespmem:s15+$0x800] =	vst v3  }
0x23e: {  	v3 =	vld [tilespmem:s14+$0x800]  }
0x23f: {  	s13 =	sand.u32 $0xF, s28  }
0x240: {  	(v2sf) =	vpush v2, $0xB;
	s13 =	simm.s32 @!p0 $0x10  }
0x241: {  	s30 =	spop (v2sf);
	v24 =	vmov s13  }
0x242: {  	s31 =	sand.u32 $0xFFFFFFF0, s30;
	vm8 =	veq.s32 v24, v1  }
0x243: {  	p0 =	slt.s32 s30, $0x200;
	s15 =	sadd.s32 $0x1200, s31;
	v3 =	vsel vm8, $0x0, v3  }
0x244: {  	s15 =	simm.s32 @!p0 $0x1200;
	[tilespmem:s14+$0x800] =	vst v3  }
0x245: {  	v3 =	vld [tilespmem:s15+$0x800]  }
0x246: {  	s13 =	sand.u32 $0xF, s30  }
0x247: {  	(v2sf) =	vpush v2, $0xC;
	s13 =	simm.s32 @!p0 $0x10  }
0x248: {  	s16 =	spop (v2sf);
	v25 =	vmov s13  }
0x249: {  	s17 =	sand.u32 $0xFFFFFFF0, s16;
	vm9 =	veq.s32 v25, v1  }
0x24a: {  	p0 =	slt.s32 s16, $0x200;
	s14 =	sadd.s32 $0x1400, s17;
	v3 =	vsel vm9, $0x0, v3  }
0x24b: {  	s14 =	simm.s32 @!p0 $0x1400;
	[tilespmem:s15+$0x800] =	vst v3  }
0x24c: {  	v3 =	vld [tilespmem:s14+$0x800]  }
0x24d: {  	s13 =	sand.u32 $0xF, s16  }
0x24e: {  	(v2sf) =	vpush v2, $0xD;
	s13 =	simm.s32 @!p0 $0x10  }
0x24f: {  	s18 =	spop (v2sf);
	v26 =	vmov s13  }
0x250: {  	s19 =	sand.u32 $0xFFFFFFF0, s18;
	vm10 =	veq.s32 v26, v1  }
0x251: {  	p0 =	slt.s32 s18, $0x200;
	s15 =	sadd.s32 $0x1600, s19;
	v3 =	vsel vm10, $0x0, v3  }
0x252: {  	s15 =	simm.s32 @!p0 $0x1600;
	[tilespmem:s14+$0x800] =	vst v3  }
0x253: {  	v3 =	vld [tilespmem:s15+$0x800]  }
0x254: {  	s13 =	sand.u32 $0xF, s18  }
0x255: {  	(v2sf) =	vpush v2, $0xE;
	s13 =	simm.s32 @!p0 $0x10  }
0x256: {  	s20 =	spop (v2sf);
	v27 =	vmov s13  }
0x257: {  	s21 =	sand.u32 $0xFFFFFFF0, s20;
	vm11 =	veq.s32 v27, v1  }
0x258: {  	p0 =	slt.s32 s20, $0x200;
	s14 =	sadd.s32 $0x1800, s21;
	v3 =	vsel vm11, $0x0, v3  }
0x259: {  	s14 =	simm.s32 @!p0 $0x1800;
	[tilespmem:s15+$0x800] =	vst v3  }
0x25a: {  	v3 =	vld [tilespmem:s14+$0x800]  }
0x25b: {  	s13 =	sand.u32 $0xF, s20  }
0x25c: {  	(v2sf) =	vpush v2, $0xF;
	s13 =	simm.s32 @!p0 $0x10  }
0x25d: {  	s22 =	spop (v2sf);
	v2 =	vmov s13  }
0x25e: {  	s23 =	sand.u32 $0xFFFFFFF0, s22;
	vm12 =	veq.s32 v2, v1  }
0x25f: {  	p0 =	slt.s32 s22, $0x200;
	s15 =	sadd.s32 $0x1A00, s23;
	v2 =	vsel vm12, $0x0, v3  }
0x260: {  	s15 =	simm.s32 @!p0 $0x1A00;
	[tilespmem:s14+$0x800] =	vst v2  }
0x261: {  	v2 =	vld [tilespmem:s15+$0x800]  }
0x262: {  	s13 =	sand.u32 $0xF, s22  }
0x263: {  	s13 =	simm.s32 @!p0 $0x10  }
0x264: {  	s24 =	spop (v2sf);
	v3 =	vmov s13  }
0x265: {  	s25 =	sand.u32 $0xFFFFFFF0, s24;
	vm13 =	veq.s32 v3, v1  }
0x266: {  	p0 =	slt.s32 s24, $0x200;
	s14 =	sadd.s32 $0x1C00, s25;
	v2 =	vsel vm13, $0x0, v2  }
0x267: {  	s14 =	simm.s32 @!p0 $0x1C00;
	[tilespmem:s15+$0x800] =	vst v2  }
0x268: {  	v2 =	vld [tilespmem:s14+$0x800]  }
0x269: {  	s13 =	sand.u32 $0xF, s24  }
0x26a: {  	s13 =	simm.s32 @!p0 $0x10  }
0x26b: {  	s26 =	spop (v2sf);
	v3 =	vmov s13  }
0x26c: {  	s28 =	sand.u32 $0xFFFFFFF0, s26;
	vm14 =	veq.s32 v3, v1  }
0x26d: {  	p0 =	slt.s32 s26, $0x200;
	s15 =	sadd.s32 $0x1E00, s28;
	v2 =	vsel vm14, $0x0, v2  }
0x26e: {  	s15 =	simm.s32 @!p0 $0x1E00;
	[tilespmem:s14+$0x800] =	vst v2  }
0x26f: {  	v2 =	vld [tilespmem:s15+$0x800]  }
0x270: {  	s13 =	sand.u32 $0xF, s26  }
0x271: {  	s13 =	simm.s32 @!p0 $0x10  }
0x272: {  	v3 =	vmov s13  }
0x273: {  	vm15 =	veq.s32 v3, v1  }
0x274: {  	v2 =	vsel vm15, $0x0, v2  }
0x275: {  	[tilespmem:s15+$0x800] =	vst v2  }
0x276: {  	v2 =	vld [tilespmem:s12+$0x10];
	_ =	sdelay $0x4  }
0x277: {  	(v2sf) =	vpush v2, $0x0;
	_ =	sdelay $0x6  }
0x278: {  	(v2sf) =	vpush v2, $0x1;
	_ =	sdelay $0x6  }
0x279: {  	(v2sf) =	vpush v2, $0x2  }
0x27a: {  	s29 =	spop (v2sf)  }
0x27b: {  	s30 =	sand.u32 $0xFFFFFFF0, s29  }
0x27c: {  	p0 =	slt.s32 s29, $0x200;
	s14 =	sadd.s32 $0x2000, s30  }
0x27d: {  	s14 =	simm.s32 @!p0 $0x2000  }
0x27e: {  	v3 =	vld [tilespmem:s14+$0x800]  }
0x27f: {  	s13 =	sand.u32 $0xF, s29  }
0x280: {  	(v2sf) =	vpush v2, $0x3;
	s13 =	simm.s32 @!p0 $0x10  }
0x281: {  	s31 =	spop (v2sf);
	v28 =	vmov s13  }
0x282: {  	s16 =	sand.u32 $0xFFFFFFF0, s31;
	vm4 =	veq.s32 v28, v1  }
0x283: {  	p0 =	slt.s32 s31, $0x200;
	s15 =	sadd.s32 $0x2200, s16;
	v3 =	vsel vm4, $0x0, v3  }
0x284: {  	s15 =	simm.s32 @!p0 $0x2200;
	[tilespmem:s14+$0x800] =	vst v3  }
0x285: {  	v3 =	vld [tilespmem:s15+$0x800]  }
0x286: {  	s13 =	sand.u32 $0xF, s31  }
0x287: {  	(v2sf) =	vpush v2, $0x4;
	s13 =	simm.s32 @!p0 $0x10  }
0x288: {  	s17 =	spop (v2sf);
	v29 =	vmov s13  }
0x289: {  	s18 =	sand.u32 $0xFFFFFFF0, s17;
	vm5 =	veq.s32 v29, v1  }
0x28a: {  	p0 =	slt.s32 s17, $0x200;
	s14 =	sadd.s32 $0x2400, s18;
	v3 =	vsel vm5, $0x0, v3  }
0x28b: {  	s14 =	simm.s32 @!p0 $0x2400;
	[tilespmem:s15+$0x800] =	vst v3  }
0x28c: {  	v3 =	vld [tilespmem:s14+$0x800]  }
0x28d: {  	s13 =	sand.u32 $0xF, s17  }
0x28e: {  	(v2sf) =	vpush v2, $0x5;
	s13 =	simm.s32 @!p0 $0x10  }
0x28f: {  	v30 =	vmov s13;
	s19 =	spop (v2sf)  }
0x290: {  	vm6 =	veq.s32 v30, v1;
	s20 =	sand.u32 $0xFFFFFFF0, s19  }
0x291: {  	p0 =	slt.s32 s19, $0x200;
	s15 =	sadd.s32 $0x2600, s20;
	v3 =	vsel vm6, $0x0, v3  }
0x292: {  	s15 =	simm.s32 @!p0 $0x2600;
	[tilespmem:s14+$0x800] =	vst v3  }
0x293: {  	v3 =	vld [tilespmem:s15+$0x800]  }
0x294: {  	s13 =	sand.u32 $0xF, s19  }
0x295: {  	(v2sf) =	vpush v2, $0x6;
	s13 =	simm.s32 @!p0 $0x10  }
0x296: {  	s21 =	spop (v2sf);
	v31 =	vmov s13  }
0x297: {  	s22 =	sand.u32 $0xFFFFFFF0, s21;
	vm7 =	veq.s32 v31, v1  }
0x298: {  	p0 =	slt.s32 s21, $0x200;
	s14 =	sadd.s32 $0x2800, s22;
	v3 =	vsel vm7, $0x0, v3  }
0x299: {  	s14 =	simm.s32 @!p0 $0x2800;
	[tilespmem:s15+$0x800] =	vst v3  }
0x29a: {  	v3 =	vld [tilespmem:s14+$0x800]  }
0x29b: {  	s13 =	sand.u32 $0xF, s21  }
0x29c: {  	(v2sf) =	vpush v2, $0x7;
	s13 =	simm.s32 @!p0 $0x10  }
0x29d: {  	s23 =	spop (v2sf);
	v32 =	vmov s13  }
0x29e: {  	s24 =	sand.u32 $0xFFFFFFF0, s23;
	vm8 =	veq.s32 v32, v1  }
0x29f: {  	p0 =	slt.s32 s23, $0x200;
	s15 =	sadd.s32 $0x2A00, s24;
	v3 =	vsel vm8, $0x0, v3  }
0x2a0: {  	s15 =	simm.s32 @!p0 $0x2A00;
	[tilespmem:s14+$0x800] =	vst v3  }
0x2a1: {  	v3 =	vld [tilespmem:s15+$0x800]  }
0x2a2: {  	s13 =	sand.u32 $0xF, s23  }
0x2a3: {  	(v2sf) =	vpush v2, $0x8;
	s13 =	simm.s32 @!p0 $0x10  }
0x2a4: {  	v33 =	vmov s13;
	s25 =	spop (v2sf)  }
0x2a5: {  	vm9 =	veq.s32 v33, v1;
	s26 =	sand.u32 $0xFFFFFFF0, s25  }
0x2a6: {  	p0 =	slt.s32 s25, $0x200;
	s14 =	sadd.s32 $0x2C00, s26;
	v3 =	vsel vm9, $0x0, v3  }
0x2a7: {  	s14 =	simm.s32 @!p0 $0x2C00;
	[tilespmem:s15+$0x800] =	vst v3  }
0x2a8: {  	v3 =	vld [tilespmem:s14+$0x800]  }
0x2a9: {  	s13 =	sand.u32 $0xF, s25  }
0x2aa: {  	(v2sf) =	vpush v2, $0x9;
	s13 =	simm.s32 @!p0 $0x10  }
0x2ab: {  	s28 =	spop (v2sf);
	v34 =	vmov s13  }
0x2ac: {  	s29 =	sand.u32 $0xFFFFFFF0, s28;
	vm10 =	veq.s32 v34, v1  }
0x2ad: {  	p0 =	slt.s32 s28, $0x200;
	s15 =	sadd.s32 $0x2E00, s29;
	v3 =	vsel vm10, $0x0, v3  }
0x2ae: {  	s15 =	simm.s32 @!p0 $0x2E00;
	[tilespmem:s14+$0x800] =	vst v3  }
0x2af: {  	v3 =	vld [tilespmem:s15+$0x800]  }
0x2b0: {  	s13 =	sand.u32 $0xF, s28  }
0x2b1: {  	(v2sf) =	vpush v2, $0xA;
	s13 =	simm.s32 @!p0 $0x10  }
0x2b2: {  	s30 =	spop (v2sf);
	v35 =	vmov s13  }
0x2b3: {  	s31 =	sand.u32 $0xFFFFFFF0, s30;
	vm11 =	veq.s32 v35, v1  }
0x2b4: {  	p0 =	slt.s32 s30, $0x200;
	s14 =	sadd.s32 $0x3000, s31;
	v3 =	vsel vm11, $0x0, v3  }
0x2b5: {  	s14 =	simm.s32 @!p0 $0x3000;
	[tilespmem:s15+$0x800] =	vst v3  }
0x2b6: {  	v3 =	vld [tilespmem:s14+$0x800]  }
0x2b7: {  	s13 =	sand.u32 $0xF, s30  }
0x2b8: {  	(v2sf) =	vpush v2, $0xB;
	s13 =	simm.s32 @!p0 $0x10  }
0x2b9: {  	s16 =	spop (v2sf);
	v36 =	vmov s13  }
0x2ba: {  	s17 =	sand.u32 $0xFFFFFFF0, s16;
	vm12 =	veq.s32 v36, v1  }
0x2bb: {  	p0 =	slt.s32 s16, $0x200;
	s15 =	sadd.s32 $0x3200, s17;
	v3 =	vsel vm12, $0x0, v3  }
0x2bc: {  	s15 =	simm.s32 @!p0 $0x3200;
	[tilespmem:s14+$0x800] =	vst v3  }
0x2bd: {  	v3 =	vld [tilespmem:s15+$0x800]  }
0x2be: {  	s13 =	sand.u32 $0xF, s16  }
0x2bf: {  	(v2sf) =	vpush v2, $0xC;
	s13 =	simm.s32 @!p0 $0x10  }
0x2c0: {  	s18 =	spop (v2sf);
	v37 =	vmov s13  }
0x2c1: {  	s19 =	sand.u32 $0xFFFFFFF0, s18;
	vm13 =	veq.s32 v37, v1  }
0x2c2: {  	p0 =	slt.s32 s18, $0x200;
	s14 =	sadd.s32 $0x3400, s19;
	v3 =	vsel vm13, $0x0, v3  }
0x2c3: {  	s14 =	simm.s32 @!p0 $0x3400;
	[tilespmem:s15+$0x800] =	vst v3  }
0x2c4: {  	v3 =	vld [tilespmem:s14+$0x800]  }
0x2c5: {  	s13 =	sand.u32 $0xF, s18  }
0x2c6: {  	(v2sf) =	vpush v2, $0xD;
	s13 =	simm.s32 @!p0 $0x10  }
0x2c7: {  	s20 =	spop (v2sf);
	v38 =	vmov s13  }
0x2c8: {  	s21 =	sand.u32 $0xFFFFFFF0, s20;
	vm14 =	veq.s32 v38, v1  }
0x2c9: {  	p0 =	slt.s32 s20, $0x200;
	s15 =	sadd.s32 $0x3600, s21;
	v3 =	vsel vm14, $0x0, v3  }
0x2ca: {  	s15 =	simm.s32 @!p0 $0x3600;
	[tilespmem:s14+$0x800] =	vst v3  }
0x2cb: {  	v3 =	vld [tilespmem:s15+$0x800]  }
0x2cc: {  	s13 =	sand.u32 $0xF, s20  }
0x2cd: {  	(v2sf) =	vpush v2, $0xE;
	s13 =	simm.s32 @!p0 $0x10  }
0x2ce: {  	s22 =	spop (v2sf);
	v39 =	vmov s13  }
0x2cf: {  	s23 =	sand.u32 $0xFFFFFFF0, s22;
	vm15 =	veq.s32 v39, v1  }
0x2d0: {  	p0 =	slt.s32 s22, $0x200;
	s14 =	sadd.s32 $0x3800, s23;
	v3 =	vsel vm15, $0x0, v3  }
0x2d1: {  	s14 =	simm.s32 @!p0 $0x3800;
	[tilespmem:s15+$0x800] =	vst v3  }
0x2d2: {  	v3 =	vld [tilespmem:s14+$0x800]  }
0x2d3: {  	s13 =	sand.u32 $0xF, s22  }
0x2d4: {  	(v2sf) =	vpush v2, $0xF;
	s13 =	simm.s32 @!p0 $0x10  }
0x2d5: {  	s24 =	spop (v2sf);
	v2 =	vmov s13  }
0x2d6: {  	s25 =	sand.u32 $0xFFFFFFF0, s24;
	vm4 =	veq.s32 v2, v1  }
0x2d7: {  	p0 =	slt.s32 s24, $0x200;
	s15 =	sadd.s32 $0x3A00, s25;
	v2 =	vsel vm4, $0x0, v3  }
0x2d8: {  	s15 =	simm.s32 @!p0 $0x3A00;
	[tilespmem:s14+$0x800] =	vst v2  }
0x2d9: {  	v2 =	vld [tilespmem:s15+$0x800]  }
0x2da: {  	s13 =	sand.u32 $0xF, s24  }
0x2db: {  	s13 =	simm.s32 @!p0 $0x10  }
0x2dc: {  	s26 =	spop (v2sf);
	v3 =	vmov s13  }
0x2dd: {  	s28 =	sand.u32 $0xFFFFFFF0, s26;
	vm5 =	veq.s32 v3, v1  }
0x2de: {  	p0 =	slt.s32 s26, $0x200;
	s14 =	sadd.s32 $0x3C00, s28;
	v2 =	vsel vm5, $0x0, v2  }
0x2df: {  	s14 =	simm.s32 @!p0 $0x3C00;
	[tilespmem:s15+$0x800] =	vst v2  }
0x2e0: {  	v2 =	vld [tilespmem:s14+$0x800]  }
0x2e1: {  	s13 =	sand.u32 $0xF, s26  }
0x2e2: {  	s13 =	simm.s32 @!p0 $0x10  }
0x2e3: {  	s29 =	spop (v2sf);
	v3 =	vmov s13  }
0x2e4: {  	s30 =	sand.u32 $0xFFFFFFF0, s29;
	vm6 =	veq.s32 v3, v1  }
0x2e5: {  	p0 =	slt.s32 s29, $0x200;
	s15 =	sadd.s32 $0x3E00, s30;
	v2 =	vsel vm6, $0x0, v2  }
0x2e6: {  	s15 =	simm.s32 @!p0 $0x3E00;
	[tilespmem:s14+$0x800] =	vst v2  }
0x2e7: {  	v2 =	vld [tilespmem:s15+$0x800]  }
0x2e8: {  	s13 =	sand.u32 $0xF, s29  }
0x2e9: {  	s13 =	simm.s32 @!p0 $0x10  }
0x2ea: {  	v3 =	vmov s13  }
0x2eb: {  	vm7 =	veq.s32 v3, v1  }
0x2ec: {  	v2 =	vsel vm7, $0x0, v2  }
0x2ed: {  	[tilespmem:s15+$0x800] =	vst v2  }
0x2ee: {  	v2 =	vld [tilespmem:s12+$0x20];
	_ =	sdelay $0x4  }
0x2ef: {  	(v2sf) =	vpush v2, $0x0;
	_ =	sdelay $0x6  }
0x2f0: {  	(v2sf) =	vpush v2, $0x1;
	_ =	sdelay $0x6  }
0x2f1: {  	(v2sf) =	vpush v2, $0x2  }
0x2f2: {  	s31 =	spop (v2sf)  }
0x2f3: {  	s15 =	sand.u32 $0xFFFFFFF0, s31  }
0x2f4: {  	p0 =	slt.s32 s31, $0x200;
	s14 =	sadd.s32 $0x4000, s15  }
0x2f5: {  	s14 =	simm.s32 @!p0 $0x4000  }
0x2f6: {  	v3 =	vld [tilespmem:s14+$0x800]  }
0x2f7: {  	s13 =	sand.u32 $0xF, s31  }
0x2f8: {  	(v2sf) =	vpush v2, $0x3;
	s13 =	simm.s32 @!p0 $0x10  }
0x2f9: {  	s16 =	spop (v2sf);
	v40 =	vmov s13  }
0x2fa: {  	s17 =	sand.u32 $0xFFFFFFF0, s16;
	vm8 =	veq.s32 v40, v1  }
0x2fb: {  	p0 =	slt.s32 s16, $0x200;
	s15 =	sadd.s32 $0x4200, s17;
	v3 =	vsel vm8, $0x0, v3  }
0x2fc: {  	s15 =	simm.s32 @!p0 $0x4200;
	[tilespmem:s14+$0x800] =	vst v3  }
0x2fd: {  	v3 =	vld [tilespmem:s15+$0x800]  }
0x2fe: {  	s13 =	sand.u32 $0xF, s16  }
0x2ff: {  	(v2sf) =	vpush v2, $0x4;
	s13 =	simm.s32 @!p0 $0x10  }
0x300: {  	s18 =	spop (v2sf);
	v41 =	vmov s13  }
0x301: {  	s19 =	sand.u32 $0xFFFFFFF0, s18;
	vm9 =	veq.s32 v41, v1  }
0x302: {  	p0 =	slt.s32 s18, $0x200;
	s14 =	sadd.s32 $0x4400, s19;
	v3 =	vsel vm9, $0x0, v3  }
0x303: {  	s14 =	simm.s32 @!p0 $0x4400;
	[tilespmem:s15+$0x800] =	vst v3  }
0x304: {  	v3 =	vld [tilespmem:s14+$0x800]  }
0x305: {  	s13 =	sand.u32 $0xF, s18  }
0x306: {  	(v2sf) =	vpush v2, $0x5;
	s13 =	simm.s32 @!p0 $0x10  }
0x307: {  	v42 =	vmov s13;
	s20 =	spop (v2sf)  }
0x308: {  	vm10 =	veq.s32 v42, v1;
	s21 =	sand.u32 $0xFFFFFFF0, s20  }
0x309: {  	p0 =	slt.s32 s20, $0x200;
	s15 =	sadd.s32 $0x4600, s21;
	v3 =	vsel vm10, $0x0, v3  }
0x30a: {  	s15 =	simm.s32 @!p0 $0x4600;
	[tilespmem:s14+$0x800] =	vst v3  }
0x30b: {  	v3 =	vld [tilespmem:s15+$0x800]  }
0x30c: {  	s13 =	sand.u32 $0xF, s20  }
0x30d: {  	(v2sf) =	vpush v2, $0x6;
	s13 =	simm.s32 @!p0 $0x10  }
0x30e: {  	s22 =	spop (v2sf);
	v43 =	vmov s13  }
0x30f: {  	s23 =	sand.u32 $0xFFFFFFF0, s22;
	vm11 =	veq.s32 v43, v1  }
0x310: {  	p0 =	slt.s32 s22, $0x200;
	s14 =	sadd.s32 $0x4800, s23;
	v3 =	vsel vm11, $0x0, v3  }
0x311: {  	s14 =	simm.s32 @!p0 $0x4800;
	[tilespmem:s15+$0x800] =	vst v3  }
0x312: {  	v3 =	vld [tilespmem:s14+$0x800]  }
0x313: {  	s13 =	sand.u32 $0xF, s22  }
0x314: {  	(v2sf) =	vpush v2, $0x7;
	s13 =	simm.s32 @!p0 $0x10  }
0x315: {  	s24 =	spop (v2sf);
	v44 =	vmov s13  }
0x316: {  	s25 =	sand.u32 $0xFFFFFFF0, s24;
	vm12 =	veq.s32 v44, v1  }
0x317: {  	p0 =	slt.s32 s24, $0x200;
	s15 =	sadd.s32 $0x4A00, s25;
	v3 =	vsel vm12, $0x0, v3  }
0x318: {  	s15 =	simm.s32 @!p0 $0x4A00;
	[tilespmem:s14+$0x800] =	vst v3  }
0x319: {  	v3 =	vld [tilespmem:s15+$0x800]  }
0x31a: {  	s13 =	sand.u32 $0xF, s24  }
0x31b: {  	(v2sf) =	vpush v2, $0x8;
	s13 =	simm.s32 @!p0 $0x10  }
0x31c: {  	v45 =	vmov s13;
	s26 =	spop (v2sf)  }
0x31d: {  	vm13 =	veq.s32 v45, v1;
	s28 =	sand.u32 $0xFFFFFFF0, s26  }
0x31e: {  	p0 =	slt.s32 s26, $0x200;
	s14 =	sadd.s32 $0x4C00, s28;
	v3 =	vsel vm13, $0x0, v3  }
0x31f: {  	s14 =	simm.s32 @!p0 $0x4C00;
	[tilespmem:s15+$0x800] =	vst v3  }
0x320: {  	v3 =	vld [tilespmem:s14+$0x800]  }
0x321: {  	s13 =	sand.u32 $0xF, s26  }
0x322: {  	(v2sf) =	vpush v2, $0x9;
	s13 =	simm.s32 @!p0 $0x10  }
0x323: {  	s29 =	spop (v2sf);
	v46 =	vmov s13  }
0x324: {  	s30 =	sand.u32 $0xFFFFFFF0, s29;
	vm14 =	veq.s32 v46, v1  }
0x325: {  	p0 =	slt.s32 s29, $0x200;
	s15 =	sadd.s32 $0x4E00, s30;
	v3 =	vsel vm14, $0x0, v3  }
0x326: {  	s15 =	simm.s32 @!p0 $0x4E00;
	[tilespmem:s14+$0x800] =	vst v3  }
0x327: {  	v3 =	vld [tilespmem:s15+$0x800]  }
0x328: {  	s13 =	sand.u32 $0xF, s29  }
0x329: {  	(v2sf) =	vpush v2, $0xA;
	s13 =	simm.s32 @!p0 $0x10  }
0x32a: {  	s31 =	spop (v2sf);
	v47 =	vmov s13  }
0x32b: {  	s16 =	sand.u32 $0xFFFFFFF0, s31;
	vm15 =	veq.s32 v47, v1  }
0x32c: {  	p0 =	slt.s32 s31, $0x200;
	s14 =	sadd.s32 $0x5000, s16;
	v3 =	vsel vm15, $0x0, v3  }
0x32d: {  	s14 =	simm.s32 @!p0 $0x5000;
	[tilespmem:s15+$0x800] =	vst v3  }
0x32e: {  	v3 =	vld [tilespmem:s14+$0x800]  }
0x32f: {  	s13 =	sand.u32 $0xF, s31  }
0x330: {  	(v2sf) =	vpush v2, $0xB;
	s13 =	simm.s32 @!p0 $0x10  }
0x331: {  	s17 =	spop (v2sf);
	v48 =	vmov s13  }
0x332: {  	s18 =	sand.u32 $0xFFFFFFF0, s17;
	vm4 =	veq.s32 v48, v1  }
0x333: {  	p0 =	slt.s32 s17, $0x200;
	s15 =	sadd.s32 $0x5200, s18;
	v3 =	vsel vm4, $0x0, v3  }
0x334: {  	s15 =	simm.s32 @!p0 $0x5200;
	[tilespmem:s14+$0x800] =	vst v3  }
0x335: {  	v3 =	vld [tilespmem:s15+$0x800]  }
0x336: {  	s13 =	sand.u32 $0xF, s17  }
0x337: {  	(v2sf) =	vpush v2, $0xC;
	s13 =	simm.s32 @!p0 $0x10  }
0x338: {  	s19 =	spop (v2sf);
	v49 =	vmov s13  }
0x339: {  	s20 =	sand.u32 $0xFFFFFFF0, s19;
	vm5 =	veq.s32 v49, v1  }
0x33a: {  	p0 =	slt.s32 s19, $0x200;
	s14 =	sadd.s32 $0x5400, s20;
	v3 =	vsel vm5, $0x0, v3  }
0x33b: {  	s14 =	simm.s32 @!p0 $0x5400;
	[tilespmem:s15+$0x800] =	vst v3  }
0x33c: {  	v3 =	vld [tilespmem:s14+$0x800]  }
0x33d: {  	s13 =	sand.u32 $0xF, s19  }
0x33e: {  	(v2sf) =	vpush v2, $0xD;
	s13 =	simm.s32 @!p0 $0x10  }
0x33f: {  	s21 =	spop (v2sf);
	v50 =	vmov s13  }
0x340: {  	s22 =	sand.u32 $0xFFFFFFF0, s21;
	vm6 =	veq.s32 v50, v1  }
0x341: {  	p0 =	slt.s32 s21, $0x200;
	s15 =	sadd.s32 $0x5600, s22;
	v3 =	vsel vm6, $0x0, v3  }
0x342: {  	s15 =	simm.s32 @!p0 $0x5600;
	[tilespmem:s14+$0x800] =	vst v3  }
0x343: {  	v3 =	vld [tilespmem:s15+$0x800]  }
0x344: {  	s13 =	sand.u32 $0xF, s21  }
0x345: {  	(v2sf) =	vpush v2, $0xE;
	s13 =	simm.s32 @!p0 $0x10  }
0x346: {  	s23 =	spop (v2sf);
	v51 =	vmov s13  }
0x347: {  	s24 =	sand.u32 $0xFFFFFFF0, s23;
	vm7 =	veq.s32 v51, v1  }
0x348: {  	p0 =	slt.s32 s23, $0x200;
	s14 =	sadd.s32 $0x5800, s24;
	v3 =	vsel vm7, $0x0, v3  }
0x349: {  	s14 =	simm.s32 @!p0 $0x5800;
	[tilespmem:s15+$0x800] =	vst v3  }
0x34a: {  	v3 =	vld [tilespmem:s14+$0x800]  }
0x34b: {  	s13 =	sand.u32 $0xF, s23  }
0x34c: {  	(v2sf) =	vpush v2, $0xF;
	s13 =	simm.s32 @!p0 $0x10  }
0x34d: {  	s25 =	spop (v2sf);
	v2 =	vmov s13  }
0x34e: {  	s26 =	sand.u32 $0xFFFFFFF0, s25;
	vm8 =	veq.s32 v2, v1  }
0x34f: {  	p0 =	slt.s32 s25, $0x200;
	s15 =	sadd.s32 $0x5A00, s26;
	v2 =	vsel vm8, $0x0, v3  }
0x350: {  	s15 =	simm.s32 @!p0 $0x5A00;
	[tilespmem:s14+$0x800] =	vst v2  }
0x351: {  	v2 =	vld [tilespmem:s15+$0x800]  }
0x352: {  	s13 =	sand.u32 $0xF, s25  }
0x353: {  	s13 =	simm.s32 @!p0 $0x10  }
0x354: {  	s28 =	spop (v2sf);
	v3 =	vmov s13  }
0x355: {  	s29 =	sand.u32 $0xFFFFFFF0, s28;
	vm9 =	veq.s32 v3, v1  }
0x356: {  	p0 =	slt.s32 s28, $0x200;
	s14 =	sadd.s32 $0x5C00, s29;
	v2 =	vsel vm9, $0x0, v2  }
0x357: {  	s14 =	simm.s32 @!p0 $0x5C00;
	[tilespmem:s15+$0x800] =	vst v2  }
0x358: {  	v2 =	vld [tilespmem:s14+$0x800]  }
0x359: {  	s13 =	sand.u32 $0xF, s28  }
0x35a: {  	s13 =	simm.s32 @!p0 $0x10  }
0x35b: {  	s30 =	spop (v2sf);
	v3 =	vmov s13  }
0x35c: {  	s31 =	sand.u32 $0xFFFFFFF0, s30;
	vm10 =	veq.s32 v3, v1  }
0x35d: {  	p0 =	slt.s32 s30, $0x200;
	s15 =	sadd.s32 $0x5E00, s31;
	v2 =	vsel vm10, $0x0, v2  }
0x35e: {  	s15 =	simm.s32 @!p0 $0x5E00;
	[tilespmem:s14+$0x800] =	vst v2  }
0x35f: {  	v2 =	vld [tilespmem:s15+$0x800]  }
0x360: {  	s13 =	sand.u32 $0xF, s30  }
0x361: {  	s13 =	simm.s32 @!p0 $0x10  }
0x362: {  	v3 =	vmov s13  }
0x363: {  	vm11 =	veq.s32 v3, v1  }
0x364: {  	v2 =	vsel vm11, $0x0, v2  }
0x365: {  	[tilespmem:s15+$0x800] =	vst v2  }
0x366: {  	v2 =	vld [tilespmem:s12+$0x30];
	_ =	sdelay $0x4  }
0x367: {  	(v2sf) =	vpush v2, $0x0;
	_ =	sdelay $0x6  }
0x368: {  	(v2sf) =	vpush v2, $0x1;
	_ =	sdelay $0x6  }
0x369: {  	(v2sf) =	vpush v2, $0x2  }
0x36a: {  	s15 =	spop (v2sf)  }
0x36b: {  	s16 =	sand.u32 $0xFFFFFFF0, s15  }
0x36c: {  	p0 =	slt.s32 s15, $0x200;
	s13 =	sadd.s32 $0x6000, s16  }
0x36d: {  	s13 =	simm.s32 @!p0 $0x6000  }
0x36e: {  	v3 =	vld [tilespmem:s13+$0x800]  }
0x36f: {  	s12 =	sand.u32 $0xF, s15  }
0x370: {  	(v2sf) =	vpush v2, $0x3;
	s12 =	simm.s32 @!p0 $0x10  }
0x371: {  	s17 =	spop (v2sf);
	v52 =	vmov s12  }
0x372: {  	s18 =	sand.u32 $0xFFFFFFF0, s17;
	vm12 =	veq.s32 v52, v1  }
0x373: {  	p0 =	slt.s32 s17, $0x200;
	s14 =	sadd.s32 $0x6200, s18;
	v3 =	vsel vm12, $0x0, v3  }
0x374: {  	s14 =	simm.s32 @!p0 $0x6200;
	[tilespmem:s13+$0x800] =	vst v3  }
0x375: {  	v3 =	vld [tilespmem:s14+$0x800]  }
0x376: {  	s12 =	sand.u32 $0xF, s17  }
0x377: {  	(v2sf) =	vpush v2, $0x4;
	s12 =	simm.s32 @!p0 $0x10  }
0x378: {  	s19 =	spop (v2sf);
	v53 =	vmov s12  }
0x379: {  	s20 =	sand.u32 $0xFFFFFFF0, s19;
	vm13 =	veq.s32 v53, v1  }
0x37a: {  	p0 =	slt.s32 s19, $0x200;
	s13 =	sadd.s32 $0x6400, s20;
	v3 =	vsel vm13, $0x0, v3  }
0x37b: {  	s13 =	simm.s32 @!p0 $0x6400;
	[tilespmem:s14+$0x800] =	vst v3  }
0x37c: {  	v3 =	vld [tilespmem:s13+$0x800]  }
0x37d: {  	s12 =	sand.u32 $0xF, s19  }
0x37e: {  	(v2sf) =	vpush v2, $0x5;
	s12 =	simm.s32 @!p0 $0x10  }
0x37f: {  	v54 =	vmov s12;
	s21 =	spop (v2sf)  }
0x380: {  	vm14 =	veq.s32 v54, v1;
	s22 =	sand.u32 $0xFFFFFFF0, s21  }
0x381: {  	p0 =	slt.s32 s21, $0x200;
	s14 =	sadd.s32 $0x6600, s22;
	v3 =	vsel vm14, $0x0, v3  }
0x382: {  	s14 =	simm.s32 @!p0 $0x6600;
	[tilespmem:s13+$0x800] =	vst v3  }
0x383: {  	v3 =	vld [tilespmem:s14+$0x800]  }
0x384: {  	s12 =	sand.u32 $0xF, s21  }
0x385: {  	(v2sf) =	vpush v2, $0x6;
	s12 =	simm.s32 @!p0 $0x10  }
0x386: {  	s23 =	spop (v2sf);
	v55 =	vmov s12  }
0x387: {  	s24 =	sand.u32 $0xFFFFFFF0, s23;
	vm15 =	veq.s32 v55, v1  }
0x388: {  	p0 =	slt.s32 s23, $0x200;
	s13 =	sadd.s32 $0x6800, s24;
	v3 =	vsel vm15, $0x0, v3  }
0x389: {  	s13 =	simm.s32 @!p0 $0x6800;
	[tilespmem:s14+$0x800] =	vst v3  }
0x38a: {  	v3 =	vld [tilespmem:s13+$0x800]  }
0x38b: {  	s12 =	sand.u32 $0xF, s23  }
0x38c: {  	(v2sf) =	vpush v2, $0x7;
	s12 =	simm.s32 @!p0 $0x10  }
0x38d: {  	s25 =	spop (v2sf);
	v56 =	vmov s12  }
0x38e: {  	s26 =	sand.u32 $0xFFFFFFF0, s25;
	vm4 =	veq.s32 v56, v1  }
0x38f: {  	p0 =	slt.s32 s25, $0x200;
	s14 =	sadd.s32 $0x6A00, s26;
	v3 =	vsel vm4, $0x0, v3  }
0x390: {  	s14 =	simm.s32 @!p0 $0x6A00;
	[tilespmem:s13+$0x800] =	vst v3  }
0x391: {  	v3 =	vld [tilespmem:s14+$0x800]  }
0x392: {  	s12 =	sand.u32 $0xF, s25  }
0x393: {  	(v2sf) =	vpush v2, $0x8;
	s12 =	simm.s32 @!p0 $0x10  }
0x394: {  	v57 =	vmov s12;
	s28 =	spop (v2sf)  }
0x395: {  	vm5 =	veq.s32 v57, v1;
	s29 =	sand.u32 $0xFFFFFFF0, s28  }
0x396: {  	p0 =	slt.s32 s28, $0x200;
	s13 =	sadd.s32 $0x6C00, s29;
	v3 =	vsel vm5, $0x0, v3  }
0x397: {  	s13 =	simm.s32 @!p0 $0x6C00;
	[tilespmem:s14+$0x800] =	vst v3  }
0x398: {  	v3 =	vld [tilespmem:s13+$0x800]  }
0x399: {  	s12 =	sand.u32 $0xF, s28  }
0x39a: {  	(v2sf) =	vpush v2, $0x9;
	s12 =	simm.s32 @!p0 $0x10  }
0x39b: {  	s30 =	spop (v2sf);
	v58 =	vmov s12  }
0x39c: {  	s31 =	sand.u32 $0xFFFFFFF0, s30;
	vm6 =	veq.s32 v58, v1  }
0x39d: {  	p0 =	slt.s32 s30, $0x200;
	s14 =	sadd.s32 $0x6E00, s31;
	v3 =	vsel vm6, $0x0, v3  }
0x39e: {  	s14 =	simm.s32 @!p0 $0x6E00;
	[tilespmem:s13+$0x800] =	vst v3  }
0x39f: {  	v3 =	vld [tilespmem:s14+$0x800]  }
0x3a0: {  	s12 =	sand.u32 $0xF, s30  }
0x3a1: {  	(v2sf) =	vpush v2, $0xA;
	s12 =	simm.s32 @!p0 $0x10  }
0x3a2: {  	s15 =	spop (v2sf);
	v59 =	vmov s12  }
0x3a3: {  	s16 =	sand.u32 $0xFFFFFFF0, s15;
	vm7 =	veq.s32 v59, v1  }
0x3a4: {  	p0 =	slt.s32 s15, $0x200;
	s13 =	sadd.s32 $0x7000, s16;
	v3 =	vsel vm7, $0x0, v3  }
0x3a5: {  	s13 =	simm.s32 @!p0 $0x7000;
	[tilespmem:s14+$0x800] =	vst v3  }
0x3a6: {  	v3 =	vld [tilespmem:s13+$0x800]  }
0x3a7: {  	s12 =	sand.u32 $0xF, s15  }
0x3a8: {  	(v2sf) =	vpush v2, $0xB;
	s12 =	simm.s32 @!p0 $0x10  }
0x3a9: {  	s17 =	spop (v2sf);
	v60 =	vmov s12  }
0x3aa: {  	s18 =	sand.u32 $0xFFFFFFF0, s17;
	vm8 =	veq.s32 v60, v1  }
0x3ab: {  	p0 =	slt.s32 s17, $0x200;
	s14 =	sadd.s32 $0x7200, s18;
	v3 =	vsel vm8, $0x0, v3  }
0x3ac: {  	s14 =	simm.s32 @!p0 $0x7200;
	[tilespmem:s13+$0x800] =	vst v3  }
0x3ad: {  	v3 =	vld [tilespmem:s14+$0x800]  }
0x3ae: {  	s12 =	sand.u32 $0xF, s17  }
0x3af: {  	(v2sf) =	vpush v2, $0xC;
	s12 =	simm.s32 @!p0 $0x10  }
0x3b0: {  	s19 =	spop (v2sf);
	v61 =	vmov s12  }
0x3b1: {  	s20 =	sand.u32 $0xFFFFFFF0, s19;
	vm9 =	veq.s32 v61, v1  }
0x3b2: {  	p0 =	slt.s32 s19, $0x200;
	s13 =	sadd.s32 $0x7400, s20;
	v3 =	vsel vm9, $0x0, v3  }
0x3b3: {  	s13 =	simm.s32 @!p0 $0x7400;
	[tilespmem:s14+$0x800] =	vst v3  }
0x3b4: {  	v3 =	vld [tilespmem:s13+$0x800]  }
0x3b5: {  	s12 =	sand.u32 $0xF, s19  }
0x3b6: {  	(v2sf) =	vpush v2, $0xD;
	s12 =	simm.s32 @!p0 $0x10  }
0x3b7: {  	s21 =	spop (v2sf);
	v62 =	vmov s12  }
0x3b8: {  	s22 =	sand.u32 $0xFFFFFFF0, s21;
	vm10 =	veq.s32 v62, v1  }
0x3b9: {  	p0 =	slt.s32 s21, $0x200;
	s14 =	sadd.s32 $0x7600, s22;
	v3 =	vsel vm10, $0x0, v3  }
0x3ba: {  	s14 =	simm.s32 @!p0 $0x7600;
	[tilespmem:s13+$0x800] =	vst v3  }
0x3bb: {  	v3 =	vld [tilespmem:s14+$0x800]  }
0x3bc: {  	s12 =	sand.u32 $0xF, s21  }
0x3bd: {  	(v2sf) =	vpush v2, $0xE;
	s12 =	simm.s32 @!p0 $0x10  }
0x3be: {  	s23 =	spop (v2sf);
	v63 =	vmov s12  }
0x3bf: {  	s24 =	sand.u32 $0xFFFFFFF0, s23;
	vm11 =	veq.s32 v63, v1  }
0x3c0: {  	p0 =	slt.s32 s23, $0x200;
	s13 =	sadd.s32 $0x7800, s24;
	v3 =	vsel vm11, $0x0, v3  }
0x3c1: {  	s13 =	simm.s32 @!p0 $0x7800;
	[tilespmem:s14+$0x800] =	vst v3  }
0x3c2: {  	v3 =	vld [tilespmem:s13+$0x800]  }
0x3c3: {  	s12 =	sand.u32 $0xF, s23  }
0x3c4: {  	(v2sf) =	vpush v2, $0xF;
	s12 =	simm.s32 @!p0 $0x10  }
0x3c5: {  	s25 =	spop (v2sf);
	v2 =	vmov s12  }
0x3c6: {  	s26 =	sand.u32 $0xFFFFFFF0, s25;
	vm12 =	veq.s32 v2, v1  }
0x3c7: {  	s12 =	sadd.s32 $0x7A00, s26;
	p0 =	slt.s32 s25, $0x200;
	v2 =	vsel vm12, $0x0, v3  }
0x3c8: {  	s12 =	simm.s32 @!p0 $0x7A00;
	[tilespmem:s13+$0x800] =	vst v2  }
0x3c9: {  	v2 =	vld [tilespmem:s12+$0x800]  }
0x3ca: {  	s13 =	sand.u32 $0xF, s25  }
0x3cb: {  	s13 =	simm.s32 @!p0 $0x10  }
0x3cc: {  	s28 =	spop (v2sf);
	v3 =	vmov s13  }
0x3cd: {  	s29 =	sand.u32 $0xFFFFFFF0, s28;
	vm13 =	veq.s32 v3, v1  }
0x3ce: {  	p0 =	slt.s32 s28, $0x200;
	s13 =	sadd.s32 $0x7C00, s29;
	v2 =	vsel vm13, $0x0, v2  }
0x3cf: {  	s13 =	simm.s32 @!p0 $0x7C00;
	[tilespmem:s12+$0x800] =	vst v2  }
0x3d0: {  	v2 =	vld [tilespmem:s13+$0x800]  }
0x3d1: {  	s12 =	sand.u32 $0xF, s28  }
0x3d2: {  	s12 =	simm.s32 @!p0 $0x10  }
0x3d3: {  	s30 =	spop (v2sf);
	v3 =	vmov s12  }
0x3d4: {  	s31 =	sand.u32 $0xFFFFFFF0, s30;
	vm14 =	veq.s32 v3, v1  }
0x3d5: {  	s14 =	sadd.s32 $0x7E00, s31;
	p0 =	slt.s32 s30, $0x200;
	v2 =	vsel vm14, $0x0, v2  }
0x3d6: {  	s14 =	simm.s32 @!p0 $0x7E00;
	[tilespmem:s13+$0x800] =	vst v2  }
0x3d7: {  	s12 =	sand.u32 $0xF, s30;
	v2 =	vld [tilespmem:s14+$0x800]  }
0x3d8: {  	s12 =	simm.s32 @!p0 $0x10;
	p0 =	sne.s32 s10, $0xF00  }
.Ltmp1:
0x3d9: {  	_ = 	snop;
	(pc) =	sbr.rel @p0 .LBB2_4-.Ltmp1, $4  }
0x3da: {  	v3 =	vmov s12  }
0x3db: {  	vm15 =	veq.s32 v3, v1  }
0x3dc: {  	v2 =	vsel vm15, $0x0, v2  }
0x3dd: {  	s11 =	sadd.s32 $0x1000, s11;
	s10 =	sadd.s32 $0x100, s10;
	[tilespmem:s14+$0x800] =	vst v2  }
0x3de: {  	s9 =	sadd.s32 $0x1, s9  }
0x3df: {  	p0 =	sne.s32 s9, s5  }
.Ltmp2:
0x3e0: {  	_ = 	snop;
	(pc) =	sbr.rel @p0 .LBB2_1-.Ltmp2, $1  }
0x3e1: {  	_ =	sdelay $0x3  }
0x3e2: {  	_ =	sfence.sel $0x180000  }
0x3e3: {  	[bflag:$0x0] =	sbarrier.arrive $0xFFFF  }
0x3e4: {  	p0 =	sne.s32 s1, $0x0;
	_ =	strace $0x90000047  }
0x3e5: {  	s0 =	sadd.s32 @!p0 $0x100000, s0;
	[bflag:$0x2] =	sbarrier.arrive $0xFFFF  }
0x3e6: {  	[sflag:s0] =	ssyncadd.tile.s32 @!p0 $0x1;
	_ =	shalt  }
.Lfunc_end2:
_tile_overlayer_lowered:
.L_overlay_start_2:
0x3e7: {  	(tag) =	ssettag $0x2  }
0x3e8: {  	s0 =	rddreg [dreg:$0x0];
	s2 =	stileid.u32  }
0x3e9: {  	s1 =	rddreg [dreg:$0x1];
	p0 =	sne.s32 s2, $0x0  }
0x3ea: {  	s3 =	rddreg [dreg:$0x2];
	[bflag:$0x3] =	sbarrier.arrive $0xFFFF;
	s2 =	simm.s32 @!p0 $0x1C01  }
0x3eb: {  	[timem:s3], [sflag:s2] =	dma.local @!p0 [hbm:s0], s1  }
0x3ec: {  	s0 =	simm.s32 @!p0 $0x1  }
0x3ed: {  	_ =	swait.ge @!p0 [sflag:s0], s1  }
0x3ee: {  	s1 =	ssub.s32 @!p0 $0x0, s1;
	[sflag:s0] =	ssyncset.done @!p0 $0x0  }
0x3ef: {  	[sflag:s0] =	ssyncadd.s32 @!p0 s1  }
0x3f0: {  	[bflag:$0x3] =	sbarrier.arrive $0xFFFF  }
0x3f1: {  	_ =	shalt  }

</sc_bundles>
